<compile_context>
chip_gen: v7x
topology: tpu7x:2x2x1
jax: 0.10.2.dev20260603
libtpu: 0.0.44.dev20260713+nightly
codegen_flags: <defaults>
</compile_context>

<pallas_src>
import functools

import jax
import jax.numpy as jnp
from jax import lax
from jax.experimental import pallas as pl
from jax.experimental.pallas import tpu as pltpu
from jax.experimental.pallas import tpu_sc as plsc

N = 10000
D = 128
E = 320000
VOCAB = 343
VPAD = 384
NP = 10240
BN = 1024
G = NP // BN
NC = 2
NS = 16
NW = NC * NS
EPW = E // NW
CH = 125
NCH = EPW // CH
RPT = NP // NS
CHZ = 128
DH = 64

_mesh = plsc.VectorSubcoreMesh(core_axis_name="c", subcore_axis_name="s")


def _dot(a, b):
    return lax.dot_general(a, b, (((1,), (0,)), ((), ())),
                           precision=lax.Precision.HIGHEST,
                           preferred_element_type=jnp.float32)


def _deg_body(src_hbm, dst_hbm, hs_out, hd_out, src_v, dst_v, hs_v, hd_v):
    c = lax.axis_index("c")
    s = lax.axis_index("s")
    w = s * NC + c
    pltpu.sync_copy(src_hbm.at[w], src_v)
    pltpu.sync_copy(dst_hbm.at[w], dst_v)

    zeros16 = jnp.zeros((16,), jnp.float32)
    ones16 = jnp.ones((16,), jnp.float32)

    def zero_step(i, carry):
        hs_v[pl.ds(i * 16, 16)] = zeros16
        hd_v[pl.ds(i * 16, 16)] = zeros16
        return carry

    lax.fori_loop(0, N // 16, zero_step, 0)

    def acc_step(i, carry):
        si = src_v[pl.ds(i * 16, 16)]
        di = dst_v[pl.ds(i * 16, 16)]
        plsc.addupdate_scatter(hs_v, [si], ones16)
        plsc.addupdate_scatter(hd_v, [di], ones16)
        return carry

    lax.fori_loop(0, EPW // 16, acc_step, 0)

    pltpu.sync_copy(hs_v, hs_out.at[w, 0])
    pltpu.sync_copy(hd_v, hd_out.at[w, 0])


_deg_kernel = functools.partial(
    pl.kernel,
    out_type=(jax.ShapeDtypeStruct((NW, 1, N), jnp.float32),
              jax.ShapeDtypeStruct((NW, 1, N), jnp.float32)),
    mesh=_mesh,
    compiler_params=pltpu.CompilerParams(needs_layout_passes=False,
                                         use_tc_tiling_on_sc=False),
    scratch_types=[
        pltpu.VMEM((EPW,), jnp.int32),
        pltpu.VMEM((EPW,), jnp.int32),
        pltpu.VMEM((N,), jnp.float32),
        pltpu.VMEM((N,), jnp.float32),
    ],
)(_deg_body)


def _agg_body(ylo_hbm, yhi_hbm, src_hbm, dst_hbm, out_hbm,
              src_v, dst_v, rows_a, rows_b, rows_c, rows_d, zer_v, acc_sh,
              gsem_a, gsem_b, gsem_c, gsem_d,
              ssem_a, ssem_b, ssem_c, ssem_d):
    c = lax.axis_index("c")
    s = lax.axis_index("s")
    w = s * NC + c
    pltpu.sync_copy(src_hbm.at[w], src_v)
    pltpu.sync_copy(dst_hbm.at[w], dst_v)

    zeros16 = jnp.zeros((16,), jnp.float32)

    def zero_step(i, carry):
        r = i // (DH // 16)
        col = (i % (DH // 16)) * 16
        zer_v[r, pl.ds(col, 16)] = zeros16
        return carry

    lax.fori_loop(0, CHZ * (DH // 16), zero_step, 0)

    def zero_acc():
        for k in range(RPT // CHZ):
            pltpu.sync_copy(zer_v, acc_sh.at[pl.ds(s * RPT + k * CHZ, CHZ)])

    zero_acc()
    plsc.subcore_barrier()

    for h, y_hbm in enumerate((ylo_hbm, yhi_hbm)):
        bufs = (rows_a, rows_b, rows_c, rows_d)
        gsem = (gsem_a, gsem_b, gsem_c, gsem_d)
        ssem = (ssem_a, ssem_b, ssem_c, ssem_d)

        def issue_g(b, j):
            pltpu.async_copy(y_hbm.at[src_v.at[j]], bufs[b], gsem[b])

        def wait_g(b, j):
            pltpu.make_async_copy(y_hbm.at[src_v.at[j]], bufs[b],
                                  gsem[b]).wait()

        def issue_s(b, j):
            pltpu.async_copy(bufs[b], acc_sh.at[dst_v.at[j]], ssem[b],
                             add=True)

        def wait_s(b, j):
            pltpu.make_async_copy(bufs[b], acc_sh.at[dst_v.at[j]],
                                  ssem[b]).wait()

        for b in range(3):
            issue_g(b, b)

        def step(jj, carry):
            for k in range(4):
                j = jj * 4 + k
                wait_g(k, j)
                issue_s(k, j)
                kp = (k - 1) % 4
                if k == 0:
                    @pl.when(j >= 1)
                    def _():
                        wait_s(kp, j - 1)

                    issue_g(kp, j + 3)
                else:
                    wait_s(kp, j - 1)

                    @pl.when(j + 3 < NCH)
                    def _():
                        issue_g(kp, j + 3)
            return carry

        lax.fori_loop(0, NCH // 4, step, 0)
        wait_s((NCH - 1) % 4, NCH - 1)
        plsc.subcore_barrier()

        for k in range(RPT // CHZ):
            r0 = s * RPT + k * CHZ
            pltpu.sync_copy(acc_sh.at[pl.ds(r0, CHZ)],
                            out_hbm.at[h, c, pl.ds(r0, CHZ)])
        if h == 0:
            zero_acc()
            plsc.subcore_barrier()


_agg_kernel = functools.partial(
    pl.kernel,
    out_type=jax.ShapeDtypeStruct((2, NC, NP, DH), jnp.float32),
    mesh=_mesh,
    compiler_params=pltpu.CompilerParams(needs_layout_passes=False,
                                         use_tc_tiling_on_sc=False),
    scratch_types=[
        pltpu.VMEM((NCH, CH), jnp.int32),
        pltpu.VMEM((NCH, CH), jnp.int32),
        pltpu.VMEM((CH, DH), jnp.float32),
        pltpu.VMEM((CH, DH), jnp.float32),
        pltpu.VMEM((CH, DH), jnp.float32),
        pltpu.VMEM((CH, DH), jnp.float32),
        pltpu.VMEM((CHZ, DH), jnp.float32),
        pltpu.VMEM_SHARED((NP, DH), jnp.float32),
        pltpu.SemaphoreType.DMA,
        pltpu.SemaphoreType.DMA,
        pltpu.SemaphoreType.DMA,
        pltpu.SemaphoreType.DMA,
        pltpu.SemaphoreType.DMA,
        pltpu.SemaphoreType.DMA,
        pltpu.SemaphoreType.DMA,
        pltpu.SemaphoreType.DMA,
    ],
)(_agg_body)


def _norm(h_ref):
    deg = jnp.sum(h_ref[...], axis=(0, 1))
    return lax.rsqrt(jnp.clip(deg, 1.0, None))


def _l1_body(nid_ref, hs_ref, emb_ref, w0_ref, wr0_ref, br0_ref,
             ylo_ref, yhi_ref, res0_ref):
    nid = nid_ref[0, 0, :]
    onehot = (nid[:, None] ==
              lax.broadcasted_iota(jnp.int32, (BN, VPAD), 1)
              ).astype(jnp.float32)
    embf = emb_ref[...]
    t0 = _dot(embf, w0_ref[...])
    tr0 = jax.nn.relu(_dot(embf, wr0_ref[...]) + br0_ref[0:1, :])
    ns = _norm(hs_ref)
    y0 = _dot(onehot, t0) * ns[:, None]
    ylo_ref[...] = y0[:, :DH]
    yhi_ref[...] = y0[:, DH:]
    res0_ref[...] = _dot(onehot, tr0)


_hist_spec = pl.BlockSpec((NW, 1, BN), lambda i: (0, 0, i))


def _l1_call(nid3, hsp, emb_pad, w0, wr0, br0p):
    blk3 = pl.BlockSpec((1, 1, BN), lambda i: (i, 0, 0))
    vfull = pl.BlockSpec((VPAD, D), lambda i: (0, 0))
    wfull = pl.BlockSpec((D, D), lambda i: (0, 0))
    bfull = pl.BlockSpec((8, D), lambda i: (0, 0))
    rows = pl.BlockSpec((BN, D), lambda i: (i, 0))
    half = pl.BlockSpec((BN, DH), lambda i: (i, 0))
    return pl.pallas_call(
        _l1_body,
        grid=(G,),
        in_specs=[blk3, _hist_spec, vfull, wfull, wfull, bfull],
        out_specs=(half, half, rows),
        out_shape=(
            jax.ShapeDtypeStruct((NP, DH), jnp.float32),
            jax.ShapeDtypeStruct((NP, DH), jnp.float32),
            jax.ShapeDtypeStruct((NP, D), jnp.float32),
        ),
    )(nid3, hsp, emb_pad, w0, wr0, br0p)


def _agg_specs():
    return [pl.BlockSpec((1, 1, BN, DH), lambda i, h=h, c=c: (h, c, i, 0))
            for h in (0, 1) for c in (0, 1)]


def _combine(a_lo0, a_lo1, a_hi0, a_hi1):
    lo = a_lo0[0, 0] + a_lo1[0, 0]
    hi = a_hi0[0, 0] + a_hi1[0, 0]
    return jnp.concatenate([lo, hi], axis=-1)


def _mid_body(alo0_ref, alo1_ref, ahi0_ref, ahi1_ref, hs_ref, hd_ref,
              res0_ref, b0_ref, w1_ref, wr1_ref, br1_ref,
              ylo_ref, yhi_ref, res1_ref):
    ns = _norm(hs_ref)
    nd = _norm(hd_ref)
    agg = _combine(alo0_ref[...], alo1_ref[...],
                   ahi0_ref[...], ahi1_ref[...])
    h1 = jax.nn.relu(agg * nd[:, None] + b0_ref[0:1, :]) + res0_ref[...]
    y1 = _dot(h1, w1_ref[...]) * ns[:, None]
    ylo_ref[...] = y1[:, :DH]
    yhi_ref[...] = y1[:, DH:]
    res1_ref[...] = jax.nn.relu(_dot(h1, wr1_ref[...]) + br1_ref[0:1, :])


def _mid_call(aggout, hsp, hdp, res0, b0p, w1, wr1, br1p):
    s00, s01, s10, s11 = _agg_specs()
    rows = pl.BlockSpec((BN, D), lambda i: (i, 0))
    half = pl.BlockSpec((BN, DH), lambda i: (i, 0))
    wfull = pl.BlockSpec((D, D), lambda i: (0, 0))
    bfull = pl.BlockSpec((8, D), lambda i: (0, 0))
    return pl.pallas_call(
        _mid_body,
        grid=(G,),
        in_specs=[s00, s01, s10, s11, _hist_spec, _hist_spec, rows, bfull,
                  wfull, wfull, bfull],
        out_specs=(half, half, rows),
        out_shape=(
            jax.ShapeDtypeStruct((NP, DH), jnp.float32),
            jax.ShapeDtypeStruct((NP, DH), jnp.float32),
            jax.ShapeDtypeStruct((NP, D), jnp.float32),
        ),
    )(aggout, aggout, aggout, aggout, hsp, hdp, res0, b0p, w1, wr1, br1p)


def _fin_body(alo0_ref, alo1_ref, ahi0_ref, ahi1_ref, hd_ref, res1_ref,
              b1_ref, out_ref):
    nd = _norm(hd_ref)
    agg = _combine(alo0_ref[...], alo1_ref[...],
                   ahi0_ref[...], ahi1_ref[...])
    out_ref[...] = (jax.nn.relu(agg * nd[:, None] + b1_ref[0:1, :])
                    + res1_ref[...])


def _fin_call(aggout, hdp, res1, b1p):
    s00, s01, s10, s11 = _agg_specs()
    rows = pl.BlockSpec((BN, D), lambda i: (i, 0))
    bfull = pl.BlockSpec((8, D), lambda i: (0, 0))
    return pl.pallas_call(
        _fin_body,
        grid=(G,),
        in_specs=[s00, s01, s10, s11, _hist_spec, rows, bfull],
        out_specs=rows,
        out_shape=jax.ShapeDtypeStruct((NP, D), jnp.float32),
    )(aggout, aggout, aggout, aggout, hdp, res1, b1p)


def kernel(node_ids, edge_index, emb, W0, b0, Wr0, br0, W1, b1, Wr1, br1):
    src = edge_index[0].astype(jnp.int32)
    dst = edge_index[1].astype(jnp.int32)
    srcr = src.reshape(NW, NCH, CH)
    dstr = dst.reshape(NW, NCH, CH)
    srcf = src.reshape(NW, EPW)
    dstf = dst.reshape(NW, EPW)

    nid = node_ids.astype(jnp.int32)
    nid3 = jnp.pad(nid, (0, NP - N)).reshape(G, 1, BN)
    emb_pad = jnp.zeros((VPAD, D), jnp.float32).at[:VOCAB].set(emb)
    b0p = jnp.broadcast_to(b0[None, :], (8, D))
    br0p = jnp.broadcast_to(br0[None, :], (8, D))
    b1p = jnp.broadcast_to(b1[None, :], (8, D))
    br1p = jnp.broadcast_to(br1[None, :], (8, D))

    hs, hd = _deg_kernel(srcf, dstf)
    hsp = jnp.pad(hs, ((0, 0), (0, 0), (0, NP - N)))
    hdp = jnp.pad(hd, ((0, 0), (0, 0), (0, NP - N)))

    y0lo, y0hi, res0 = _l1_call(nid3, hsp, emb_pad, W0, Wr0, br0p)
    agg1 = _agg_kernel(y0lo, y0hi, srcr, dstr)
    y1lo, y1hi, res1 = _mid_call(agg1, hsp, hdp, res0, b0p, W1, Wr1, br1p)
    agg2 = _agg_kernel(y1lo, y1hi, srcr, dstr)
    h2 = _fin_call(agg2, hdp, res1, b1p)
    return h2[:N]

# --- scband reference (transcript-rebuilt; emitter-appended) ---
"""Pipeline reference for scband-gcnnode-encoder-43293270344033 (READ-ONLY COPY).

The authoritative reference and input builder live on the scoring server;
editing this copy changes nothing except your own understanding.
"""

import jax, jax.numpy as jnp
import numpy as np

N = 10000
E = 320000
D = 128
VOCAB = 343


def setup_inputs(seed: int = 0) -> dict:
    key = jax.random.key(seed)
    ks = jax.random.split(key, 8)
    node_ids = jax.random.randint(ks[0], (N,), 0, VOCAB, dtype=jnp.int64 if jax.config.jax_enable_x64 else jnp.int32)
    edge_index = jax.random.randint(ks[1], (2, E), 0, N, dtype=jnp.int64 if jax.config.jax_enable_x64 else jnp.int32)
    s = 1.0 / np.sqrt(D)
    emb = jax.random.normal(ks[2], (VOCAB, D), dtype=jnp.float32) * s
    W0 = jax.random.normal(ks[3], (D, D), dtype=jnp.float32) * s
    b0 = jnp.zeros((D,), dtype=jnp.float32)
    Wr0 = jax.random.normal(ks[4], (D, D), dtype=jnp.float32) * s
    br0 = jnp.zeros((D,), dtype=jnp.float32)
    W1 = jax.random.normal(ks[5], (D, D), dtype=jnp.float32) * s
    b1 = jnp.zeros((D,), dtype=jnp.float32)
    Wr1 = jax.random.normal(ks[6], (D, D), dtype=jnp.float32) * s
    br1 = jnp.zeros((D,), dtype=jnp.float32)
    return {"node_ids": node_ids, "edge_index": edge_index, "emb": emb,
            "W0": W0, "b0": b0, "Wr0": Wr0, "br0": br0,
            "W1": W1, "b1": b1, "Wr1": Wr1, "br1": br1}


def _gcn_layer(h, W, b, Wr, br, src, dst, n):
    # DGL GraphConv with norm='both': D_dst^{-1/2} A D_src^{-1/2} (h W) + b, then relu
    ones = jnp.ones((src.shape[0],), dtype=h.dtype)
    out_deg = jax.ops.segment_sum(ones, src, num_segments=n)
    in_deg = jax.ops.segment_sum(ones, dst, num_segments=n)
    norm_src = jnp.power(jnp.clip(out_deg, 1.0, None), -0.5)
    norm_dst = jnp.power(jnp.clip(in_deg, 1.0, None), -0.5)
    hw = h @ W
    msg = hw[src] * norm_src[src][:, None]
    agg = jax.ops.segment_sum(msg, dst, num_segments=n)
    conv = jax.nn.relu(agg * norm_dst[:, None] + b)
    # dgllife GCNLayer residual: relu(Linear(h)) added after conv
    res = jax.nn.relu(h @ Wr + br)
    return conv + res


def reference(node_ids, edge_index, emb, W0, b0, Wr0, br0, W1, b1, Wr1, br1):
    src = edge_index[0]
    dst = edge_index[1]
    h = emb[node_ids]  # node embedding lookup (vocab=343)
    h = _gcn_layer(h, W0, b0, Wr0, br0, src, dst, N)
    h = _gcn_layer(h, W1, b1, Wr1, br1, src, dst, N)
    return h

if __name__ == "__main__":
    import jax
    _d = setup_inputs()
    print(jax.jit(kernel)(*tuple(_d.values())))

</pallas_src>

<mosaic_0001>
#map = affine_map<(d0, d1) -> (0, 0)>
#map1 = affine_map<(d0, d1) -> (0, 0, 0)>
#map2 = affine_map<(d0, d1) -> (0, 0, 0, 0)>
module attributes {stable_mosaic.version = 14 : i64} {
  func.func @_agg_body(%arg0: i32, %arg1: i32, %arg2: memref<10240x64xf32, #tpu.memory_space<hbm>>, %arg3: memref<10240x64xf32, #tpu.memory_space<hbm>>, %arg4: memref<32x80x125xi32, #tpu.memory_space<hbm>>, %arg5: memref<32x80x125xi32, #tpu.memory_space<hbm>>, %arg6: memref<2x2x10240x64xf32, #tpu.memory_space<hbm>>, %arg7: memref<80x125xi32, #tpu.memory_space<vmem>>, %arg8: memref<80x125xi32, #tpu.memory_space<vmem>>, %arg9: memref<125x64xf32, #tpu.memory_space<vmem>>, %arg10: memref<125x64xf32, #tpu.memory_space<vmem>>, %arg11: memref<125x64xf32, #tpu.memory_space<vmem>>, %arg12: memref<125x64xf32, #tpu.memory_space<vmem>>, %arg13: memref<128x64xf32, #tpu.memory_space<vmem>>, %arg14: memref<10240x64xf32, #tpu.memory_space<vmem_shared>>, %arg15: memref<!tpu.dma_semaphore, #tpu.memory_space<semaphore_mem>>, %arg16: memref<!tpu.dma_semaphore, #tpu.memory_space<semaphore_mem>>, %arg17: memref<!tpu.dma_semaphore, #tpu.memory_space<semaphore_mem>>, %arg18: memref<!tpu.dma_semaphore, #tpu.memory_space<semaphore_mem>>, %arg19: memref<!tpu.dma_semaphore, #tpu.memory_space<semaphore_mem>>, %arg20: memref<!tpu.dma_semaphore, #tpu.memory_space<semaphore_mem>>, %arg21: memref<!tpu.dma_semaphore, #tpu.memory_space<semaphore_mem>>, %arg22: memref<!tpu.dma_semaphore, #tpu.memory_space<semaphore_mem>>) attributes {dimension_semantics = [#tpu.dimension_semantics<core_parallel>, #tpu.dimension_semantics<subcore_parallel>], iteration_bounds = array<i64: 2, 16>, scalar_prefetch = 0 : i64, scratch_operands = 16 : i64, tpu.core_type = #tpu.core_type<sc_vector_subcore>, window_params = [{transform_indices = #map}, {transform_indices = #map}, {transform_indices = #map1}, {transform_indices = #map1}, {transform_indices = #map2}]} {
    %mul3A = arith.constant 2 : i32
    %mul3A_0 = arith.muli %arg1, %mul3A : i32
    %add3A = arith.addi %mul3A_0, %arg0 : i32
    "tpu.region"() ({
      %run_scoped3A_165 = tpu.sem_alloc : memref<!tpu.dma_semaphore, #tpu.memory_space<semaphore_mem>>
      %dma_start3A_166 = arith.constant 0 : i32
      %dma_start3A_167 = arith.constant 0 : i32
      %dma_start3A_168 = tpu.memref_slice %arg4[%add3A, %dma_start3A_166, %dma_start3A_167] : memref<32x80x125xi32, #tpu.memory_space<hbm>> -> memref<1x80x125xi32, #tpu.memory_space<hbm>>
      %dma_start3A_169 = tpu.memref_squeeze %dma_start3A_168 : memref<1x80x125xi32, #tpu.memory_space<hbm>> -> memref<80x125xi32, #tpu.memory_space<hbm>>
      %dma_start3A_170 = arith.constant 0 : i32
      %dma_start3A_171 = arith.constant 0 : i32
      %dma_start3A_172 = tpu.memref_slice %arg4[%add3A, %dma_start3A_170, %dma_start3A_171] : memref<32x80x125xi32, #tpu.memory_space<hbm>> -> memref<1x80x125xi32, #tpu.memory_space<hbm>>
      %dma_start3A_173 = tpu.memref_squeeze %dma_start3A_172 : memref<1x80x125xi32, #tpu.memory_space<hbm>> -> memref<80x125xi32, #tpu.memory_space<hbm>>
      tpu.enqueue_dma source(%dma_start3A_173 : memref<80x125xi32, #tpu.memory_space<hbm>>) target(%arg7 : memref<80x125xi32, #tpu.memory_space<vmem>>) target_semaphore(%run_scoped3A_165 : memref<!tpu.dma_semaphore, #tpu.memory_space<semaphore_mem>>)
      %dma_wait3A_174 = arith.constant 0 : i32
      %dma_wait3A_175 = arith.constant 0 : i32
      %dma_wait3A_176 = tpu.memref_slice %arg4[%add3A, %dma_wait3A_174, %dma_wait3A_175] : memref<32x80x125xi32, #tpu.memory_space<hbm>> -> memref<1x80x125xi32, #tpu.memory_space<hbm>>
      %dma_wait3A_177 = tpu.memref_squeeze %dma_wait3A_176 : memref<1x80x125xi32, #tpu.memory_space<hbm>> -> memref<80x125xi32, #tpu.memory_space<hbm>>
      %dma_wait3A_178 = arith.constant 0 : i32
      %dma_wait3A_179 = arith.constant 0 : i32
      %dma_wait3A_180 = tpu.memref_slice %arg4[%add3A, %dma_wait3A_178, %dma_wait3A_179] : memref<32x80x125xi32, #tpu.memory_space<hbm>> -> memref<1x80x125xi32, #tpu.memory_space<hbm>>
      %dma_wait3A_181 = tpu.memref_squeeze %dma_wait3A_180 : memref<1x80x125xi32, #tpu.memory_space<hbm>> -> memref<80x125xi32, #tpu.memory_space<hbm>>
      tpu.wait_dma2 semaphore(%run_scoped3A_165 : memref<!tpu.dma_semaphore, #tpu.memory_space<semaphore_mem>>) src(%dma_wait3A_181 : memref<80x125xi32, #tpu.memory_space<hbm>>) dst(%arg7 : memref<80x125xi32, #tpu.memory_space<vmem>>)
      tpu.yield
    }) : () -> ()
    "tpu.region"() ({
      %run_scoped3A_165 = tpu.sem_alloc : memref<!tpu.dma_semaphore, #tpu.memory_space<semaphore_mem>>
      %dma_start3A_166 = arith.constant 0 : i32
      %dma_start3A_167 = arith.constant 0 : i32
      %dma_start3A_168 = tpu.memref_slice %arg5[%add3A, %dma_start3A_166, %dma_start3A_167] : memref<32x80x125xi32, #tpu.memory_space<hbm>> -> memref<1x80x125xi32, #tpu.memory_space<hbm>>
      %dma_start3A_169 = tpu.memref_squeeze %dma_start3A_168 : memref<1x80x125xi32, #tpu.memory_space<hbm>> -> memref<80x125xi32, #tpu.memory_space<hbm>>
      %dma_start3A_170 = arith.constant 0 : i32
      %dma_start3A_171 = arith.constant 0 : i32
      %dma_start3A_172 = tpu.memref_slice %arg5[%add3A, %dma_start3A_170, %dma_start3A_171] : memref<32x80x125xi32, #tpu.memory_space<hbm>> -> memref<1x80x125xi32, #tpu.memory_space<hbm>>
      %dma_start3A_173 = tpu.memref_squeeze %dma_start3A_172 : memref<1x80x125xi32, #tpu.memory_space<hbm>> -> memref<80x125xi32, #tpu.memory_space<hbm>>
      tpu.enqueue_dma source(%dma_start3A_173 : memref<80x125xi32, #tpu.memory_space<hbm>>) target(%arg8 : memref<80x125xi32, #tpu.memory_space<vmem>>) target_semaphore(%run_scoped3A_165 : memref<!tpu.dma_semaphore, #tpu.memory_space<semaphore_mem>>)
      %dma_wait3A_174 = arith.constant 0 : i32
      %dma_wait3A_175 = arith.constant 0 : i32
      %dma_wait3A_176 = tpu.memref_slice %arg5[%add3A, %dma_wait3A_174, %dma_wait3A_175] : memref<32x80x125xi32, #tpu.memory_space<hbm>> -> memref<1x80x125xi32, #tpu.memory_space<hbm>>
      %dma_wait3A_177 = tpu.memref_squeeze %dma_wait3A_176 : memref<1x80x125xi32, #tpu.memory_space<hbm>> -> memref<80x125xi32, #tpu.memory_space<hbm>>
      %dma_wait3A_178 = arith.constant 0 : i32
      %dma_wait3A_179 = arith.constant 0 : i32
      %dma_wait3A_180 = tpu.memref_slice %arg5[%add3A, %dma_wait3A_178, %dma_wait3A_179] : memref<32x80x125xi32, #tpu.memory_space<hbm>> -> memref<1x80x125xi32, #tpu.memory_space<hbm>>
      %dma_wait3A_181 = tpu.memref_squeeze %dma_wait3A_180 : memref<1x80x125xi32, #tpu.memory_space<hbm>> -> memref<80x125xi32, #tpu.memory_space<hbm>>
      tpu.wait_dma2 semaphore(%run_scoped3A_165 : memref<!tpu.dma_semaphore, #tpu.memory_space<semaphore_mem>>) src(%dma_wait3A_181 : memref<80x125xi32, #tpu.memory_space<hbm>>) dst(%arg8 : memref<80x125xi32, #tpu.memory_space<vmem>>)
      tpu.yield
    }) : () -> ()
    %broadcast_in_dim3A = arith.constant 0.000000e+00 : f32
    %broadcast_in_dim3A_1 = vector.broadcast %broadcast_in_dim3A : f32 to vector<16xf32>
    %scan3A = arith.constant 0 : i32
    %scan3A_2 = arith.constant 0 : i32
    %scan3A_3 = arith.constant 512 : i32
    %scan3A_4 = arith.addi %scan3A_2, %scan3A_3 : i32
    %scan3A_5 = arith.constant 1 : i32
    scf.for %scan3A_165 = %scan3A_2 to %scan3A_4 step %scan3A_5  : i32 {
      %jit3A = arith.constant 4 : i32
      %div3A = arith.divsi %scan3A_165, %jit3A : i32
      %sign3A = arith.constant 0 : i32
      %sign3A_166 = arith.cmpi sgt, %scan3A_165, %sign3A : i32
      %sign3A_167 = arith.extui %sign3A_166 : i1 to i32
      %sign3A_168 = arith.constant 0 : i32
      %sign3A_169 = arith.cmpi slt, %scan3A_165, %sign3A_168 : i32
      %sign3A_170 = arith.extui %sign3A_169 : i1 to i32
      %sign3A_171 = arith.subi %sign3A_167, %sign3A_170 : i32
      %sign3A_172 = arith.constant 0 : i32
      %sign3A_173 = arith.cmpi sgt, %jit3A, %sign3A_172 : i32
      %sign3A_174 = arith.extui %sign3A_173 : i1 to i32
      %sign3A_175 = arith.constant 0 : i32
      %sign3A_176 = arith.cmpi slt, %jit3A, %sign3A_175 : i32
      %sign3A_177 = arith.extui %sign3A_176 : i1 to i32
      %sign3A_178 = arith.subi %sign3A_174, %sign3A_177 : i32
      %ne3A = arith.cmpi ne, %sign3A_171, %sign3A_178 : i32
      %rem3A = arith.remsi %scan3A_165, %jit3A : i32
      %ne3A_179 = arith.constant 0 : i32
      %ne3A_180 = arith.cmpi ne, %rem3A, %ne3A_179 : i32
      %and3A = arith.andi %ne3A, %ne3A_180 : i1
      %sub3A = arith.constant 1 : i32
      %sub3A_181 = arith.subi %div3A, %sub3A : i32
      %select_n3A = arith.select %and3A, %sub3A_181, %div3A : i32
      %jit3A_182 = arith.constant 4 : i32
      %eq3A = arith.constant 0 : i32
      %eq3A_183 = arith.cmpi eq, %jit3A_182, %eq3A : i32
      %jit3A_184 = arith.constant 1 : i32
      %select_n3A_185 = arith.select %eq3A_183, %jit3A_184, %jit3A_182 : i32
      %rem3A_186 = arith.remsi %scan3A_165, %select_n3A_185 : i32
      %ne3A_187 = arith.constant 0 : i32
      %ne3A_188 = arith.cmpi ne, %rem3A_186, %ne3A_187 : i32
      %lt3A = arith.constant 0 : i32
      %lt3A_189 = arith.cmpi slt, %rem3A_186, %lt3A : i32
      %lt3A_190 = arith.constant 0 : i32
      %lt3A_191 = arith.cmpi slt, %select_n3A_185, %lt3A_190 : i32
      %ne3A_192 = arith.xori %lt3A_189, %lt3A_191 : i1
      %and3A_193 = arith.andi %ne3A_192, %ne3A_188 : i1
      %add3A_194 = arith.addi %rem3A_186, %select_n3A_185 : i32
      %select_n3A_195 = arith.select %and3A_193, %add3A_194, %rem3A_186 : i32
      %mul3A_196 = arith.constant 16 : i32
      %mul3A_197 = arith.muli %select_n3A_195, %mul3A_196 : i32
      %swap3A = arith.index_cast %select_n3A : i32 to index
      %swap3A_198 = arith.index_cast %mul3A_197 : i32 to index
      %swap3A_199 = tpu.vector_load %arg13[%swap3A, %swap3A_198] {strides = array<i32>} : memref<128x64xf32, #tpu.memory_space<vmem>>, vector<16xf32>,
      tpu.vector_store %arg13[%swap3A, %swap3A_198], %broadcast_in_dim3A_1 {strides = array<i32>} : memref<128x64xf32, #tpu.memory_space<vmem>>, vector<16xf32>,
    }
    %scan3A_6 = arith.constant 512 : i32
    %mul3A_7 = arith.constant 640 : i32
    %mul3A_8 = arith.muli %arg1, %mul3A_7 : i32
    %add3A_9 = arith.constant 0 : i32
    %add3A_10 = arith.addi %mul3A_8, %add3A_9 : i32
    "tpu.region"() ({
      %run_scoped3A_165 = tpu.sem_alloc : memref<!tpu.dma_semaphore, #tpu.memory_space<semaphore_mem>>
      %dma_start3A_166 = arith.constant 0 : i32
      %dma_start3A_167 = tpu.memref_slice %arg14[%add3A_10, %dma_start3A_166] : memref<10240x64xf32, #tpu.memory_space<vmem_shared>> -> memref<128x64xf32, #tpu.memory_space<vmem_shared>>
      %dma_start3A_168 = arith.constant 0 : i32
      %dma_start3A_169 = tpu.memref_slice %arg14[%add3A_10, %dma_start3A_168] : memref<10240x64xf32, #tpu.memory_space<vmem_shared>> -> memref<128x64xf32, #tpu.memory_space<vmem_shared>>
      tpu.enqueue_dma source(%arg13 : memref<128x64xf32, #tpu.memory_space<vmem>>) target(%dma_start3A_169 : memref<128x64xf32, #tpu.memory_space<vmem_shared>>) target_semaphore(%run_scoped3A_165 : memref<!tpu.dma_semaphore, #tpu.memory_space<semaphore_mem>>)
      %dma_wait3A_170 = arith.constant 0 : i32
      %dma_wait3A_171 = tpu.memref_slice %arg14[%add3A_10, %dma_wait3A_170] : memref<10240x64xf32, #tpu.memory_space<vmem_shared>> -> memref<128x64xf32, #tpu.memory_space<vmem_shared>>
      %dma_wait3A_172 = arith.constant 0 : i32
      %dma_wait3A_173 = tpu.memref_slice %arg14[%add3A_10, %dma_wait3A_172] : memref<10240x64xf32, #tpu.memory_space<vmem_shared>> -> memref<128x64xf32, #tpu.memory_space<vmem_shared>>
      tpu.wait_dma2 semaphore(%run_scoped3A_165 : memref<!tpu.dma_semaphore, #tpu.memory_space<semaphore_mem>>) src(%arg13 : memref<128x64xf32, #tpu.memory_space<vmem>>) dst(%dma_wait3A_173 : memref<128x64xf32, #tpu.memory_space<vmem_shared>>)
      tpu.yield
    }) : () -> ()
    %mul3A_11 = arith.constant 640 : i32
    %mul3A_12 = arith.muli %arg1, %mul3A_11 : i32
    %add3A_13 = arith.constant 128 : i32
    %add3A_14 = arith.addi %mul3A_12, %add3A_13 : i32
    "tpu.region"() ({
      %run_scoped3A_165 = tpu.sem_alloc : memref<!tpu.dma_semaphore, #tpu.memory_space<semaphore_mem>>
      %dma_start3A_166 = arith.constant 0 : i32
      %dma_start3A_167 = tpu.memref_slice %arg14[%add3A_14, %dma_start3A_166] : memref<10240x64xf32, #tpu.memory_space<vmem_shared>> -> memref<128x64xf32, #tpu.memory_space<vmem_shared>>
      %dma_start3A_168 = arith.constant 0 : i32
      %dma_start3A_169 = tpu.memref_slice %arg14[%add3A_14, %dma_start3A_168] : memref<10240x64xf32, #tpu.memory_space<vmem_shared>> -> memref<128x64xf32, #tpu.memory_space<vmem_shared>>
      tpu.enqueue_dma source(%arg13 : memref<128x64xf32, #tpu.memory_space<vmem>>) target(%dma_start3A_169 : memref<128x64xf32, #tpu.memory_space<vmem_shared>>) target_semaphore(%run_scoped3A_165 : memref<!tpu.dma_semaphore, #tpu.memory_space<semaphore_mem>>)
      %dma_wait3A_170 = arith.constant 0 : i32
      %dma_wait3A_171 = tpu.memref_slice %arg14[%add3A_14, %dma_wait3A_170] : memref<10240x64xf32, #tpu.memory_space<vmem_shared>> -> memref<128x64xf32, #tpu.memory_space<vmem_shared>>
      %dma_wait3A_172 = arith.constant 0 : i32
      %dma_wait3A_173 = tpu.memref_slice %arg14[%add3A_14, %dma_wait3A_172] : memref<10240x64xf32, #tpu.memory_space<vmem_shared>> -> memref<128x64xf32, #tpu.memory_space<vmem_shared>>
      tpu.wait_dma2 semaphore(%run_scoped3A_165 : memref<!tpu.dma_semaphore, #tpu.memory_space<semaphore_mem>>) src(%arg13 : memref<128x64xf32, #tpu.memory_space<vmem>>) dst(%dma_wait3A_173 : memref<128x64xf32, #tpu.memory_space<vmem_shared>>)
      tpu.yield
    }) : () -> ()
    %mul3A_15 = arith.constant 640 : i32
    %mul3A_16 = arith.muli %arg1, %mul3A_15 : i32
    %add3A_17 = arith.constant 256 : i32
    %add3A_18 = arith.addi %mul3A_16, %add3A_17 : i32
    "tpu.region"() ({
      %run_scoped3A_165 = tpu.sem_alloc : memref<!tpu.dma_semaphore, #tpu.memory_space<semaphore_mem>>
      %dma_start3A_166 = arith.constant 0 : i32
      %dma_start3A_167 = tpu.memref_slice %arg14[%add3A_18, %dma_start3A_166] : memref<10240x64xf32, #tpu.memory_space<vmem_shared>> -> memref<128x64xf32, #tpu.memory_space<vmem_shared>>
      %dma_start3A_168 = arith.constant 0 : i32
      %dma_start3A_169 = tpu.memref_slice %arg14[%add3A_18, %dma_start3A_168] : memref<10240x64xf32, #tpu.memory_space<vmem_shared>> -> memref<128x64xf32, #tpu.memory_space<vmem_shared>>
      tpu.enqueue_dma source(%arg13 : memref<128x64xf32, #tpu.memory_space<vmem>>) target(%dma_start3A_169 : memref<128x64xf32, #tpu.memory_space<vmem_shared>>) target_semaphore(%run_scoped3A_165 : memref<!tpu.dma_semaphore, #tpu.memory_space<semaphore_mem>>)
      %dma_wait3A_170 = arith.constant 0 : i32
      %dma_wait3A_171 = tpu.memref_slice %arg14[%add3A_18, %dma_wait3A_170] : memref<10240x64xf32, #tpu.memory_space<vmem_shared>> -> memref<128x64xf32, #tpu.memory_space<vmem_shared>>
      %dma_wait3A_172 = arith.constant 0 : i32
      %dma_wait3A_173 = tpu.memref_slice %arg14[%add3A_18, %dma_wait3A_172] : memref<10240x64xf32, #tpu.memory_space<vmem_shared>> -> memref<128x64xf32, #tpu.memory_space<vmem_shared>>
      tpu.wait_dma2 semaphore(%run_scoped3A_165 : memref<!tpu.dma_semaphore, #tpu.memory_space<semaphore_mem>>) src(%arg13 : memref<128x64xf32, #tpu.memory_space<vmem>>) dst(%dma_wait3A_173 : memref<128x64xf32, #tpu.memory_space<vmem_shared>>)
      tpu.yield
    }) : () -> ()
    %mul3A_19 = arith.constant 640 : i32
    %mul3A_20 = arith.muli %arg1, %mul3A_19 : i32
    %add3A_21 = arith.constant 384 : i32
    %add3A_22 = arith.addi %mul3A_20, %add3A_21 : i32
    "tpu.region"() ({
      %run_scoped3A_165 = tpu.sem_alloc : memref<!tpu.dma_semaphore, #tpu.memory_space<semaphore_mem>>
      %dma_start3A_166 = arith.constant 0 : i32
      %dma_start3A_167 = tpu.memref_slice %arg14[%add3A_22, %dma_start3A_166] : memref<10240x64xf32, #tpu.memory_space<vmem_shared>> -> memref<128x64xf32, #tpu.memory_space<vmem_shared>>
      %dma_start3A_168 = arith.constant 0 : i32
      %dma_start3A_169 = tpu.memref_slice %arg14[%add3A_22, %dma_start3A_168] : memref<10240x64xf32, #tpu.memory_space<vmem_shared>> -> memref<128x64xf32, #tpu.memory_space<vmem_shared>>
      tpu.enqueue_dma source(%arg13 : memref<128x64xf32, #tpu.memory_space<vmem>>) target(%dma_start3A_169 : memref<128x64xf32, #tpu.memory_space<vmem_shared>>) target_semaphore(%run_scoped3A_165 : memref<!tpu.dma_semaphore, #tpu.memory_space<semaphore_mem>>)
      %dma_wait3A_170 = arith.constant 0 : i32
      %dma_wait3A_171 = tpu.memref_slice %arg14[%add3A_22, %dma_wait3A_170] : memref<10240x64xf32, #tpu.memory_space<vmem_shared>> -> memref<128x64xf32, #tpu.memory_space<vmem_shared>>
      %dma_wait3A_172 = arith.constant 0 : i32
      %dma_wait3A_173 = tpu.memref_slice %arg14[%add3A_22, %dma_wait3A_172] : memref<10240x64xf32, #tpu.memory_space<vmem_shared>> -> memref<128x64xf32, #tpu.memory_space<vmem_shared>>
      tpu.wait_dma2 semaphore(%run_scoped3A_165 : memref<!tpu.dma_semaphore, #tpu.memory_space<semaphore_mem>>) src(%arg13 : memref<128x64xf32, #tpu.memory_space<vmem>>) dst(%dma_wait3A_173 : memref<128x64xf32, #tpu.memory_space<vmem_shared>>)
      tpu.yield
    }) : () -> ()
    %mul3A_23 = arith.constant 640 : i32
    %mul3A_24 = arith.muli %arg1, %mul3A_23 : i32
    %add3A_25 = arith.constant 512 : i32
    %add3A_26 = arith.addi %mul3A_24, %add3A_25 : i32
    "tpu.region"() ({
      %run_scoped3A_165 = tpu.sem_alloc : memref<!tpu.dma_semaphore, #tpu.memory_space<semaphore_mem>>
      %dma_start3A_166 = arith.constant 0 : i32
      %dma_start3A_167 = tpu.memref_slice %arg14[%add3A_26, %dma_start3A_166] : memref<10240x64xf32, #tpu.memory_space<vmem_shared>> -> memref<128x64xf32, #tpu.memory_space<vmem_shared>>
      %dma_start3A_168 = arith.constant 0 : i32
      %dma_start3A_169 = tpu.memref_slice %arg14[%add3A_26, %dma_start3A_168] : memref<10240x64xf32, #tpu.memory_space<vmem_shared>> -> memref<128x64xf32, #tpu.memory_space<vmem_shared>>
      tpu.enqueue_dma source(%arg13 : memref<128x64xf32, #tpu.memory_space<vmem>>) target(%dma_start3A_169 : memref<128x64xf32, #tpu.memory_space<vmem_shared>>) target_semaphore(%run_scoped3A_165 : memref<!tpu.dma_semaphore, #tpu.memory_space<semaphore_mem>>)
      %dma_wait3A_170 = arith.constant 0 : i32
      %dma_wait3A_171 = tpu.memref_slice %arg14[%add3A_26, %dma_wait3A_170] : memref<10240x64xf32, #tpu.memory_space<vmem_shared>> -> memref<128x64xf32, #tpu.memory_space<vmem_shared>>
      %dma_wait3A_172 = arith.constant 0 : i32
      %dma_wait3A_173 = tpu.memref_slice %arg14[%add3A_26, %dma_wait3A_172] : memref<10240x64xf32, #tpu.memory_space<vmem_shared>> -> memref<128x64xf32, #tpu.memory_space<vmem_shared>>
      tpu.wait_dma2 semaphore(%run_scoped3A_165 : memref<!tpu.dma_semaphore, #tpu.memory_space<semaphore_mem>>) src(%arg13 : memref<128x64xf32, #tpu.memory_space<vmem>>) dst(%dma_wait3A_173 : memref<128x64xf32, #tpu.memory_space<vmem_shared>>)
      tpu.yield
    }) : () -> ()
    %barrier3A = arith.constant 0 : index
    tpu.barrier barrier_id(%barrier3A)
    %dma_start3A = arith.constant 0 : i32
    %dma_start3A_27 = arith.constant 0 : i32
    %dma_start3A_28 = tpu.memref_slice %arg7[%dma_start3A, %dma_start3A_27] : memref<80x125xi32, #tpu.memory_space<vmem>> -> memref<1x125xi32, #tpu.memory_space<vmem>>
    %dma_start3A_29 = tpu.memref_squeeze %dma_start3A_28 : memref<1x125xi32, #tpu.memory_space<vmem>> -> memref<125xi32, #tpu.memory_space<vmem>>
    %dma_start3A_30 = arith.constant 0 : i32
    %dma_start3A_31 = arith.constant 0 : i32
    %dma_start3A_32 = tpu.memref_slice %arg2[%dma_start3A_30, %dma_start3A_31] : memref<10240x64xf32, #tpu.memory_space<hbm>> -> memref<10240x64xf32, #tpu.memory_space<hbm>>
    tpu.enqueue_indirect_dma source(%dma_start3A_32 : memref<10240x64xf32, #tpu.memory_space<hbm>>) target(%arg9 : memref<125x64xf32, #tpu.memory_space<vmem>>) offsets(%dma_start3A_29 : memref<125xi32, #tpu.memory_space<vmem>>) semaphore(%arg15 : memref<!tpu.dma_semaphore, #tpu.memory_space<semaphore_mem>>)
    %dma_start3A_33 = arith.constant 1 : i32
    %dma_start3A_34 = arith.constant 0 : i32
    %dma_start3A_35 = tpu.memref_slice %arg7[%dma_start3A_33, %dma_start3A_34] : memref<80x125xi32, #tpu.memory_space<vmem>> -> memref<1x125xi32, #tpu.memory_space<vmem>>
    %dma_start3A_36 = tpu.memref_squeeze %dma_start3A_35 : memref<1x125xi32, #tpu.memory_space<vmem>> -> memref<125xi32, #tpu.memory_space<vmem>>
    %dma_start3A_37 = arith.constant 0 : i32
    %dma_start3A_38 = arith.constant 0 : i32
    %dma_start3A_39 = tpu.memref_slice %arg2[%dma_start3A_37, %dma_start3A_38] : memref<10240x64xf32, #tpu.memory_space<hbm>> -> memref<10240x64xf32, #tpu.memory_space<hbm>>
    tpu.enqueue_indirect_dma source(%dma_start3A_39 : memref<10240x64xf32, #tpu.memory_space<hbm>>) target(%arg10 : memref<125x64xf32, #tpu.memory_space<vmem>>) offsets(%dma_start3A_36 : memref<125xi32, #tpu.memory_space<vmem>>) semaphore(%arg16 : memref<!tpu.dma_semaphore, #tpu.memory_space<semaphore_mem>>)
    %dma_start3A_40 = arith.constant 2 : i32
    %dma_start3A_41 = arith.constant 0 : i32
    %dma_start3A_42 = tpu.memref_slice %arg7[%dma_start3A_40, %dma_start3A_41] : memref<80x125xi32, #tpu.memory_space<vmem>> -> memref<1x125xi32, #tpu.memory_space<vmem>>
    %dma_start3A_43 = tpu.memref_squeeze %dma_start3A_42 : memref<1x125xi32, #tpu.memory_space<vmem>> -> memref<125xi32, #tpu.memory_space<vmem>>
    %dma_start3A_44 = arith.constant 0 : i32
    %dma_start3A_45 = arith.constant 0 : i32
    %dma_start3A_46 = tpu.memref_slice %arg2[%dma_start3A_44, %dma_start3A_45] : memref<10240x64xf32, #tpu.memory_space<hbm>> -> memref<10240x64xf32, #tpu.memory_space<hbm>>
    tpu.enqueue_indirect_dma source(%dma_start3A_46 : memref<10240x64xf32, #tpu.memory_space<hbm>>) target(%arg11 : memref<125x64xf32, #tpu.memory_space<vmem>>) offsets(%dma_start3A_43 : memref<125xi32, #tpu.memory_space<vmem>>) semaphore(%arg17 : memref<!tpu.dma_semaphore, #tpu.memory_space<semaphore_mem>>)
    %scan3A_47 = arith.constant 0 : i32
    %scan3A_48 = arith.constant 0 : i32
    %scan3A_49 = arith.constant 20 : i32
    %scan3A_50 = arith.addi %scan3A_48, %scan3A_49 : i32
    %scan3A_51 = arith.constant 1 : i32
    scf.for %scan3A_165 = %scan3A_48 to %scan3A_50 step %scan3A_51  : i32 {
      %mul3A_166 = arith.constant 4 : i32
      %mul3A_167 = arith.muli %scan3A_165, %mul3A_166 : i32
      %add3A_168 = arith.constant 0 : i32
      %add3A_169 = arith.addi %mul3A_167, %add3A_168 : i32
      %dma_wait3A_170 = arith.constant 0 : i32
      %dma_wait3A_171 = tpu.memref_slice %arg7[%add3A_169, %dma_wait3A_170] : memref<80x125xi32, #tpu.memory_space<vmem>> -> memref<1x125xi32, #tpu.memory_space<vmem>>
      %dma_wait3A_172 = tpu.memref_squeeze %dma_wait3A_171 : memref<1x125xi32, #tpu.memory_space<vmem>> -> memref<125xi32, #tpu.memory_space<vmem>>
      %dma_wait3A_173 = arith.constant 0 : i32
      %dma_wait3A_174 = arith.constant 0 : i32
      %dma_wait3A_175 = tpu.memref_slice %arg2[%dma_wait3A_173, %dma_wait3A_174] : memref<10240x64xf32, #tpu.memory_space<hbm>> -> memref<10240x64xf32, #tpu.memory_space<hbm>>
      tpu.wait_indirect_dma semaphore(%arg15 : memref<!tpu.dma_semaphore, #tpu.memory_space<semaphore_mem>>) src(%dma_wait3A_175 : memref<10240x64xf32, #tpu.memory_space<hbm>>) dst(%arg9 : memref<125x64xf32, #tpu.memory_space<vmem>>)
      %dma_start3A_176 = arith.constant 0 : i32
      %dma_start3A_177 = tpu.memref_slice %arg8[%add3A_169, %dma_start3A_176] : memref<80x125xi32, #tpu.memory_space<vmem>> -> memref<1x125xi32, #tpu.memory_space<vmem>>
      %dma_start3A_178 = tpu.memref_squeeze %dma_start3A_177 : memref<1x125xi32, #tpu.memory_space<vmem>> -> memref<125xi32, #tpu.memory_space<vmem>>
      %dma_start3A_179 = arith.constant 0 : i32
      %dma_start3A_180 = arith.constant 0 : i32
      %dma_start3A_181 = tpu.memref_slice %arg14[%dma_start3A_179, %dma_start3A_180] : memref<10240x64xf32, #tpu.memory_space<vmem_shared>> -> memref<10240x64xf32, #tpu.memory_space<vmem_shared>>
      tpu.enqueue_indirect_dma source(%arg9 : memref<125x64xf32, #tpu.memory_space<vmem>>) target(%dma_start3A_181 : memref<10240x64xf32, #tpu.memory_space<vmem_shared>>) offsets(%dma_start3A_178 : memref<125xi32, #tpu.memory_space<vmem>>) semaphore(%arg19 : memref<!tpu.dma_semaphore, #tpu.memory_space<semaphore_mem>>) {add = true}
      %ge3A = arith.constant 1 : i32
      %ge3A_182 = arith.cmpi sge, %add3A_169, %ge3A : i32
      %convert_element_type3A = arith.extui %ge3A_182 : i1 to i32
      %cond3A = arith.constant 0 : i32
      %cond3A_183 = arith.cmpi ne, %convert_element_type3A, %cond3A : i32
      scf.if %cond3A_183 {
        %sub3A_283 = arith.constant 1 : i32
        %sub3A_284 = arith.subi %add3A_169, %sub3A_283 : i32
        %dma_wait3A_285 = arith.constant 0 : i32
        %dma_wait3A_286 = tpu.memref_slice %arg8[%sub3A_284, %dma_wait3A_285] : memref<80x125xi32, #tpu.memory_space<vmem>> -> memref<1x125xi32, #tpu.memory_space<vmem>>
        %dma_wait3A_287 = tpu.memref_squeeze %dma_wait3A_286 : memref<1x125xi32, #tpu.memory_space<vmem>> -> memref<125xi32, #tpu.memory_space<vmem>>
        %dma_wait3A_288 = arith.constant 0 : i32
        %dma_wait3A_289 = arith.constant 0 : i32
        %dma_wait3A_290 = tpu.memref_slice %arg14[%dma_wait3A_288, %dma_wait3A_289] : memref<10240x64xf32, #tpu.memory_space<vmem_shared>> -> memref<10240x64xf32, #tpu.memory_space<vmem_shared>>
        tpu.wait_indirect_dma semaphore(%arg22 : memref<!tpu.dma_semaphore, #tpu.memory_space<semaphore_mem>>) src(%arg12 : memref<125x64xf32, #tpu.memory_space<vmem>>) dst(%dma_wait3A_290 : memref<10240x64xf32, #tpu.memory_space<vmem_shared>>)
      } else {
      }
      %add3A_184 = arith.constant 3 : i32
      %add3A_185 = arith.addi %add3A_169, %add3A_184 : i32
      %dma_start3A_186 = arith.constant 0 : i32
      %dma_start3A_187 = tpu.memref_slice %arg7[%add3A_185, %dma_start3A_186] : memref<80x125xi32, #tpu.memory_space<vmem>> -> memref<1x125xi32, #tpu.memory_space<vmem>>
      %dma_start3A_188 = tpu.memref_squeeze %dma_start3A_187 : memref<1x125xi32, #tpu.memory_space<vmem>> -> memref<125xi32, #tpu.memory_space<vmem>>
      %dma_start3A_189 = arith.constant 0 : i32
      %dma_start3A_190 = arith.constant 0 : i32
      %dma_start3A_191 = tpu.memref_slice %arg2[%dma_start3A_189, %dma_start3A_190] : memref<10240x64xf32, #tpu.memory_space<hbm>> -> memref<10240x64xf32, #tpu.memory_space<hbm>>
      tpu.enqueue_indirect_dma source(%dma_start3A_191 : memref<10240x64xf32, #tpu.memory_space<hbm>>) target(%arg12 : memref<125x64xf32, #tpu.memory_space<vmem>>) offsets(%dma_start3A_188 : memref<125xi32, #tpu.memory_space<vmem>>) semaphore(%arg18 : memref<!tpu.dma_semaphore, #tpu.memory_space<semaphore_mem>>)
      %mul3A_192 = arith.constant 4 : i32
      %mul3A_193 = arith.muli %scan3A_165, %mul3A_192 : i32
      %add3A_194 = arith.constant 1 : i32
      %add3A_195 = arith.addi %mul3A_193, %add3A_194 : i32
      %dma_wait3A_196 = arith.constant 0 : i32
      %dma_wait3A_197 = tpu.memref_slice %arg7[%add3A_195, %dma_wait3A_196] : memref<80x125xi32, #tpu.memory_space<vmem>> -> memref<1x125xi32, #tpu.memory_space<vmem>>
      %dma_wait3A_198 = tpu.memref_squeeze %dma_wait3A_197 : memref<1x125xi32, #tpu.memory_space<vmem>> -> memref<125xi32, #tpu.memory_space<vmem>>
      %dma_wait3A_199 = arith.constant 0 : i32
      %dma_wait3A_200 = arith.constant 0 : i32
      %dma_wait3A_201 = tpu.memref_slice %arg2[%dma_wait3A_199, %dma_wait3A_200] : memref<10240x64xf32, #tpu.memory_space<hbm>> -> memref<10240x64xf32, #tpu.memory_space<hbm>>
      tpu.wait_indirect_dma semaphore(%arg16 : memref<!tpu.dma_semaphore, #tpu.memory_space<semaphore_mem>>) src(%dma_wait3A_201 : memref<10240x64xf32, #tpu.memory_space<hbm>>) dst(%arg10 : memref<125x64xf32, #tpu.memory_space<vmem>>)
      %dma_start3A_202 = arith.constant 0 : i32
      %dma_start3A_203 = tpu.memref_slice %arg8[%add3A_195, %dma_start3A_202] : memref<80x125xi32, #tpu.memory_space<vmem>> -> memref<1x125xi32, #tpu.memory_space<vmem>>
      %dma_start3A_204 = tpu.memref_squeeze %dma_start3A_203 : memref<1x125xi32, #tpu.memory_space<vmem>> -> memref<125xi32, #tpu.memory_space<vmem>>
      %dma_start3A_205 = arith.constant 0 : i32
      %dma_start3A_206 = arith.constant 0 : i32
      %dma_start3A_207 = tpu.memref_slice %arg14[%dma_start3A_205, %dma_start3A_206] : memref<10240x64xf32, #tpu.memory_space<vmem_shared>> -> memref<10240x64xf32, #tpu.memory_space<vmem_shared>>
      tpu.enqueue_indirect_dma source(%arg10 : memref<125x64xf32, #tpu.memory_space<vmem>>) target(%dma_start3A_207 : memref<10240x64xf32, #tpu.memory_space<vmem_shared>>) offsets(%dma_start3A_204 : memref<125xi32, #tpu.memory_space<vmem>>) semaphore(%arg20 : memref<!tpu.dma_semaphore, #tpu.memory_space<semaphore_mem>>) {add = true}
      %sub3A = arith.constant 1 : i32
      %sub3A_208 = arith.subi %add3A_195, %sub3A : i32
      %dma_wait3A_209 = arith.constant 0 : i32
      %dma_wait3A_210 = tpu.memref_slice %arg8[%sub3A_208, %dma_wait3A_209] : memref<80x125xi32, #tpu.memory_space<vmem>> -> memref<1x125xi32, #tpu.memory_space<vmem>>
      %dma_wait3A_211 = tpu.memref_squeeze %dma_wait3A_210 : memref<1x125xi32, #tpu.memory_space<vmem>> -> memref<125xi32, #tpu.memory_space<vmem>>
      %dma_wait3A_212 = arith.constant 0 : i32
      %dma_wait3A_213 = arith.constant 0 : i32
      %dma_wait3A_214 = tpu.memref_slice %arg14[%dma_wait3A_212, %dma_wait3A_213] : memref<10240x64xf32, #tpu.memory_space<vmem_shared>> -> memref<10240x64xf32, #tpu.memory_space<vmem_shared>>
      tpu.wait_indirect_dma semaphore(%arg19 : memref<!tpu.dma_semaphore, #tpu.memory_space<semaphore_mem>>) src(%arg9 : memref<125x64xf32, #tpu.memory_space<vmem>>) dst(%dma_wait3A_214 : memref<10240x64xf32, #tpu.memory_space<vmem_shared>>)
      %add3A_215 = arith.constant 3 : i32
      %add3A_216 = arith.addi %add3A_195, %add3A_215 : i32
      %lt3A = arith.constant 80 : i32
      %lt3A_217 = arith.cmpi slt, %add3A_216, %lt3A : i32
      %convert_element_type3A_218 = arith.extui %lt3A_217 : i1 to i32
      %cond3A_219 = arith.constant 0 : i32
      %cond3A_220 = arith.cmpi ne, %convert_element_type3A_218, %cond3A_219 : i32
      scf.if %cond3A_220 {
        %add3A_283 = arith.constant 3 : i32
        %add3A_284 = arith.addi %add3A_195, %add3A_283 : i32
        %dma_start3A_285 = arith.constant 0 : i32
        %dma_start3A_286 = tpu.memref_slice %arg7[%add3A_284, %dma_start3A_285] : memref<80x125xi32, #tpu.memory_space<vmem>> -> memref<1x125xi32, #tpu.memory_space<vmem>>
        %dma_start3A_287 = tpu.memref_squeeze %dma_start3A_286 : memref<1x125xi32, #tpu.memory_space<vmem>> -> memref<125xi32, #tpu.memory_space<vmem>>
        %dma_start3A_288 = arith.constant 0 : i32
        %dma_start3A_289 = arith.constant 0 : i32
        %dma_start3A_290 = tpu.memref_slice %arg2[%dma_start3A_288, %dma_start3A_289] : memref<10240x64xf32, #tpu.memory_space<hbm>> -> memref<10240x64xf32, #tpu.memory_space<hbm>>
        tpu.enqueue_indirect_dma source(%dma_start3A_290 : memref<10240x64xf32, #tpu.memory_space<hbm>>) target(%arg9 : memref<125x64xf32, #tpu.memory_space<vmem>>) offsets(%dma_start3A_287 : memref<125xi32, #tpu.memory_space<vmem>>) semaphore(%arg15 : memref<!tpu.dma_semaphore, #tpu.memory_space<semaphore_mem>>)
      } else {
      }
      %mul3A_221 = arith.constant 4 : i32
      %mul3A_222 = arith.muli %scan3A_165, %mul3A_221 : i32
      %add3A_223 = arith.constant 2 : i32
      %add3A_224 = arith.addi %mul3A_222, %add3A_223 : i32
      %dma_wait3A_225 = arith.constant 0 : i32
      %dma_wait3A_226 = tpu.memref_slice %arg7[%add3A_224, %dma_wait3A_225] : memref<80x125xi32, #tpu.memory_space<vmem>> -> memref<1x125xi32, #tpu.memory_space<vmem>>
      %dma_wait3A_227 = tpu.memref_squeeze %dma_wait3A_226 : memref<1x125xi32, #tpu.memory_space<vmem>> -> memref<125xi32, #tpu.memory_space<vmem>>
      %dma_wait3A_228 = arith.constant 0 : i32
      %dma_wait3A_229 = arith.constant 0 : i32
      %dma_wait3A_230 = tpu.memref_slice %arg2[%dma_wait3A_228, %dma_wait3A_229] : memref<10240x64xf32, #tpu.memory_space<hbm>> -> memref<10240x64xf32, #tpu.memory_space<hbm>>
      tpu.wait_indirect_dma semaphore(%arg17 : memref<!tpu.dma_semaphore, #tpu.memory_space<semaphore_mem>>) src(%dma_wait3A_230 : memref<10240x64xf32, #tpu.memory_space<hbm>>) dst(%arg11 : memref<125x64xf32, #tpu.memory_space<vmem>>)
      %dma_start3A_231 = arith.constant 0 : i32
      %dma_start3A_232 = tpu.memref_slice %arg8[%add3A_224, %dma_start3A_231] : memref<80x125xi32, #tpu.memory_space<vmem>> -> memref<1x125xi32, #tpu.memory_space<vmem>>
      %dma_start3A_233 = tpu.memref_squeeze %dma_start3A_232 : memref<1x125xi32, #tpu.memory_space<vmem>> -> memref<125xi32, #tpu.memory_space<vmem>>
      %dma_start3A_234 = arith.constant 0 : i32
      %dma_start3A_235 = arith.constant 0 : i32
      %dma_start3A_236 = tpu.memref_slice %arg14[%dma_start3A_234, %dma_start3A_235] : memref<10240x64xf32, #tpu.memory_space<vmem_shared>> -> memref<10240x64xf32, #tpu.memory_space<vmem_shared>>
      tpu.enqueue_indirect_dma source(%arg11 : memref<125x64xf32, #tpu.memory_space<vmem>>) target(%dma_start3A_236 : memref<10240x64xf32, #tpu.memory_space<vmem_shared>>) offsets(%dma_start3A_233 : memref<125xi32, #tpu.memory_space<vmem>>) semaphore(%arg21 : memref<!tpu.dma_semaphore, #tpu.memory_space<semaphore_mem>>) {add = true}
      %sub3A_237 = arith.constant 1 : i32
      %sub3A_238 = arith.subi %add3A_224, %sub3A_237 : i32
      %dma_wait3A_239 = arith.constant 0 : i32
      %dma_wait3A_240 = tpu.memref_slice %arg8[%sub3A_238, %dma_wait3A_239] : memref<80x125xi32, #tpu.memory_space<vmem>> -> memref<1x125xi32, #tpu.memory_space<vmem>>
      %dma_wait3A_241 = tpu.memref_squeeze %dma_wait3A_240 : memref<1x125xi32, #tpu.memory_space<vmem>> -> memref<125xi32, #tpu.memory_space<vmem>>
      %dma_wait3A_242 = arith.constant 0 : i32
      %dma_wait3A_243 = arith.constant 0 : i32
      %dma_wait3A_244 = tpu.memref_slice %arg14[%dma_wait3A_242, %dma_wait3A_243] : memref<10240x64xf32, #tpu.memory_space<vmem_shared>> -> memref<10240x64xf32, #tpu.memory_space<vmem_shared>>
      tpu.wait_indirect_dma semaphore(%arg20 : memref<!tpu.dma_semaphore, #tpu.memory_space<semaphore_mem>>) src(%arg10 : memref<125x64xf32, #tpu.memory_space<vmem>>) dst(%dma_wait3A_244 : memref<10240x64xf32, #tpu.memory_space<vmem_shared>>)
      %add3A_245 = arith.constant 3 : i32
      %add3A_246 = arith.addi %add3A_224, %add3A_245 : i32
      %lt3A_247 = arith.constant 80 : i32
      %lt3A_248 = arith.cmpi slt, %add3A_246, %lt3A_247 : i32
      %convert_element_type3A_249 = arith.extui %lt3A_248 : i1 to i32
      %cond3A_250 = arith.constant 0 : i32
      %cond3A_251 = arith.cmpi ne, %convert_element_type3A_249, %cond3A_250 : i32
      scf.if %cond3A_251 {
        %add3A_283 = arith.constant 3 : i32
        %add3A_284 = arith.addi %add3A_224, %add3A_283 : i32
        %dma_start3A_285 = arith.constant 0 : i32
        %dma_start3A_286 = tpu.memref_slice %arg7[%add3A_284, %dma_start3A_285] : memref<80x125xi32, #tpu.memory_space<vmem>> -> memref<1x125xi32, #tpu.memory_space<vmem>>
        %dma_start3A_287 = tpu.memref_squeeze %dma_start3A_286 : memref<1x125xi32, #tpu.memory_space<vmem>> -> memref<125xi32, #tpu.memory_space<vmem>>
        %dma_start3A_288 = arith.constant 0 : i32
        %dma_start3A_289 = arith.constant 0 : i32
        %dma_start3A_290 = tpu.memref_slice %arg2[%dma_start3A_288, %dma_start3A_289] : memref<10240x64xf32, #tpu.memory_space<hbm>> -> memref<10240x64xf32, #tpu.memory_space<hbm>>
        tpu.enqueue_indirect_dma source(%dma_start3A_290 : memref<10240x64xf32, #tpu.memory_space<hbm>>) target(%arg10 : memref<125x64xf32, #tpu.memory_space<vmem>>) offsets(%dma_start3A_287 : memref<125xi32, #tpu.memory_space<vmem>>) semaphore(%arg16 : memref<!tpu.dma_semaphore, #tpu.memory_space<semaphore_mem>>)
      } else {
      }
      %mul3A_252 = arith.constant 4 : i32
      %mul3A_253 = arith.muli %scan3A_165, %mul3A_252 : i32
      %add3A_254 = arith.constant 3 : i32
      %add3A_255 = arith.addi %mul3A_253, %add3A_254 : i32
      %dma_wait3A_256 = arith.constant 0 : i32
      %dma_wait3A_257 = tpu.memref_slice %arg7[%add3A_255, %dma_wait3A_256] : memref<80x125xi32, #tpu.memory_space<vmem>> -> memref<1x125xi32, #tpu.memory_space<vmem>>
      %dma_wait3A_258 = tpu.memref_squeeze %dma_wait3A_257 : memref<1x125xi32, #tpu.memory_space<vmem>> -> memref<125xi32, #tpu.memory_space<vmem>>
      %dma_wait3A_259 = arith.constant 0 : i32
      %dma_wait3A_260 = arith.constant 0 : i32
      %dma_wait3A_261 = tpu.memref_slice %arg2[%dma_wait3A_259, %dma_wait3A_260] : memref<10240x64xf32, #tpu.memory_space<hbm>> -> memref<10240x64xf32, #tpu.memory_space<hbm>>
      tpu.wait_indirect_dma semaphore(%arg18 : memref<!tpu.dma_semaphore, #tpu.memory_space<semaphore_mem>>) src(%dma_wait3A_261 : memref<10240x64xf32, #tpu.memory_space<hbm>>) dst(%arg12 : memref<125x64xf32, #tpu.memory_space<vmem>>)
      %dma_start3A_262 = arith.constant 0 : i32
      %dma_start3A_263 = tpu.memref_slice %arg8[%add3A_255, %dma_start3A_262] : memref<80x125xi32, #tpu.memory_space<vmem>> -> memref<1x125xi32, #tpu.memory_space<vmem>>
      %dma_start3A_264 = tpu.memref_squeeze %dma_start3A_263 : memref<1x125xi32, #tpu.memory_space<vmem>> -> memref<125xi32, #tpu.memory_space<vmem>>
      %dma_start3A_265 = arith.constant 0 : i32
      %dma_start3A_266 = arith.constant 0 : i32
      %dma_start3A_267 = tpu.memref_slice %arg14[%dma_start3A_265, %dma_start3A_266] : memref<10240x64xf32, #tpu.memory_space<vmem_shared>> -> memref<10240x64xf32, #tpu.memory_space<vmem_shared>>
      tpu.enqueue_indirect_dma source(%arg12 : memref<125x64xf32, #tpu.memory_space<vmem>>) target(%dma_start3A_267 : memref<10240x64xf32, #tpu.memory_space<vmem_shared>>) offsets(%dma_start3A_264 : memref<125xi32, #tpu.memory_space<vmem>>) semaphore(%arg22 : memref<!tpu.dma_semaphore, #tpu.memory_space<semaphore_mem>>) {add = true}
      %sub3A_268 = arith.constant 1 : i32
      %sub3A_269 = arith.subi %add3A_255, %sub3A_268 : i32
      %dma_wait3A_270 = arith.constant 0 : i32
      %dma_wait3A_271 = tpu.memref_slice %arg8[%sub3A_269, %dma_wait3A_270] : memref<80x125xi32, #tpu.memory_space<vmem>> -> memref<1x125xi32, #tpu.memory_space<vmem>>
      %dma_wait3A_272 = tpu.memref_squeeze %dma_wait3A_271 : memref<1x125xi32, #tpu.memory_space<vmem>> -> memref<125xi32, #tpu.memory_space<vmem>>
      %dma_wait3A_273 = arith.constant 0 : i32
      %dma_wait3A_274 = arith.constant 0 : i32
      %dma_wait3A_275 = tpu.memref_slice %arg14[%dma_wait3A_273, %dma_wait3A_274] : memref<10240x64xf32, #tpu.memory_space<vmem_shared>> -> memref<10240x64xf32, #tpu.memory_space<vmem_shared>>
      tpu.wait_indirect_dma semaphore(%arg21 : memref<!tpu.dma_semaphore, #tpu.memory_space<semaphore_mem>>) src(%arg11 : memref<125x64xf32, #tpu.memory_space<vmem>>) dst(%dma_wait3A_275 : memref<10240x64xf32, #tpu.memory_space<vmem_shared>>)
      %add3A_276 = arith.constant 3 : i32
      %add3A_277 = arith.addi %add3A_255, %add3A_276 : i32
      %lt3A_278 = arith.constant 80 : i32
      %lt3A_279 = arith.cmpi slt, %add3A_277, %lt3A_278 : i32
      %convert_element_type3A_280 = arith.extui %lt3A_279 : i1 to i32
      %cond3A_281 = arith.constant 0 : i32
      %cond3A_282 = arith.cmpi ne, %convert_element_type3A_280, %cond3A_281 : i32
      scf.if %cond3A_282 {
        %add3A_283 = arith.constant 3 : i32
        %add3A_284 = arith.addi %add3A_255, %add3A_283 : i32
        %dma_start3A_285 = arith.constant 0 : i32
        %dma_start3A_286 = tpu.memref_slice %arg7[%add3A_284, %dma_start3A_285] : memref<80x125xi32, #tpu.memory_space<vmem>> -> memref<1x125xi32, #tpu.memory_space<vmem>>
        %dma_start3A_287 = tpu.memref_squeeze %dma_start3A_286 : memref<1x125xi32, #tpu.memory_space<vmem>> -> memref<125xi32, #tpu.memory_space<vmem>>
        %dma_start3A_288 = arith.constant 0 : i32
        %dma_start3A_289 = arith.constant 0 : i32
        %dma_start3A_290 = tpu.memref_slice %arg2[%dma_start3A_288, %dma_start3A_289] : memref<10240x64xf32, #tpu.memory_space<hbm>> -> memref<10240x64xf32, #tpu.memory_space<hbm>>
        tpu.enqueue_indirect_dma source(%dma_start3A_290 : memref<10240x64xf32, #tpu.memory_space<hbm>>) target(%arg11 : memref<125x64xf32, #tpu.memory_space<vmem>>) offsets(%dma_start3A_287 : memref<125xi32, #tpu.memory_space<vmem>>) semaphore(%arg17 : memref<!tpu.dma_semaphore, #tpu.memory_space<semaphore_mem>>)
      } else {
      }
    }
    %scan3A_52 = arith.constant 20 : i32
    %dma_wait3A = arith.constant 79 : i32
    %dma_wait3A_53 = arith.constant 0 : i32
    %dma_wait3A_54 = tpu.memref_slice %arg8[%dma_wait3A, %dma_wait3A_53] : memref<80x125xi32, #tpu.memory_space<vmem>> -> memref<1x125xi32, #tpu.memory_space<vmem>>
    %dma_wait3A_55 = tpu.memref_squeeze %dma_wait3A_54 : memref<1x125xi32, #tpu.memory_space<vmem>> -> memref<125xi32, #tpu.memory_space<vmem>>
    %dma_wait3A_56 = arith.constant 0 : i32
    %dma_wait3A_57 = arith.constant 0 : i32
    %dma_wait3A_58 = tpu.memref_slice %arg14[%dma_wait3A_56, %dma_wait3A_57] : memref<10240x64xf32, #tpu.memory_space<vmem_shared>> -> memref<10240x64xf32, #tpu.memory_space<vmem_shared>>
    tpu.wait_indirect_dma semaphore(%arg22 : memref<!tpu.dma_semaphore, #tpu.memory_space<semaphore_mem>>) src(%arg12 : memref<125x64xf32, #tpu.memory_space<vmem>>) dst(%dma_wait3A_58 : memref<10240x64xf32, #tpu.memory_space<vmem_shared>>)
    %barrier3A_59 = arith.constant 0 : index
    tpu.barrier barrier_id(%barrier3A_59)
    %mul3A_60 = arith.constant 640 : i32
    %mul3A_61 = arith.muli %arg1, %mul3A_60 : i32
    %add3A_62 = arith.constant 0 : i32
    %add3A_63 = arith.addi %mul3A_61, %add3A_62 : i32
    %run_scoped3A = arith.constant 0 : i32
    "tpu.region"() ({
      %run_scoped3A_165 = tpu.sem_alloc : memref<!tpu.dma_semaphore, #tpu.memory_space<semaphore_mem>>
      %dma_start3A_166 = arith.constant 0 : i32
      %dma_start3A_167 = tpu.memref_slice %arg6[%run_scoped3A, %arg0, %add3A_63, %dma_start3A_166] : memref<2x2x10240x64xf32, #tpu.memory_space<hbm>> -> memref<1x1x128x64xf32, #tpu.memory_space<hbm>>
      %dma_start3A_168 = tpu.memref_squeeze %dma_start3A_167 : memref<1x1x128x64xf32, #tpu.memory_space<hbm>> -> memref<128x64xf32, #tpu.memory_space<hbm>>
      %dma_start3A_169 = arith.constant 0 : i32
      %dma_start3A_170 = tpu.memref_slice %arg14[%add3A_63, %dma_start3A_169] : memref<10240x64xf32, #tpu.memory_space<vmem_shared>> -> memref<128x64xf32, #tpu.memory_space<vmem_shared>>
      tpu.enqueue_dma source(%dma_start3A_170 : memref<128x64xf32, #tpu.memory_space<vmem_shared>>) target(%dma_start3A_168 : memref<128x64xf32, #tpu.memory_space<hbm>>) target_semaphore(%run_scoped3A_165 : memref<!tpu.dma_semaphore, #tpu.memory_space<semaphore_mem>>)
      %dma_wait3A_171 = arith.constant 0 : i32
      %dma_wait3A_172 = tpu.memref_slice %arg6[%run_scoped3A, %arg0, %add3A_63, %dma_wait3A_171] : memref<2x2x10240x64xf32, #tpu.memory_space<hbm>> -> memref<1x1x128x64xf32, #tpu.memory_space<hbm>>
      %dma_wait3A_173 = tpu.memref_squeeze %dma_wait3A_172 : memref<1x1x128x64xf32, #tpu.memory_space<hbm>> -> memref<128x64xf32, #tpu.memory_space<hbm>>
      %dma_wait3A_174 = arith.constant 0 : i32
      %dma_wait3A_175 = tpu.memref_slice %arg14[%add3A_63, %dma_wait3A_174] : memref<10240x64xf32, #tpu.memory_space<vmem_shared>> -> memref<128x64xf32, #tpu.memory_space<vmem_shared>>
      tpu.wait_dma2 semaphore(%run_scoped3A_165 : memref<!tpu.dma_semaphore, #tpu.memory_space<semaphore_mem>>) src(%dma_wait3A_175 : memref<128x64xf32, #tpu.memory_space<vmem_shared>>) dst(%dma_wait3A_173 : memref<128x64xf32, #tpu.memory_space<hbm>>)
      tpu.yield
    }) : () -> ()
    %mul3A_64 = arith.constant 640 : i32
    %mul3A_65 = arith.muli %arg1, %mul3A_64 : i32
    %add3A_66 = arith.constant 128 : i32
    %add3A_67 = arith.addi %mul3A_65, %add3A_66 : i32
    %run_scoped3A_68 = arith.constant 0 : i32
    "tpu.region"() ({
      %run_scoped3A_165 = tpu.sem_alloc : memref<!tpu.dma_semaphore, #tpu.memory_space<semaphore_mem>>
      %dma_start3A_166 = arith.constant 0 : i32
      %dma_start3A_167 = tpu.memref_slice %arg6[%run_scoped3A_68, %arg0, %add3A_67, %dma_start3A_166] : memref<2x2x10240x64xf32, #tpu.memory_space<hbm>> -> memref<1x1x128x64xf32, #tpu.memory_space<hbm>>
      %dma_start3A_168 = tpu.memref_squeeze %dma_start3A_167 : memref<1x1x128x64xf32, #tpu.memory_space<hbm>> -> memref<128x64xf32, #tpu.memory_space<hbm>>
      %dma_start3A_169 = arith.constant 0 : i32
      %dma_start3A_170 = tpu.memref_slice %arg14[%add3A_67, %dma_start3A_169] : memref<10240x64xf32, #tpu.memory_space<vmem_shared>> -> memref<128x64xf32, #tpu.memory_space<vmem_shared>>
      tpu.enqueue_dma source(%dma_start3A_170 : memref<128x64xf32, #tpu.memory_space<vmem_shared>>) target(%dma_start3A_168 : memref<128x64xf32, #tpu.memory_space<hbm>>) target_semaphore(%run_scoped3A_165 : memref<!tpu.dma_semaphore, #tpu.memory_space<semaphore_mem>>)
      %dma_wait3A_171 = arith.constant 0 : i32
      %dma_wait3A_172 = tpu.memref_slice %arg6[%run_scoped3A_68, %arg0, %add3A_67, %dma_wait3A_171] : memref<2x2x10240x64xf32, #tpu.memory_space<hbm>> -> memref<1x1x128x64xf32, #tpu.memory_space<hbm>>
      %dma_wait3A_173 = tpu.memref_squeeze %dma_wait3A_172 : memref<1x1x128x64xf32, #tpu.memory_space<hbm>> -> memref<128x64xf32, #tpu.memory_space<hbm>>
      %dma_wait3A_174 = arith.constant 0 : i32
      %dma_wait3A_175 = tpu.memref_slice %arg14[%add3A_67, %dma_wait3A_174] : memref<10240x64xf32, #tpu.memory_space<vmem_shared>> -> memref<128x64xf32, #tpu.memory_space<vmem_shared>>
      tpu.wait_dma2 semaphore(%run_scoped3A_165 : memref<!tpu.dma_semaphore, #tpu.memory_space<semaphore_mem>>) src(%dma_wait3A_175 : memref<128x64xf32, #tpu.memory_space<vmem_shared>>) dst(%dma_wait3A_173 : memref<128x64xf32, #tpu.memory_space<hbm>>)
      tpu.yield
    }) : () -> ()
    %mul3A_69 = arith.constant 640 : i32
    %mul3A_70 = arith.muli %arg1, %mul3A_69 : i32
    %add3A_71 = arith.constant 256 : i32
    %add3A_72 = arith.addi %mul3A_70, %add3A_71 : i32
    %run_scoped3A_73 = arith.constant 0 : i32
    "tpu.region"() ({
      %run_scoped3A_165 = tpu.sem_alloc : memref<!tpu.dma_semaphore, #tpu.memory_space<semaphore_mem>>
      %dma_start3A_166 = arith.constant 0 : i32
      %dma_start3A_167 = tpu.memref_slice %arg6[%run_scoped3A_73, %arg0, %add3A_72, %dma_start3A_166] : memref<2x2x10240x64xf32, #tpu.memory_space<hbm>> -> memref<1x1x128x64xf32, #tpu.memory_space<hbm>>
      %dma_start3A_168 = tpu.memref_squeeze %dma_start3A_167 : memref<1x1x128x64xf32, #tpu.memory_space<hbm>> -> memref<128x64xf32, #tpu.memory_space<hbm>>
      %dma_start3A_169 = arith.constant 0 : i32
      %dma_start3A_170 = tpu.memref_slice %arg14[%add3A_72, %dma_start3A_169] : memref<10240x64xf32, #tpu.memory_space<vmem_shared>> -> memref<128x64xf32, #tpu.memory_space<vmem_shared>>
      tpu.enqueue_dma source(%dma_start3A_170 : memref<128x64xf32, #tpu.memory_space<vmem_shared>>) target(%dma_start3A_168 : memref<128x64xf32, #tpu.memory_space<hbm>>) target_semaphore(%run_scoped3A_165 : memref<!tpu.dma_semaphore, #tpu.memory_space<semaphore_mem>>)
      %dma_wait3A_171 = arith.constant 0 : i32
      %dma_wait3A_172 = tpu.memref_slice %arg6[%run_scoped3A_73, %arg0, %add3A_72, %dma_wait3A_171] : memref<2x2x10240x64xf32, #tpu.memory_space<hbm>> -> memref<1x1x128x64xf32, #tpu.memory_space<hbm>>
      %dma_wait3A_173 = tpu.memref_squeeze %dma_wait3A_172 : memref<1x1x128x64xf32, #tpu.memory_space<hbm>> -> memref<128x64xf32, #tpu.memory_space<hbm>>
      %dma_wait3A_174 = arith.constant 0 : i32
      %dma_wait3A_175 = tpu.memref_slice %arg14[%add3A_72, %dma_wait3A_174] : memref<10240x64xf32, #tpu.memory_space<vmem_shared>> -> memref<128x64xf32, #tpu.memory_space<vmem_shared>>
      tpu.wait_dma2 semaphore(%run_scoped3A_165 : memref<!tpu.dma_semaphore, #tpu.memory_space<semaphore_mem>>) src(%dma_wait3A_175 : memref<128x64xf32, #tpu.memory_space<vmem_shared>>) dst(%dma_wait3A_173 : memref<128x64xf32, #tpu.memory_space<hbm>>)
      tpu.yield
    }) : () -> ()
    %mul3A_74 = arith.constant 640 : i32
    %mul3A_75 = arith.muli %arg1, %mul3A_74 : i32
    %add3A_76 = arith.constant 384 : i32
    %add3A_77 = arith.addi %mul3A_75, %add3A_76 : i32
    %run_scoped3A_78 = arith.constant 0 : i32
    "tpu.region"() ({
      %run_scoped3A_165 = tpu.sem_alloc : memref<!tpu.dma_semaphore, #tpu.memory_space<semaphore_mem>>
      %dma_start3A_166 = arith.constant 0 : i32
      %dma_start3A_167 = tpu.memref_slice %arg6[%run_scoped3A_78, %arg0, %add3A_77, %dma_start3A_166] : memref<2x2x10240x64xf32, #tpu.memory_space<hbm>> -> memref<1x1x128x64xf32, #tpu.memory_space<hbm>>
      %dma_start3A_168 = tpu.memref_squeeze %dma_start3A_167 : memref<1x1x128x64xf32, #tpu.memory_space<hbm>> -> memref<128x64xf32, #tpu.memory_space<hbm>>
      %dma_start3A_169 = arith.constant 0 : i32
      %dma_start3A_170 = tpu.memref_slice %arg14[%add3A_77, %dma_start3A_169] : memref<10240x64xf32, #tpu.memory_space<vmem_shared>> -> memref<128x64xf32, #tpu.memory_space<vmem_shared>>
      tpu.enqueue_dma source(%dma_start3A_170 : memref<128x64xf32, #tpu.memory_space<vmem_shared>>) target(%dma_start3A_168 : memref<128x64xf32, #tpu.memory_space<hbm>>) target_semaphore(%run_scoped3A_165 : memref<!tpu.dma_semaphore, #tpu.memory_space<semaphore_mem>>)
      %dma_wait3A_171 = arith.constant 0 : i32
      %dma_wait3A_172 = tpu.memref_slice %arg6[%run_scoped3A_78, %arg0, %add3A_77, %dma_wait3A_171] : memref<2x2x10240x64xf32, #tpu.memory_space<hbm>> -> memref<1x1x128x64xf32, #tpu.memory_space<hbm>>
      %dma_wait3A_173 = tpu.memref_squeeze %dma_wait3A_172 : memref<1x1x128x64xf32, #tpu.memory_space<hbm>> -> memref<128x64xf32, #tpu.memory_space<hbm>>
      %dma_wait3A_174 = arith.constant 0 : i32
      %dma_wait3A_175 = tpu.memref_slice %arg14[%add3A_77, %dma_wait3A_174] : memref<10240x64xf32, #tpu.memory_space<vmem_shared>> -> memref<128x64xf32, #tpu.memory_space<vmem_shared>>
      tpu.wait_dma2 semaphore(%run_scoped3A_165 : memref<!tpu.dma_semaphore, #tpu.memory_space<semaphore_mem>>) src(%dma_wait3A_175 : memref<128x64xf32, #tpu.memory_space<vmem_shared>>) dst(%dma_wait3A_173 : memref<128x64xf32, #tpu.memory_space<hbm>>)
      tpu.yield
    }) : () -> ()
    %mul3A_79 = arith.constant 640 : i32
    %mul3A_80 = arith.muli %arg1, %mul3A_79 : i32
    %add3A_81 = arith.constant 512 : i32
    %add3A_82 = arith.addi %mul3A_80, %add3A_81 : i32
    %run_scoped3A_83 = arith.constant 0 : i32
    "tpu.region"() ({
      %run_scoped3A_165 = tpu.sem_alloc : memref<!tpu.dma_semaphore, #tpu.memory_space<semaphore_mem>>
      %dma_start3A_166 = arith.constant 0 : i32
      %dma_start3A_167 = tpu.memref_slice %arg6[%run_scoped3A_83, %arg0, %add3A_82, %dma_start3A_166] : memref<2x2x10240x64xf32, #tpu.memory_space<hbm>> -> memref<1x1x128x64xf32, #tpu.memory_space<hbm>>
      %dma_start3A_168 = tpu.memref_squeeze %dma_start3A_167 : memref<1x1x128x64xf32, #tpu.memory_space<hbm>> -> memref<128x64xf32, #tpu.memory_space<hbm>>
      %dma_start3A_169 = arith.constant 0 : i32
      %dma_start3A_170 = tpu.memref_slice %arg14[%add3A_82, %dma_start3A_169] : memref<10240x64xf32, #tpu.memory_space<vmem_shared>> -> memref<128x64xf32, #tpu.memory_space<vmem_shared>>
      tpu.enqueue_dma source(%dma_start3A_170 : memref<128x64xf32, #tpu.memory_space<vmem_shared>>) target(%dma_start3A_168 : memref<128x64xf32, #tpu.memory_space<hbm>>) target_semaphore(%run_scoped3A_165 : memref<!tpu.dma_semaphore, #tpu.memory_space<semaphore_mem>>)
      %dma_wait3A_171 = arith.constant 0 : i32
      %dma_wait3A_172 = tpu.memref_slice %arg6[%run_scoped3A_83, %arg0, %add3A_82, %dma_wait3A_171] : memref<2x2x10240x64xf32, #tpu.memory_space<hbm>> -> memref<1x1x128x64xf32, #tpu.memory_space<hbm>>
      %dma_wait3A_173 = tpu.memref_squeeze %dma_wait3A_172 : memref<1x1x128x64xf32, #tpu.memory_space<hbm>> -> memref<128x64xf32, #tpu.memory_space<hbm>>
      %dma_wait3A_174 = arith.constant 0 : i32
      %dma_wait3A_175 = tpu.memref_slice %arg14[%add3A_82, %dma_wait3A_174] : memref<10240x64xf32, #tpu.memory_space<vmem_shared>> -> memref<128x64xf32, #tpu.memory_space<vmem_shared>>
      tpu.wait_dma2 semaphore(%run_scoped3A_165 : memref<!tpu.dma_semaphore, #tpu.memory_space<semaphore_mem>>) src(%dma_wait3A_175 : memref<128x64xf32, #tpu.memory_space<vmem_shared>>) dst(%dma_wait3A_173 : memref<128x64xf32, #tpu.memory_space<hbm>>)
      tpu.yield
    }) : () -> ()
    %mul3A_84 = arith.constant 640 : i32
    %mul3A_85 = arith.muli %arg1, %mul3A_84 : i32
    %add3A_86 = arith.constant 0 : i32
    %add3A_87 = arith.addi %mul3A_85, %add3A_86 : i32
    "tpu.region"() ({
      %run_scoped3A_165 = tpu.sem_alloc : memref<!tpu.dma_semaphore, #tpu.memory_space<semaphore_mem>>
      %dma_start3A_166 = arith.constant 0 : i32
      %dma_start3A_167 = tpu.memref_slice %arg14[%add3A_87, %dma_start3A_166] : memref<10240x64xf32, #tpu.memory_space<vmem_shared>> -> memref<128x64xf32, #tpu.memory_space<vmem_shared>>
      %dma_start3A_168 = arith.constant 0 : i32
      %dma_start3A_169 = tpu.memref_slice %arg14[%add3A_87, %dma_start3A_168] : memref<10240x64xf32, #tpu.memory_space<vmem_shared>> -> memref<128x64xf32, #tpu.memory_space<vmem_shared>>
      tpu.enqueue_dma source(%arg13 : memref<128x64xf32, #tpu.memory_space<vmem>>) target(%dma_start3A_169 : memref<128x64xf32, #tpu.memory_space<vmem_shared>>) target_semaphore(%run_scoped3A_165 : memref<!tpu.dma_semaphore, #tpu.memory_space<semaphore_mem>>)
      %dma_wait3A_170 = arith.constant 0 : i32
      %dma_wait3A_171 = tpu.memref_slice %arg14[%add3A_87, %dma_wait3A_170] : memref<10240x64xf32, #tpu.memory_space<vmem_shared>> -> memref<128x64xf32, #tpu.memory_space<vmem_shared>>
      %dma_wait3A_172 = arith.constant 0 : i32
      %dma_wait3A_173 = tpu.memref_slice %arg14[%add3A_87, %dma_wait3A_172] : memref<10240x64xf32, #tpu.memory_space<vmem_shared>> -> memref<128x64xf32, #tpu.memory_space<vmem_shared>>
      tpu.wait_dma2 semaphore(%run_scoped3A_165 : memref<!tpu.dma_semaphore, #tpu.memory_space<semaphore_mem>>) src(%arg13 : memref<128x64xf32, #tpu.memory_space<vmem>>) dst(%dma_wait3A_173 : memref<128x64xf32, #tpu.memory_space<vmem_shared>>)
      tpu.yield
    }) : () -> ()
    %mul3A_88 = arith.constant 640 : i32
    %mul3A_89 = arith.muli %arg1, %mul3A_88 : i32
    %add3A_90 = arith.constant 128 : i32
    %add3A_91 = arith.addi %mul3A_89, %add3A_90 : i32
    "tpu.region"() ({
      %run_scoped3A_165 = tpu.sem_alloc : memref<!tpu.dma_semaphore, #tpu.memory_space<semaphore_mem>>
      %dma_start3A_166 = arith.constant 0 : i32
      %dma_start3A_167 = tpu.memref_slice %arg14[%add3A_91, %dma_start3A_166] : memref<10240x64xf32, #tpu.memory_space<vmem_shared>> -> memref<128x64xf32, #tpu.memory_space<vmem_shared>>
      %dma_start3A_168 = arith.constant 0 : i32
      %dma_start3A_169 = tpu.memref_slice %arg14[%add3A_91, %dma_start3A_168] : memref<10240x64xf32, #tpu.memory_space<vmem_shared>> -> memref<128x64xf32, #tpu.memory_space<vmem_shared>>
      tpu.enqueue_dma source(%arg13 : memref<128x64xf32, #tpu.memory_space<vmem>>) target(%dma_start3A_169 : memref<128x64xf32, #tpu.memory_space<vmem_shared>>) target_semaphore(%run_scoped3A_165 : memref<!tpu.dma_semaphore, #tpu.memory_space<semaphore_mem>>)
      %dma_wait3A_170 = arith.constant 0 : i32
      %dma_wait3A_171 = tpu.memref_slice %arg14[%add3A_91, %dma_wait3A_170] : memref<10240x64xf32, #tpu.memory_space<vmem_shared>> -> memref<128x64xf32, #tpu.memory_space<vmem_shared>>
      %dma_wait3A_172 = arith.constant 0 : i32
      %dma_wait3A_173 = tpu.memref_slice %arg14[%add3A_91, %dma_wait3A_172] : memref<10240x64xf32, #tpu.memory_space<vmem_shared>> -> memref<128x64xf32, #tpu.memory_space<vmem_shared>>
      tpu.wait_dma2 semaphore(%run_scoped3A_165 : memref<!tpu.dma_semaphore, #tpu.memory_space<semaphore_mem>>) src(%arg13 : memref<128x64xf32, #tpu.memory_space<vmem>>) dst(%dma_wait3A_173 : memref<128x64xf32, #tpu.memory_space<vmem_shared>>)
      tpu.yield
    }) : () -> ()
    %mul3A_92 = arith.constant 640 : i32
    %mul3A_93 = arith.muli %arg1, %mul3A_92 : i32
    %add3A_94 = arith.constant 256 : i32
    %add3A_95 = arith.addi %mul3A_93, %add3A_94 : i32
    "tpu.region"() ({
      %run_scoped3A_165 = tpu.sem_alloc : memref<!tpu.dma_semaphore, #tpu.memory_space<semaphore_mem>>
      %dma_start3A_166 = arith.constant 0 : i32
      %dma_start3A_167 = tpu.memref_slice %arg14[%add3A_95, %dma_start3A_166] : memref<10240x64xf32, #tpu.memory_space<vmem_shared>> -> memref<128x64xf32, #tpu.memory_space<vmem_shared>>
      %dma_start3A_168 = arith.constant 0 : i32
      %dma_start3A_169 = tpu.memref_slice %arg14[%add3A_95, %dma_start3A_168] : memref<10240x64xf32, #tpu.memory_space<vmem_shared>> -> memref<128x64xf32, #tpu.memory_space<vmem_shared>>
      tpu.enqueue_dma source(%arg13 : memref<128x64xf32, #tpu.memory_space<vmem>>) target(%dma_start3A_169 : memref<128x64xf32, #tpu.memory_space<vmem_shared>>) target_semaphore(%run_scoped3A_165 : memref<!tpu.dma_semaphore, #tpu.memory_space<semaphore_mem>>)
      %dma_wait3A_170 = arith.constant 0 : i32
      %dma_wait3A_171 = tpu.memref_slice %arg14[%add3A_95, %dma_wait3A_170] : memref<10240x64xf32, #tpu.memory_space<vmem_shared>> -> memref<128x64xf32, #tpu.memory_space<vmem_shared>>
      %dma_wait3A_172 = arith.constant 0 : i32
      %dma_wait3A_173 = tpu.memref_slice %arg14[%add3A_95, %dma_wait3A_172] : memref<10240x64xf32, #tpu.memory_space<vmem_shared>> -> memref<128x64xf32, #tpu.memory_space<vmem_shared>>
      tpu.wait_dma2 semaphore(%run_scoped3A_165 : memref<!tpu.dma_semaphore, #tpu.memory_space<semaphore_mem>>) src(%arg13 : memref<128x64xf32, #tpu.memory_space<vmem>>) dst(%dma_wait3A_173 : memref<128x64xf32, #tpu.memory_space<vmem_shared>>)
      tpu.yield
    }) : () -> ()
    %mul3A_96 = arith.constant 640 : i32
    %mul3A_97 = arith.muli %arg1, %mul3A_96 : i32
    %add3A_98 = arith.constant 384 : i32
    %add3A_99 = arith.addi %mul3A_97, %add3A_98 : i32
    "tpu.region"() ({
      %run_scoped3A_165 = tpu.sem_alloc : memref<!tpu.dma_semaphore, #tpu.memory_space<semaphore_mem>>
      %dma_start3A_166 = arith.constant 0 : i32
      %dma_start3A_167 = tpu.memref_slice %arg14[%add3A_99, %dma_start3A_166] : memref<10240x64xf32, #tpu.memory_space<vmem_shared>> -> memref<128x64xf32, #tpu.memory_space<vmem_shared>>
      %dma_start3A_168 = arith.constant 0 : i32
      %dma_start3A_169 = tpu.memref_slice %arg14[%add3A_99, %dma_start3A_168] : memref<10240x64xf32, #tpu.memory_space<vmem_shared>> -> memref<128x64xf32, #tpu.memory_space<vmem_shared>>
      tpu.enqueue_dma source(%arg13 : memref<128x64xf32, #tpu.memory_space<vmem>>) target(%dma_start3A_169 : memref<128x64xf32, #tpu.memory_space<vmem_shared>>) target_semaphore(%run_scoped3A_165 : memref<!tpu.dma_semaphore, #tpu.memory_space<semaphore_mem>>)
      %dma_wait3A_170 = arith.constant 0 : i32
      %dma_wait3A_171 = tpu.memref_slice %arg14[%add3A_99, %dma_wait3A_170] : memref<10240x64xf32, #tpu.memory_space<vmem_shared>> -> memref<128x64xf32, #tpu.memory_space<vmem_shared>>
      %dma_wait3A_172 = arith.constant 0 : i32
      %dma_wait3A_173 = tpu.memref_slice %arg14[%add3A_99, %dma_wait3A_172] : memref<10240x64xf32, #tpu.memory_space<vmem_shared>> -> memref<128x64xf32, #tpu.memory_space<vmem_shared>>
      tpu.wait_dma2 semaphore(%run_scoped3A_165 : memref<!tpu.dma_semaphore, #tpu.memory_space<semaphore_mem>>) src(%arg13 : memref<128x64xf32, #tpu.memory_space<vmem>>) dst(%dma_wait3A_173 : memref<128x64xf32, #tpu.memory_space<vmem_shared>>)
      tpu.yield
    }) : () -> ()
    %mul3A_100 = arith.constant 640 : i32
    %mul3A_101 = arith.muli %arg1, %mul3A_100 : i32
    %add3A_102 = arith.constant 512 : i32
    %add3A_103 = arith.addi %mul3A_101, %add3A_102 : i32
    "tpu.region"() ({
      %run_scoped3A_165 = tpu.sem_alloc : memref<!tpu.dma_semaphore, #tpu.memory_space<semaphore_mem>>
      %dma_start3A_166 = arith.constant 0 : i32
      %dma_start3A_167 = tpu.memref_slice %arg14[%add3A_103, %dma_start3A_166] : memref<10240x64xf32, #tpu.memory_space<vmem_shared>> -> memref<128x64xf32, #tpu.memory_space<vmem_shared>>
      %dma_start3A_168 = arith.constant 0 : i32
      %dma_start3A_169 = tpu.memref_slice %arg14[%add3A_103, %dma_start3A_168] : memref<10240x64xf32, #tpu.memory_space<vmem_shared>> -> memref<128x64xf32, #tpu.memory_space<vmem_shared>>
      tpu.enqueue_dma source(%arg13 : memref<128x64xf32, #tpu.memory_space<vmem>>) target(%dma_start3A_169 : memref<128x64xf32, #tpu.memory_space<vmem_shared>>) target_semaphore(%run_scoped3A_165 : memref<!tpu.dma_semaphore, #tpu.memory_space<semaphore_mem>>)
      %dma_wait3A_170 = arith.constant 0 : i32
      %dma_wait3A_171 = tpu.memref_slice %arg14[%add3A_103, %dma_wait3A_170] : memref<10240x64xf32, #tpu.memory_space<vmem_shared>> -> memref<128x64xf32, #tpu.memory_space<vmem_shared>>
      %dma_wait3A_172 = arith.constant 0 : i32
      %dma_wait3A_173 = tpu.memref_slice %arg14[%add3A_103, %dma_wait3A_172] : memref<10240x64xf32, #tpu.memory_space<vmem_shared>> -> memref<128x64xf32, #tpu.memory_space<vmem_shared>>
      tpu.wait_dma2 semaphore(%run_scoped3A_165 : memref<!tpu.dma_semaphore, #tpu.memory_space<semaphore_mem>>) src(%arg13 : memref<128x64xf32, #tpu.memory_space<vmem>>) dst(%dma_wait3A_173 : memref<128x64xf32, #tpu.memory_space<vmem_shared>>)
      tpu.yield
    }) : () -> ()
    %barrier3A_104 = arith.constant 0 : index
    tpu.barrier barrier_id(%barrier3A_104)
    %dma_start3A_105 = arith.constant 0 : i32
    %dma_start3A_106 = arith.constant 0 : i32
    %dma_start3A_107 = tpu.memref_slice %arg7[%dma_start3A_105, %dma_start3A_106] : memref<80x125xi32, #tpu.memory_space<vmem>> -> memref<1x125xi32, #tpu.memory_space<vmem>>
    %dma_start3A_108 = tpu.memref_squeeze %dma_start3A_107 : memref<1x125xi32, #tpu.memory_space<vmem>> -> memref<125xi32, #tpu.memory_space<vmem>>
    %dma_start3A_109 = arith.constant 0 : i32
    %dma_start3A_110 = arith.constant 0 : i32
    %dma_start3A_111 = tpu.memref_slice %arg3[%dma_start3A_109, %dma_start3A_110] : memref<10240x64xf32, #tpu.memory_space<hbm>> -> memref<10240x64xf32, #tpu.memory_space<hbm>>
    tpu.enqueue_indirect_dma source(%dma_start3A_111 : memref<10240x64xf32, #tpu.memory_space<hbm>>) target(%arg9 : memref<125x64xf32, #tpu.memory_space<vmem>>) offsets(%dma_start3A_108 : memref<125xi32, #tpu.memory_space<vmem>>) semaphore(%arg15 : memref<!tpu.dma_semaphore, #tpu.memory_space<semaphore_mem>>)
    %dma_start3A_112 = arith.constant 1 : i32
    %dma_start3A_113 = arith.constant 0 : i32
    %dma_start3A_114 = tpu.memref_slice %arg7[%dma_start3A_112, %dma_start3A_113] : memref<80x125xi32, #tpu.memory_space<vmem>> -> memref<1x125xi32, #tpu.memory_space<vmem>>
    %dma_start3A_115 = tpu.memref_squeeze %dma_start3A_114 : memref<1x125xi32, #tpu.memory_space<vmem>> -> memref<125xi32, #tpu.memory_space<vmem>>
    %dma_start3A_116 = arith.constant 0 : i32
    %dma_start3A_117 = arith.constant 0 : i32
    %dma_start3A_118 = tpu.memref_slice %arg3[%dma_start3A_116, %dma_start3A_117] : memref<10240x64xf32, #tpu.memory_space<hbm>> -> memref<10240x64xf32, #tpu.memory_space<hbm>>
    tpu.enqueue_indirect_dma source(%dma_start3A_118 : memref<10240x64xf32, #tpu.memory_space<hbm>>) target(%arg10 : memref<125x64xf32, #tpu.memory_space<vmem>>) offsets(%dma_start3A_115 : memref<125xi32, #tpu.memory_space<vmem>>) semaphore(%arg16 : memref<!tpu.dma_semaphore, #tpu.memory_space<semaphore_mem>>)
    %dma_start3A_119 = arith.constant 2 : i32
    %dma_start3A_120 = arith.constant 0 : i32
    %dma_start3A_121 = tpu.memref_slice %arg7[%dma_start3A_119, %dma_start3A_120] : memref<80x125xi32, #tpu.memory_space<vmem>> -> memref<1x125xi32, #tpu.memory_space<vmem>>
    %dma_start3A_122 = tpu.memref_squeeze %dma_start3A_121 : memref<1x125xi32, #tpu.memory_space<vmem>> -> memref<125xi32, #tpu.memory_space<vmem>>
    %dma_start3A_123 = arith.constant 0 : i32
    %dma_start3A_124 = arith.constant 0 : i32
    %dma_start3A_125 = tpu.memref_slice %arg3[%dma_start3A_123, %dma_start3A_124] : memref<10240x64xf32, #tpu.memory_space<hbm>> -> memref<10240x64xf32, #tpu.memory_space<hbm>>
    tpu.enqueue_indirect_dma source(%dma_start3A_125 : memref<10240x64xf32, #tpu.memory_space<hbm>>) target(%arg11 : memref<125x64xf32, #tpu.memory_space<vmem>>) offsets(%dma_start3A_122 : memref<125xi32, #tpu.memory_space<vmem>>) semaphore(%arg17 : memref<!tpu.dma_semaphore, #tpu.memory_space<semaphore_mem>>)
    %scan3A_126 = arith.constant 0 : i32
    %scan3A_127 = arith.constant 0 : i32
    %scan3A_128 = arith.constant 20 : i32
    %scan3A_129 = arith.addi %scan3A_127, %scan3A_128 : i32
    %scan3A_130 = arith.constant 1 : i32
    scf.for %scan3A_165 = %scan3A_127 to %scan3A_129 step %scan3A_130  : i32 {
      %mul3A_166 = arith.constant 4 : i32
      %mul3A_167 = arith.muli %scan3A_165, %mul3A_166 : i32
      %add3A_168 = arith.constant 0 : i32
      %add3A_169 = arith.addi %mul3A_167, %add3A_168 : i32
      %dma_wait3A_170 = arith.constant 0 : i32
      %dma_wait3A_171 = tpu.memref_slice %arg7[%add3A_169, %dma_wait3A_170] : memref<80x125xi32, #tpu.memory_space<vmem>> -> memref<1x125xi32, #tpu.memory_space<vmem>>
      %dma_wait3A_172 = tpu.memref_squeeze %dma_wait3A_171 : memref<1x125xi32, #tpu.memory_space<vmem>> -> memref<125xi32, #tpu.memory_space<vmem>>
      %dma_wait3A_173 = arith.constant 0 : i32
      %dma_wait3A_174 = arith.constant 0 : i32
      %dma_wait3A_175 = tpu.memref_slice %arg3[%dma_wait3A_173, %dma_wait3A_174] : memref<10240x64xf32, #tpu.memory_space<hbm>> -> memref<10240x64xf32, #tpu.memory_space<hbm>>
      tpu.wait_indirect_dma semaphore(%arg15 : memref<!tpu.dma_semaphore, #tpu.memory_space<semaphore_mem>>) src(%dma_wait3A_175 : memref<10240x64xf32, #tpu.memory_space<hbm>>) dst(%arg9 : memref<125x64xf32, #tpu.memory_space<vmem>>)
      %dma_start3A_176 = arith.constant 0 : i32
      %dma_start3A_177 = tpu.memref_slice %arg8[%add3A_169, %dma_start3A_176] : memref<80x125xi32, #tpu.memory_space<vmem>> -> memref<1x125xi32, #tpu.memory_space<vmem>>
      %dma_start3A_178 = tpu.memref_squeeze %dma_start3A_177 : memref<1x125xi32, #tpu.memory_space<vmem>> -> memref<125xi32, #tpu.memory_space<vmem>>
      %dma_start3A_179 = arith.constant 0 : i32
      %dma_start3A_180 = arith.constant 0 : i32
      %dma_start3A_181 = tpu.memref_slice %arg14[%dma_start3A_179, %dma_start3A_180] : memref<10240x64xf32, #tpu.memory_space<vmem_shared>> -> memref<10240x64xf32, #tpu.memory_space<vmem_shared>>
      tpu.enqueue_indirect_dma source(%arg9 : memref<125x64xf32, #tpu.memory_space<vmem>>) target(%dma_start3A_181 : memref<10240x64xf32, #tpu.memory_space<vmem_shared>>) offsets(%dma_start3A_178 : memref<125xi32, #tpu.memory_space<vmem>>) semaphore(%arg19 : memref<!tpu.dma_semaphore, #tpu.memory_space<semaphore_mem>>) {add = true}
      %ge3A = arith.constant 1 : i32
      %ge3A_182 = arith.cmpi sge, %add3A_169, %ge3A : i32
      %convert_element_type3A = arith.extui %ge3A_182 : i1 to i32
      %cond3A = arith.constant 0 : i32
      %cond3A_183 = arith.cmpi ne, %convert_element_type3A, %cond3A : i32
      scf.if %cond3A_183 {
        %sub3A_283 = arith.constant 1 : i32
        %sub3A_284 = arith.subi %add3A_169, %sub3A_283 : i32
        %dma_wait3A_285 = arith.constant 0 : i32
        %dma_wait3A_286 = tpu.memref_slice %arg8[%sub3A_284, %dma_wait3A_285] : memref<80x125xi32, #tpu.memory_space<vmem>> -> memref<1x125xi32, #tpu.memory_space<vmem>>
        %dma_wait3A_287 = tpu.memref_squeeze %dma_wait3A_286 : memref<1x125xi32, #tpu.memory_space<vmem>> -> memref<125xi32, #tpu.memory_space<vmem>>
        %dma_wait3A_288 = arith.constant 0 : i32
        %dma_wait3A_289 = arith.constant 0 : i32
        %dma_wait3A_290 = tpu.memref_slice %arg14[%dma_wait3A_288, %dma_wait3A_289] : memref<10240x64xf32, #tpu.memory_space<vmem_shared>> -> memref<10240x64xf32, #tpu.memory_space<vmem_shared>>
        tpu.wait_indirect_dma semaphore(%arg22 : memref<!tpu.dma_semaphore, #tpu.memory_space<semaphore_mem>>) src(%arg12 : memref<125x64xf32, #tpu.memory_space<vmem>>) dst(%dma_wait3A_290 : memref<10240x64xf32, #tpu.memory_space<vmem_shared>>)
      } else {
      }
      %add3A_184 = arith.constant 3 : i32
      %add3A_185 = arith.addi %add3A_169, %add3A_184 : i32
      %dma_start3A_186 = arith.constant 0 : i32
      %dma_start3A_187 = tpu.memref_slice %arg7[%add3A_185, %dma_start3A_186] : memref<80x125xi32, #tpu.memory_space<vmem>> -> memref<1x125xi32, #tpu.memory_space<vmem>>
      %dma_start3A_188 = tpu.memref_squeeze %dma_start3A_187 : memref<1x125xi32, #tpu.memory_space<vmem>> -> memref<125xi32, #tpu.memory_space<vmem>>
      %dma_start3A_189 = arith.constant 0 : i32
      %dma_start3A_190 = arith.constant 0 : i32
      %dma_start3A_191 = tpu.memref_slice %arg3[%dma_start3A_189, %dma_start3A_190] : memref<10240x64xf32, #tpu.memory_space<hbm>> -> memref<10240x64xf32, #tpu.memory_space<hbm>>
      tpu.enqueue_indirect_dma source(%dma_start3A_191 : memref<10240x64xf32, #tpu.memory_space<hbm>>) target(%arg12 : memref<125x64xf32, #tpu.memory_space<vmem>>) offsets(%dma_start3A_188 : memref<125xi32, #tpu.memory_space<vmem>>) semaphore(%arg18 : memref<!tpu.dma_semaphore, #tpu.memory_space<semaphore_mem>>)
      %mul3A_192 = arith.constant 4 : i32
      %mul3A_193 = arith.muli %scan3A_165, %mul3A_192 : i32
      %add3A_194 = arith.constant 1 : i32
      %add3A_195 = arith.addi %mul3A_193, %add3A_194 : i32
      %dma_wait3A_196 = arith.constant 0 : i32
      %dma_wait3A_197 = tpu.memref_slice %arg7[%add3A_195, %dma_wait3A_196] : memref<80x125xi32, #tpu.memory_space<vmem>> -> memref<1x125xi32, #tpu.memory_space<vmem>>
      %dma_wait3A_198 = tpu.memref_squeeze %dma_wait3A_197 : memref<1x125xi32, #tpu.memory_space<vmem>> -> memref<125xi32, #tpu.memory_space<vmem>>
      %dma_wait3A_199 = arith.constant 0 : i32
      %dma_wait3A_200 = arith.constant 0 : i32
      %dma_wait3A_201 = tpu.memref_slice %arg3[%dma_wait3A_199, %dma_wait3A_200] : memref<10240x64xf32, #tpu.memory_space<hbm>> -> memref<10240x64xf32, #tpu.memory_space<hbm>>
      tpu.wait_indirect_dma semaphore(%arg16 : memref<!tpu.dma_semaphore, #tpu.memory_space<semaphore_mem>>) src(%dma_wait3A_201 : memref<10240x64xf32, #tpu.memory_space<hbm>>) dst(%arg10 : memref<125x64xf32, #tpu.memory_space<vmem>>)
      %dma_start3A_202 = arith.constant 0 : i32
      %dma_start3A_203 = tpu.memref_slice %arg8[%add3A_195, %dma_start3A_202] : memref<80x125xi32, #tpu.memory_space<vmem>> -> memref<1x125xi32, #tpu.memory_space<vmem>>
      %dma_start3A_204 = tpu.memref_squeeze %dma_start3A_203 : memref<1x125xi32, #tpu.memory_space<vmem>> -> memref<125xi32, #tpu.memory_space<vmem>>
      %dma_start3A_205 = arith.constant 0 : i32
      %dma_start3A_206 = arith.constant 0 : i32
      %dma_start3A_207 = tpu.memref_slice %arg14[%dma_start3A_205, %dma_start3A_206] : memref<10240x64xf32, #tpu.memory_space<vmem_shared>> -> memref<10240x64xf32, #tpu.memory_space<vmem_shared>>
      tpu.enqueue_indirect_dma source(%arg10 : memref<125x64xf32, #tpu.memory_space<vmem>>) target(%dma_start3A_207 : memref<10240x64xf32, #tpu.memory_space<vmem_shared>>) offsets(%dma_start3A_204 : memref<125xi32, #tpu.memory_space<vmem>>) semaphore(%arg20 : memref<!tpu.dma_semaphore, #tpu.memory_space<semaphore_mem>>) {add = true}
      %sub3A = arith.constant 1 : i32
      %sub3A_208 = arith.subi %add3A_195, %sub3A : i32
      %dma_wait3A_209 = arith.constant 0 : i32
      %dma_wait3A_210 = tpu.memref_slice %arg8[%sub3A_208, %dma_wait3A_209] : memref<80x125xi32, #tpu.memory_space<vmem>> -> memref<1x125xi32, #tpu.memory_space<vmem>>
      %dma_wait3A_211 = tpu.memref_squeeze %dma_wait3A_210 : memref<1x125xi32, #tpu.memory_space<vmem>> -> memref<125xi32, #tpu.memory_space<vmem>>
      %dma_wait3A_212 = arith.constant 0 : i32
      %dma_wait3A_213 = arith.constant 0 : i32
      %dma_wait3A_214 = tpu.memref_slice %arg14[%dma_wait3A_212, %dma_wait3A_213] : memref<10240x64xf32, #tpu.memory_space<vmem_shared>> -> memref<10240x64xf32, #tpu.memory_space<vmem_shared>>
      tpu.wait_indirect_dma semaphore(%arg19 : memref<!tpu.dma_semaphore, #tpu.memory_space<semaphore_mem>>) src(%arg9 : memref<125x64xf32, #tpu.memory_space<vmem>>) dst(%dma_wait3A_214 : memref<10240x64xf32, #tpu.memory_space<vmem_shared>>)
      %add3A_215 = arith.constant 3 : i32
      %add3A_216 = arith.addi %add3A_195, %add3A_215 : i32
      %lt3A = arith.constant 80 : i32
      %lt3A_217 = arith.cmpi slt, %add3A_216, %lt3A : i32
      %convert_element_type3A_218 = arith.extui %lt3A_217 : i1 to i32
      %cond3A_219 = arith.constant 0 : i32
      %cond3A_220 = arith.cmpi ne, %convert_element_type3A_218, %cond3A_219 : i32
      scf.if %cond3A_220 {
        %add3A_283 = arith.constant 3 : i32
        %add3A_284 = arith.addi %add3A_195, %add3A_283 : i32
        %dma_start3A_285 = arith.constant 0 : i32
        %dma_start3A_286 = tpu.memref_slice %arg7[%add3A_284, %dma_start3A_285] : memref<80x125xi32, #tpu.memory_space<vmem>> -> memref<1x125xi32, #tpu.memory_space<vmem>>
        %dma_start3A_287 = tpu.memref_squeeze %dma_start3A_286 : memref<1x125xi32, #tpu.memory_space<vmem>> -> memref<125xi32, #tpu.memory_space<vmem>>
        %dma_start3A_288 = arith.constant 0 : i32
        %dma_start3A_289 = arith.constant 0 : i32
        %dma_start3A_290 = tpu.memref_slice %arg3[%dma_start3A_288, %dma_start3A_289] : memref<10240x64xf32, #tpu.memory_space<hbm>> -> memref<10240x64xf32, #tpu.memory_space<hbm>>
        tpu.enqueue_indirect_dma source(%dma_start3A_290 : memref<10240x64xf32, #tpu.memory_space<hbm>>) target(%arg9 : memref<125x64xf32, #tpu.memory_space<vmem>>) offsets(%dma_start3A_287 : memref<125xi32, #tpu.memory_space<vmem>>) semaphore(%arg15 : memref<!tpu.dma_semaphore, #tpu.memory_space<semaphore_mem>>)
      } else {
      }
      %mul3A_221 = arith.constant 4 : i32
      %mul3A_222 = arith.muli %scan3A_165, %mul3A_221 : i32
      %add3A_223 = arith.constant 2 : i32
      %add3A_224 = arith.addi %mul3A_222, %add3A_223 : i32
      %dma_wait3A_225 = arith.constant 0 : i32
      %dma_wait3A_226 = tpu.memref_slice %arg7[%add3A_224, %dma_wait3A_225] : memref<80x125xi32, #tpu.memory_space<vmem>> -> memref<1x125xi32, #tpu.memory_space<vmem>>
      %dma_wait3A_227 = tpu.memref_squeeze %dma_wait3A_226 : memref<1x125xi32, #tpu.memory_space<vmem>> -> memref<125xi32, #tpu.memory_space<vmem>>
      %dma_wait3A_228 = arith.constant 0 : i32
      %dma_wait3A_229 = arith.constant 0 : i32
      %dma_wait3A_230 = tpu.memref_slice %arg3[%dma_wait3A_228, %dma_wait3A_229] : memref<10240x64xf32, #tpu.memory_space<hbm>> -> memref<10240x64xf32, #tpu.memory_space<hbm>>
      tpu.wait_indirect_dma semaphore(%arg17 : memref<!tpu.dma_semaphore, #tpu.memory_space<semaphore_mem>>) src(%dma_wait3A_230 : memref<10240x64xf32, #tpu.memory_space<hbm>>) dst(%arg11 : memref<125x64xf32, #tpu.memory_space<vmem>>)
      %dma_start3A_231 = arith.constant 0 : i32
      %dma_start3A_232 = tpu.memref_slice %arg8[%add3A_224, %dma_start3A_231] : memref<80x125xi32, #tpu.memory_space<vmem>> -> memref<1x125xi32, #tpu.memory_space<vmem>>
      %dma_start3A_233 = tpu.memref_squeeze %dma_start3A_232 : memref<1x125xi32, #tpu.memory_space<vmem>> -> memref<125xi32, #tpu.memory_space<vmem>>
      %dma_start3A_234 = arith.constant 0 : i32
      %dma_start3A_235 = arith.constant 0 : i32
      %dma_start3A_236 = tpu.memref_slice %arg14[%dma_start3A_234, %dma_start3A_235] : memref<10240x64xf32, #tpu.memory_space<vmem_shared>> -> memref<10240x64xf32, #tpu.memory_space<vmem_shared>>
      tpu.enqueue_indirect_dma source(%arg11 : memref<125x64xf32, #tpu.memory_space<vmem>>) target(%dma_start3A_236 : memref<10240x64xf32, #tpu.memory_space<vmem_shared>>) offsets(%dma_start3A_233 : memref<125xi32, #tpu.memory_space<vmem>>) semaphore(%arg21 : memref<!tpu.dma_semaphore, #tpu.memory_space<semaphore_mem>>) {add = true}
      %sub3A_237 = arith.constant 1 : i32
      %sub3A_238 = arith.subi %add3A_224, %sub3A_237 : i32
      %dma_wait3A_239 = arith.constant 0 : i32
      %dma_wait3A_240 = tpu.memref_slice %arg8[%sub3A_238, %dma_wait3A_239] : memref<80x125xi32, #tpu.memory_space<vmem>> -> memref<1x125xi32, #tpu.memory_space<vmem>>
      %dma_wait3A_241 = tpu.memref_squeeze %dma_wait3A_240 : memref<1x125xi32, #tpu.memory_space<vmem>> -> memref<125xi32, #tpu.memory_space<vmem>>
      %dma_wait3A_242 = arith.constant 0 : i32
      %dma_wait3A_243 = arith.constant 0 : i32
      %dma_wait3A_244 = tpu.memref_slice %arg14[%dma_wait3A_242, %dma_wait3A_243] : memref<10240x64xf32, #tpu.memory_space<vmem_shared>> -> memref<10240x64xf32, #tpu.memory_space<vmem_shared>>
      tpu.wait_indirect_dma semaphore(%arg20 : memref<!tpu.dma_semaphore, #tpu.memory_space<semaphore_mem>>) src(%arg10 : memref<125x64xf32, #tpu.memory_space<vmem>>) dst(%dma_wait3A_244 : memref<10240x64xf32, #tpu.memory_space<vmem_shared>>)
      %add3A_245 = arith.constant 3 : i32
      %add3A_246 = arith.addi %add3A_224, %add3A_245 : i32
      %lt3A_247 = arith.constant 80 : i32
      %lt3A_248 = arith.cmpi slt, %add3A_246, %lt3A_247 : i32
      %convert_element_type3A_249 = arith.extui %lt3A_248 : i1 to i32
      %cond3A_250 = arith.constant 0 : i32
      %cond3A_251 = arith.cmpi ne, %convert_element_type3A_249, %cond3A_250 : i32
      scf.if %cond3A_251 {
        %add3A_283 = arith.constant 3 : i32
        %add3A_284 = arith.addi %add3A_224, %add3A_283 : i32
        %dma_start3A_285 = arith.constant 0 : i32
        %dma_start3A_286 = tpu.memref_slice %arg7[%add3A_284, %dma_start3A_285] : memref<80x125xi32, #tpu.memory_space<vmem>> -> memref<1x125xi32, #tpu.memory_space<vmem>>
        %dma_start3A_287 = tpu.memref_squeeze %dma_start3A_286 : memref<1x125xi32, #tpu.memory_space<vmem>> -> memref<125xi32, #tpu.memory_space<vmem>>
        %dma_start3A_288 = arith.constant 0 : i32
        %dma_start3A_289 = arith.constant 0 : i32
        %dma_start3A_290 = tpu.memref_slice %arg3[%dma_start3A_288, %dma_start3A_289] : memref<10240x64xf32, #tpu.memory_space<hbm>> -> memref<10240x64xf32, #tpu.memory_space<hbm>>
        tpu.enqueue_indirect_dma source(%dma_start3A_290 : memref<10240x64xf32, #tpu.memory_space<hbm>>) target(%arg10 : memref<125x64xf32, #tpu.memory_space<vmem>>) offsets(%dma_start3A_287 : memref<125xi32, #tpu.memory_space<vmem>>) semaphore(%arg16 : memref<!tpu.dma_semaphore, #tpu.memory_space<semaphore_mem>>)
      } else {
      }
      %mul3A_252 = arith.constant 4 : i32
      %mul3A_253 = arith.muli %scan3A_165, %mul3A_252 : i32
      %add3A_254 = arith.constant 3 : i32
      %add3A_255 = arith.addi %mul3A_253, %add3A_254 : i32
      %dma_wait3A_256 = arith.constant 0 : i32
      %dma_wait3A_257 = tpu.memref_slice %arg7[%add3A_255, %dma_wait3A_256] : memref<80x125xi32, #tpu.memory_space<vmem>> -> memref<1x125xi32, #tpu.memory_space<vmem>>
      %dma_wait3A_258 = tpu.memref_squeeze %dma_wait3A_257 : memref<1x125xi32, #tpu.memory_space<vmem>> -> memref<125xi32, #tpu.memory_space<vmem>>
      %dma_wait3A_259 = arith.constant 0 : i32
      %dma_wait3A_260 = arith.constant 0 : i32
      %dma_wait3A_261 = tpu.memref_slice %arg3[%dma_wait3A_259, %dma_wait3A_260] : memref<10240x64xf32, #tpu.memory_space<hbm>> -> memref<10240x64xf32, #tpu.memory_space<hbm>>
      tpu.wait_indirect_dma semaphore(%arg18 : memref<!tpu.dma_semaphore, #tpu.memory_space<semaphore_mem>>) src(%dma_wait3A_261 : memref<10240x64xf32, #tpu.memory_space<hbm>>) dst(%arg12 : memref<125x64xf32, #tpu.memory_space<vmem>>)
      %dma_start3A_262 = arith.constant 0 : i32
      %dma_start3A_263 = tpu.memref_slice %arg8[%add3A_255, %dma_start3A_262] : memref<80x125xi32, #tpu.memory_space<vmem>> -> memref<1x125xi32, #tpu.memory_space<vmem>>
      %dma_start3A_264 = tpu.memref_squeeze %dma_start3A_263 : memref<1x125xi32, #tpu.memory_space<vmem>> -> memref<125xi32, #tpu.memory_space<vmem>>
      %dma_start3A_265 = arith.constant 0 : i32
      %dma_start3A_266 = arith.constant 0 : i32
      %dma_start3A_267 = tpu.memref_slice %arg14[%dma_start3A_265, %dma_start3A_266] : memref<10240x64xf32, #tpu.memory_space<vmem_shared>> -> memref<10240x64xf32, #tpu.memory_space<vmem_shared>>
      tpu.enqueue_indirect_dma source(%arg12 : memref<125x64xf32, #tpu.memory_space<vmem>>) target(%dma_start3A_267 : memref<10240x64xf32, #tpu.memory_space<vmem_shared>>) offsets(%dma_start3A_264 : memref<125xi32, #tpu.memory_space<vmem>>) semaphore(%arg22 : memref<!tpu.dma_semaphore, #tpu.memory_space<semaphore_mem>>) {add = true}
      %sub3A_268 = arith.constant 1 : i32
      %sub3A_269 = arith.subi %add3A_255, %sub3A_268 : i32
      %dma_wait3A_270 = arith.constant 0 : i32
      %dma_wait3A_271 = tpu.memref_slice %arg8[%sub3A_269, %dma_wait3A_270] : memref<80x125xi32, #tpu.memory_space<vmem>> -> memref<1x125xi32, #tpu.memory_space<vmem>>
      %dma_wait3A_272 = tpu.memref_squeeze %dma_wait3A_271 : memref<1x125xi32, #tpu.memory_space<vmem>> -> memref<125xi32, #tpu.memory_space<vmem>>
      %dma_wait3A_273 = arith.constant 0 : i32
      %dma_wait3A_274 = arith.constant 0 : i32
      %dma_wait3A_275 = tpu.memref_slice %arg14[%dma_wait3A_273, %dma_wait3A_274] : memref<10240x64xf32, #tpu.memory_space<vmem_shared>> -> memref<10240x64xf32, #tpu.memory_space<vmem_shared>>
      tpu.wait_indirect_dma semaphore(%arg21 : memref<!tpu.dma_semaphore, #tpu.memory_space<semaphore_mem>>) src(%arg11 : memref<125x64xf32, #tpu.memory_space<vmem>>) dst(%dma_wait3A_275 : memref<10240x64xf32, #tpu.memory_space<vmem_shared>>)
      %add3A_276 = arith.constant 3 : i32
      %add3A_277 = arith.addi %add3A_255, %add3A_276 : i32
      %lt3A_278 = arith.constant 80 : i32
      %lt3A_279 = arith.cmpi slt, %add3A_277, %lt3A_278 : i32
      %convert_element_type3A_280 = arith.extui %lt3A_279 : i1 to i32
      %cond3A_281 = arith.constant 0 : i32
      %cond3A_282 = arith.cmpi ne, %convert_element_type3A_280, %cond3A_281 : i32
      scf.if %cond3A_282 {
        %add3A_283 = arith.constant 3 : i32
        %add3A_284 = arith.addi %add3A_255, %add3A_283 : i32
        %dma_start3A_285 = arith.constant 0 : i32
        %dma_start3A_286 = tpu.memref_slice %arg7[%add3A_284, %dma_start3A_285] : memref<80x125xi32, #tpu.memory_space<vmem>> -> memref<1x125xi32, #tpu.memory_space<vmem>>
        %dma_start3A_287 = tpu.memref_squeeze %dma_start3A_286 : memref<1x125xi32, #tpu.memory_space<vmem>> -> memref<125xi32, #tpu.memory_space<vmem>>
        %dma_start3A_288 = arith.constant 0 : i32
        %dma_start3A_289 = arith.constant 0 : i32
        %dma_start3A_290 = tpu.memref_slice %arg3[%dma_start3A_288, %dma_start3A_289] : memref<10240x64xf32, #tpu.memory_space<hbm>> -> memref<10240x64xf32, #tpu.memory_space<hbm>>
        tpu.enqueue_indirect_dma source(%dma_start3A_290 : memref<10240x64xf32, #tpu.memory_space<hbm>>) target(%arg11 : memref<125x64xf32, #tpu.memory_space<vmem>>) offsets(%dma_start3A_287 : memref<125xi32, #tpu.memory_space<vmem>>) semaphore(%arg17 : memref<!tpu.dma_semaphore, #tpu.memory_space<semaphore_mem>>)
      } else {
      }
    }
    %scan3A_131 = arith.constant 20 : i32
    %dma_wait3A_132 = arith.constant 79 : i32
    %dma_wait3A_133 = arith.constant 0 : i32
    %dma_wait3A_134 = tpu.memref_slice %arg8[%dma_wait3A_132, %dma_wait3A_133] : memref<80x125xi32, #tpu.memory_space<vmem>> -> memref<1x125xi32, #tpu.memory_space<vmem>>
    %dma_wait3A_135 = tpu.memref_squeeze %dma_wait3A_134 : memref<1x125xi32, #tpu.memory_space<vmem>> -> memref<125xi32, #tpu.memory_space<vmem>>
    %dma_wait3A_136 = arith.constant 0 : i32
    %dma_wait3A_137 = arith.constant 0 : i32
    %dma_wait3A_138 = tpu.memref_slice %arg14[%dma_wait3A_136, %dma_wait3A_137] : memref<10240x64xf32, #tpu.memory_space<vmem_shared>> -> memref<10240x64xf32, #tpu.memory_space<vmem_shared>>
    tpu.wait_indirect_dma semaphore(%arg22 : memref<!tpu.dma_semaphore, #tpu.memory_space<semaphore_mem>>) src(%arg12 : memref<125x64xf32, #tpu.memory_space<vmem>>) dst(%dma_wait3A_138 : memref<10240x64xf32, #tpu.memory_space<vmem_shared>>)
    %barrier3A_139 = arith.constant 0 : index
    tpu.barrier barrier_id(%barrier3A_139)
    %mul3A_140 = arith.constant 640 : i32
    %mul3A_141 = arith.muli %arg1, %mul3A_140 : i32
    %add3A_142 = arith.constant 0 : i32
    %add3A_143 = arith.addi %mul3A_141, %add3A_142 : i32
    %run_scoped3A_144 = arith.constant 1 : i32
    "tpu.region"() ({
      %run_scoped3A_165 = tpu.sem_alloc : memref<!tpu.dma_semaphore, #tpu.memory_space<semaphore_mem>>
      %dma_start3A_166 = arith.constant 0 : i32
      %dma_start3A_167 = tpu.memref_slice %arg6[%run_scoped3A_144, %arg0, %add3A_143, %dma_start3A_166] : memref<2x2x10240x64xf32, #tpu.memory_space<hbm>> -> memref<1x1x128x64xf32, #tpu.memory_space<hbm>>
      %dma_start3A_168 = tpu.memref_squeeze %dma_start3A_167 : memref<1x1x128x64xf32, #tpu.memory_space<hbm>> -> memref<128x64xf32, #tpu.memory_space<hbm>>
      %dma_start3A_169 = arith.constant 0 : i32
      %dma_start3A_170 = tpu.memref_slice %arg14[%add3A_143, %dma_start3A_169] : memref<10240x64xf32, #tpu.memory_space<vmem_shared>> -> memref<128x64xf32, #tpu.memory_space<vmem_shared>>
      tpu.enqueue_dma source(%dma_start3A_170 : memref<128x64xf32, #tpu.memory_space<vmem_shared>>) target(%dma_start3A_168 : memref<128x64xf32, #tpu.memory_space<hbm>>) target_semaphore(%run_scoped3A_165 : memref<!tpu.dma_semaphore, #tpu.memory_space<semaphore_mem>>)
      %dma_wait3A_171 = arith.constant 0 : i32
      %dma_wait3A_172 = tpu.memref_slice %arg6[%run_scoped3A_144, %arg0, %add3A_143, %dma_wait3A_171] : memref<2x2x10240x64xf32, #tpu.memory_space<hbm>> -> memref<1x1x128x64xf32, #tpu.memory_space<hbm>>
      %dma_wait3A_173 = tpu.memref_squeeze %dma_wait3A_172 : memref<1x1x128x64xf32, #tpu.memory_space<hbm>> -> memref<128x64xf32, #tpu.memory_space<hbm>>
      %dma_wait3A_174 = arith.constant 0 : i32
      %dma_wait3A_175 = tpu.memref_slice %arg14[%add3A_143, %dma_wait3A_174] : memref<10240x64xf32, #tpu.memory_space<vmem_shared>> -> memref<128x64xf32, #tpu.memory_space<vmem_shared>>
      tpu.wait_dma2 semaphore(%run_scoped3A_165 : memref<!tpu.dma_semaphore, #tpu.memory_space<semaphore_mem>>) src(%dma_wait3A_175 : memref<128x64xf32, #tpu.memory_space<vmem_shared>>) dst(%dma_wait3A_173 : memref<128x64xf32, #tpu.memory_space<hbm>>)
      tpu.yield
    }) : () -> ()
    %mul3A_145 = arith.constant 640 : i32
    %mul3A_146 = arith.muli %arg1, %mul3A_145 : i32
    %add3A_147 = arith.constant 128 : i32
    %add3A_148 = arith.addi %mul3A_146, %add3A_147 : i32
    %run_scoped3A_149 = arith.constant 1 : i32
    "tpu.region"() ({
      %run_scoped3A_165 = tpu.sem_alloc : memref<!tpu.dma_semaphore, #tpu.memory_space<semaphore_mem>>
      %dma_start3A_166 = arith.constant 0 : i32
      %dma_start3A_167 = tpu.memref_slice %arg6[%run_scoped3A_149, %arg0, %add3A_148, %dma_start3A_166] : memref<2x2x10240x64xf32, #tpu.memory_space<hbm>> -> memref<1x1x128x64xf32, #tpu.memory_space<hbm>>
      %dma_start3A_168 = tpu.memref_squeeze %dma_start3A_167 : memref<1x1x128x64xf32, #tpu.memory_space<hbm>> -> memref<128x64xf32, #tpu.memory_space<hbm>>
      %dma_start3A_169 = arith.constant 0 : i32
      %dma_start3A_170 = tpu.memref_slice %arg14[%add3A_148, %dma_start3A_169] : memref<10240x64xf32, #tpu.memory_space<vmem_shared>> -> memref<128x64xf32, #tpu.memory_space<vmem_shared>>
      tpu.enqueue_dma source(%dma_start3A_170 : memref<128x64xf32, #tpu.memory_space<vmem_shared>>) target(%dma_start3A_168 : memref<128x64xf32, #tpu.memory_space<hbm>>) target_semaphore(%run_scoped3A_165 : memref<!tpu.dma_semaphore, #tpu.memory_space<semaphore_mem>>)
      %dma_wait3A_171 = arith.constant 0 : i32
      %dma_wait3A_172 = tpu.memref_slice %arg6[%run_scoped3A_149, %arg0, %add3A_148, %dma_wait3A_171] : memref<2x2x10240x64xf32, #tpu.memory_space<hbm>> -> memref<1x1x128x64xf32, #tpu.memory_space<hbm>>
      %dma_wait3A_173 = tpu.memref_squeeze %dma_wait3A_172 : memref<1x1x128x64xf32, #tpu.memory_space<hbm>> -> memref<128x64xf32, #tpu.memory_space<hbm>>
      %dma_wait3A_174 = arith.constant 0 : i32
      %dma_wait3A_175 = tpu.memref_slice %arg14[%add3A_148, %dma_wait3A_174] : memref<10240x64xf32, #tpu.memory_space<vmem_shared>> -> memref<128x64xf32, #tpu.memory_space<vmem_shared>>
      tpu.wait_dma2 semaphore(%run_scoped3A_165 : memref<!tpu.dma_semaphore, #tpu.memory_space<semaphore_mem>>) src(%dma_wait3A_175 : memref<128x64xf32, #tpu.memory_space<vmem_shared>>) dst(%dma_wait3A_173 : memref<128x64xf32, #tpu.memory_space<hbm>>)
      tpu.yield
    }) : () -> ()
    %mul3A_150 = arith.constant 640 : i32
    %mul3A_151 = arith.muli %arg1, %mul3A_150 : i32
    %add3A_152 = arith.constant 256 : i32
    %add3A_153 = arith.addi %mul3A_151, %add3A_152 : i32
    %run_scoped3A_154 = arith.constant 1 : i32
    "tpu.region"() ({
      %run_scoped3A_165 = tpu.sem_alloc : memref<!tpu.dma_semaphore, #tpu.memory_space<semaphore_mem>>
      %dma_start3A_166 = arith.constant 0 : i32
      %dma_start3A_167 = tpu.memref_slice %arg6[%run_scoped3A_154, %arg0, %add3A_153, %dma_start3A_166] : memref<2x2x10240x64xf32, #tpu.memory_space<hbm>> -> memref<1x1x128x64xf32, #tpu.memory_space<hbm>>
      %dma_start3A_168 = tpu.memref_squeeze %dma_start3A_167 : memref<1x1x128x64xf32, #tpu.memory_space<hbm>> -> memref<128x64xf32, #tpu.memory_space<hbm>>
      %dma_start3A_169 = arith.constant 0 : i32
      %dma_start3A_170 = tpu.memref_slice %arg14[%add3A_153, %dma_start3A_169] : memref<10240x64xf32, #tpu.memory_space<vmem_shared>> -> memref<128x64xf32, #tpu.memory_space<vmem_shared>>
      tpu.enqueue_dma source(%dma_start3A_170 : memref<128x64xf32, #tpu.memory_space<vmem_shared>>) target(%dma_start3A_168 : memref<128x64xf32, #tpu.memory_space<hbm>>) target_semaphore(%run_scoped3A_165 : memref<!tpu.dma_semaphore, #tpu.memory_space<semaphore_mem>>)
      %dma_wait3A_171 = arith.constant 0 : i32
      %dma_wait3A_172 = tpu.memref_slice %arg6[%run_scoped3A_154, %arg0, %add3A_153, %dma_wait3A_171] : memref<2x2x10240x64xf32, #tpu.memory_space<hbm>> -> memref<1x1x128x64xf32, #tpu.memory_space<hbm>>
      %dma_wait3A_173 = tpu.memref_squeeze %dma_wait3A_172 : memref<1x1x128x64xf32, #tpu.memory_space<hbm>> -> memref<128x64xf32, #tpu.memory_space<hbm>>
      %dma_wait3A_174 = arith.constant 0 : i32
      %dma_wait3A_175 = tpu.memref_slice %arg14[%add3A_153, %dma_wait3A_174] : memref<10240x64xf32, #tpu.memory_space<vmem_shared>> -> memref<128x64xf32, #tpu.memory_space<vmem_shared>>
      tpu.wait_dma2 semaphore(%run_scoped3A_165 : memref<!tpu.dma_semaphore, #tpu.memory_space<semaphore_mem>>) src(%dma_wait3A_175 : memref<128x64xf32, #tpu.memory_space<vmem_shared>>) dst(%dma_wait3A_173 : memref<128x64xf32, #tpu.memory_space<hbm>>)
      tpu.yield
    }) : () -> ()
    %mul3A_155 = arith.constant 640 : i32
    %mul3A_156 = arith.muli %arg1, %mul3A_155 : i32
    %add3A_157 = arith.constant 384 : i32
    %add3A_158 = arith.addi %mul3A_156, %add3A_157 : i32
    %run_scoped3A_159 = arith.constant 1 : i32
    "tpu.region"() ({
      %run_scoped3A_165 = tpu.sem_alloc : memref<!tpu.dma_semaphore, #tpu.memory_space<semaphore_mem>>
      %dma_start3A_166 = arith.constant 0 : i32
      %dma_start3A_167 = tpu.memref_slice %arg6[%run_scoped3A_159, %arg0, %add3A_158, %dma_start3A_166] : memref<2x2x10240x64xf32, #tpu.memory_space<hbm>> -> memref<1x1x128x64xf32, #tpu.memory_space<hbm>>
      %dma_start3A_168 = tpu.memref_squeeze %dma_start3A_167 : memref<1x1x128x64xf32, #tpu.memory_space<hbm>> -> memref<128x64xf32, #tpu.memory_space<hbm>>
      %dma_start3A_169 = arith.constant 0 : i32
      %dma_start3A_170 = tpu.memref_slice %arg14[%add3A_158, %dma_start3A_169] : memref<10240x64xf32, #tpu.memory_space<vmem_shared>> -> memref<128x64xf32, #tpu.memory_space<vmem_shared>>
      tpu.enqueue_dma source(%dma_start3A_170 : memref<128x64xf32, #tpu.memory_space<vmem_shared>>) target(%dma_start3A_168 : memref<128x64xf32, #tpu.memory_space<hbm>>) target_semaphore(%run_scoped3A_165 : memref<!tpu.dma_semaphore, #tpu.memory_space<semaphore_mem>>)
      %dma_wait3A_171 = arith.constant 0 : i32
      %dma_wait3A_172 = tpu.memref_slice %arg6[%run_scoped3A_159, %arg0, %add3A_158, %dma_wait3A_171] : memref<2x2x10240x64xf32, #tpu.memory_space<hbm>> -> memref<1x1x128x64xf32, #tpu.memory_space<hbm>>
      %dma_wait3A_173 = tpu.memref_squeeze %dma_wait3A_172 : memref<1x1x128x64xf32, #tpu.memory_space<hbm>> -> memref<128x64xf32, #tpu.memory_space<hbm>>
      %dma_wait3A_174 = arith.constant 0 : i32
      %dma_wait3A_175 = tpu.memref_slice %arg14[%add3A_158, %dma_wait3A_174] : memref<10240x64xf32, #tpu.memory_space<vmem_shared>> -> memref<128x64xf32, #tpu.memory_space<vmem_shared>>
      tpu.wait_dma2 semaphore(%run_scoped3A_165 : memref<!tpu.dma_semaphore, #tpu.memory_space<semaphore_mem>>) src(%dma_wait3A_175 : memref<128x64xf32, #tpu.memory_space<vmem_shared>>) dst(%dma_wait3A_173 : memref<128x64xf32, #tpu.memory_space<hbm>>)
      tpu.yield
    }) : () -> ()
    %mul3A_160 = arith.constant 640 : i32
    %mul3A_161 = arith.muli %arg1, %mul3A_160 : i32
    %add3A_162 = arith.constant 512 : i32
    %add3A_163 = arith.addi %mul3A_161, %add3A_162 : i32
    %run_scoped3A_164 = arith.constant 1 : i32
    "tpu.region"() ({
      %run_scoped3A_165 = tpu.sem_alloc : memref<!tpu.dma_semaphore, #tpu.memory_space<semaphore_mem>>
      %dma_start3A_166 = arith.constant 0 : i32
      %dma_start3A_167 = tpu.memref_slice %arg6[%run_scoped3A_164, %arg0, %add3A_163, %dma_start3A_166] : memref<2x2x10240x64xf32, #tpu.memory_space<hbm>> -> memref<1x1x128x64xf32, #tpu.memory_space<hbm>>
      %dma_start3A_168 = tpu.memref_squeeze %dma_start3A_167 : memref<1x1x128x64xf32, #tpu.memory_space<hbm>> -> memref<128x64xf32, #tpu.memory_space<hbm>>
      %dma_start3A_169 = arith.constant 0 : i32
      %dma_start3A_170 = tpu.memref_slice %arg14[%add3A_163, %dma_start3A_169] : memref<10240x64xf32, #tpu.memory_space<vmem_shared>> -> memref<128x64xf32, #tpu.memory_space<vmem_shared>>
      tpu.enqueue_dma source(%dma_start3A_170 : memref<128x64xf32, #tpu.memory_space<vmem_shared>>) target(%dma_start3A_168 : memref<128x64xf32, #tpu.memory_space<hbm>>) target_semaphore(%run_scoped3A_165 : memref<!tpu.dma_semaphore, #tpu.memory_space<semaphore_mem>>)
      %dma_wait3A_171 = arith.constant 0 : i32
      %dma_wait3A_172 = tpu.memref_slice %arg6[%run_scoped3A_164, %arg0, %add3A_163, %dma_wait3A_171] : memref<2x2x10240x64xf32, #tpu.memory_space<hbm>> -> memref<1x1x128x64xf32, #tpu.memory_space<hbm>>
      %dma_wait3A_173 = tpu.memref_squeeze %dma_wait3A_172 : memref<1x1x128x64xf32, #tpu.memory_space<hbm>> -> memref<128x64xf32, #tpu.memory_space<hbm>>
      %dma_wait3A_174 = arith.constant 0 : i32
      %dma_wait3A_175 = tpu.memref_slice %arg14[%add3A_163, %dma_wait3A_174] : memref<10240x64xf32, #tpu.memory_space<vmem_shared>> -> memref<128x64xf32, #tpu.memory_space<vmem_shared>>
      tpu.wait_dma2 semaphore(%run_scoped3A_165 : memref<!tpu.dma_semaphore, #tpu.memory_space<semaphore_mem>>) src(%dma_wait3A_175 : memref<128x64xf32, #tpu.memory_space<vmem_shared>>) dst(%dma_wait3A_173 : memref<128x64xf32, #tpu.memory_space<hbm>>)
      tpu.yield
    }) : () -> ()
    return
  }
}

#map = affine_map<(d0, d1) -> (0, 0)>
#map1 = affine_map<(d0, d1) -> (0, 0, 0)>
#map2 = affine_map<(d0, d1) -> (0, 0, 0, 0)>
module attributes {stable_mosaic.version = 14 : i64} {
  func.func @_agg_body(%arg0: i32, %arg1: i32, %arg2: memref<10240x64xf32, #tpu.memory_space<hbm>>, %arg3: memref<10240x64xf32, #tpu.memory_space<hbm>>, %arg4: memref<32x80x125xi32, #tpu.memory_space<hbm>>, %arg5: memref<32x80x125xi32, #tpu.memory_space<hbm>>, %arg6: memref<2x2x10240x64xf32, #tpu.memory_space<hbm>>, %arg7: memref<80x125xi32, #tpu.memory_space<vmem>>, %arg8: memref<80x125xi32, #tpu.memory_space<vmem>>, %arg9: memref<125x64xf32, #tpu.memory_space<vmem>>, %arg10: memref<125x64xf32, #tpu.memory_space<vmem>>, %arg11: memref<125x64xf32, #tpu.memory_space<vmem>>, %arg12: memref<125x64xf32, #tpu.memory_space<vmem>>, %arg13: memref<128x64xf32, #tpu.memory_space<vmem>>, %arg14: memref<10240x64xf32, #tpu.memory_space<vmem_shared>>, %arg15: memref<!tpu.dma_semaphore, #tpu.memory_space<semaphore_mem>>, %arg16: memref<!tpu.dma_semaphore, #tpu.memory_space<semaphore_mem>>, %arg17: memref<!tpu.dma_semaphore, #tpu.memory_space<semaphore_mem>>, %arg18: memref<!tpu.dma_semaphore, #tpu.memory_space<semaphore_mem>>, %arg19: memref<!tpu.dma_semaphore, #tpu.memory_space<semaphore_mem>>, %arg20: memref<!tpu.dma_semaphore, #tpu.memory_space<semaphore_mem>>, %arg21: memref<!tpu.dma_semaphore, #tpu.memory_space<semaphore_mem>>, %arg22: memref<!tpu.dma_semaphore, #tpu.memory_space<semaphore_mem>>) attributes {dimension_semantics = [#tpu.dimension_semantics<core_parallel>, #tpu.dimension_semantics<subcore_parallel>], iteration_bounds = array<i64: 2, 16>, scalar_prefetch = 0 : i64, scratch_operands = 16 : i64, tpu.core_type = #tpu.core_type<sc_vector_subcore>, window_params = [{transform_indices = #map}, {transform_indices = #map}, {transform_indices = #map1}, {transform_indices = #map1}, {transform_indices = #map2}]} {
    %mul3A = arith.constant 2 : i32
    %mul3A_0 = arith.muli %arg1, %mul3A : i32
    %add3A = arith.addi %mul3A_0, %arg0 : i32
    "tpu.region"() ({
      %run_scoped3A_165 = tpu.sem_alloc : memref<!tpu.dma_semaphore, #tpu.memory_space<semaphore_mem>>
      %dma_start3A_166 = arith.constant 0 : i32
      %dma_start3A_167 = arith.constant 0 : i32
      %dma_start3A_168 = tpu.memref_slice %arg4[%add3A, %dma_start3A_166, %dma_start3A_167] : memref<32x80x125xi32, #tpu.memory_space<hbm>> -> memref<1x80x125xi32, #tpu.memory_space<hbm>>
      %dma_start3A_169 = tpu.memref_squeeze %dma_start3A_168 : memref<1x80x125xi32, #tpu.memory_space<hbm>> -> memref<80x125xi32, #tpu.memory_space<hbm>>
      %dma_start3A_170 = arith.constant 0 : i32
      %dma_start3A_171 = arith.constant 0 : i32
      %dma_start3A_172 = tpu.memref_slice %arg4[%add3A, %dma_start3A_170, %dma_start3A_171] : memref<32x80x125xi32, #tpu.memory_space<hbm>> -> memref<1x80x125xi32, #tpu.memory_space<hbm>>
      %dma_start3A_173 = tpu.memref_squeeze %dma_start3A_172 : memref<1x80x125xi32, #tpu.memory_space<hbm>> -> memref<80x125xi32, #tpu.memory_space<hbm>>
      tpu.enqueue_dma source(%dma_start3A_173 : memref<80x125xi32, #tpu.memory_space<hbm>>) target(%arg7 : memref<80x125xi32, #tpu.memory_space<vmem>>) target_semaphore(%run_scoped3A_165 : memref<!tpu.dma_semaphore, #tpu.memory_space<semaphore_mem>>)
      %dma_wait3A_174 = arith.constant 0 : i32
      %dma_wait3A_175 = arith.constant 0 : i32
      %dma_wait3A_176 = tpu.memref_slice %arg4[%add3A, %dma_wait3A_174, %dma_wait3A_175] : memref<32x80x125xi32, #tpu.memory_space<hbm>> -> memref<1x80x125xi32, #tpu.memory_space<hbm>>
      %dma_wait3A_177 = tpu.memref_squeeze %dma_wait3A_176 : memref<1x80x125xi32, #tpu.memory_space<hbm>> -> memref<80x125xi32, #tpu.memory_space<hbm>>
      %dma_wait3A_178 = arith.constant 0 : i32
      %dma_wait3A_179 = arith.constant 0 : i32
      %dma_wait3A_180 = tpu.memref_slice %arg4[%add3A, %dma_wait3A_178, %dma_wait3A_179] : memref<32x80x125xi32, #tpu.memory_space<hbm>> -> memref<1x80x125xi32, #tpu.memory_space<hbm>>
      %dma_wait3A_181 = tpu.memref_squeeze %dma_wait3A_180 : memref<1x80x125xi32, #tpu.memory_space<hbm>> -> memref<80x125xi32, #tpu.memory_space<hbm>>
      tpu.wait_dma2 semaphore(%run_scoped3A_165 : memref<!tpu.dma_semaphore, #tpu.memory_space<semaphore_mem>>) src(%dma_wait3A_181 : memref<80x125xi32, #tpu.memory_space<hbm>>) dst(%arg7 : memref<80x125xi32, #tpu.memory_space<vmem>>)
      tpu.yield
    }) : () -> ()
    "tpu.region"() ({
      %run_scoped3A_165 = tpu.sem_alloc : memref<!tpu.dma_semaphore, #tpu.memory_space<semaphore_mem>>
      %dma_start3A_166 = arith.constant 0 : i32
      %dma_start3A_167 = arith.constant 0 : i32
      %dma_start3A_168 = tpu.memref_slice %arg5[%add3A, %dma_start3A_166, %dma_start3A_167] : memref<32x80x125xi32, #tpu.memory_space<hbm>> -> memref<1x80x125xi32, #tpu.memory_space<hbm>>
      %dma_start3A_169 = tpu.memref_squeeze %dma_start3A_168 : memref<1x80x125xi32, #tpu.memory_space<hbm>> -> memref<80x125xi32, #tpu.memory_space<hbm>>
      %dma_start3A_170 = arith.constant 0 : i32
      %dma_start3A_171 = arith.constant 0 : i32
      %dma_start3A_172 = tpu.memref_slice %arg5[%add3A, %dma_start3A_170, %dma_start3A_171] : memref<32x80x125xi32, #tpu.memory_space<hbm>> -> memref<1x80x125xi32, #tpu.memory_space<hbm>>
      %dma_start3A_173 = tpu.memref_squeeze %dma_start3A_172 : memref<1x80x125xi32, #tpu.memory_space<hbm>> -> memref<80x125xi32, #tpu.memory_space<hbm>>
      tpu.enqueue_dma source(%dma_start3A_173 : memref<80x125xi32, #tpu.memory_space<hbm>>) target(%arg8 : memref<80x125xi32, #tpu.memory_space<vmem>>) target_semaphore(%run_scoped3A_165 : memref<!tpu.dma_semaphore, #tpu.memory_space<semaphore_mem>>)
      %dma_wait3A_174 = arith.constant 0 : i32
      %dma_wait3A_175 = arith.constant 0 : i32
      %dma_wait3A_176 = tpu.memref_slice %arg5[%add3A, %dma_wait3A_174, %dma_wait3A_175] : memref<32x80x125xi32, #tpu.memory_space<hbm>> -> memref<1x80x125xi32, #tpu.memory_space<hbm>>
      %dma_wait3A_177 = tpu.memref_squeeze %dma_wait3A_176 : memref<1x80x125xi32, #tpu.memory_space<hbm>> -> memref<80x125xi32, #tpu.memory_space<hbm>>
      %dma_wait3A_178 = arith.constant 0 : i32
      %dma_wait3A_179 = arith.constant 0 : i32
      %dma_wait3A_180 = tpu.memref_slice %arg5[%add3A, %dma_wait3A_178, %dma_wait3A_179] : memref<32x80x125xi32, #tpu.memory_space<hbm>> -> memref<1x80x125xi32, #tpu.memory_space<hbm>>
      %dma_wait3A_181 = tpu.memref_squeeze %dma_wait3A_180 : memref<1x80x125xi32, #tpu.memory_space<hbm>> -> memref<80x125xi32, #tpu.memory_space<hbm>>
      tpu.wait_dma2 semaphore(%run_scoped3A_165 : memref<!tpu.dma_semaphore, #tpu.memory_space<semaphore_mem>>) src(%dma_wait3A_181 : memref<80x125xi32, #tpu.memory_space<hbm>>) dst(%arg8 : memref<80x125xi32, #tpu.memory_space<vmem>>)
      tpu.yield
    }) : () -> ()
    %broadcast_in_dim3A = arith.constant 0.000000e+00 : f32
    %broadcast_in_dim3A_1 = vector.broadcast %broadcast_in_dim3A : f32 to vector<16xf32>
    %scan3A = arith.constant 0 : i32
    %scan3A_2 = arith.constant 0 : i32
    %scan3A_3 = arith.constant 512 : i32
    %scan3A_4 = arith.addi %scan3A_2, %scan3A_3 : i32
    %scan3A_5 = arith.constant 1 : i32
    scf.for %scan3A_165 = %scan3A_2 to %scan3A_4 step %scan3A_5  : i32 {
      %jit3A = arith.constant 4 : i32
      %div3A = arith.divsi %scan3A_165, %jit3A : i32
      %sign3A = arith.constant 0 : i32
      %sign3A_166 = arith.cmpi sgt, %scan3A_165, %sign3A : i32
      %sign3A_167 = arith.extui %sign3A_166 : i1 to i32
      %sign3A_168 = arith.constant 0 : i32
      %sign3A_169 = arith.cmpi slt, %scan3A_165, %sign3A_168 : i32
      %sign3A_170 = arith.extui %sign3A_169 : i1 to i32
      %sign3A_171 = arith.subi %sign3A_167, %sign3A_170 : i32
      %sign3A_172 = arith.constant 0 : i32
      %sign3A_173 = arith.cmpi sgt, %jit3A, %sign3A_172 : i32
      %sign3A_174 = arith.extui %sign3A_173 : i1 to i32
      %sign3A_175 = arith.constant 0 : i32
      %sign3A_176 = arith.cmpi slt, %jit3A, %sign3A_175 : i32
      %sign3A_177 = arith.extui %sign3A_176 : i1 to i32
      %sign3A_178 = arith.subi %sign3A_174, %sign3A_177 : i32
      %ne3A = arith.cmpi ne, %sign3A_171, %sign3A_178 : i32
      %rem3A = arith.remsi %scan3A_165, %jit3A : i32
      %ne3A_179 = arith.constant 0 : i32
      %ne3A_180 = arith.cmpi ne, %rem3A, %ne3A_179 : i32
      %and3A = arith.andi %ne3A, %ne3A_180 : i1
      %sub3A = arith.constant 1 : i32
      %sub3A_181 = arith.subi %div3A, %sub3A : i32
      %select_n3A = arith.select %and3A, %sub3A_181, %div3A : i32
      %jit3A_182 = arith.constant 4 : i32
      %eq3A = arith.constant 0 : i32
      %eq3A_183 = arith.cmpi eq, %jit3A_182, %eq3A : i32
      %jit3A_184 = arith.constant 1 : i32
      %select_n3A_185 = arith.select %eq3A_183, %jit3A_184, %jit3A_182 : i32
      %rem3A_186 = arith.remsi %scan3A_165, %select_n3A_185 : i32
      %ne3A_187 = arith.constant 0 : i32
      %ne3A_188 = arith.cmpi ne, %rem3A_186, %ne3A_187 : i32
      %lt3A = arith.constant 0 : i32
      %lt3A_189 = arith.cmpi slt, %rem3A_186, %lt3A : i32
      %lt3A_190 = arith.constant 0 : i32
      %lt3A_191 = arith.cmpi slt, %select_n3A_185, %lt3A_190 : i32
      %ne3A_192 = arith.xori %lt3A_189, %lt3A_191 : i1
      %and3A_193 = arith.andi %ne3A_192, %ne3A_188 : i1
      %add3A_194 = arith.addi %rem3A_186, %select_n3A_185 : i32
      %select_n3A_195 = arith.select %and3A_193, %add3A_194, %rem3A_186 : i32
      %mul3A_196 = arith.constant 16 : i32
      %mul3A_197 = arith.muli %select_n3A_195, %mul3A_196 : i32
      %swap3A = arith.index_cast %select_n3A : i32 to index
      %swap3A_198 = arith.index_cast %mul3A_197 : i32 to index
      %swap3A_199 = tpu.vector_load %arg13[%swap3A, %swap3A_198] {strides = array<i32>} : memref<128x64xf32, #tpu.memory_space<vmem>>, vector<16xf32>,
      tpu.vector_store %arg13[%swap3A, %swap3A_198], %broadcast_in_dim3A_1 {strides = array<i32>} : memref<128x64xf32, #tpu.memory_space<vmem>>, vector<16xf32>,
    }
    %scan3A_6 = arith.constant 512 : i32
    %mul3A_7 = arith.constant 640 : i32
    %mul3A_8 = arith.muli %arg1, %mul3A_7 : i32
    %add3A_9 = arith.constant 0 : i32
    %add3A_10 = arith.addi %mul3A_8, %add3A_9 : i32
    "tpu.region"() ({
      %run_scoped3A_165 = tpu.sem_alloc : memref<!tpu.dma_semaphore, #tpu.memory_space<semaphore_mem>>
      %dma_start3A_166 = arith.constant 0 : i32
      %dma_start3A_167 = tpu.memref_slice %arg14[%add3A_10, %dma_start3A_166] : memref<10240x64xf32, #tpu.memory_space<vmem_shared>> -> memref<128x64xf32, #tpu.memory_space<vmem_shared>>
      %dma_start3A_168 = arith.constant 0 : i32
      %dma_start3A_169 = tpu.memref_slice %arg14[%add3A_10, %dma_start3A_168] : memref<10240x64xf32, #tpu.memory_space<vmem_shared>> -> memref<128x64xf32, #tpu.memory_space<vmem_shared>>
      tpu.enqueue_dma source(%arg13 : memref<128x64xf32, #tpu.memory_space<vmem>>) target(%dma_start3A_169 : memref<128x64xf32, #tpu.memory_space<vmem_shared>>) target_semaphore(%run_scoped3A_165 : memref<!tpu.dma_semaphore, #tpu.memory_space<semaphore_mem>>)
      %dma_wait3A_170 = arith.constant 0 : i32
      %dma_wait3A_171 = tpu.memref_slice %arg14[%add3A_10, %dma_wait3A_170] : memref<10240x64xf32, #tpu.memory_space<vmem_shared>> -> memref<128x64xf32, #tpu.memory_space<vmem_shared>>
      %dma_wait3A_172 = arith.constant 0 : i32
      %dma_wait3A_173 = tpu.memref_slice %arg14[%add3A_10, %dma_wait3A_172] : memref<10240x64xf32, #tpu.memory_space<vmem_shared>> -> memref<128x64xf32, #tpu.memory_space<vmem_shared>>
      tpu.wait_dma2 semaphore(%run_scoped3A_165 : memref<!tpu.dma_semaphore, #tpu.memory_space<semaphore_mem>>) src(%arg13 : memref<128x64xf32, #tpu.memory_space<vmem>>) dst(%dma_wait3A_173 : memref<128x64xf32, #tpu.memory_space<vmem_shared>>)
      tpu.yield
    }) : () -> ()
    %mul3A_11 = arith.constant 640 : i32
    %mul3A_12 = arith.muli %arg1, %mul3A_11 : i32
    %add3A_13 = arith.constant 128 : i32
    %add3A_14 = arith.addi %mul3A_12, %add3A_13 : i32
    "tpu.region"() ({
      %run_scoped3A_165 = tpu.sem_alloc : memref<!tpu.dma_semaphore, #tpu.memory_space<semaphore_mem>>
      %dma_start3A_166 = arith.constant 0 : i32
      %dma_start3A_167 = tpu.memref_slice %arg14[%add3A_14, %dma_start3A_166] : memref<10240x64xf32, #tpu.memory_space<vmem_shared>> -> memref<128x64xf32, #tpu.memory_space<vmem_shared>>
      %dma_start3A_168 = arith.constant 0 : i32
      %dma_start3A_169 = tpu.memref_slice %arg14[%add3A_14, %dma_start3A_168] : memref<10240x64xf32, #tpu.memory_space<vmem_shared>> -> memref<128x64xf32, #tpu.memory_space<vmem_shared>>
      tpu.enqueue_dma source(%arg13 : memref<128x64xf32, #tpu.memory_space<vmem>>) target(%dma_start3A_169 : memref<128x64xf32, #tpu.memory_space<vmem_shared>>) target_semaphore(%run_scoped3A_165 : memref<!tpu.dma_semaphore, #tpu.memory_space<semaphore_mem>>)
      %dma_wait3A_170 = arith.constant 0 : i32
      %dma_wait3A_171 = tpu.memref_slice %arg14[%add3A_14, %dma_wait3A_170] : memref<10240x64xf32, #tpu.memory_space<vmem_shared>> -> memref<128x64xf32, #tpu.memory_space<vmem_shared>>
      %dma_wait3A_172 = arith.constant 0 : i32
      %dma_wait3A_173 = tpu.memref_slice %arg14[%add3A_14, %dma_wait3A_172] : memref<10240x64xf32, #tpu.memory_space<vmem_shared>> -> memref<128x64xf32, #tpu.memory_space<vmem_shared>>
      tpu.wait_dma2 semaphore(%run_scoped3A_165 : memref<!tpu.dma_semaphore, #tpu.memory_space<semaphore_mem>>) src(%arg13 : memref<128x64xf32, #tpu.memory_space<vmem>>) dst(%dma_wait3A_173 : memref<128x64xf32, #tpu.memory_space<vmem_shared>>)
      tpu.yield
    }) : () -> ()
    %mul3A_15 = arith.constant 640 : i32
    %mul3A_16 = arith.muli %arg1, %mul3A_15 : i32
    %add3A_17 = arith.constant 256 : i32
    %add3A_18 = arith.addi %mul3A_16, %add3A_17 : i32
    "tpu.region"() ({
      %run_scoped3A_165 = tpu.sem_alloc : memref<!tpu.dma_semaphore, #tpu.memory_space<semaphore_mem>>
      %dma_start3A_166 = arith.constant 0 : i32
      %dma_start3A_167 = tpu.memref_slice %arg14[%add3A_18, %dma_start3A_166] : memref<10240x64xf32, #tpu.memory_space<vmem_shared>> -> memref<128x64xf32, #tpu.memory_space<vmem_shared>>
      %dma_start3A_168 = arith.constant 0 : i32
      %dma_start3A_169 = tpu.memref_slice %arg14[%add3A_18, %dma_start3A_168] : memref<10240x64xf32, #tpu.memory_space<vmem_shared>> -> memref<128x64xf32, #tpu.memory_space<vmem_shared>>
      tpu.enqueue_dma source(%arg13 : memref<128x64xf32, #tpu.memory_space<vmem>>) target(%dma_start3A_169 : memref<128x64xf32, #tpu.memory_space<vmem_shared>>) target_semaphore(%run_scoped3A_165 : memref<!tpu.dma_semaphore, #tpu.memory_space<semaphore_mem>>)
      %dma_wait3A_170 = arith.constant 0 : i32
      %dma_wait3A_171 = tpu.memref_slice %arg14[%add3A_18, %dma_wait3A_170] : memref<10240x64xf32, #tpu.memory_space<vmem_shared>> -> memref<128x64xf32, #tpu.memory_space<vmem_shared>>
      %dma_wait3A_172 = arith.constant 0 : i32
      %dma_wait3A_173 = tpu.memref_slice %arg14[%add3A_18, %dma_wait3A_172] : memref<10240x64xf32, #tpu.memory_space<vmem_shared>> -> memref<128x64xf32, #tpu.memory_space<vmem_shared>>
      tpu.wait_dma2 semaphore(%run_scoped3A_165 : memref<!tpu.dma_semaphore, #tpu.memory_space<semaphore_mem>>) src(%arg13 : memref<128x64xf32, #tpu.memory_space<vmem>>) dst(%dma_wait3A_173 : memref<128x64xf32, #tpu.memory_space<vmem_shared>>)
      tpu.yield
    }) : () -> ()
    %mul3A_19 = arith.constant 640 : i32
    %mul3A_20 = arith.muli %arg1, %mul3A_19 : i32
    %add3A_21 = arith.constant 384 : i32
    %add3A_22 = arith.addi %mul3A_20, %add3A_21 : i32
    "tpu.region"() ({
      %run_scoped3A_165 = tpu.sem_alloc : memref<!tpu.dma_semaphore, #tpu.memory_space<semaphore_mem>>
      %dma_start3A_166 = arith.constant 0 : i32
      %dma_start3A_167 = tpu.memref_slice %arg14[%add3A_22, %dma_start3A_166] : memref<10240x64xf32, #tpu.memory_space<vmem_shared>> -> memref<128x64xf32, #tpu.memory_space<vmem_shared>>
      %dma_start3A_168 = arith.constant 0 : i32
      %dma_start3A_169 = tpu.memref_slice %arg14[%add3A_22, %dma_start3A_168] : memref<10240x64xf32, #tpu.memory_space<vmem_shared>> -> memref<128x64xf32, #tpu.memory_space<vmem_shared>>
      tpu.enqueue_dma source(%arg13 : memref<128x64xf32, #tpu.memory_space<vmem>>) target(%dma_start3A_169 : memref<128x64xf32, #tpu.memory_space<vmem_shared>>) target_semaphore(%run_scoped3A_165 : memref<!tpu.dma_semaphore, #tpu.memory_space<semaphore_mem>>)
      %dma_wait3A_170 = arith.constant 0 : i32
      %dma_wait3A_171 = tpu.memref_slice %arg14[%add3A_22, %dma_wait3A_170] : memref<10240x64xf32, #tpu.memory_space<vmem_shared>> -> memref<128x64xf32, #tpu.memory_space<vmem_shared>>
      %dma_wait3A_172 = arith.constant 0 : i32
      %dma_wait3A_173 = tpu.memref_slice %arg14[%add3A_22, %dma_wait3A_172] : memref<10240x64xf32, #tpu.memory_space<vmem_shared>> -> memref<128x64xf32, #tpu.memory_space<vmem_shared>>
      tpu.wait_dma2 semaphore(%run_scoped3A_165 : memref<!tpu.dma_semaphore, #tpu.memory_space<semaphore_mem>>) src(%arg13 : memref<128x64xf32, #tpu.memory_space<vmem>>) dst(%dma_wait3A_173 : memref<128x64xf32, #tpu.memory_space<vmem_shared>>)
      tpu.yield
    }) : () -> ()
    %mul3A_23 = arith.constant 640 : i32
    %mul3A_24 = arith.muli %arg1, %mul3A_23 : i32
    %add3A_25 = arith.constant 512 : i32
    %add3A_26 = arith.addi %mul3A_24, %add3A_25 : i32
    "tpu.region"() ({
      %run_scoped3A_165 = tpu.sem_alloc : memref<!tpu.dma_semaphore, #tpu.memory_space<semaphore_mem>>
      %dma_start3A_166 = arith.constant 0 : i32
      %dma_start3A_167 = tpu.memref_slice %arg14[%add3A_26, %dma_start3A_166] : memref<10240x64xf32, #tpu.memory_space<vmem_shared>> -> memref<128x64xf32, #tpu.memory_space<vmem_shared>>
      %dma_start3A_168 = arith.constant 0 : i32
      %dma_start3A_169 = tpu.memref_slice %arg14[%add3A_26, %dma_start3A_168] : memref<10240x64xf32, #tpu.memory_space<vmem_shared>> -> memref<128x64xf32, #tpu.memory_space<vmem_shared>>
      tpu.enqueue_dma source(%arg13 : memref<128x64xf32, #tpu.memory_space<vmem>>) target(%dma_start3A_169 : memref<128x64xf32, #tpu.memory_space<vmem_shared>>) target_semaphore(%run_scoped3A_165 : memref<!tpu.dma_semaphore, #tpu.memory_space<semaphore_mem>>)
      %dma_wait3A_170 = arith.constant 0 : i32
      %dma_wait3A_171 = tpu.memref_slice %arg14[%add3A_26, %dma_wait3A_170] : memref<10240x64xf32, #tpu.memory_space<vmem_shared>> -> memref<128x64xf32, #tpu.memory_space<vmem_shared>>
      %dma_wait3A_172 = arith.constant 0 : i32
      %dma_wait3A_173 = tpu.memref_slice %arg14[%add3A_26, %dma_wait3A_172] : memref<10240x64xf32, #tpu.memory_space<vmem_shared>> -> memref<128x64xf32, #tpu.memory_space<vmem_shared>>
      tpu.wait_dma2 semaphore(%run_scoped3A_165 : memref<!tpu.dma_semaphore, #tpu.memory_space<semaphore_mem>>) src(%arg13 : memref<128x64xf32, #tpu.memory_space<vmem>>) dst(%dma_wait3A_173 : memref<128x64xf32, #tpu.memory_space<vmem_shared>>)
      tpu.yield
    }) : () -> ()
    %barrier3A = arith.constant 0 : index
    tpu.barrier barrier_id(%barrier3A)
    %dma_start3A = arith.constant 0 : i32
    %dma_start3A_27 = arith.constant 0 : i32
    %dma_start3A_28 = tpu.memref_slice %arg7[%dma_start3A, %dma_start3A_27] : memref<80x125xi32, #tpu.memory_space<vmem>> -> memref<1x125xi32, #tpu.memory_space<vmem>>
    %dma_start3A_29 = tpu.memref_squeeze %dma_start3A_28 : memref<1x125xi32, #tpu.memory_space<vmem>> -> memref<125xi32, #tpu.memory_space<vmem>>
    %dma_start3A_30 = arith.constant 0 : i32
    %dma_start3A_31 = arith.constant 0 : i32
    %dma_start3A_32 = tpu.memref_slice %arg2[%dma_start3A_30, %dma_start3A_31] : memref<10240x64xf32, #tpu.memory_space<hbm>> -> memref<10240x64xf32, #tpu.memory_space<hbm>>
    tpu.enqueue_indirect_dma source(%dma_start3A_32 : memref<10240x64xf32, #tpu.memory_space<hbm>>) target(%arg9 : memref<125x64xf32, #tpu.memory_space<vmem>>) offsets(%dma_start3A_29 : memref<125xi32, #tpu.memory_space<vmem>>) semaphore(%arg15 : memref<!tpu.dma_semaphore, #tpu.memory_space<semaphore_mem>>)
    %dma_start3A_33 = arith.constant 1 : i32
    %dma_start3A_34 = arith.constant 0 : i32
    %dma_start3A_35 = tpu.memref_slice %arg7[%dma_start3A_33, %dma_start3A_34] : memref<80x125xi32, #tpu.memory_space<vmem>> -> memref<1x125xi32, #tpu.memory_space<vmem>>
    %dma_start3A_36 = tpu.memref_squeeze %dma_start3A_35 : memref<1x125xi32, #tpu.memory_space<vmem>> -> memref<125xi32, #tpu.memory_space<vmem>>
    %dma_start3A_37 = arith.constant 0 : i32
    %dma_start3A_38 = arith.constant 0 : i32
    %dma_start3A_39 = tpu.memref_slice %arg2[%dma_start3A_37, %dma_start3A_38] : memref<10240x64xf32, #tpu.memory_space<hbm>> -> memref<10240x64xf32, #tpu.memory_space<hbm>>
    tpu.enqueue_indirect_dma source(%dma_start3A_39 : memref<10240x64xf32, #tpu.memory_space<hbm>>) target(%arg10 : memref<125x64xf32, #tpu.memory_space<vmem>>) offsets(%dma_start3A_36 : memref<125xi32, #tpu.memory_space<vmem>>) semaphore(%arg16 : memref<!tpu.dma_semaphore, #tpu.memory_space<semaphore_mem>>)
    %dma_start3A_40 = arith.constant 2 : i32
    %dma_start3A_41 = arith.constant 0 : i32
    %dma_start3A_42 = tpu.memref_slice %arg7[%dma_start3A_40, %dma_start3A_41] : memref<80x125xi32, #tpu.memory_space<vmem>> -> memref<1x125xi32, #tpu.memory_space<vmem>>
    %dma_start3A_43 = tpu.memref_squeeze %dma_start3A_42 : memref<1x125xi32, #tpu.memory_space<vmem>> -> memref<125xi32, #tpu.memory_space<vmem>>
    %dma_start3A_44 = arith.constant 0 : i32
    %dma_start3A_45 = arith.constant 0 : i32
    %dma_start3A_46 = tpu.memref_slice %arg2[%dma_start3A_44, %dma_start3A_45] : memref<10240x64xf32, #tpu.memory_space<hbm>> -> memref<10240x64xf32, #tpu.memory_space<hbm>>
    tpu.enqueue_indirect_dma source(%dma_start3A_46 : memref<10240x64xf32, #tpu.memory_space<hbm>>) target(%arg11 : memref<125x64xf32, #tpu.memory_space<vmem>>) offsets(%dma_start3A_43 : memref<125xi32, #tpu.memory_space<vmem>>) semaphore(%arg17 : memref<!tpu.dma_semaphore, #tpu.memory_space<semaphore_mem>>)
    %scan3A_47 = arith.constant 0 : i32
    %scan3A_48 = arith.constant 0 : i32
    %scan3A_49 = arith.constant 20 : i32
    %scan3A_50 = arith.addi %scan3A_48, %scan3A_49 : i32
    %scan3A_51 = arith.constant 1 : i32
    scf.for %scan3A_165 = %scan3A_48 to %scan3A_50 step %scan3A_51  : i32 {
      %mul3A_166 = arith.constant 4 : i32
      %mul3A_167 = arith.muli %scan3A_165, %mul3A_166 : i32
      %add3A_168 = arith.constant 0 : i32
      %add3A_169 = arith.addi %mul3A_167, %add3A_168 : i32
      %dma_wait3A_170 = arith.constant 0 : i32
      %dma_wait3A_171 = tpu.memref_slice %arg7[%add3A_169, %dma_wait3A_170] : memref<80x125xi32, #tpu.memory_space<vmem>> -> memref<1x125xi32, #tpu.memory_space<vmem>>
      %dma_wait3A_172 = tpu.memref_squeeze %dma_wait3A_171 : memref<1x125xi32, #tpu.memory_space<vmem>> -> memref<125xi32, #tpu.memory_space<vmem>>
      %dma_wait3A_173 = arith.constant 0 : i32
      %dma_wait3A_174 = arith.constant 0 : i32
      %dma_wait3A_175 = tpu.memref_slice %arg2[%dma_wait3A_173, %dma_wait3A_174] : memref<10240x64xf32, #tpu.memory_space<hbm>> -> memref<10240x64xf32, #tpu.memory_space<hbm>>
      tpu.wait_indirect_dma semaphore(%arg15 : memref<!tpu.dma_semaphore, #tpu.memory_space<semaphore_mem>>) src(%dma_wait3A_175 : memref<10240x64xf32, #tpu.memory_space<hbm>>) dst(%arg9 : memref<125x64xf32, #tpu.memory_space<vmem>>)
      %dma_start3A_176 = arith.constant 0 : i32
      %dma_start3A_177 = tpu.memref_slice %arg8[%add3A_169, %dma_start3A_176] : memref<80x125xi32, #tpu.memory_space<vmem>> -> memref<1x125xi32, #tpu.memory_space<vmem>>
      %dma_start3A_178 = tpu.memref_squeeze %dma_start3A_177 : memref<1x125xi32, #tpu.memory_space<vmem>> -> memref<125xi32, #tpu.memory_space<vmem>>
      %dma_start3A_179 = arith.constant 0 : i32
      %dma_start3A_180 = arith.constant 0 : i32
      %dma_start3A_181 = tpu.memref_slice %arg14[%dma_start3A_179, %dma_start3A_180] : memref<10240x64xf32, #tpu.memory_space<vmem_shared>> -> memref<10240x64xf32, #tpu.memory_space<vmem_shared>>
      tpu.enqueue_indirect_dma source(%arg9 : memref<125x64xf32, #tpu.memory_space<vmem>>) target(%dma_start3A_181 : memref<10240x64xf32, #tpu.memory_space<vmem_shared>>) offsets(%dma_start3A_178 : memref<125xi32, #tpu.memory_space<vmem>>) semaphore(%arg19 : memref<!tpu.dma_semaphore, #tpu.memory_space<semaphore_mem>>) {add = true}
      %ge3A = arith.constant 1 : i32
      %ge3A_182 = arith.cmpi sge, %add3A_169, %ge3A : i32
      %convert_element_type3A = arith.extui %ge3A_182 : i1 to i32
      %cond3A = arith.constant 0 : i32
      %cond3A_183 = arith.cmpi ne, %convert_element_type3A, %cond3A : i32
      scf.if %cond3A_183 {
        %sub3A_283 = arith.constant 1 : i32
        %sub3A_284 = arith.subi %add3A_169, %sub3A_283 : i32
        %dma_wait3A_285 = arith.constant 0 : i32
        %dma_wait3A_286 = tpu.memref_slice %arg8[%sub3A_284, %dma_wait3A_285] : memref<80x125xi32, #tpu.memory_space<vmem>> -> memref<1x125xi32, #tpu.memory_space<vmem>>
        %dma_wait3A_287 = tpu.memref_squeeze %dma_wait3A_286 : memref<1x125xi32, #tpu.memory_space<vmem>> -> memref<125xi32, #tpu.memory_space<vmem>>
        %dma_wait3A_288 = arith.constant 0 : i32
        %dma_wait3A_289 = arith.constant 0 : i32
        %dma_wait3A_290 = tpu.memref_slice %arg14[%dma_wait3A_288, %dma_wait3A_289] : memref<10240x64xf32, #tpu.memory_space<vmem_shared>> -> memref<10240x64xf32, #tpu.memory_space<vmem_shared>>
        tpu.wait_indirect_dma semaphore(%arg22 : memref<!tpu.dma_semaphore, #tpu.memory_space<semaphore_mem>>) src(%arg12 : memref<125x64xf32, #tpu.memory_space<vmem>>) dst(%dma_wait3A_290 : memref<10240x64xf32, #tpu.memory_space<vmem_shared>>)
      } else {
      }
      %add3A_184 = arith.constant 3 : i32
      %add3A_185 = arith.addi %add3A_169, %add3A_184 : i32
      %dma_start3A_186 = arith.constant 0 : i32
      %dma_start3A_187 = tpu.memref_slice %arg7[%add3A_185, %dma_start3A_186] : memref<80x125xi32, #tpu.memory_space<vmem>> -> memref<1x125xi32, #tpu.memory_space<vmem>>
      %dma_start3A_188 = tpu.memref_squeeze %dma_start3A_187 : memref<1x125xi32, #tpu.memory_space<vmem>> -> memref<125xi32, #tpu.memory_space<vmem>>
      %dma_start3A_189 = arith.constant 0 : i32
      %dma_start3A_190 = arith.constant 0 : i32
      %dma_start3A_191 = tpu.memref_slice %arg2[%dma_start3A_189, %dma_start3A_190] : memref<10240x64xf32, #tpu.memory_space<hbm>> -> memref<10240x64xf32, #tpu.memory_space<hbm>>
      tpu.enqueue_indirect_dma source(%dma_start3A_191 : memref<10240x64xf32, #tpu.memory_space<hbm>>) target(%arg12 : memref<125x64xf32, #tpu.memory_space<vmem>>) offsets(%dma_start3A_188 : memref<125xi32, #tpu.memory_space<vmem>>) semaphore(%arg18 : memref<!tpu.dma_semaphore, #tpu.memory_space<semaphore_mem>>)
      %mul3A_192 = arith.constant 4 : i32
      %mul3A_193 = arith.muli %scan3A_165, %mul3A_192 : i32
      %add3A_194 = arith.constant 1 : i32
      %add3A_195 = arith.addi %mul3A_193, %add3A_194 : i32
      %dma_wait3A_196 = arith.constant 0 : i32
      %dma_wait3A_197 = tpu.memref_slice %arg7[%add3A_195, %dma_wait3A_196] : memref<80x125xi32, #tpu.memory_space<vmem>> -> memref<1x125xi32, #tpu.memory_space<vmem>>
      %dma_wait3A_198 = tpu.memref_squeeze %dma_wait3A_197 : memref<1x125xi32, #tpu.memory_space<vmem>> -> memref<125xi32, #tpu.memory_space<vmem>>
      %dma_wait3A_199 = arith.constant 0 : i32
      %dma_wait3A_200 = arith.constant 0 : i32
      %dma_wait3A_201 = tpu.memref_slice %arg2[%dma_wait3A_199, %dma_wait3A_200] : memref<10240x64xf32, #tpu.memory_space<hbm>> -> memref<10240x64xf32, #tpu.memory_space<hbm>>
      tpu.wait_indirect_dma semaphore(%arg16 : memref<!tpu.dma_semaphore, #tpu.memory_space<semaphore_mem>>) src(%dma_wait3A_201 : memref<10240x64xf32, #tpu.memory_space<hbm>>) dst(%arg10 : memref<125x64xf32, #tpu.memory_space<vmem>>)
      %dma_start3A_202 = arith.constant 0 : i32
      %dma_start3A_203 = tpu.memref_slice %arg8[%add3A_195, %dma_start3A_202] : memref<80x125xi32, #tpu.memory_space<vmem>> -> memref<1x125xi32, #tpu.memory_space<vmem>>
      %dma_start3A_204 = tpu.memref_squeeze %dma_start3A_203 : memref<1x125xi32, #tpu.memory_space<vmem>> -> memref<125xi32, #tpu.memory_space<vmem>>
      %dma_start3A_205 = arith.constant 0 : i32
      %dma_start3A_206 = arith.constant 0 : i32
      %dma_start3A_207 = tpu.memref_slice %arg14[%dma_start3A_205, %dma_start3A_206] : memref<10240x64xf32, #tpu.memory_space<vmem_shared>> -> memref<10240x64xf32, #tpu.memory_space<vmem_shared>>
      tpu.enqueue_indirect_dma source(%arg10 : memref<125x64xf32, #tpu.memory_space<vmem>>) target(%dma_start3A_207 : memref<10240x64xf32, #tpu.memory_space<vmem_shared>>) offsets(%dma_start3A_204 : memref<125xi32, #tpu.memory_space<vmem>>) semaphore(%arg20 : memref<!tpu.dma_semaphore, #tpu.memory_space<semaphore_mem>>) {add = true}
      %sub3A = arith.constant 1 : i32
      %sub3A_208 = arith.subi %add3A_195, %sub3A : i32
      %dma_wait3A_209 = arith.constant 0 : i32
      %dma_wait3A_210 = tpu.memref_slice %arg8[%sub3A_208, %dma_wait3A_209] : memref<80x125xi32, #tpu.memory_space<vmem>> -> memref<1x125xi32, #tpu.memory_space<vmem>>
      %dma_wait3A_211 = tpu.memref_squeeze %dma_wait3A_210 : memref<1x125xi32, #tpu.memory_space<vmem>> -> memref<125xi32, #tpu.memory_space<vmem>>
      %dma_wait3A_212 = arith.constant 0 : i32
      %dma_wait3A_213 = arith.constant 0 : i32
      %dma_wait3A_214 = tpu.memref_slice %arg14[%dma_wait3A_212, %dma_wait3A_213] : memref<10240x64xf32, #tpu.memory_space<vmem_shared>> -> memref<10240x64xf32, #tpu.memory_space<vmem_shared>>
      tpu.wait_indirect_dma semaphore(%arg19 : memref<!tpu.dma_semaphore, #tpu.memory_space<semaphore_mem>>) src(%arg9 : memref<125x64xf32, #tpu.memory_space<vmem>>) dst(%dma_wait3A_214 : memref<10240x64xf32, #tpu.memory_space<vmem_shared>>)
      %add3A_215 = arith.constant 3 : i32
      %add3A_216 = arith.addi %add3A_195, %add3A_215 : i32
      %lt3A = arith.constant 80 : i32
      %lt3A_217 = arith.cmpi slt, %add3A_216, %lt3A : i32
      %convert_element_type3A_218 = arith.extui %lt3A_217 : i1 to i32
      %cond3A_219 = arith.constant 0 : i32
      %cond3A_220 = arith.cmpi ne, %convert_element_type3A_218, %cond3A_219 : i32
      scf.if %cond3A_220 {
        %add3A_283 = arith.constant 3 : i32
        %add3A_284 = arith.addi %add3A_195, %add3A_283 : i32
        %dma_start3A_285 = arith.constant 0 : i32
        %dma_start3A_286 = tpu.memref_slice %arg7[%add3A_284, %dma_start3A_285] : memref<80x125xi32, #tpu.memory_space<vmem>> -> memref<1x125xi32, #tpu.memory_space<vmem>>
        %dma_start3A_287 = tpu.memref_squeeze %dma_start3A_286 : memref<1x125xi32, #tpu.memory_space<vmem>> -> memref<125xi32, #tpu.memory_space<vmem>>
        %dma_start3A_288 = arith.constant 0 : i32
        %dma_start3A_289 = arith.constant 0 : i32
        %dma_start3A_290 = tpu.memref_slice %arg2[%dma_start3A_288, %dma_start3A_289] : memref<10240x64xf32, #tpu.memory_space<hbm>> -> memref<10240x64xf32, #tpu.memory_space<hbm>>
        tpu.enqueue_indirect_dma source(%dma_start3A_290 : memref<10240x64xf32, #tpu.memory_space<hbm>>) target(%arg9 : memref<125x64xf32, #tpu.memory_space<vmem>>) offsets(%dma_start3A_287 : memref<125xi32, #tpu.memory_space<vmem>>) semaphore(%arg15 : memref<!tpu.dma_semaphore, #tpu.memory_space<semaphore_mem>>)
      } else {
      }
      %mul3A_221 = arith.constant 4 : i32
      %mul3A_222 = arith.muli %scan3A_165, %mul3A_221 : i32
      %add3A_223 = arith.constant 2 : i32
      %add3A_224 = arith.addi %mul3A_222, %add3A_223 : i32
      %dma_wait3A_225 = arith.constant 0 : i32
      %dma_wait3A_226 = tpu.memref_slice %arg7[%add3A_224, %dma_wait3A_225] : memref<80x125xi32, #tpu.memory_space<vmem>> -> memref<1x125xi32, #tpu.memory_space<vmem>>
      %dma_wait3A_227 = tpu.memref_squeeze %dma_wait3A_226 : memref<1x125xi32, #tpu.memory_space<vmem>> -> memref<125xi32, #tpu.memory_space<vmem>>
      %dma_wait3A_228 = arith.constant 0 : i32
      %dma_wait3A_229 = arith.constant 0 : i32
      %dma_wait3A_230 = tpu.memref_slice %arg2[%dma_wait3A_228, %dma_wait3A_229] : memref<10240x64xf32, #tpu.memory_space<hbm>> -> memref<10240x64xf32, #tpu.memory_space<hbm>>
      tpu.wait_indirect_dma semaphore(%arg17 : memref<!tpu.dma_semaphore, #tpu.memory_space<semaphore_mem>>) src(%dma_wait3A_230 : memref<10240x64xf32, #tpu.memory_space<hbm>>) dst(%arg11 : memref<125x64xf32, #tpu.memory_space<vmem>>)
      %dma_start3A_231 = arith.constant 0 : i32
      %dma_start3A_232 = tpu.memref_slice %arg8[%add3A_224, %dma_start3A_231] : memref<80x125xi32, #tpu.memory_space<vmem>> -> memref<1x125xi32, #tpu.memory_space<vmem>>
      %dma_start3A_233 = tpu.memref_squeeze %dma_start3A_232 : memref<1x125xi32, #tpu.memory_space<vmem>> -> memref<125xi32, #tpu.memory_space<vmem>>
      %dma_start3A_234 = arith.constant 0 : i32
      %dma_start3A_235 = arith.constant 0 : i32
      %dma_start3A_236 = tpu.memref_slice %arg14[%dma_start3A_234, %dma_start3A_235] : memref<10240x64xf32, #tpu.memory_space<vmem_shared>> -> memref<10240x64xf32, #tpu.memory_space<vmem_shared>>
      tpu.enqueue_indirect_dma source(%arg11 : memref<125x64xf32, #tpu.memory_space<vmem>>) target(%dma_start3A_236 : memref<10240x64xf32, #tpu.memory_space<vmem_shared>>) offsets(%dma_start3A_233 : memref<125xi32, #tpu.memory_space<vmem>>) semaphore(%arg21 : memref<!tpu.dma_semaphore, #tpu.memory_space<semaphore_mem>>) {add = true}
      %sub3A_237 = arith.constant 1 : i32
      %sub3A_238 = arith.subi %add3A_224, %sub3A_237 : i32
      %dma_wait3A_239 = arith.constant 0 : i32
      %dma_wait3A_240 = tpu.memref_slice %arg8[%sub3A_238, %dma_wait3A_239] : memref<80x125xi32, #tpu.memory_space<vmem>> -> memref<1x125xi32, #tpu.memory_space<vmem>>
      %dma_wait3A_241 = tpu.memref_squeeze %dma_wait3A_240 : memref<1x125xi32, #tpu.memory_space<vmem>> -> memref<125xi32, #tpu.memory_space<vmem>>
      %dma_wait3A_242 = arith.constant 0 : i32
      %dma_wait3A_243 = arith.constant 0 : i32
      %dma_wait3A_244 = tpu.memref_slice %arg14[%dma_wait3A_242, %dma_wait3A_243] : memref<10240x64xf32, #tpu.memory_space<vmem_shared>> -> memref<10240x64xf32, #tpu.memory_space<vmem_shared>>
      tpu.wait_indirect_dma semaphore(%arg20 : memref<!tpu.dma_semaphore, #tpu.memory_space<semaphore_mem>>) src(%arg10 : memref<125x64xf32, #tpu.memory_space<vmem>>) dst(%dma_wait3A_244 : memref<10240x64xf32, #tpu.memory_space<vmem_shared>>)
      %add3A_245 = arith.constant 3 : i32
      %add3A_246 = arith.addi %add3A_224, %add3A_245 : i32
      %lt3A_247 = arith.constant 80 : i32
      %lt3A_248 = arith.cmpi slt, %add3A_246, %lt3A_247 : i32
      %convert_element_type3A_249 = arith.extui %lt3A_248 : i1 to i32
      %cond3A_250 = arith.constant 0 : i32
      %cond3A_251 = arith.cmpi ne, %convert_element_type3A_249, %cond3A_250 : i32
      scf.if %cond3A_251 {
        %add3A_283 = arith.constant 3 : i32
        %add3A_284 = arith.addi %add3A_224, %add3A_283 : i32
        %dma_start3A_285 = arith.constant 0 : i32
        %dma_start3A_286 = tpu.memref_slice %arg7[%add3A_284, %dma_start3A_285] : memref<80x125xi32, #tpu.memory_space<vmem>> -> memref<1x125xi32, #tpu.memory_space<vmem>>
        %dma_start3A_287 = tpu.memref_squeeze %dma_start3A_286 : memref<1x125xi32, #tpu.memory_space<vmem>> -> memref<125xi32, #tpu.memory_space<vmem>>
        %dma_start3A_288 = arith.constant 0 : i32
        %dma_start3A_289 = arith.constant 0 : i32
        %dma_start3A_290 = tpu.memref_slice %arg2[%dma_start3A_288, %dma_start3A_289] : memref<10240x64xf32, #tpu.memory_space<hbm>> -> memref<10240x64xf32, #tpu.memory_space<hbm>>
        tpu.enqueue_indirect_dma source(%dma_start3A_290 : memref<10240x64xf32, #tpu.memory_space<hbm>>) target(%arg10 : memref<125x64xf32, #tpu.memory_space<vmem>>) offsets(%dma_start3A_287 : memref<125xi32, #tpu.memory_space<vmem>>) semaphore(%arg16 : memref<!tpu.dma_semaphore, #tpu.memory_space<semaphore_mem>>)
      } else {
      }
      %mul3A_252 = arith.constant 4 : i32
      %mul3A_253 = arith.muli %scan3A_165, %mul3A_252 : i32
      %add3A_254 = arith.constant 3 : i32
      %add3A_255 = arith.addi %mul3A_253, %add3A_254 : i32
      %dma_wait3A_256 = arith.constant 0 : i32
      %dma_wait3A_257 = tpu.memref_slice %arg7[%add3A_255, %dma_wait3A_256] : memref<80x125xi32, #tpu.memory_space<vmem>> -> memref<1x125xi32, #tpu.memory_space<vmem>>
      %dma_wait3A_258 = tpu.memref_squeeze %dma_wait3A_257 : memref<1x125xi32, #tpu.memory_space<vmem>> -> memref<125xi32, #tpu.memory_space<vmem>>
      %dma_wait3A_259 = arith.constant 0 : i32
      %dma_wait3A_260 = arith.constant 0 : i32
      %dma_wait3A_261 = tpu.memref_slice %arg2[%dma_wait3A_259, %dma_wait3A_260] : memref<10240x64xf32, #tpu.memory_space<hbm>> -> memref<10240x64xf32, #tpu.memory_space<hbm>>
      tpu.wait_indirect_dma semaphore(%arg18 : memref<!tpu.dma_semaphore, #tpu.memory_space<semaphore_mem>>) src(%dma_wait3A_261 : memref<10240x64xf32, #tpu.memory_space<hbm>>) dst(%arg12 : memref<125x64xf32, #tpu.memory_space<vmem>>)
      %dma_start3A_262 = arith.constant 0 : i32
      %dma_start3A_263 = tpu.memref_slice %arg8[%add3A_255, %dma_start3A_262] : memref<80x125xi32, #tpu.memory_space<vmem>> -> memref<1x125xi32, #tpu.memory_space<vmem>>
      %dma_start3A_264 = tpu.memref_squeeze %dma_start3A_263 : memref<1x125xi32, #tpu.memory_space<vmem>> -> memref<125xi32, #tpu.memory_space<vmem>>
      %dma_start3A_265 = arith.constant 0 : i32
      %dma_start3A_266 = arith.constant 0 : i32
      %dma_start3A_267 = tpu.memref_slice %arg14[%dma_start3A_265, %dma_start3A_266] : memref<10240x64xf32, #tpu.memory_space<vmem_shared>> -> memref<10240x64xf32, #tpu.memory_space<vmem_shared>>
      tpu.enqueue_indirect_dma source(%arg12 : memref<125x64xf32, #tpu.memory_space<vmem>>) target(%dma_start3A_267 : memref<10240x64xf32, #tpu.memory_space<vmem_shared>>) offsets(%dma_start3A_264 : memref<125xi32, #tpu.memory_space<vmem>>) semaphore(%arg22 : memref<!tpu.dma_semaphore, #tpu.memory_space<semaphore_mem>>) {add = true}
      %sub3A_268 = arith.constant 1 : i32
      %sub3A_269 = arith.subi %add3A_255, %sub3A_268 : i32
      %dma_wait3A_270 = arith.constant 0 : i32
      %dma_wait3A_271 = tpu.memref_slice %arg8[%sub3A_269, %dma_wait3A_270] : memref<80x125xi32, #tpu.memory_space<vmem>> -> memref<1x125xi32, #tpu.memory_space<vmem>>
      %dma_wait3A_272 = tpu.memref_squeeze %dma_wait3A_271 : memref<1x125xi32, #tpu.memory_space<vmem>> -> memref<125xi32, #tpu.memory_space<vmem>>
      %dma_wait3A_273 = arith.constant 0 : i32
      %dma_wait3A_274 = arith.constant 0 : i32
      %dma_wait3A_275 = tpu.memref_slice %arg14[%dma_wait3A_273, %dma_wait3A_274] : memref<10240x64xf32, #tpu.memory_space<vmem_shared>> -> memref<10240x64xf32, #tpu.memory_space<vmem_shared>>
      tpu.wait_indirect_dma semaphore(%arg21 : memref<!tpu.dma_semaphore, #tpu.memory_space<semaphore_mem>>) src(%arg11 : memref<125x64xf32, #tpu.memory_space<vmem>>) dst(%dma_wait3A_275 : memref<10240x64xf32, #tpu.memory_space<vmem_shared>>)
      %add3A_276 = arith.constant 3 : i32
      %add3A_277 = arith.addi %add3A_255, %add3A_276 : i32
      %lt3A_278 = arith.constant 80 : i32
      %lt3A_279 = arith.cmpi slt, %add3A_277, %lt3A_278 : i32
      %convert_element_type3A_280 = arith.extui %lt3A_279 : i1 to i32
      %cond3A_281 = arith.constant 0 : i32
      %cond3A_282 = arith.cmpi ne, %convert_element_type3A_280, %cond3A_281 : i32
      scf.if %cond3A_282 {
        %add3A_283 = arith.constant 3 : i32
        %add3A_284 = arith.addi %add3A_255, %add3A_283 : i32
        %dma_start3A_285 = arith.constant 0 : i32
        %dma_start3A_286 = tpu.memref_slice %arg7[%add3A_284, %dma_start3A_285] : memref<80x125xi32, #tpu.memory_space<vmem>> -> memref<1x125xi32, #tpu.memory_space<vmem>>
        %dma_start3A_287 = tpu.memref_squeeze %dma_start3A_286 : memref<1x125xi32, #tpu.memory_space<vmem>> -> memref<125xi32, #tpu.memory_space<vmem>>
        %dma_start3A_288 = arith.constant 0 : i32
        %dma_start3A_289 = arith.constant 0 : i32
        %dma_start3A_290 = tpu.memref_slice %arg2[%dma_start3A_288, %dma_start3A_289] : memref<10240x64xf32, #tpu.memory_space<hbm>> -> memref<10240x64xf32, #tpu.memory_space<hbm>>
        tpu.enqueue_indirect_dma source(%dma_start3A_290 : memref<10240x64xf32, #tpu.memory_space<hbm>>) target(%arg11 : memref<125x64xf32, #tpu.memory_space<vmem>>) offsets(%dma_start3A_287 : memref<125xi32, #tpu.memory_space<vmem>>) semaphore(%arg17 : memref<!tpu.dma_semaphore, #tpu.memory_space<semaphore_mem>>)
      } else {
      }
    }
    %scan3A_52 = arith.constant 20 : i32
    %dma_wait3A = arith.constant 79 : i32
    %dma_wait3A_53 = arith.constant 0 : i32
    %dma_wait3A_54 = tpu.memref_slice %arg8[%dma_wait3A, %dma_wait3A_53] : memref<80x125xi32, #tpu.memory_space<vmem>> -> memref<1x125xi32, #tpu.memory_space<vmem>>
    %dma_wait3A_55 = tpu.memref_squeeze %dma_wait3A_54 : memref<1x125xi32, #tpu.memory_space<vmem>> -> memref<125xi32, #tpu.memory_space<vmem>>
    %dma_wait3A_56 = arith.constant 0 : i32
    %dma_wait3A_57 = arith.constant 0 : i32
    %dma_wait3A_58 = tpu.memref_slice %arg14[%dma_wait3A_56, %dma_wait3A_57] : memref<10240x64xf32, #tpu.memory_space<vmem_shared>> -> memref<10240x64xf32, #tpu.memory_space<vmem_shared>>
    tpu.wait_indirect_dma semaphore(%arg22 : memref<!tpu.dma_semaphore, #tpu.memory_space<semaphore_mem>>) src(%arg12 : memref<125x64xf32, #tpu.memory_space<vmem>>) dst(%dma_wait3A_58 : memref<10240x64xf32, #tpu.memory_space<vmem_shared>>)
    %barrier3A_59 = arith.constant 0 : index
    tpu.barrier barrier_id(%barrier3A_59)
    %mul3A_60 = arith.constant 640 : i32
    %mul3A_61 = arith.muli %arg1, %mul3A_60 : i32
    %add3A_62 = arith.constant 0 : i32
    %add3A_63 = arith.addi %mul3A_61, %add3A_62 : i32
    %run_scoped3A = arith.constant 0 : i32
    "tpu.region"() ({
      %run_scoped3A_165 = tpu.sem_alloc : memref<!tpu.dma_semaphore, #tpu.memory_space<semaphore_mem>>
      %dma_start3A_166 = arith.constant 0 : i32
      %dma_start3A_167 = tpu.memref_slice %arg6[%run_scoped3A, %arg0, %add3A_63, %dma_start3A_166] : memref<2x2x10240x64xf32, #tpu.memory_space<hbm>> -> memref<1x1x128x64xf32, #tpu.memory_space<hbm>>
      %dma_start3A_168 = tpu.memref_squeeze %dma_start3A_167 : memref<1x1x128x64xf32, #tpu.memory_space<hbm>> -> memref<128x64xf32, #tpu.memory_space<hbm>>
      %dma_start3A_169 = arith.constant 0 : i32
      %dma_start3A_170 = tpu.memref_slice %arg14[%add3A_63, %dma_start3A_169] : memref<10240x64xf32, #tpu.memory_space<vmem_shared>> -> memref<128x64xf32, #tpu.memory_space<vmem_shared>>
      tpu.enqueue_dma source(%dma_start3A_170 : memref<128x64xf32, #tpu.memory_space<vmem_shared>>) target(%dma_start3A_168 : memref<128x64xf32, #tpu.memory_space<hbm>>) target_semaphore(%run_scoped3A_165 : memref<!tpu.dma_semaphore, #tpu.memory_space<semaphore_mem>>)
      %dma_wait3A_171 = arith.constant 0 : i32
      %dma_wait3A_172 = tpu.memref_slice %arg6[%run_scoped3A, %arg0, %add3A_63, %dma_wait3A_171] : memref<2x2x10240x64xf32, #tpu.memory_space<hbm>> -> memref<1x1x128x64xf32, #tpu.memory_space<hbm>>
      %dma_wait3A_173 = tpu.memref_squeeze %dma_wait3A_172 : memref<1x1x128x64xf32, #tpu.memory_space<hbm>> -> memref<128x64xf32, #tpu.memory_space<hbm>>
      %dma_wait3A_174 = arith.constant 0 : i32
      %dma_wait3A_175 = tpu.memref_slice %arg14[%add3A_63, %dma_wait3A_174] : memref<10240x64xf32, #tpu.memory_space<vmem_shared>> -> memref<128x64xf32, #tpu.memory_space<vmem_shared>>
      tpu.wait_dma2 semaphore(%run_scoped3A_165 : memref<!tpu.dma_semaphore, #tpu.memory_space<semaphore_mem>>) src(%dma_wait3A_175 : memref<128x64xf32, #tpu.memory_space<vmem_shared>>) dst(%dma_wait3A_173 : memref<128x64xf32, #tpu.memory_space<hbm>>)
      tpu.yield
    }) : () -> ()
    %mul3A_64 = arith.constant 640 : i32
    %mul3A_65 = arith.muli %arg1, %mul3A_64 : i32
    %add3A_66 = arith.constant 128 : i32
    %add3A_67 = arith.addi %mul3A_65, %add3A_66 : i32
    %run_scoped3A_68 = arith.constant 0 : i32
    "tpu.region"() ({
      %run_scoped3A_165 = tpu.sem_alloc : memref<!tpu.dma_semaphore, #tpu.memory_space<semaphore_mem>>
      %dma_start3A_166 = arith.constant 0 : i32
      %dma_start3A_167 = tpu.memref_slice %arg6[%run_scoped3A_68, %arg0, %add3A_67, %dma_start3A_166] : memref<2x2x10240x64xf32, #tpu.memory_space<hbm>> -> memref<1x1x128x64xf32, #tpu.memory_space<hbm>>
      %dma_start3A_168 = tpu.memref_squeeze %dma_start3A_167 : memref<1x1x128x64xf32, #tpu.memory_space<hbm>> -> memref<128x64xf32, #tpu.memory_space<hbm>>
      %dma_start3A_169 = arith.constant 0 : i32
      %dma_start3A_170 = tpu.memref_slice %arg14[%add3A_67, %dma_start3A_169] : memref<10240x64xf32, #tpu.memory_space<vmem_shared>> -> memref<128x64xf32, #tpu.memory_space<vmem_shared>>
      tpu.enqueue_dma source(%dma_start3A_170 : memref<128x64xf32, #tpu.memory_space<vmem_shared>>) target(%dma_start3A_168 : memref<128x64xf32, #tpu.memory_space<hbm>>) target_semaphore(%run_scoped3A_165 : memref<!tpu.dma_semaphore, #tpu.memory_space<semaphore_mem>>)
      %dma_wait3A_171 = arith.constant 0 : i32
      %dma_wait3A_172 = tpu.memref_slice %arg6[%run_scoped3A_68, %arg0, %add3A_67, %dma_wait3A_171] : memref<2x2x10240x64xf32, #tpu.memory_space<hbm>> -> memref<1x1x128x64xf32, #tpu.memory_space<hbm>>
      %dma_wait3A_173 = tpu.memref_squeeze %dma_wait3A_172 : memref<1x1x128x64xf32, #tpu.memory_space<hbm>> -> memref<128x64xf32, #tpu.memory_space<hbm>>
      %dma_wait3A_174 = arith.constant 0 : i32
      %dma_wait3A_175 = tpu.memref_slice %arg14[%add3A_67, %dma_wait3A_174] : memref<10240x64xf32, #tpu.memory_space<vmem_shared>> -> memref<128x64xf32, #tpu.memory_space<vmem_shared>>
      tpu.wait_dma2 semaphore(%run_scoped3A_165 : memref<!tpu.dma_semaphore, #tpu.memory_space<semaphore_mem>>) src(%dma_wait3A_175 : memref<128x64xf32, #tpu.memory_space<vmem_shared>>) dst(%dma_wait3A_173 : memref<128x64xf32, #tpu.memory_space<hbm>>)
      tpu.yield
    }) : () -> ()
    %mul3A_69 = arith.constant 640 : i32
    %mul3A_70 = arith.muli %arg1, %mul3A_69 : i32
    %add3A_71 = arith.constant 256 : i32
    %add3A_72 = arith.addi %mul3A_70, %add3A_71 : i32
    %run_scoped3A_73 = arith.constant 0 : i32
    "tpu.region"() ({
      %run_scoped3A_165 = tpu.sem_alloc : memref<!tpu.dma_semaphore, #tpu.memory_space<semaphore_mem>>
      %dma_start3A_166 = arith.constant 0 : i32
      %dma_start3A_167 = tpu.memref_slice %arg6[%run_scoped3A_73, %arg0, %add3A_72, %dma_start3A_166] : memref<2x2x10240x64xf32, #tpu.memory_space<hbm>> -> memref<1x1x128x64xf32, #tpu.memory_space<hbm>>
      %dma_start3A_168 = tpu.memref_squeeze %dma_start3A_167 : memref<1x1x128x64xf32, #tpu.memory_space<hbm>> -> memref<128x64xf32, #tpu.memory_space<hbm>>
      %dma_start3A_169 = arith.constant 0 : i32
      %dma_start3A_170 = tpu.memref_slice %arg14[%add3A_72, %dma_start3A_169] : memref<10240x64xf32, #tpu.memory_space<vmem_shared>> -> memref<128x64xf32, #tpu.memory_space<vmem_shared>>
      tpu.enqueue_dma source(%dma_start3A_170 : memref<128x64xf32, #tpu.memory_space<vmem_shared>>) target(%dma_start3A_168 : memref<128x64xf32, #tpu.memory_space<hbm>>) target_semaphore(%run_scoped3A_165 : memref<!tpu.dma_semaphore, #tpu.memory_space<semaphore_mem>>)
      %dma_wait3A_171 = arith.constant 0 : i32
      %dma_wait3A_172 = tpu.memref_slice %arg6[%run_scoped3A_73, %arg0, %add3A_72, %dma_wait3A_171] : memref<2x2x10240x64xf32, #tpu.memory_space<hbm>> -> memref<1x1x128x64xf32, #tpu.memory_space<hbm>>
      %dma_wait3A_173 = tpu.memref_squeeze %dma_wait3A_172 : memref<1x1x128x64xf32, #tpu.memory_space<hbm>> -> memref<128x64xf32, #tpu.memory_space<hbm>>
      %dma_wait3A_174 = arith.constant 0 : i32
      %dma_wait3A_175 = tpu.memref_slice %arg14[%add3A_72, %dma_wait3A_174] : memref<10240x64xf32, #tpu.memory_space<vmem_shared>> -> memref<128x64xf32, #tpu.memory_space<vmem_shared>>
      tpu.wait_dma2 semaphore(%run_scoped3A_165 : memref<!tpu.dma_semaphore, #tpu.memory_space<semaphore_mem>>) src(%dma_wait3A_175 : memref<128x64xf32, #tpu.memory_space<vmem_shared>>) dst(%dma_wait3A_173 : memref<128x64xf32, #tpu.memory_space<hbm>>)
      tpu.yield
    }) : () -> ()
    %mul3A_74 = arith.constant 640 : i32
    %mul3A_75 = arith.muli %arg1, %mul3A_74 : i32
    %add3A_76 = arith.constant 384 : i32
    %add3A_77 = arith.addi %mul3A_75, %add3A_76 : i32
    %run_scoped3A_78 = arith.constant 0 : i32
    "tpu.region"() ({
      %run_scoped3A_165 = tpu.sem_alloc : memref<!tpu.dma_semaphore, #tpu.memory_space<semaphore_mem>>
      %dma_start3A_166 = arith.constant 0 : i32
      %dma_start3A_167 = tpu.memref_slice %arg6[%run_scoped3A_78, %arg0, %add3A_77, %dma_start3A_166] : memref<2x2x10240x64xf32, #tpu.memory_space<hbm>> -> memref<1x1x128x64xf32, #tpu.memory_space<hbm>>
      %dma_start3A_168 = tpu.memref_squeeze %dma_start3A_167 : memref<1x1x128x64xf32, #tpu.memory_space<hbm>> -> memref<128x64xf32, #tpu.memory_space<hbm>>
      %dma_start3A_169 = arith.constant 0 : i32
      %dma_start3A_170 = tpu.memref_slice %arg14[%add3A_77, %dma_start3A_169] : memref<10240x64xf32, #tpu.memory_space<vmem_shared>> -> memref<128x64xf32, #tpu.memory_space<vmem_shared>>
      tpu.enqueue_dma source(%dma_start3A_170 : memref<128x64xf32, #tpu.memory_space<vmem_shared>>) target(%dma_start3A_168 : memref<128x64xf32, #tpu.memory_space<hbm>>) target_semaphore(%run_scoped3A_165 : memref<!tpu.dma_semaphore, #tpu.memory_space<semaphore_mem>>)
      %dma_wait3A_171 = arith.constant 0 : i32
      %dma_wait3A_172 = tpu.memref_slice %arg6[%run_scoped3A_78, %arg0, %add3A_77, %dma_wait3A_171] : memref<2x2x10240x64xf32, #tpu.memory_space<hbm>> -> memref<1x1x128x64xf32, #tpu.memory_space<hbm>>
      %dma_wait3A_173 = tpu.memref_squeeze %dma_wait3A_172 : memref<1x1x128x64xf32, #tpu.memory_space<hbm>> -> memref<128x64xf32, #tpu.memory_space<hbm>>
      %dma_wait3A_174 = arith.constant 0 : i32
      %dma_wait3A_175 = tpu.memref_slice %arg14[%add3A_77, %dma_wait3A_174] : memref<10240x64xf32, #tpu.memory_space<vmem_shared>> -> memref<128x64xf32, #tpu.memory_space<vmem_shared>>
      tpu.wait_dma2 semaphore(%run_scoped3A_165 : memref<!tpu.dma_semaphore, #tpu.memory_space<semaphore_mem>>) src(%dma_wait3A_175 : memref<128x64xf32, #tpu.memory_space<vmem_shared>>) dst(%dma_wait3A_173 : memref<128x64xf32, #tpu.memory_space<hbm>>)
      tpu.yield
    }) : () -> ()
    %mul3A_79 = arith.constant 640 : i32
    %mul3A_80 = arith.muli %arg1, %mul3A_79 : i32
    %add3A_81 = arith.constant 512 : i32
    %add3A_82 = arith.addi %mul3A_80, %add3A_81 : i32
    %run_scoped3A_83 = arith.constant 0 : i32
    "tpu.region"() ({
      %run_scoped3A_165 = tpu.sem_alloc : memref<!tpu.dma_semaphore, #tpu.memory_space<semaphore_mem>>
      %dma_start3A_166 = arith.constant 0 : i32
      %dma_start3A_167 = tpu.memref_slice %arg6[%run_scoped3A_83, %arg0, %add3A_82, %dma_start3A_166] : memref<2x2x10240x64xf32, #tpu.memory_space<hbm>> -> memref<1x1x128x64xf32, #tpu.memory_space<hbm>>
      %dma_start3A_168 = tpu.memref_squeeze %dma_start3A_167 : memref<1x1x128x64xf32, #tpu.memory_space<hbm>> -> memref<128x64xf32, #tpu.memory_space<hbm>>
      %dma_start3A_169 = arith.constant 0 : i32
      %dma_start3A_170 = tpu.memref_slice %arg14[%add3A_82, %dma_start3A_169] : memref<10240x64xf32, #tpu.memory_space<vmem_shared>> -> memref<128x64xf32, #tpu.memory_space<vmem_shared>>
      tpu.enqueue_dma source(%dma_start3A_170 : memref<128x64xf32, #tpu.memory_space<vmem_shared>>) target(%dma_start3A_168 : memref<128x64xf32, #tpu.memory_space<hbm>>) target_semaphore(%run_scoped3A_165 : memref<!tpu.dma_semaphore, #tpu.memory_space<semaphore_mem>>)
      %dma_wait3A_171 = arith.constant 0 : i32
      %dma_wait3A_172 = tpu.memref_slice %arg6[%run_scoped3A_83, %arg0, %add3A_82, %dma_wait3A_171] : memref<2x2x10240x64xf32, #tpu.memory_space<hbm>> -> memref<1x1x128x64xf32, #tpu.memory_space<hbm>>
      %dma_wait3A_173 = tpu.memref_squeeze %dma_wait3A_172 : memref<1x1x128x64xf32, #tpu.memory_space<hbm>> -> memref<128x64xf32, #tpu.memory_space<hbm>>
      %dma_wait3A_174 = arith.constant 0 : i32
      %dma_wait3A_175 = tpu.memref_slice %arg14[%add3A_82, %dma_wait3A_174] : memref<10240x64xf32, #tpu.memory_space<vmem_shared>> -> memref<128x64xf32, #tpu.memory_space<vmem_shared>>
      tpu.wait_dma2 semaphore(%run_scoped3A_165 : memref<!tpu.dma_semaphore, #tpu.memory_space<semaphore_mem>>) src(%dma_wait3A_175 : memref<128x64xf32, #tpu.memory_space<vmem_shared>>) dst(%dma_wait3A_173 : memref<128x64xf32, #tpu.memory_space<hbm>>)
      tpu.yield
    }) : () -> ()
    %mul3A_84 = arith.constant 640 : i32
    %mul3A_85 = arith.muli %arg1, %mul3A_84 : i32
    %add3A_86 = arith.constant 0 : i32
    %add3A_87 = arith.addi %mul3A_85, %add3A_86 : i32
    "tpu.region"() ({
      %run_scoped3A_165 = tpu.sem_alloc : memref<!tpu.dma_semaphore, #tpu.memory_space<semaphore_mem>>
      %dma_start3A_166 = arith.constant 0 : i32
      %dma_start3A_167 = tpu.memref_slice %arg14[%add3A_87, %dma_start3A_166] : memref<10240x64xf32, #tpu.memory_space<vmem_shared>> -> memref<128x64xf32, #tpu.memory_space<vmem_shared>>
      %dma_start3A_168 = arith.constant 0 : i32
      %dma_start3A_169 = tpu.memref_slice %arg14[%add3A_87, %dma_start3A_168] : memref<10240x64xf32, #tpu.memory_space<vmem_shared>> -> memref<128x64xf32, #tpu.memory_space<vmem_shared>>
      tpu.enqueue_dma source(%arg13 : memref<128x64xf32, #tpu.memory_space<vmem>>) target(%dma_start3A_169 : memref<128x64xf32, #tpu.memory_space<vmem_shared>>) target_semaphore(%run_scoped3A_165 : memref<!tpu.dma_semaphore, #tpu.memory_space<semaphore_mem>>)
      %dma_wait3A_170 = arith.constant 0 : i32
      %dma_wait3A_171 = tpu.memref_slice %arg14[%add3A_87, %dma_wait3A_170] : memref<10240x64xf32, #tpu.memory_space<vmem_shared>> -> memref<128x64xf32, #tpu.memory_space<vmem_shared>>
      %dma_wait3A_172 = arith.constant 0 : i32
      %dma_wait3A_173 = tpu.memref_slice %arg14[%add3A_87, %dma_wait3A_172] : memref<10240x64xf32, #tpu.memory_space<vmem_shared>> -> memref<128x64xf32, #tpu.memory_space<vmem_shared>>
      tpu.wait_dma2 semaphore(%run_scoped3A_165 : memref<!tpu.dma_semaphore, #tpu.memory_space<semaphore_mem>>) src(%arg13 : memref<128x64xf32, #tpu.memory_space<vmem>>) dst(%dma_wait3A_173 : memref<128x64xf32, #tpu.memory_space<vmem_shared>>)
      tpu.yield
    }) : () -> ()
    %mul3A_88 = arith.constant 640 : i32
    %mul3A_89 = arith.muli %arg1, %mul3A_88 : i32
    %add3A_90 = arith.constant 128 : i32
    %add3A_91 = arith.addi %mul3A_89, %add3A_90 : i32
    "tpu.region"() ({
      %run_scoped3A_165 = tpu.sem_alloc : memref<!tpu.dma_semaphore, #tpu.memory_space<semaphore_mem>>
      %dma_start3A_166 = arith.constant 0 : i32
      %dma_start3A_167 = tpu.memref_slice %arg14[%add3A_91, %dma_start3A_166] : memref<10240x64xf32, #tpu.memory_space<vmem_shared>> -> memref<128x64xf32, #tpu.memory_space<vmem_shared>>
      %dma_start3A_168 = arith.constant 0 : i32
      %dma_start3A_169 = tpu.memref_slice %arg14[%add3A_91, %dma_start3A_168] : memref<10240x64xf32, #tpu.memory_space<vmem_shared>> -> memref<128x64xf32, #tpu.memory_space<vmem_shared>>
      tpu.enqueue_dma source(%arg13 : memref<128x64xf32, #tpu.memory_space<vmem>>) target(%dma_start3A_169 : memref<128x64xf32, #tpu.memory_space<vmem_shared>>) target_semaphore(%run_scoped3A_165 : memref<!tpu.dma_semaphore, #tpu.memory_space<semaphore_mem>>)
      %dma_wait3A_170 = arith.constant 0 : i32
      %dma_wait3A_171 = tpu.memref_slice %arg14[%add3A_91, %dma_wait3A_170] : memref<10240x64xf32, #tpu.memory_space<vmem_shared>> -> memref<128x64xf32, #tpu.memory_space<vmem_shared>>
      %dma_wait3A_172 = arith.constant 0 : i32
      %dma_wait3A_173 = tpu.memref_slice %arg14[%add3A_91, %dma_wait3A_172] : memref<10240x64xf32, #tpu.memory_space<vmem_shared>> -> memref<128x64xf32, #tpu.memory_space<vmem_shared>>
      tpu.wait_dma2 semaphore(%run_scoped3A_165 : memref<!tpu.dma_semaphore, #tpu.memory_space<semaphore_mem>>) src(%arg13 : memref<128x64xf32, #tpu.memory_space<vmem>>) dst(%dma_wait3A_173 : memref<128x64xf32, #tpu.memory_space<vmem_shared>>)
      tpu.yield
    }) : () -> ()
    %mul3A_92 = arith.constant 640 : i32
    %mul3A_93 = arith.muli %arg1, %mul3A_92 : i32
    %add3A_94 = arith.constant 256 : i32
    %add3A_95 = arith.addi %mul3A_93, %add3A_94 : i32
    "tpu.region"() ({
      %run_scoped3A_165 = tpu.sem_alloc : memref<!tpu.dma_semaphore, #tpu.memory_space<semaphore_mem>>
      %dma_start3A_166 = arith.constant 0 : i32
      %dma_start3A_167 = tpu.memref_slice %arg14[%add3A_95, %dma_start3A_166] : memref<10240x64xf32, #tpu.memory_space<vmem_shared>> -> memref<128x64xf32, #tpu.memory_space<vmem_shared>>
      %dma_start3A_168 = arith.constant 0 : i32
      %dma_start3A_169 = tpu.memref_slice %arg14[%add3A_95, %dma_start3A_168] : memref<10240x64xf32, #tpu.memory_space<vmem_shared>> -> memref<128x64xf32, #tpu.memory_space<vmem_shared>>
      tpu.enqueue_dma source(%arg13 : memref<128x64xf32, #tpu.memory_space<vmem>>) target(%dma_start3A_169 : memref<128x64xf32, #tpu.memory_space<vmem_shared>>) target_semaphore(%run_scoped3A_165 : memref<!tpu.dma_semaphore, #tpu.memory_space<semaphore_mem>>)
      %dma_wait3A_170 = arith.constant 0 : i32
      %dma_wait3A_171 = tpu.memref_slice %arg14[%add3A_95, %dma_wait3A_170] : memref<10240x64xf32, #tpu.memory_space<vmem_shared>> -> memref<128x64xf32, #tpu.memory_space<vmem_shared>>
      %dma_wait3A_172 = arith.constant 0 : i32
      %dma_wait3A_173 = tpu.memref_slice %arg14[%add3A_95, %dma_wait3A_172] : memref<10240x64xf32, #tpu.memory_space<vmem_shared>> -> memref<128x64xf32, #tpu.memory_space<vmem_shared>>
      tpu.wait_dma2 semaphore(%run_scoped3A_165 : memref<!tpu.dma_semaphore, #tpu.memory_space<semaphore_mem>>) src(%arg13 : memref<128x64xf32, #tpu.memory_space<vmem>>) dst(%dma_wait3A_173 : memref<128x64xf32, #tpu.memory_space<vmem_shared>>)
      tpu.yield
    }) : () -> ()
    %mul3A_96 = arith.constant 640 : i32
    %mul3A_97 = arith.muli %arg1, %mul3A_96 : i32
    %add3A_98 = arith.constant 384 : i32
    %add3A_99 = arith.addi %mul3A_97, %add3A_98 : i32
    "tpu.region"() ({
      %run_scoped3A_165 = tpu.sem_alloc : memref<!tpu.dma_semaphore, #tpu.memory_space<semaphore_mem>>
      %dma_start3A_166 = arith.constant 0 : i32
      %dma_start3A_167 = tpu.memref_slice %arg14[%add3A_99, %dma_start3A_166] : memref<10240x64xf32, #tpu.memory_space<vmem_shared>> -> memref<128x64xf32, #tpu.memory_space<vmem_shared>>
      %dma_start3A_168 = arith.constant 0 : i32
      %dma_start3A_169 = tpu.memref_slice %arg14[%add3A_99, %dma_start3A_168] : memref<10240x64xf32, #tpu.memory_space<vmem_shared>> -> memref<128x64xf32, #tpu.memory_space<vmem_shared>>
      tpu.enqueue_dma source(%arg13 : memref<128x64xf32, #tpu.memory_space<vmem>>) target(%dma_start3A_169 : memref<128x64xf32, #tpu.memory_space<vmem_shared>>) target_semaphore(%run_scoped3A_165 : memref<!tpu.dma_semaphore, #tpu.memory_space<semaphore_mem>>)
      %dma_wait3A_170 = arith.constant 0 : i32
      %dma_wait3A_171 = tpu.memref_slice %arg14[%add3A_99, %dma_wait3A_170] : memref<10240x64xf32, #tpu.memory_space<vmem_shared>> -> memref<128x64xf32, #tpu.memory_space<vmem_shared>>
      %dma_wait3A_172 = arith.constant 0 : i32
      %dma_wait3A_173 = tpu.memref_slice %arg14[%add3A_99, %dma_wait3A_172] : memref<10240x64xf32, #tpu.memory_space<vmem_shared>> -> memref<128x64xf32, #tpu.memory_space<vmem_shared>>
      tpu.wait_dma2 semaphore(%run_scoped3A_165 : memref<!tpu.dma_semaphore, #tpu.memory_space<semaphore_mem>>) src(%arg13 : memref<128x64xf32, #tpu.memory_space<vmem>>) dst(%dma_wait3A_173 : memref<128x64xf32, #tpu.memory_space<vmem_shared>>)
      tpu.yield
    }) : () -> ()
    %mul3A_100 = arith.constant 640 : i32
    %mul3A_101 = arith.muli %arg1, %mul3A_100 : i32
    %add3A_102 = arith.constant 512 : i32
    %add3A_103 = arith.addi %mul3A_101, %add3A_102 : i32
    "tpu.region"() ({
      %run_scoped3A_165 = tpu.sem_alloc : memref<!tpu.dma_semaphore, #tpu.memory_space<semaphore_mem>>
      %dma_start3A_166 = arith.constant 0 : i32
      %dma_start3A_167 = tpu.memref_slice %arg14[%add3A_103, %dma_start3A_166] : memref<10240x64xf32, #tpu.memory_space<vmem_shared>> -> memref<128x64xf32, #tpu.memory_space<vmem_shared>>
      %dma_start3A_168 = arith.constant 0 : i32
      %dma_start3A_169 = tpu.memref_slice %arg14[%add3A_103, %dma_start3A_168] : memref<10240x64xf32, #tpu.memory_space<vmem_shared>> -> memref<128x64xf32, #tpu.memory_space<vmem_shared>>
      tpu.enqueue_dma source(%arg13 : memref<128x64xf32, #tpu.memory_space<vmem>>) target(%dma_start3A_169 : memref<128x64xf32, #tpu.memory_space<vmem_shared>>) target_semaphore(%run_scoped3A_165 : memref<!tpu.dma_semaphore, #tpu.memory_space<semaphore_mem>>)
      %dma_wait3A_170 = arith.constant 0 : i32
      %dma_wait3A_171 = tpu.memref_slice %arg14[%add3A_103, %dma_wait3A_170] : memref<10240x64xf32, #tpu.memory_space<vmem_shared>> -> memref<128x64xf32, #tpu.memory_space<vmem_shared>>
      %dma_wait3A_172 = arith.constant 0 : i32
      %dma_wait3A_173 = tpu.memref_slice %arg14[%add3A_103, %dma_wait3A_172] : memref<10240x64xf32, #tpu.memory_space<vmem_shared>> -> memref<128x64xf32, #tpu.memory_space<vmem_shared>>
      tpu.wait_dma2 semaphore(%run_scoped3A_165 : memref<!tpu.dma_semaphore, #tpu.memory_space<semaphore_mem>>) src(%arg13 : memref<128x64xf32, #tpu.memory_space<vmem>>) dst(%dma_wait3A_173 : memref<128x64xf32, #tpu.memory_space<vmem_shared>>)
      tpu.yield
    }) : () -> ()
    %barrier3A_104 = arith.constant 0 : index
    tpu.barrier barrier_id(%barrier3A_104)
    %dma_start3A_105 = arith.constant 0 : i32
    %dma_start3A_106 = arith.constant 0 : i32
    %dma_start3A_107 = tpu.memref_slice %arg7[%dma_start3A_105, %dma_start3A_106] : memref<80x125xi32, #tpu.memory_space<vmem>> -> memref<1x125xi32, #tpu.memory_space<vmem>>
    %dma_start3A_108 = tpu.memref_squeeze %dma_start3A_107 : memref<1x125xi32, #tpu.memory_space<vmem>> -> memref<125xi32, #tpu.memory_space<vmem>>
    %dma_start3A_109 = arith.constant 0 : i32
    %dma_start3A_110 = arith.constant 0 : i32
    %dma_start3A_111 = tpu.memref_slice %arg3[%dma_start3A_109, %dma_start3A_110] : memref<10240x64xf32, #tpu.memory_space<hbm>> -> memref<10240x64xf32, #tpu.memory_space<hbm>>
    tpu.enqueue_indirect_dma source(%dma_start3A_111 : memref<10240x64xf32, #tpu.memory_space<hbm>>) target(%arg9 : memref<125x64xf32, #tpu.memory_space<vmem>>) offsets(%dma_start3A_108 : memref<125xi32, #tpu.memory_space<vmem>>) semaphore(%arg15 : memref<!tpu.dma_semaphore, #tpu.memory_space<semaphore_mem>>)
    %dma_start3A_112 = arith.constant 1 : i32
    %dma_start3A_113 = arith.constant 0 : i32
    %dma_start3A_114 = tpu.memref_slice %arg7[%dma_start3A_112, %dma_start3A_113] : memref<80x125xi32, #tpu.memory_space<vmem>> -> memref<1x125xi32, #tpu.memory_space<vmem>>
    %dma_start3A_115 = tpu.memref_squeeze %dma_start3A_114 : memref<1x125xi32, #tpu.memory_space<vmem>> -> memref<125xi32, #tpu.memory_space<vmem>>
    %dma_start3A_116 = arith.constant 0 : i32
    %dma_start3A_117 = arith.constant 0 : i32
    %dma_start3A_118 = tpu.memref_slice %arg3[%dma_start3A_116, %dma_start3A_117] : memref<10240x64xf32, #tpu.memory_space<hbm>> -> memref<10240x64xf32, #tpu.memory_space<hbm>>
    tpu.enqueue_indirect_dma source(%dma_start3A_118 : memref<10240x64xf32, #tpu.memory_space<hbm>>) target(%arg10 : memref<125x64xf32, #tpu.memory_space<vmem>>) offsets(%dma_start3A_115 : memref<125xi32, #tpu.memory_space<vmem>>) semaphore(%arg16 : memref<!tpu.dma_semaphore, #tpu.memory_space<semaphore_mem>>)
    %dma_start3A_119 = arith.constant 2 : i32
    %dma_start3A_120 = arith.constant 0 : i32
    %dma_start3A_121 = tpu.memref_slice %arg7[%dma_start3A_119, %dma_start3A_120] : memref<80x125xi32, #tpu.memory_space<vmem>> -> memref<1x125xi32, #tpu.memory_space<vmem>>
    %dma_start3A_122 = tpu.memref_squeeze %dma_start3A_121 : memref<1x125xi32, #tpu.memory_space<vmem>> -> memref<125xi32, #tpu.memory_space<vmem>>
    %dma_start3A_123 = arith.constant 0 : i32
    %dma_start3A_124 = arith.constant 0 : i32
    %dma_start3A_125 = tpu.memref_slice %arg3[%dma_start3A_123, %dma_start3A_124] : memref<10240x64xf32, #tpu.memory_space<hbm>> -> memref<10240x64xf32, #tpu.memory_space<hbm>>
    tpu.enqueue_indirect_dma source(%dma_start3A_125 : memref<10240x64xf32, #tpu.memory_space<hbm>>) target(%arg11 : memref<125x64xf32, #tpu.memory_space<vmem>>) offsets(%dma_start3A_122 : memref<125xi32, #tpu.memory_space<vmem>>) semaphore(%arg17 : memref<!tpu.dma_semaphore, #tpu.memory_space<semaphore_mem>>)
    %scan3A_126 = arith.constant 0 : i32
    %scan3A_127 = arith.constant 0 : i32
    %scan3A_128 = arith.constant 20 : i32
    %scan3A_129 = arith.addi %scan3A_127, %scan3A_128 : i32
    %scan3A_130 = arith.constant 1 : i32
    scf.for %scan3A_165 = %scan3A_127 to %scan3A_129 step %scan3A_130  : i32 {
      %mul3A_166 = arith.constant 4 : i32
      %mul3A_167 = arith.muli %scan3A_165, %mul3A_166 : i32
      %add3A_168 = arith.constant 0 : i32
      %add3A_169 = arith.addi %mul3A_167, %add3A_168 : i32
      %dma_wait3A_170 = arith.constant 0 : i32
      %dma_wait3A_171 = tpu.memref_slice %arg7[%add3A_169, %dma_wait3A_170] : memref<80x125xi32, #tpu.memory_space<vmem>> -> memref<1x125xi32, #tpu.memory_space<vmem>>
      %dma_wait3A_172 = tpu.memref_squeeze %dma_wait3A_171 : memref<1x125xi32, #tpu.memory_space<vmem>> -> memref<125xi32, #tpu.memory_space<vmem>>
      %dma_wait3A_173 = arith.constant 0 : i32
      %dma_wait3A_174 = arith.constant 0 : i32
      %dma_wait3A_175 = tpu.memref_slice %arg3[%dma_wait3A_173, %dma_wait3A_174] : memref<10240x64xf32, #tpu.memory_space<hbm>> -> memref<10240x64xf32, #tpu.memory_space<hbm>>
      tpu.wait_indirect_dma semaphore(%arg15 : memref<!tpu.dma_semaphore, #tpu.memory_space<semaphore_mem>>) src(%dma_wait3A_175 : memref<10240x64xf32, #tpu.memory_space<hbm>>) dst(%arg9 : memref<125x64xf32, #tpu.memory_space<vmem>>)
      %dma_start3A_176 = arith.constant 0 : i32
      %dma_start3A_177 = tpu.memref_slice %arg8[%add3A_169, %dma_start3A_176] : memref<80x125xi32, #tpu.memory_space<vmem>> -> memref<1x125xi32, #tpu.memory_space<vmem>>
      %dma_start3A_178 = tpu.memref_squeeze %dma_start3A_177 : memref<1x125xi32, #tpu.memory_space<vmem>> -> memref<125xi32, #tpu.memory_space<vmem>>
      %dma_start3A_179 = arith.constant 0 : i32
      %dma_start3A_180 = arith.constant 0 : i32
      %dma_start3A_181 = tpu.memref_slice %arg14[%dma_start3A_179, %dma_start3A_180] : memref<10240x64xf32, #tpu.memory_space<vmem_shared>> -> memref<10240x64xf32, #tpu.memory_space<vmem_shared>>
      tpu.enqueue_indirect_dma source(%arg9 : memref<125x64xf32, #tpu.memory_space<vmem>>) target(%dma_start3A_181 : memref<10240x64xf32, #tpu.memory_space<vmem_shared>>) offsets(%dma_start3A_178 : memref<125xi32, #tpu.memory_space<vmem>>) semaphore(%arg19 : memref<!tpu.dma_semaphore, #tpu.memory_space<semaphore_mem>>) {add = true}
      %ge3A = arith.constant 1 : i32
      %ge3A_182 = arith.cmpi sge, %add3A_169, %ge3A : i32
      %convert_element_type3A = arith.extui %ge3A_182 : i1 to i32
      %cond3A = arith.constant 0 : i32
      %cond3A_183 = arith.cmpi ne, %convert_element_type3A, %cond3A : i32
      scf.if %cond3A_183 {
        %sub3A_283 = arith.constant 1 : i32
        %sub3A_284 = arith.subi %add3A_169, %sub3A_283 : i32
        %dma_wait3A_285 = arith.constant 0 : i32
        %dma_wait3A_286 = tpu.memref_slice %arg8[%sub3A_284, %dma_wait3A_285] : memref<80x125xi32, #tpu.memory_space<vmem>> -> memref<1x125xi32, #tpu.memory_space<vmem>>
        %dma_wait3A_287 = tpu.memref_squeeze %dma_wait3A_286 : memref<1x125xi32, #tpu.memory_space<vmem>> -> memref<125xi32, #tpu.memory_space<vmem>>
        %dma_wait3A_288 = arith.constant 0 : i32
        %dma_wait3A_289 = arith.constant 0 : i32
        %dma_wait3A_290 = tpu.memref_slice %arg14[%dma_wait3A_288, %dma_wait3A_289] : memref<10240x64xf32, #tpu.memory_space<vmem_shared>> -> memref<10240x64xf32, #tpu.memory_space<vmem_shared>>
        tpu.wait_indirect_dma semaphore(%arg22 : memref<!tpu.dma_semaphore, #tpu.memory_space<semaphore_mem>>) src(%arg12 : memref<125x64xf32, #tpu.memory_space<vmem>>) dst(%dma_wait3A_290 : memref<10240x64xf32, #tpu.memory_space<vmem_shared>>)
      } else {
      }
      %add3A_184 = arith.constant 3 : i32
      %add3A_185 = arith.addi %add3A_169, %add3A_184 : i32
      %dma_start3A_186 = arith.constant 0 : i32
      %dma_start3A_187 = tpu.memref_slice %arg7[%add3A_185, %dma_start3A_186] : memref<80x125xi32, #tpu.memory_space<vmem>> -> memref<1x125xi32, #tpu.memory_space<vmem>>
      %dma_start3A_188 = tpu.memref_squeeze %dma_start3A_187 : memref<1x125xi32, #tpu.memory_space<vmem>> -> memref<125xi32, #tpu.memory_space<vmem>>
      %dma_start3A_189 = arith.constant 0 : i32
      %dma_start3A_190 = arith.constant 0 : i32
      %dma_start3A_191 = tpu.memref_slice %arg3[%dma_start3A_189, %dma_start3A_190] : memref<10240x64xf32, #tpu.memory_space<hbm>> -> memref<10240x64xf32, #tpu.memory_space<hbm>>
      tpu.enqueue_indirect_dma source(%dma_start3A_191 : memref<10240x64xf32, #tpu.memory_space<hbm>>) target(%arg12 : memref<125x64xf32, #tpu.memory_space<vmem>>) offsets(%dma_start3A_188 : memref<125xi32, #tpu.memory_space<vmem>>) semaphore(%arg18 : memref<!tpu.dma_semaphore, #tpu.memory_space<semaphore_mem>>)
      %mul3A_192 = arith.constant 4 : i32
      %mul3A_193 = arith.muli %scan3A_165, %mul3A_192 : i32
      %add3A_194 = arith.constant 1 : i32
      %add3A_195 = arith.addi %mul3A_193, %add3A_194 : i32
      %dma_wait3A_196 = arith.constant 0 : i32
      %dma_wait3A_197 = tpu.memref_slice %arg7[%add3A_195, %dma_wait3A_196] : memref<80x125xi32, #tpu.memory_space<vmem>> -> memref<1x125xi32, #tpu.memory_space<vmem>>
      %dma_wait3A_198 = tpu.memref_squeeze %dma_wait3A_197 : memref<1x125xi32, #tpu.memory_space<vmem>> -> memref<125xi32, #tpu.memory_space<vmem>>
      %dma_wait3A_199 = arith.constant 0 : i32
      %dma_wait3A_200 = arith.constant 0 : i32
      %dma_wait3A_201 = tpu.memref_slice %arg3[%dma_wait3A_199, %dma_wait3A_200] : memref<10240x64xf32, #tpu.memory_space<hbm>> -> memref<10240x64xf32, #tpu.memory_space<hbm>>
      tpu.wait_indirect_dma semaphore(%arg16 : memref<!tpu.dma_semaphore, #tpu.memory_space<semaphore_mem>>) src(%dma_wait3A_201 : memref<10240x64xf32, #tpu.memory_space<hbm>>) dst(%arg10 : memref<125x64xf32, #tpu.memory_space<vmem>>)
      %dma_start3A_202 = arith.constant 0 : i32
      %dma_start3A_203 = tpu.memref_slice %arg8[%add3A_195, %dma_start3A_202] : memref<80x125xi32, #tpu.memory_space<vmem>> -> memref<1x125xi32, #tpu.memory_space<vmem>>
      %dma_start3A_204 = tpu.memref_squeeze %dma_start3A_203 : memref<1x125xi32, #tpu.memory_space<vmem>> -> memref<125xi32, #tpu.memory_space<vmem>>
      %dma_start3A_205 = arith.constant 0 : i32
      %dma_start3A_206 = arith.constant 0 : i32
      %dma_start3A_207 = tpu.memref_slice %arg14[%dma_start3A_205, %dma_start3A_206] : memref<10240x64xf32, #tpu.memory_space<vmem_shared>> -> memref<10240x64xf32, #tpu.memory_space<vmem_shared>>
      tpu.enqueue_indirect_dma source(%arg10 : memref<125x64xf32, #tpu.memory_space<vmem>>) target(%dma_start3A_207 : memref<10240x64xf32, #tpu.memory_space<vmem_shared>>) offsets(%dma_start3A_204 : memref<125xi32, #tpu.memory_space<vmem>>) semaphore(%arg20 : memref<!tpu.dma_semaphore, #tpu.memory_space<semaphore_mem>>) {add = true}
      %sub3A = arith.constant 1 : i32
      %sub3A_208 = arith.subi %add3A_195, %sub3A : i32
      %dma_wait3A_209 = arith.constant 0 : i32
      %dma_wait3A_210 = tpu.memref_slice %arg8[%sub3A_208, %dma_wait3A_209] : memref<80x125xi32, #tpu.memory_space<vmem>> -> memref<1x125xi32, #tpu.memory_space<vmem>>
      %dma_wait3A_211 = tpu.memref_squeeze %dma_wait3A_210 : memref<1x125xi32, #tpu.memory_space<vmem>> -> memref<125xi32, #tpu.memory_space<vmem>>
      %dma_wait3A_212 = arith.constant 0 : i32
      %dma_wait3A_213 = arith.constant 0 : i32
      %dma_wait3A_214 = tpu.memref_slice %arg14[%dma_wait3A_212, %dma_wait3A_213] : memref<10240x64xf32, #tpu.memory_space<vmem_shared>> -> memref<10240x64xf32, #tpu.memory_space<vmem_shared>>
      tpu.wait_indirect_dma semaphore(%arg19 : memref<!tpu.dma_semaphore, #tpu.memory_space<semaphore_mem>>) src(%arg9 : memref<125x64xf32, #tpu.memory_space<vmem>>) dst(%dma_wait3A_214 : memref<10240x64xf32, #tpu.memory_space<vmem_shared>>)
      %add3A_215 = arith.constant 3 : i32
      %add3A_216 = arith.addi %add3A_195, %add3A_215 : i32
      %lt3A = arith.constant 80 : i32
      %lt3A_217 = arith.cmpi slt, %add3A_216, %lt3A : i32
      %convert_element_type3A_218 = arith.extui %lt3A_217 : i1 to i32
      %cond3A_219 = arith.constant 0 : i32
      %cond3A_220 = arith.cmpi ne, %convert_element_type3A_218, %cond3A_219 : i32
      scf.if %cond3A_220 {
        %add3A_283 = arith.constant 3 : i32
        %add3A_284 = arith.addi %add3A_195, %add3A_283 : i32
        %dma_start3A_285 = arith.constant 0 : i32
        %dma_start3A_286 = tpu.memref_slice %arg7[%add3A_284, %dma_start3A_285] : memref<80x125xi32, #tpu.memory_space<vmem>> -> memref<1x125xi32, #tpu.memory_space<vmem>>
        %dma_start3A_287 = tpu.memref_squeeze %dma_start3A_286 : memref<1x125xi32, #tpu.memory_space<vmem>> -> memref<125xi32, #tpu.memory_space<vmem>>
        %dma_start3A_288 = arith.constant 0 : i32
        %dma_start3A_289 = arith.constant 0 : i32
        %dma_start3A_290 = tpu.memref_slice %arg3[%dma_start3A_288, %dma_start3A_289] : memref<10240x64xf32, #tpu.memory_space<hbm>> -> memref<10240x64xf32, #tpu.memory_space<hbm>>
        tpu.enqueue_indirect_dma source(%dma_start3A_290 : memref<10240x64xf32, #tpu.memory_space<hbm>>) target(%arg9 : memref<125x64xf32, #tpu.memory_space<vmem>>) offsets(%dma_start3A_287 : memref<125xi32, #tpu.memory_space<vmem>>) semaphore(%arg15 : memref<!tpu.dma_semaphore, #tpu.memory_space<semaphore_mem>>)
      } else {
      }
      %mul3A_221 = arith.constant 4 : i32
      %mul3A_222 = arith.muli %scan3A_165, %mul3A_221 : i32
      %add3A_223 = arith.constant 2 : i32
      %add3A_224 = arith.addi %mul3A_222, %add3A_223 : i32
      %dma_wait3A_225 = arith.constant 0 : i32
      %dma_wait3A_226 = tpu.memref_slice %arg7[%add3A_224, %dma_wait3A_225] : memref<80x125xi32, #tpu.memory_space<vmem>> -> memref<1x125xi32, #tpu.memory_space<vmem>>
      %dma_wait3A_227 = tpu.memref_squeeze %dma_wait3A_226 : memref<1x125xi32, #tpu.memory_space<vmem>> -> memref<125xi32, #tpu.memory_space<vmem>>
      %dma_wait3A_228 = arith.constant 0 : i32
      %dma_wait3A_229 = arith.constant 0 : i32
      %dma_wait3A_230 = tpu.memref_slice %arg3[%dma_wait3A_228, %dma_wait3A_229] : memref<10240x64xf32, #tpu.memory_space<hbm>> -> memref<10240x64xf32, #tpu.memory_space<hbm>>
      tpu.wait_indirect_dma semaphore(%arg17 : memref<!tpu.dma_semaphore, #tpu.memory_space<semaphore_mem>>) src(%dma_wait3A_230 : memref<10240x64xf32, #tpu.memory_space<hbm>>) dst(%arg11 : memref<125x64xf32, #tpu.memory_space<vmem>>)
      %dma_start3A_231 = arith.constant 0 : i32
      %dma_start3A_232 = tpu.memref_slice %arg8[%add3A_224, %dma_start3A_231] : memref<80x125xi32, #tpu.memory_space<vmem>> -> memref<1x125xi32, #tpu.memory_space<vmem>>
      %dma_start3A_233 = tpu.memref_squeeze %dma_start3A_232 : memref<1x125xi32, #tpu.memory_space<vmem>> -> memref<125xi32, #tpu.memory_space<vmem>>
      %dma_start3A_234 = arith.constant 0 : i32
      %dma_start3A_235 = arith.constant 0 : i32
      %dma_start3A_236 = tpu.memref_slice %arg14[%dma_start3A_234, %dma_start3A_235] : memref<10240x64xf32, #tpu.memory_space<vmem_shared>> -> memref<10240x64xf32, #tpu.memory_space<vmem_shared>>
      tpu.enqueue_indirect_dma source(%arg11 : memref<125x64xf32, #tpu.memory_space<vmem>>) target(%dma_start3A_236 : memref<10240x64xf32, #tpu.memory_space<vmem_shared>>) offsets(%dma_start3A_233 : memref<125xi32, #tpu.memory_space<vmem>>) semaphore(%arg21 : memref<!tpu.dma_semaphore, #tpu.memory_space<semaphore_mem>>) {add = true}
      %sub3A_237 = arith.constant 1 : i32
      %sub3A_238 = arith.subi %add3A_224, %sub3A_237 : i32
      %dma_wait3A_239 = arith.constant 0 : i32
      %dma_wait3A_240 = tpu.memref_slice %arg8[%sub3A_238, %dma_wait3A_239] : memref<80x125xi32, #tpu.memory_space<vmem>> -> memref<1x125xi32, #tpu.memory_space<vmem>>
      %dma_wait3A_241 = tpu.memref_squeeze %dma_wait3A_240 : memref<1x125xi32, #tpu.memory_space<vmem>> -> memref<125xi32, #tpu.memory_space<vmem>>
      %dma_wait3A_242 = arith.constant 0 : i32
      %dma_wait3A_243 = arith.constant 0 : i32
      %dma_wait3A_244 = tpu.memref_slice %arg14[%dma_wait3A_242, %dma_wait3A_243] : memref<10240x64xf32, #tpu.memory_space<vmem_shared>> -> memref<10240x64xf32, #tpu.memory_space<vmem_shared>>
      tpu.wait_indirect_dma semaphore(%arg20 : memref<!tpu.dma_semaphore, #tpu.memory_space<semaphore_mem>>) src(%arg10 : memref<125x64xf32, #tpu.memory_space<vmem>>) dst(%dma_wait3A_244 : memref<10240x64xf32, #tpu.memory_space<vmem_shared>>)
      %add3A_245 = arith.constant 3 : i32
      %add3A_246 = arith.addi %add3A_224, %add3A_245 : i32
      %lt3A_247 = arith.constant 80 : i32
      %lt3A_248 = arith.cmpi slt, %add3A_246, %lt3A_247 : i32
      %convert_element_type3A_249 = arith.extui %lt3A_248 : i1 to i32
      %cond3A_250 = arith.constant 0 : i32
      %cond3A_251 = arith.cmpi ne, %convert_element_type3A_249, %cond3A_250 : i32
      scf.if %cond3A_251 {
        %add3A_283 = arith.constant 3 : i32
        %add3A_284 = arith.addi %add3A_224, %add3A_283 : i32
        %dma_start3A_285 = arith.constant 0 : i32
        %dma_start3A_286 = tpu.memref_slice %arg7[%add3A_284, %dma_start3A_285] : memref<80x125xi32, #tpu.memory_space<vmem>> -> memref<1x125xi32, #tpu.memory_space<vmem>>
        %dma_start3A_287 = tpu.memref_squeeze %dma_start3A_286 : memref<1x125xi32, #tpu.memory_space<vmem>> -> memref<125xi32, #tpu.memory_space<vmem>>
        %dma_start3A_288 = arith.constant 0 : i32
        %dma_start3A_289 = arith.constant 0 : i32
        %dma_start3A_290 = tpu.memref_slice %arg3[%dma_start3A_288, %dma_start3A_289] : memref<10240x64xf32, #tpu.memory_space<hbm>> -> memref<10240x64xf32, #tpu.memory_space<hbm>>
        tpu.enqueue_indirect_dma source(%dma_start3A_290 : memref<10240x64xf32, #tpu.memory_space<hbm>>) target(%arg10 : memref<125x64xf32, #tpu.memory_space<vmem>>) offsets(%dma_start3A_287 : memref<125xi32, #tpu.memory_space<vmem>>) semaphore(%arg16 : memref<!tpu.dma_semaphore, #tpu.memory_space<semaphore_mem>>)
      } else {
      }
      %mul3A_252 = arith.constant 4 : i32
      %mul3A_253 = arith.muli %scan3A_165, %mul3A_252 : i32
      %add3A_254 = arith.constant 3 : i32
      %add3A_255 = arith.addi %mul3A_253, %add3A_254 : i32
      %dma_wait3A_256 = arith.constant 0 : i32
      %dma_wait3A_257 = tpu.memref_slice %arg7[%add3A_255, %dma_wait3A_256] : memref<80x125xi32, #tpu.memory_space<vmem>> -> memref<1x125xi32, #tpu.memory_space<vmem>>
      %dma_wait3A_258 = tpu.memref_squeeze %dma_wait3A_257 : memref<1x125xi32, #tpu.memory_space<vmem>> -> memref<125xi32, #tpu.memory_space<vmem>>
      %dma_wait3A_259 = arith.constant 0 : i32
      %dma_wait3A_260 = arith.constant 0 : i32
      %dma_wait3A_261 = tpu.memref_slice %arg3[%dma_wait3A_259, %dma_wait3A_260] : memref<10240x64xf32, #tpu.memory_space<hbm>> -> memref<10240x64xf32, #tpu.memory_space<hbm>>
      tpu.wait_indirect_dma semaphore(%arg18 : memref<!tpu.dma_semaphore, #tpu.memory_space<semaphore_mem>>) src(%dma_wait3A_261 : memref<10240x64xf32, #tpu.memory_space<hbm>>) dst(%arg12 : memref<125x64xf32, #tpu.memory_space<vmem>>)
      %dma_start3A_262 = arith.constant 0 : i32
      %dma_start3A_263 = tpu.memref_slice %arg8[%add3A_255, %dma_start3A_262] : memref<80x125xi32, #tpu.memory_space<vmem>> -> memref<1x125xi32, #tpu.memory_space<vmem>>
      %dma_start3A_264 = tpu.memref_squeeze %dma_start3A_263 : memref<1x125xi32, #tpu.memory_space<vmem>> -> memref<125xi32, #tpu.memory_space<vmem>>
      %dma_start3A_265 = arith.constant 0 : i32
      %dma_start3A_266 = arith.constant 0 : i32
      %dma_start3A_267 = tpu.memref_slice %arg14[%dma_start3A_265, %dma_start3A_266] : memref<10240x64xf32, #tpu.memory_space<vmem_shared>> -> memref<10240x64xf32, #tpu.memory_space<vmem_shared>>
      tpu.enqueue_indirect_dma source(%arg12 : memref<125x64xf32, #tpu.memory_space<vmem>>) target(%dma_start3A_267 : memref<10240x64xf32, #tpu.memory_space<vmem_shared>>) offsets(%dma_start3A_264 : memref<125xi32, #tpu.memory_space<vmem>>) semaphore(%arg22 : memref<!tpu.dma_semaphore, #tpu.memory_space<semaphore_mem>>) {add = true}
      %sub3A_268 = arith.constant 1 : i32
      %sub3A_269 = arith.subi %add3A_255, %sub3A_268 : i32
      %dma_wait3A_270 = arith.constant 0 : i32
      %dma_wait3A_271 = tpu.memref_slice %arg8[%sub3A_269, %dma_wait3A_270] : memref<80x125xi32, #tpu.memory_space<vmem>> -> memref<1x125xi32, #tpu.memory_space<vmem>>
      %dma_wait3A_272 = tpu.memref_squeeze %dma_wait3A_271 : memref<1x125xi32, #tpu.memory_space<vmem>> -> memref<125xi32, #tpu.memory_space<vmem>>
      %dma_wait3A_273 = arith.constant 0 : i32
      %dma_wait3A_274 = arith.constant 0 : i32
      %dma_wait3A_275 = tpu.memref_slice %arg14[%dma_wait3A_273, %dma_wait3A_274] : memref<10240x64xf32, #tpu.memory_space<vmem_shared>> -> memref<10240x64xf32, #tpu.memory_space<vmem_shared>>
      tpu.wait_indirect_dma semaphore(%arg21 : memref<!tpu.dma_semaphore, #tpu.memory_space<semaphore_mem>>) src(%arg11 : memref<125x64xf32, #tpu.memory_space<vmem>>) dst(%dma_wait3A_275 : memref<10240x64xf32, #tpu.memory_space<vmem_shared>>)
      %add3A_276 = arith.constant 3 : i32
      %add3A_277 = arith.addi %add3A_255, %add3A_276 : i32
      %lt3A_278 = arith.constant 80 : i32
      %lt3A_279 = arith.cmpi slt, %add3A_277, %lt3A_278 : i32
      %convert_element_type3A_280 = arith.extui %lt3A_279 : i1 to i32
      %cond3A_281 = arith.constant 0 : i32
      %cond3A_282 = arith.cmpi ne, %convert_element_type3A_280, %cond3A_281 : i32
      scf.if %cond3A_282 {
        %add3A_283 = arith.constant 3 : i32
        %add3A_284 = arith.addi %add3A_255, %add3A_283 : i32
        %dma_start3A_285 = arith.constant 0 : i32
        %dma_start3A_286 = tpu.memref_slice %arg7[%add3A_284, %dma_start3A_285] : memref<80x125xi32, #tpu.memory_space<vmem>> -> memref<1x125xi32, #tpu.memory_space<vmem>>
        %dma_start3A_287 = tpu.memref_squeeze %dma_start3A_286 : memref<1x125xi32, #tpu.memory_space<vmem>> -> memref<125xi32, #tpu.memory_space<vmem>>
        %dma_start3A_288 = arith.constant 0 : i32
        %dma_start3A_289 = arith.constant 0 : i32
        %dma_start3A_290 = tpu.memref_slice %arg3[%dma_start3A_288, %dma_start3A_289] : memref<10240x64xf32, #tpu.memory_space<hbm>> -> memref<10240x64xf32, #tpu.memory_space<hbm>>
        tpu.enqueue_indirect_dma source(%dma_start3A_290 : memref<10240x64xf32, #tpu.memory_space<hbm>>) target(%arg11 : memref<125x64xf32, #tpu.memory_space<vmem>>) offsets(%dma_start3A_287 : memref<125xi32, #tpu.memory_space<vmem>>) semaphore(%arg17 : memref<!tpu.dma_semaphore, #tpu.memory_space<semaphore_mem>>)
      } else {
      }
    }
    %scan3A_131 = arith.constant 20 : i32
    %dma_wait3A_132 = arith.constant 79 : i32
    %dma_wait3A_133 = arith.constant 0 : i32
    %dma_wait3A_134 = tpu.memref_slice %arg8[%dma_wait3A_132, %dma_wait3A_133] : memref<80x125xi32, #tpu.memory_space<vmem>> -> memref<1x125xi32, #tpu.memory_space<vmem>>
    %dma_wait3A_135 = tpu.memref_squeeze %dma_wait3A_134 : memref<1x125xi32, #tpu.memory_space<vmem>> -> memref<125xi32, #tpu.memory_space<vmem>>
    %dma_wait3A_136 = arith.constant 0 : i32
    %dma_wait3A_137 = arith.constant 0 : i32
    %dma_wait3A_138 = tpu.memref_slice %arg14[%dma_wait3A_136, %dma_wait3A_137] : memref<10240x64xf32, #tpu.memory_space<vmem_shared>> -> memref<10240x64xf32, #tpu.memory_space<vmem_shared>>
    tpu.wait_indirect_dma semaphore(%arg22 : memref<!tpu.dma_semaphore, #tpu.memory_space<semaphore_mem>>) src(%arg12 : memref<125x64xf32, #tpu.memory_space<vmem>>) dst(%dma_wait3A_138 : memref<10240x64xf32, #tpu.memory_space<vmem_shared>>)
    %barrier3A_139 = arith.constant 0 : index
    tpu.barrier barrier_id(%barrier3A_139)
    %mul3A_140 = arith.constant 640 : i32
    %mul3A_141 = arith.muli %arg1, %mul3A_140 : i32
    %add3A_142 = arith.constant 0 : i32
    %add3A_143 = arith.addi %mul3A_141, %add3A_142 : i32
    %run_scoped3A_144 = arith.constant 1 : i32
    "tpu.region"() ({
      %run_scoped3A_165 = tpu.sem_alloc : memref<!tpu.dma_semaphore, #tpu.memory_space<semaphore_mem>>
      %dma_start3A_166 = arith.constant 0 : i32
      %dma_start3A_167 = tpu.memref_slice %arg6[%run_scoped3A_144, %arg0, %add3A_143, %dma_start3A_166] : memref<2x2x10240x64xf32, #tpu.memory_space<hbm>> -> memref<1x1x128x64xf32, #tpu.memory_space<hbm>>
      %dma_start3A_168 = tpu.memref_squeeze %dma_start3A_167 : memref<1x1x128x64xf32, #tpu.memory_space<hbm>> -> memref<128x64xf32, #tpu.memory_space<hbm>>
      %dma_start3A_169 = arith.constant 0 : i32
      %dma_start3A_170 = tpu.memref_slice %arg14[%add3A_143, %dma_start3A_169] : memref<10240x64xf32, #tpu.memory_space<vmem_shared>> -> memref<128x64xf32, #tpu.memory_space<vmem_shared>>
      tpu.enqueue_dma source(%dma_start3A_170 : memref<128x64xf32, #tpu.memory_space<vmem_shared>>) target(%dma_start3A_168 : memref<128x64xf32, #tpu.memory_space<hbm>>) target_semaphore(%run_scoped3A_165 : memref<!tpu.dma_semaphore, #tpu.memory_space<semaphore_mem>>)
      %dma_wait3A_171 = arith.constant 0 : i32
      %dma_wait3A_172 = tpu.memref_slice %arg6[%run_scoped3A_144, %arg0, %add3A_143, %dma_wait3A_171] : memref<2x2x10240x64xf32, #tpu.memory_space<hbm>> -> memref<1x1x128x64xf32, #tpu.memory_space<hbm>>
      %dma_wait3A_173 = tpu.memref_squeeze %dma_wait3A_172 : memref<1x1x128x64xf32, #tpu.memory_space<hbm>> -> memref<128x64xf32, #tpu.memory_space<hbm>>
      %dma_wait3A_174 = arith.constant 0 : i32
      %dma_wait3A_175 = tpu.memref_slice %arg14[%add3A_143, %dma_wait3A_174] : memref<10240x64xf32, #tpu.memory_space<vmem_shared>> -> memref<128x64xf32, #tpu.memory_space<vmem_shared>>
      tpu.wait_dma2 semaphore(%run_scoped3A_165 : memref<!tpu.dma_semaphore, #tpu.memory_space<semaphore_mem>>) src(%dma_wait3A_175 : memref<128x64xf32, #tpu.memory_space<vmem_shared>>) dst(%dma_wait3A_173 : memref<128x64xf32, #tpu.memory_space<hbm>>)
      tpu.yield
    }) : () -> ()
    %mul3A_145 = arith.constant 640 : i32
    %mul3A_146 = arith.muli %arg1, %mul3A_145 : i32
    %add3A_147 = arith.constant 128 : i32
    %add3A_148 = arith.addi %mul3A_146, %add3A_147 : i32
    %run_scoped3A_149 = arith.constant 1 : i32
    "tpu.region"() ({
      %run_scoped3A_165 = tpu.sem_alloc : memref<!tpu.dma_semaphore, #tpu.memory_space<semaphore_mem>>
      %dma_start3A_166 = arith.constant 0 : i32
      %dma_start3A_167 = tpu.memref_slice %arg6[%run_scoped3A_149, %arg0, %add3A_148, %dma_start3A_166] : memref<2x2x10240x64xf32, #tpu.memory_space<hbm>> -> memref<1x1x128x64xf32, #tpu.memory_space<hbm>>
      %dma_start3A_168 = tpu.memref_squeeze %dma_start3A_167 : memref<1x1x128x64xf32, #tpu.memory_space<hbm>> -> memref<128x64xf32, #tpu.memory_space<hbm>>
      %dma_start3A_169 = arith.constant 0 : i32
      %dma_start3A_170 = tpu.memref_slice %arg14[%add3A_148, %dma_start3A_169] : memref<10240x64xf32, #tpu.memory_space<vmem_shared>> -> memref<128x64xf32, #tpu.memory_space<vmem_shared>>
      tpu.enqueue_dma source(%dma_start3A_170 : memref<128x64xf32, #tpu.memory_space<vmem_shared>>) target(%dma_start3A_168 : memref<128x64xf32, #tpu.memory_space<hbm>>) target_semaphore(%run_scoped3A_165 : memref<!tpu.dma_semaphore, #tpu.memory_space<semaphore_mem>>)
      %dma_wait3A_171 = arith.constant 0 : i32
      %dma_wait3A_172 = tpu.memref_slice %arg6[%run_scoped3A_149, %arg0, %add3A_148, %dma_wait3A_171] : memref<2x2x10240x64xf32, #tpu.memory_space<hbm>> -> memref<1x1x128x64xf32, #tpu.memory_space<hbm>>
      %dma_wait3A_173 = tpu.memref_squeeze %dma_wait3A_172 : memref<1x1x128x64xf32, #tpu.memory_space<hbm>> -> memref<128x64xf32, #tpu.memory_space<hbm>>
      %dma_wait3A_174 = arith.constant 0 : i32
      %dma_wait3A_175 = tpu.memref_slice %arg14[%add3A_148, %dma_wait3A_174] : memref<10240x64xf32, #tpu.memory_space<vmem_shared>> -> memref<128x64xf32, #tpu.memory_space<vmem_shared>>
      tpu.wait_dma2 semaphore(%run_scoped3A_165 : memref<!tpu.dma_semaphore, #tpu.memory_space<semaphore_mem>>) src(%dma_wait3A_175 : memref<128x64xf32, #tpu.memory_space<vmem_shared>>) dst(%dma_wait3A_173 : memref<128x64xf32, #tpu.memory_space<hbm>>)
      tpu.yield
    }) : () -> ()
    %mul3A_150 = arith.constant 640 : i32
    %mul3A_151 = arith.muli %arg1, %mul3A_150 : i32
    %add3A_152 = arith.constant 256 : i32
    %add3A_153 = arith.addi %mul3A_151, %add3A_152 : i32
    %run_scoped3A_154 = arith.constant 1 : i32
    "tpu.region"() ({
      %run_scoped3A_165 = tpu.sem_alloc : memref<!tpu.dma_semaphore, #tpu.memory_space<semaphore_mem>>
      %dma_start3A_166 = arith.constant 0 : i32
      %dma_start3A_167 = tpu.memref_slice %arg6[%run_scoped3A_154, %arg0, %add3A_153, %dma_start3A_166] : memref<2x2x10240x64xf32, #tpu.memory_space<hbm>> -> memref<1x1x128x64xf32, #tpu.memory_space<hbm>>
      %dma_start3A_168 = tpu.memref_squeeze %dma_start3A_167 : memref<1x1x128x64xf32, #tpu.memory_space<hbm>> -> memref<128x64xf32, #tpu.memory_space<hbm>>
      %dma_start3A_169 = arith.constant 0 : i32
      %dma_start3A_170 = tpu.memref_slice %arg14[%add3A_153, %dma_start3A_169] : memref<10240x64xf32, #tpu.memory_space<vmem_shared>> -> memref<128x64xf32, #tpu.memory_space<vmem_shared>>
      tpu.enqueue_dma source(%dma_start3A_170 : memref<128x64xf32, #tpu.memory_space<vmem_shared>>) target(%dma_start3A_168 : memref<128x64xf32, #tpu.memory_space<hbm>>) target_semaphore(%run_scoped3A_165 : memref<!tpu.dma_semaphore, #tpu.memory_space<semaphore_mem>>)
      %dma_wait3A_171 = arith.constant 0 : i32
      %dma_wait3A_172 = tpu.memref_slice %arg6[%run_scoped3A_154, %arg0, %add3A_153, %dma_wait3A_171] : memref<2x2x10240x64xf32, #tpu.memory_space<hbm>> -> memref<1x1x128x64xf32, #tpu.memory_space<hbm>>
      %dma_wait3A_173 = tpu.memref_squeeze %dma_wait3A_172 : memref<1x1x128x64xf32, #tpu.memory_space<hbm>> -> memref<128x64xf32, #tpu.memory_space<hbm>>
      %dma_wait3A_174 = arith.constant 0 : i32
      %dma_wait3A_175 = tpu.memref_slice %arg14[%add3A_153, %dma_wait3A_174] : memref<10240x64xf32, #tpu.memory_space<vmem_shared>> -> memref<128x64xf32, #tpu.memory_space<vmem_shared>>
      tpu.wait_dma2 semaphore(%run_scoped3A_165 : memref<!tpu.dma_semaphore, #tpu.memory_space<semaphore_mem>>) src(%dma_wait3A_175 : memref<128x64xf32, #tpu.memory_space<vmem_shared>>) dst(%dma_wait3A_173 : memref<128x64xf32, #tpu.memory_space<hbm>>)
      tpu.yield
    }) : () -> ()
    %mul3A_155 = arith.constant 640 : i32
    %mul3A_156 = arith.muli %arg1, %mul3A_155 : i32
    %add3A_157 = arith.constant 384 : i32
    %add3A_158 = arith.addi %mul3A_156, %add3A_157 : i32
    %run_scoped3A_159 = arith.constant 1 : i32
    "tpu.region"() ({
      %run_scoped3A_165 = tpu.sem_alloc : memref<!tpu.dma_semaphore, #tpu.memory_space<semaphore_mem>>
      %dma_start3A_166 = arith.constant 0 : i32
      %dma_start3A_167 = tpu.memref_slice %arg6[%run_scoped3A_159, %arg0, %add3A_158, %dma_start3A_166] : memref<2x2x10240x64xf32, #tpu.memory_space<hbm>> -> memref<1x1x128x64xf32, #tpu.memory_space<hbm>>
      %dma_start3A_168 = tpu.memref_squeeze %dma_start3A_167 : memref<1x1x128x64xf32, #tpu.memory_space<hbm>> -> memref<128x64xf32, #tpu.memory_space<hbm>>
      %dma_start3A_169 = arith.constant 0 : i32
      %dma_start3A_170 = tpu.memref_slice %arg14[%add3A_158, %dma_start3A_169] : memref<10240x64xf32, #tpu.memory_space<vmem_shared>> -> memref<128x64xf32, #tpu.memory_space<vmem_shared>>
      tpu.enqueue_dma source(%dma_start3A_170 : memref<128x64xf32, #tpu.memory_space<vmem_shared>>) target(%dma_start3A_168 : memref<128x64xf32, #tpu.memory_space<hbm>>) target_semaphore(%run_scoped3A_165 : memref<!tpu.dma_semaphore, #tpu.memory_space<semaphore_mem>>)
      %dma_wait3A_171 = arith.constant 0 : i32
      %dma_wait3A_172 = tpu.memref_slice %arg6[%run_scoped3A_159, %arg0, %add3A_158, %dma_wait3A_171] : memref<2x2x10240x64xf32, #tpu.memory_space<hbm>> -> memref<1x1x128x64xf32, #tpu.memory_space<hbm>>
      %dma_wait3A_173 = tpu.memref_squeeze %dma_wait3A_172 : memref<1x1x128x64xf32, #tpu.memory_space<hbm>> -> memref<128x64xf32, #tpu.memory_space<hbm>>
      %dma_wait3A_174 = arith.constant 0 : i32
      %dma_wait3A_175 = tpu.memref_slice %arg14[%add3A_158, %dma_wait3A_174] : memref<10240x64xf32, #tpu.memory_space<vmem_shared>> -> memref<128x64xf32, #tpu.memory_space<vmem_shared>>
      tpu.wait_dma2 semaphore(%run_scoped3A_165 : memref<!tpu.dma_semaphore, #tpu.memory_space<semaphore_mem>>) src(%dma_wait3A_175 : memref<128x64xf32, #tpu.memory_space<vmem_shared>>) dst(%dma_wait3A_173 : memref<128x64xf32, #tpu.memory_space<hbm>>)
      tpu.yield
    }) : () -> ()
    %mul3A_160 = arith.constant 640 : i32
    %mul3A_161 = arith.muli %arg1, %mul3A_160 : i32
    %add3A_162 = arith.constant 512 : i32
    %add3A_163 = arith.addi %mul3A_161, %add3A_162 : i32
    %run_scoped3A_164 = arith.constant 1 : i32
    "tpu.region"() ({
      %run_scoped3A_165 = tpu.sem_alloc : memref<!tpu.dma_semaphore, #tpu.memory_space<semaphore_mem>>
      %dma_start3A_166 = arith.constant 0 : i32
      %dma_start3A_167 = tpu.memref_slice %arg6[%run_scoped3A_164, %arg0, %add3A_163, %dma_start3A_166] : memref<2x2x10240x64xf32, #tpu.memory_space<hbm>> -> memref<1x1x128x64xf32, #tpu.memory_space<hbm>>
      %dma_start3A_168 = tpu.memref_squeeze %dma_start3A_167 : memref<1x1x128x64xf32, #tpu.memory_space<hbm>> -> memref<128x64xf32, #tpu.memory_space<hbm>>
      %dma_start3A_169 = arith.constant 0 : i32
      %dma_start3A_170 = tpu.memref_slice %arg14[%add3A_163, %dma_start3A_169] : memref<10240x64xf32, #tpu.memory_space<vmem_shared>> -> memref<128x64xf32, #tpu.memory_space<vmem_shared>>
      tpu.enqueue_dma source(%dma_start3A_170 : memref<128x64xf32, #tpu.memory_space<vmem_shared>>) target(%dma_start3A_168 : memref<128x64xf32, #tpu.memory_space<hbm>>) target_semaphore(%run_scoped3A_165 : memref<!tpu.dma_semaphore, #tpu.memory_space<semaphore_mem>>)
      %dma_wait3A_171 = arith.constant 0 : i32
      %dma_wait3A_172 = tpu.memref_slice %arg6[%run_scoped3A_164, %arg0, %add3A_163, %dma_wait3A_171] : memref<2x2x10240x64xf32, #tpu.memory_space<hbm>> -> memref<1x1x128x64xf32, #tpu.memory_space<hbm>>
      %dma_wait3A_173 = tpu.memref_squeeze %dma_wait3A_172 : memref<1x1x128x64xf32, #tpu.memory_space<hbm>> -> memref<128x64xf32, #tpu.memory_space<hbm>>
      %dma_wait3A_174 = arith.constant 0 : i32
      %dma_wait3A_175 = tpu.memref_slice %arg14[%add3A_163, %dma_wait3A_174] : memref<10240x64xf32, #tpu.memory_space<vmem_shared>> -> memref<128x64xf32, #tpu.memory_space<vmem_shared>>
      tpu.wait_dma2 semaphore(%run_scoped3A_165 : memref<!tpu.dma_semaphore, #tpu.memory_space<semaphore_mem>>) src(%dma_wait3A_175 : memref<128x64xf32, #tpu.memory_space<vmem_shared>>) dst(%dma_wait3A_173 : memref<128x64xf32, #tpu.memory_space<hbm>>)
      tpu.yield
    }) : () -> ()
    return
  }
}

#map = affine_map<(d0, d1) -> (0, 0)>
#map1 = affine_map<(d0, d1) -> (0, 0, 0)>
module attributes {stable_mosaic.version = 14 : i64} {
  func.func @_deg_body(%arg0: i32, %arg1: i32, %arg2: memref<32x10000xi32, #tpu.memory_space<hbm>>, %arg3: memref<32x10000xi32, #tpu.memory_space<hbm>>, %arg4: memref<32x1x10000xf32, #tpu.memory_space<hbm>>, %arg5: memref<32x1x10000xf32, #tpu.memory_space<hbm>>, %arg6: memref<10000xi32, #tpu.memory_space<vmem>>, %arg7: memref<10000xi32, #tpu.memory_space<vmem>>, %arg8: memref<10000xf32, #tpu.memory_space<vmem>>, %arg9: memref<10000xf32, #tpu.memory_space<vmem>>) attributes {dimension_semantics = [#tpu.dimension_semantics<core_parallel>, #tpu.dimension_semantics<subcore_parallel>], iteration_bounds = array<i64: 2, 16>, scalar_prefetch = 0 : i64, scratch_operands = 4 : i64, tpu.core_type = #tpu.core_type<sc_vector_subcore>, window_params = [{transform_indices = #map}, {transform_indices = #map}, {transform_indices = #map1}, {transform_indices = #map1}]} {
    %mul3A = arith.constant 2 : i32
    %mul3A_0 = arith.muli %arg1, %mul3A : i32
    %add3A = arith.addi %mul3A_0, %arg0 : i32
    "tpu.region"() ({
      %run_scoped3A_16 = tpu.sem_alloc : memref<!tpu.dma_semaphore, #tpu.memory_space<semaphore_mem>>
      %dma_start3A = arith.constant 0 : i32
      %dma_start3A_17 = tpu.memref_slice %arg2[%add3A, %dma_start3A] : memref<32x10000xi32, #tpu.memory_space<hbm>> -> memref<1x10000xi32, #tpu.memory_space<hbm>>
      %dma_start3A_18 = tpu.memref_squeeze %dma_start3A_17 : memref<1x10000xi32, #tpu.memory_space<hbm>> -> memref<10000xi32, #tpu.memory_space<hbm>>
      %dma_start3A_19 = arith.constant 0 : i32
      %dma_start3A_20 = tpu.memref_slice %arg2[%add3A, %dma_start3A_19] : memref<32x10000xi32, #tpu.memory_space<hbm>> -> memref<1x10000xi32, #tpu.memory_space<hbm>>
      %dma_start3A_21 = tpu.memref_squeeze %dma_start3A_20 : memref<1x10000xi32, #tpu.memory_space<hbm>> -> memref<10000xi32, #tpu.memory_space<hbm>>
      tpu.enqueue_dma source(%dma_start3A_21 : memref<10000xi32, #tpu.memory_space<hbm>>) target(%arg6 : memref<10000xi32, #tpu.memory_space<vmem>>) target_semaphore(%run_scoped3A_16 : memref<!tpu.dma_semaphore, #tpu.memory_space<semaphore_mem>>)
      %dma_wait3A = arith.constant 0 : i32
      %dma_wait3A_22 = tpu.memref_slice %arg2[%add3A, %dma_wait3A] : memref<32x10000xi32, #tpu.memory_space<hbm>> -> memref<1x10000xi32, #tpu.memory_space<hbm>>
      %dma_wait3A_23 = tpu.memref_squeeze %dma_wait3A_22 : memref<1x10000xi32, #tpu.memory_space<hbm>> -> memref<10000xi32, #tpu.memory_space<hbm>>
      %dma_wait3A_24 = arith.constant 0 : i32
      %dma_wait3A_25 = tpu.memref_slice %arg2[%add3A, %dma_wait3A_24] : memref<32x10000xi32, #tpu.memory_space<hbm>> -> memref<1x10000xi32, #tpu.memory_space<hbm>>
      %dma_wait3A_26 = tpu.memref_squeeze %dma_wait3A_25 : memref<1x10000xi32, #tpu.memory_space<hbm>> -> memref<10000xi32, #tpu.memory_space<hbm>>
      tpu.wait_dma2 semaphore(%run_scoped3A_16 : memref<!tpu.dma_semaphore, #tpu.memory_space<semaphore_mem>>) src(%dma_wait3A_26 : memref<10000xi32, #tpu.memory_space<hbm>>) dst(%arg6 : memref<10000xi32, #tpu.memory_space<vmem>>)
      tpu.yield
    }) : () -> ()
    "tpu.region"() ({
      %run_scoped3A_16 = tpu.sem_alloc : memref<!tpu.dma_semaphore, #tpu.memory_space<semaphore_mem>>
      %dma_start3A = arith.constant 0 : i32
      %dma_start3A_17 = tpu.memref_slice %arg3[%add3A, %dma_start3A] : memref<32x10000xi32, #tpu.memory_space<hbm>> -> memref<1x10000xi32, #tpu.memory_space<hbm>>
      %dma_start3A_18 = tpu.memref_squeeze %dma_start3A_17 : memref<1x10000xi32, #tpu.memory_space<hbm>> -> memref<10000xi32, #tpu.memory_space<hbm>>
      %dma_start3A_19 = arith.constant 0 : i32
      %dma_start3A_20 = tpu.memref_slice %arg3[%add3A, %dma_start3A_19] : memref<32x10000xi32, #tpu.memory_space<hbm>> -> memref<1x10000xi32, #tpu.memory_space<hbm>>
      %dma_start3A_21 = tpu.memref_squeeze %dma_start3A_20 : memref<1x10000xi32, #tpu.memory_space<hbm>> -> memref<10000xi32, #tpu.memory_space<hbm>>
      tpu.enqueue_dma source(%dma_start3A_21 : memref<10000xi32, #tpu.memory_space<hbm>>) target(%arg7 : memref<10000xi32, #tpu.memory_space<vmem>>) target_semaphore(%run_scoped3A_16 : memref<!tpu.dma_semaphore, #tpu.memory_space<semaphore_mem>>)
      %dma_wait3A = arith.constant 0 : i32
      %dma_wait3A_22 = tpu.memref_slice %arg3[%add3A, %dma_wait3A] : memref<32x10000xi32, #tpu.memory_space<hbm>> -> memref<1x10000xi32, #tpu.memory_space<hbm>>
      %dma_wait3A_23 = tpu.memref_squeeze %dma_wait3A_22 : memref<1x10000xi32, #tpu.memory_space<hbm>> -> memref<10000xi32, #tpu.memory_space<hbm>>
      %dma_wait3A_24 = arith.constant 0 : i32
      %dma_wait3A_25 = tpu.memref_slice %arg3[%add3A, %dma_wait3A_24] : memref<32x10000xi32, #tpu.memory_space<hbm>> -> memref<1x10000xi32, #tpu.memory_space<hbm>>
      %dma_wait3A_26 = tpu.memref_squeeze %dma_wait3A_25 : memref<1x10000xi32, #tpu.memory_space<hbm>> -> memref<10000xi32, #tpu.memory_space<hbm>>
      tpu.wait_dma2 semaphore(%run_scoped3A_16 : memref<!tpu.dma_semaphore, #tpu.memory_space<semaphore_mem>>) src(%dma_wait3A_26 : memref<10000xi32, #tpu.memory_space<hbm>>) dst(%arg7 : memref<10000xi32, #tpu.memory_space<vmem>>)
      tpu.yield
    }) : () -> ()
    %broadcast_in_dim3A = arith.constant 0.000000e+00 : f32
    %broadcast_in_dim3A_1 = vector.broadcast %broadcast_in_dim3A : f32 to vector<16xf32>
    %broadcast_in_dim3A_2 = arith.constant 1.000000e+00 : f32
    %broadcast_in_dim3A_3 = vector.broadcast %broadcast_in_dim3A_2 : f32 to vector<16xf32>
    %scan3A = arith.constant 0 : i32
    %scan3A_4 = arith.constant 0 : i32
    %scan3A_5 = arith.constant 625 : i32
    %scan3A_6 = arith.addi %scan3A_4, %scan3A_5 : i32
    %scan3A_7 = arith.constant 1 : i32
    scf.for %scan3A_16 = %scan3A_4 to %scan3A_6 step %scan3A_7  : i32 {
      %mul3A_17 = arith.constant 16 : i32
      %mul3A_18 = arith.muli %scan3A_16, %mul3A_17 : i32
      %swap3A = arith.index_cast %mul3A_18 : i32 to index
      %swap3A_19 = tpu.vector_load %arg8[%swap3A] {strides = array<i32>} : memref<10000xf32, #tpu.memory_space<vmem>>, vector<16xf32>,
      tpu.vector_store %arg8[%swap3A], %broadcast_in_dim3A_1 {strides = array<i32>} : memref<10000xf32, #tpu.memory_space<vmem>>, vector<16xf32>,
      %mul3A_20 = arith.constant 16 : i32
      %mul3A_21 = arith.muli %scan3A_16, %mul3A_20 : i32
      %swap3A_22 = arith.index_cast %mul3A_21 : i32 to index
      %swap3A_23 = tpu.vector_load %arg9[%swap3A_22] {strides = array<i32>} : memref<10000xf32, #tpu.memory_space<vmem>>, vector<16xf32>,
      tpu.vector_store %arg9[%swap3A_22], %broadcast_in_dim3A_1 {strides = array<i32>} : memref<10000xf32, #tpu.memory_space<vmem>>, vector<16xf32>,
    }
    %scan3A_8 = arith.constant 625 : i32
    %scan3A_9 = arith.constant 0 : i32
    %scan3A_10 = arith.constant 0 : i32
    %scan3A_11 = arith.constant 625 : i32
    %scan3A_12 = arith.addi %scan3A_10, %scan3A_11 : i32
    %scan3A_13 = arith.constant 1 : i32
    scf.for %scan3A_16 = %scan3A_10 to %scan3A_12 step %scan3A_13  : i32 {
      %mul3A_17 = arith.constant 16 : i32
      %mul3A_18 = arith.muli %scan3A_16, %mul3A_17 : i32
      %get3A = arith.index_cast %mul3A_18 : i32 to index
      %get3A_19 = tpu.vector_load %arg6[%get3A] {strides = array<i32>} : memref<10000xi32, #tpu.memory_space<vmem>>, vector<16xi32>,
      %mul3A_20 = arith.constant 16 : i32
      %mul3A_21 = arith.muli %scan3A_16, %mul3A_20 : i32
      %get3A_22 = arith.index_cast %mul3A_21 : i32 to index
      %get3A_23 = tpu.vector_load %arg7[%get3A_22] {strides = array<i32>} : memref<10000xi32, #tpu.memory_space<vmem>>, vector<16xi32>,
      tpu.vector_store_idx %arg8[%get3A_19], %broadcast_in_dim3A_3 {add = true} : memref<10000xf32, #tpu.memory_space<vmem>>[vector<16xi32>], vector<16xf32>,
      tpu.vector_store_idx %arg9[%get3A_23], %broadcast_in_dim3A_3 {add = true} : memref<10000xf32, #tpu.memory_space<vmem>>[vector<16xi32>], vector<16xf32>,
    }
    %scan3A_14 = arith.constant 625 : i32
    %run_scoped3A = arith.constant 0 : i32
    "tpu.region"() ({
      %run_scoped3A_16 = tpu.sem_alloc : memref<!tpu.dma_semaphore, #tpu.memory_space<semaphore_mem>>
      %dma_start3A = arith.constant 0 : i32
      %dma_start3A_17 = tpu.memref_slice %arg4[%add3A, %run_scoped3A, %dma_start3A] : memref<32x1x10000xf32, #tpu.memory_space<hbm>> -> memref<1x1x10000xf32, #tpu.memory_space<hbm>>
      %dma_start3A_18 = tpu.memref_squeeze %dma_start3A_17 : memref<1x1x10000xf32, #tpu.memory_space<hbm>> -> memref<10000xf32, #tpu.memory_space<hbm>>
      %dma_start3A_19 = arith.constant 0 : i32
      %dma_start3A_20 = tpu.memref_slice %arg4[%add3A, %run_scoped3A, %dma_start3A_19] : memref<32x1x10000xf32, #tpu.memory_space<hbm>> -> memref<1x1x10000xf32, #tpu.memory_space<hbm>>
      %dma_start3A_21 = tpu.memref_squeeze %dma_start3A_20 : memref<1x1x10000xf32, #tpu.memory_space<hbm>> -> memref<10000xf32, #tpu.memory_space<hbm>>
      tpu.enqueue_dma source(%arg8 : memref<10000xf32, #tpu.memory_space<vmem>>) target(%dma_start3A_21 : memref<10000xf32, #tpu.memory_space<hbm>>) target_semaphore(%run_scoped3A_16 : memref<!tpu.dma_semaphore, #tpu.memory_space<semaphore_mem>>)
      %dma_wait3A = arith.constant 0 : i32
      %dma_wait3A_22 = tpu.memref_slice %arg4[%add3A, %run_scoped3A, %dma_wait3A] : memref<32x1x10000xf32, #tpu.memory_space<hbm>> -> memref<1x1x10000xf32, #tpu.memory_space<hbm>>
      %dma_wait3A_23 = tpu.memref_squeeze %dma_wait3A_22 : memref<1x1x10000xf32, #tpu.memory_space<hbm>> -> memref<10000xf32, #tpu.memory_space<hbm>>
      %dma_wait3A_24 = arith.constant 0 : i32
      %dma_wait3A_25 = tpu.memref_slice %arg4[%add3A, %run_scoped3A, %dma_wait3A_24] : memref<32x1x10000xf32, #tpu.memory_space<hbm>> -> memref<1x1x10000xf32, #tpu.memory_space<hbm>>
      %dma_wait3A_26 = tpu.memref_squeeze %dma_wait3A_25 : memref<1x1x10000xf32, #tpu.memory_space<hbm>> -> memref<10000xf32, #tpu.memory_space<hbm>>
      tpu.wait_dma2 semaphore(%run_scoped3A_16 : memref<!tpu.dma_semaphore, #tpu.memory_space<semaphore_mem>>) src(%arg8 : memref<10000xf32, #tpu.memory_space<vmem>>) dst(%dma_wait3A_26 : memref<10000xf32, #tpu.memory_space<hbm>>)
      tpu.yield
    }) : () -> ()
    %run_scoped3A_15 = arith.constant 0 : i32
    "tpu.region"() ({
      %run_scoped3A_16 = tpu.sem_alloc : memref<!tpu.dma_semaphore, #tpu.memory_space<semaphore_mem>>
      %dma_start3A = arith.constant 0 : i32
      %dma_start3A_17 = tpu.memref_slice %arg5[%add3A, %run_scoped3A_15, %dma_start3A] : memref<32x1x10000xf32, #tpu.memory_space<hbm>> -> memref<1x1x10000xf32, #tpu.memory_space<hbm>>
      %dma_start3A_18 = tpu.memref_squeeze %dma_start3A_17 : memref<1x1x10000xf32, #tpu.memory_space<hbm>> -> memref<10000xf32, #tpu.memory_space<hbm>>
      %dma_start3A_19 = arith.constant 0 : i32
      %dma_start3A_20 = tpu.memref_slice %arg5[%add3A, %run_scoped3A_15, %dma_start3A_19] : memref<32x1x10000xf32, #tpu.memory_space<hbm>> -> memref<1x1x10000xf32, #tpu.memory_space<hbm>>
      %dma_start3A_21 = tpu.memref_squeeze %dma_start3A_20 : memref<1x1x10000xf32, #tpu.memory_space<hbm>> -> memref<10000xf32, #tpu.memory_space<hbm>>
      tpu.enqueue_dma source(%arg9 : memref<10000xf32, #tpu.memory_space<vmem>>) target(%dma_start3A_21 : memref<10000xf32, #tpu.memory_space<hbm>>) target_semaphore(%run_scoped3A_16 : memref<!tpu.dma_semaphore, #tpu.memory_space<semaphore_mem>>)
      %dma_wait3A = arith.constant 0 : i32
      %dma_wait3A_22 = tpu.memref_slice %arg5[%add3A, %run_scoped3A_15, %dma_wait3A] : memref<32x1x10000xf32, #tpu.memory_space<hbm>> -> memref<1x1x10000xf32, #tpu.memory_space<hbm>>
      %dma_wait3A_23 = tpu.memref_squeeze %dma_wait3A_22 : memref<1x1x10000xf32, #tpu.memory_space<hbm>> -> memref<10000xf32, #tpu.memory_space<hbm>>
      %dma_wait3A_24 = arith.constant 0 : i32
      %dma_wait3A_25 = tpu.memref_slice %arg5[%add3A, %run_scoped3A_15, %dma_wait3A_24] : memref<32x1x10000xf32, #tpu.memory_space<hbm>> -> memref<1x1x10000xf32, #tpu.memory_space<hbm>>
      %dma_wait3A_26 = tpu.memref_squeeze %dma_wait3A_25 : memref<1x1x10000xf32, #tpu.memory_space<hbm>> -> memref<10000xf32, #tpu.memory_space<hbm>>
      tpu.wait_dma2 semaphore(%run_scoped3A_16 : memref<!tpu.dma_semaphore, #tpu.memory_space<semaphore_mem>>) src(%arg9 : memref<10000xf32, #tpu.memory_space<vmem>>) dst(%dma_wait3A_26 : memref<10000xf32, #tpu.memory_space<hbm>>)
      tpu.yield
    }) : () -> ()
    return
  }
}

module attributes {stable_mosaic.version = 14 : i64} {
  func.func @_l1_body(%arg0: i32, %arg1: memref<1x1x1024xi32, #tpu.memory_space<vmem>>, %arg2: memref<32x1x1024xf32, #tpu.memory_space<vmem>>, %arg3: memref<384x128xf32, #tpu.memory_space<vmem>>, %arg4: memref<128x128xf32, #tpu.memory_space<vmem>>, %arg5: memref<128x128xf32, #tpu.memory_space<vmem>>, %arg6: memref<8x128xf32, #tpu.memory_space<vmem>>, %arg7: memref<1024x64xf32, #tpu.memory_space<vmem>>, %arg8: memref<1024x64xf32, #tpu.memory_space<vmem>>, %arg9: memref<1024x128xf32, #tpu.memory_space<vmem>>) attributes {dimension_semantics = [#tpu.dimension_semantics<arbitrary>], iteration_bounds = array<i64: 10>, scalar_prefetch = 0 : i64, scratch_operands = 0 : i64, tpu.core_type = #tpu.core_type<tc>, window_params = [{transform_indices = @transform_0, window_bounds = array<i64: 1, 1, 1024>}, {transform_indices = @transform_1, window_bounds = array<i64: 32, 1, 1024>}, {pipeline_mode = #tpu.pipeline_mode<synchronous>, transform_indices = @transform_2, window_bounds = array<i64: 384, 128>}, {pipeline_mode = #tpu.pipeline_mode<synchronous>, transform_indices = @transform_3, window_bounds = array<i64: 128, 128>}, {pipeline_mode = #tpu.pipeline_mode<synchronous>, transform_indices = @transform_4, window_bounds = array<i64: 128, 128>}, {pipeline_mode = #tpu.pipeline_mode<synchronous>, transform_indices = @transform_5, window_bounds = array<i64: 8, 128>}, {transform_indices = @transform_6, window_bounds = array<i64: 1024, 64>}, {transform_indices = @transform_7, window_bounds = array<i64: 1024, 64>}, {transform_indices = @transform_8, window_bounds = array<i64: 1024, 128>}]} {
    %get3A = arith.constant 0 : index
    %get3A_0 = arith.constant 0 : index
    %get3A_1 = arith.constant 0 : index
    %get3A_2 = vector.load %arg1[%get3A, %get3A_0, %get3A_1] : memref<1x1x1024xi32, #tpu.memory_space<vmem>>, vector<1x1x1024xi32>
    %get3A_3 = vector.shape_cast %get3A_2 : vector<1x1x1024xi32> to vector<1024xi32>
    %broadcast_in_dim3A = vector.shape_cast %get3A_3 : vector<1024xi32> to vector<1024x1xi32>
    %iota3A = tpu.iota {dimensions = array<i32: 1>} : vector<1024x384xi32>
    %eq3A = vector.broadcast %broadcast_in_dim3A : vector<1024x1xi32> to vector<1024x384xi32>
    %eq3A_4 = arith.cmpi eq, %eq3A, %iota3A : vector<1024x384xi32>
    %convert_element_type3A = arith.extui %eq3A_4 : vector<1024x384xi1> to vector<1024x384xi32>
    %convert_element_type3A_5 = arith.sitofp %convert_element_type3A : vector<1024x384xi32> to vector<1024x384xf32>
    %get3A_6 = arith.constant 0 : index
    %get3A_7 = arith.constant 0 : index
    %get3A_8 = vector.load %arg3[%get3A_6, %get3A_7] : memref<384x128xf32, #tpu.memory_space<vmem>>, vector<384x128xf32>
    %get3A_9 = arith.constant 0 : index
    %get3A_10 = arith.constant 0 : index
    %get3A_11 = vector.load %arg4[%get3A_9, %get3A_10] : memref<128x128xf32, #tpu.memory_space<vmem>>, vector<128x128xf32>
    %dot_general3A = arith.constant dense<0.000000e+00> : vector<384x128xf32>
    %dot_general3A_12 = tpu.matmul %get3A_8, %get3A_11, %dot_general3A {dimension_numbers = #tpu.dot_dimension_numbers<[1], [0], [0], [1], [0, 0, 1, 1], [], []>, precision = #tpu.contract_precision<fp32>, transpose_lhs_hint = false} : vector<384x128xf32>, vector<128x128xf32>, vector<384x128xf32> -> vector<384x128xf32>
    %get3A_13 = arith.constant 0 : index
    %get3A_14 = arith.constant 0 : index
    %get3A_15 = vector.load %arg5[%get3A_13, %get3A_14] : memref<128x128xf32, #tpu.memory_space<vmem>>, vector<128x128xf32>
    %dot_general3A_16 = arith.constant dense<0.000000e+00> : vector<384x128xf32>
    %dot_general3A_17 = tpu.matmul %get3A_8, %get3A_15, %dot_general3A_16 {dimension_numbers = #tpu.dot_dimension_numbers<[1], [0], [0], [1], [0, 0, 1, 1], [], []>, precision = #tpu.contract_precision<fp32>, transpose_lhs_hint = false} : vector<384x128xf32>, vector<128x128xf32>, vector<384x128xf32> -> vector<384x128xf32>
    %get3A_18 = arith.constant 0 : index
    %get3A_19 = arith.constant 0 : index
    %get3A_20 = vector.load %arg6[%get3A_18, %get3A_19] : memref<8x128xf32, #tpu.memory_space<vmem>>, vector<1x128xf32>
    %add3A = vector.broadcast %get3A_20 : vector<1x128xf32> to vector<384x128xf32>
    %add3A_21 = arith.addf %dot_general3A_17, %add3A : vector<384x128xf32>
    %max3A = arith.constant 0.000000e+00 : f32
    %max3A_22 = vector.broadcast %max3A : f32 to vector<384x128xf32>
    %max3A_23 = arith.maximumf %add3A_21, %max3A_22 : vector<384x128xf32>
    %get3A_24 = arith.constant 0 : index
    %get3A_25 = arith.constant 0 : index
    %get3A_26 = arith.constant 0 : index
    %get3A_27 = vector.load %arg2[%get3A_24, %get3A_25, %get3A_26] : memref<32x1x1024xf32, #tpu.memory_space<vmem>>, vector<32x1x1024xf32>
    %reduce_sum3A = arith.constant dense<0.000000e+00> : vector<1024xf32>
    %reduce_sum3A_28 = vector.multi_reduction <add>, %get3A_27, %reduce_sum3A [0, 1] : vector<32x1x1024xf32> to vector<1024xf32>
    %jit3A = arith.constant 1.000000e+00 : f32
    %max3A_29 = vector.broadcast %jit3A : f32 to vector<1024xf32>
    %max3A_30 = arith.maximumf %max3A_29, %reduce_sum3A_28 : vector<1024xf32>
    %rsqrt3A = math.rsqrt %max3A_30 : vector<1024xf32>
    %dot_general3A_31 = arith.constant dense<0.000000e+00> : vector<1024x128xf32>
    %dot_general3A_32 = tpu.matmul %convert_element_type3A_5, %dot_general3A_12, %dot_general3A_31 {dimension_numbers = #tpu.dot_dimension_numbers<[1], [0], [0], [1], [0, 0, 1, 1], [], []>, precision = #tpu.contract_precision<fp32>, transpose_lhs_hint = false} : vector<1024x384xf32>, vector<384x128xf32>, vector<1024x128xf32> -> vector<1024x128xf32>
    %broadcast_in_dim3A_33 = vector.shape_cast %rsqrt3A : vector<1024xf32> to vector<1024x1xf32>
    %mul3A = vector.broadcast %broadcast_in_dim3A_33 : vector<1024x1xf32> to vector<1024x128xf32>
    %mul3A_34 = arith.mulf %dot_general3A_32, %mul3A : vector<1024x128xf32>
    %slice3A = vector.extract_strided_slice %mul3A_34 {offsets = [0, 0], sizes = [1024, 64], strides = [1, 1]} : vector<1024x128xf32> to vector<1024x64xf32>
    %swap3A = arith.constant 0 : index
    %swap3A_35 = arith.constant 0 : index
    %swap3A_36 = vector.load %arg7[%swap3A, %swap3A_35] : memref<1024x64xf32, #tpu.memory_space<vmem>>, vector<1024x64xf32>
    tpu.vector_store %arg7[%swap3A, %swap3A_35], %slice3A {strides = array<i32>} : memref<1024x64xf32, #tpu.memory_space<vmem>>, vector<1024x64xf32>,
    %slice3A_37 = vector.extract_strided_slice %mul3A_34 {offsets = [0, 64], sizes = [1024, 64], strides = [1, 1]} : vector<1024x128xf32> to vector<1024x64xf32>
    %swap3A_38 = arith.constant 0 : index
    %swap3A_39 = arith.constant 0 : index
    %swap3A_40 = vector.load %arg8[%swap3A_38, %swap3A_39] : memref<1024x64xf32, #tpu.memory_space<vmem>>, vector<1024x64xf32>
    tpu.vector_store %arg8[%swap3A_38, %swap3A_39], %slice3A_37 {strides = array<i32>} : memref<1024x64xf32, #tpu.memory_space<vmem>>, vector<1024x64xf32>,
    %dot_general3A_41 = arith.constant dense<0.000000e+00> : vector<1024x128xf32>
    %dot_general3A_42 = tpu.matmul %convert_element_type3A_5, %max3A_23, %dot_general3A_41 {dimension_numbers = #tpu.dot_dimension_numbers<[1], [0], [0], [1], [0, 0, 1, 1], [], []>, precision = #tpu.contract_precision<fp32>, transpose_lhs_hint = false} : vector<1024x384xf32>, vector<384x128xf32>, vector<1024x128xf32> -> vector<1024x128xf32>
    %swap3A_43 = arith.constant 0 : index
    %swap3A_44 = arith.constant 0 : index
    %swap3A_45 = vector.load %arg9[%swap3A_43, %swap3A_44] : memref<1024x128xf32, #tpu.memory_space<vmem>>, vector<1024x128xf32>
    tpu.vector_store %arg9[%swap3A_43, %swap3A_44], %dot_general3A_42 {strides = array<i32>} : memref<1024x128xf32, #tpu.memory_space<vmem>>, vector<1024x128xf32>,
    return
  }
  func.func @transform_0(%arg0: i32) -> (i32, i32, i32) {
    %c0_i32 = arith.constant 0 : i32
    %c0_i32_0 = arith.constant 0 : i32
    %c0_i32_1 = arith.constant 0 : i32
    return %arg0, %c0_i32, %c0_i32_0 : i32, i32, i32
  }
  func.func @transform_1(%arg0: i32) -> (i32, i32, i32) {
    %c0_i32 = arith.constant 0 : i32
    %c0_i32_0 = arith.constant 0 : i32
    %c0_i32_1 = arith.constant 0 : i32
    return %c0_i32, %c0_i32_0, %arg0 : i32, i32, i32
  }
  func.func @transform_2(%arg0: i32) -> (i32, i32) {
    %c0_i32 = arith.constant 0 : i32
    %c0_i32_0 = arith.constant 0 : i32
    %c0_i32_1 = arith.constant 0 : i32
    return %c0_i32, %c0_i32_0 : i32, i32
  }
  func.func @transform_3(%arg0: i32) -> (i32, i32) {
    %c0_i32 = arith.constant 0 : i32
    %c0_i32_0 = arith.constant 0 : i32
    %c0_i32_1 = arith.constant 0 : i32
    return %c0_i32, %c0_i32_0 : i32, i32
  }
  func.func @transform_4(%arg0: i32) -> (i32, i32) {
    %c0_i32 = arith.constant 0 : i32
    %c0_i32_0 = arith.constant 0 : i32
    %c0_i32_1 = arith.constant 0 : i32
    return %c0_i32, %c0_i32_0 : i32, i32
  }
  func.func @transform_5(%arg0: i32) -> (i32, i32) {
    %c0_i32 = arith.constant 0 : i32
    %c0_i32_0 = arith.constant 0 : i32
    %c0_i32_1 = arith.constant 0 : i32
    return %c0_i32, %c0_i32_0 : i32, i32
  }
  func.func @transform_6(%arg0: i32) -> (i32, i32) {
    %c0_i32 = arith.constant 0 : i32
    %c0_i32_0 = arith.constant 0 : i32
    return %arg0, %c0_i32 : i32, i32
  }
  func.func @transform_7(%arg0: i32) -> (i32, i32) {
    %c0_i32 = arith.constant 0 : i32
    %c0_i32_0 = arith.constant 0 : i32
    return %arg0, %c0_i32 : i32, i32
  }
  func.func @transform_8(%arg0: i32) -> (i32, i32) {
    %c0_i32 = arith.constant 0 : i32
    %c0_i32_0 = arith.constant 0 : i32
    return %arg0, %c0_i32 : i32, i32
  }
}

module attributes {stable_mosaic.version = 14 : i64} {
  func.func @_mid_body(%arg0: i32, %arg1: memref<1x1x1024x64xf32, #tpu.memory_space<vmem>>, %arg2: memref<1x1x1024x64xf32, #tpu.memory_space<vmem>>, %arg3: memref<1x1x1024x64xf32, #tpu.memory_space<vmem>>, %arg4: memref<1x1x1024x64xf32, #tpu.memory_space<vmem>>, %arg5: memref<32x1x1024xf32, #tpu.memory_space<vmem>>, %arg6: memref<32x1x1024xf32, #tpu.memory_space<vmem>>, %arg7: memref<1024x128xf32, #tpu.memory_space<vmem>>, %arg8: memref<8x128xf32, #tpu.memory_space<vmem>>, %arg9: memref<128x128xf32, #tpu.memory_space<vmem>>, %arg10: memref<128x128xf32, #tpu.memory_space<vmem>>, %arg11: memref<8x128xf32, #tpu.memory_space<vmem>>, %arg12: memref<1024x64xf32, #tpu.memory_space<vmem>>, %arg13: memref<1024x64xf32, #tpu.memory_space<vmem>>, %arg14: memref<1024x128xf32, #tpu.memory_space<vmem>>) attributes {dimension_semantics = [#tpu.dimension_semantics<arbitrary>], iteration_bounds = array<i64: 10>, scalar_prefetch = 0 : i64, scratch_operands = 0 : i64, tpu.core_type = #tpu.core_type<tc>, window_params = [{transform_indices = @transform_0, window_bounds = array<i64: 1, 1, 1024, 64>}, {transform_indices = @transform_1, window_bounds = array<i64: 1, 1, 1024, 64>}, {transform_indices = @transform_2, window_bounds = array<i64: 1, 1, 1024, 64>}, {transform_indices = @transform_3, window_bounds = array<i64: 1, 1, 1024, 64>}, {transform_indices = @transform_4, window_bounds = array<i64: 32, 1, 1024>}, {transform_indices = @transform_5, window_bounds = array<i64: 32, 1, 1024>}, {transform_indices = @transform_6, window_bounds = array<i64: 1024, 128>}, {pipeline_mode = #tpu.pipeline_mode<synchronous>, transform_indices = @transform_7, window_bounds = array<i64: 8, 128>}, {pipeline_mode = #tpu.pipeline_mode<synchronous>, transform_indices = @transform_8, window_bounds = array<i64: 128, 128>}, {pipeline_mode = #tpu.pipeline_mode<synchronous>, transform_indices = @transform_9, window_bounds = array<i64: 128, 128>}, {pipeline_mode = #tpu.pipeline_mode<synchronous>, transform_indices = @transform_10, window_bounds = array<i64: 8, 128>}, {transform_indices = @transform_11, window_bounds = array<i64: 1024, 64>}, {transform_indices = @transform_12, window_bounds = array<i64: 1024, 64>}, {transform_indices = @transform_13, window_bounds = array<i64: 1024, 128>}]} {
    %get3A = arith.constant 0 : index
    %get3A_0 = arith.constant 0 : index
    %get3A_1 = arith.constant 0 : index
    %get3A_2 = vector.load %arg5[%get3A, %get3A_0, %get3A_1] : memref<32x1x1024xf32, #tpu.memory_space<vmem>>, vector<32x1x1024xf32>
    %reduce_sum3A = arith.constant dense<0.000000e+00> : vector<1024xf32>
    %reduce_sum3A_3 = vector.multi_reduction <add>, %get3A_2, %reduce_sum3A [0, 1] : vector<32x1x1024xf32> to vector<1024xf32>
    %jit3A = arith.constant 1.000000e+00 : f32
    %max3A = vector.broadcast %jit3A : f32 to vector<1024xf32>
    %max3A_4 = arith.maximumf %max3A, %reduce_sum3A_3 : vector<1024xf32>
    %rsqrt3A = math.rsqrt %max3A_4 : vector<1024xf32>
    %get3A_5 = arith.constant 0 : index
    %get3A_6 = arith.constant 0 : index
    %get3A_7 = arith.constant 0 : index
    %get3A_8 = vector.load %arg6[%get3A_5, %get3A_6, %get3A_7] : memref<32x1x1024xf32, #tpu.memory_space<vmem>>, vector<32x1x1024xf32>
    %reduce_sum3A_9 = arith.constant dense<0.000000e+00> : vector<1024xf32>
    %reduce_sum3A_10 = vector.multi_reduction <add>, %get3A_8, %reduce_sum3A_9 [0, 1] : vector<32x1x1024xf32> to vector<1024xf32>
    %jit3A_11 = arith.constant 1.000000e+00 : f32
    %max3A_12 = vector.broadcast %jit3A_11 : f32 to vector<1024xf32>
    %max3A_13 = arith.maximumf %max3A_12, %reduce_sum3A_10 : vector<1024xf32>
    %rsqrt3A_14 = math.rsqrt %max3A_13 : vector<1024xf32>
    %get3A_15 = arith.constant 0 : index
    %get3A_16 = arith.constant 0 : index
    %get3A_17 = arith.constant 0 : index
    %get3A_18 = arith.constant 0 : index
    %get3A_19 = vector.load %arg1[%get3A_15, %get3A_16, %get3A_17, %get3A_18] : memref<1x1x1024x64xf32, #tpu.memory_space<vmem>>, vector<1x1x1024x64xf32>
    %get3A_20 = arith.constant 0 : index
    %get3A_21 = arith.constant 0 : index
    %get3A_22 = arith.constant 0 : index
    %get3A_23 = arith.constant 0 : index
    %get3A_24 = vector.load %arg2[%get3A_20, %get3A_21, %get3A_22, %get3A_23] : memref<1x1x1024x64xf32, #tpu.memory_space<vmem>>, vector<1x1x1024x64xf32>
    %get3A_25 = arith.constant 0 : index
    %get3A_26 = arith.constant 0 : index
    %get3A_27 = arith.constant 0 : index
    %get3A_28 = arith.constant 0 : index
    %get3A_29 = vector.load %arg3[%get3A_25, %get3A_26, %get3A_27, %get3A_28] : memref<1x1x1024x64xf32, #tpu.memory_space<vmem>>, vector<1x1x1024x64xf32>
    %get3A_30 = arith.constant 0 : index
    %get3A_31 = arith.constant 0 : index
    %get3A_32 = arith.constant 0 : index
    %get3A_33 = arith.constant 0 : index
    %get3A_34 = vector.load %arg4[%get3A_30, %get3A_31, %get3A_32, %get3A_33] : memref<1x1x1024x64xf32, #tpu.memory_space<vmem>>, vector<1x1x1024x64xf32>
    %squeeze3A = vector.shape_cast %get3A_19 : vector<1x1x1024x64xf32> to vector<1024x64xf32>
    %squeeze3A_35 = vector.shape_cast %get3A_24 : vector<1x1x1024x64xf32> to vector<1024x64xf32>
    %add3A = arith.addf %squeeze3A, %squeeze3A_35 : vector<1024x64xf32>
    %squeeze3A_36 = vector.shape_cast %get3A_29 : vector<1x1x1024x64xf32> to vector<1024x64xf32>
    %squeeze3A_37 = vector.shape_cast %get3A_34 : vector<1x1x1024x64xf32> to vector<1024x64xf32>
    %add3A_38 = arith.addf %squeeze3A_36, %squeeze3A_37 : vector<1024x64xf32>
    %concatenate3A = tpu.concatenate %add3A, %add3A_38 in 1 : vector<1024x64xf32>, vector<1024x64xf32> -> vector<1024x128xf32>
    %broadcast_in_dim3A = vector.shape_cast %rsqrt3A_14 : vector<1024xf32> to vector<1024x1xf32>
    %mul3A = vector.broadcast %broadcast_in_dim3A : vector<1024x1xf32> to vector<1024x128xf32>
    %mul3A_39 = arith.mulf %concatenate3A, %mul3A : vector<1024x128xf32>
    %get3A_40 = arith.constant 0 : index
    %get3A_41 = arith.constant 0 : index
    %get3A_42 = vector.load %arg8[%get3A_40, %get3A_41] : memref<8x128xf32, #tpu.memory_space<vmem>>, vector<1x128xf32>
    %add3A_43 = vector.broadcast %get3A_42 : vector<1x128xf32> to vector<1024x128xf32>
    %add3A_44 = arith.addf %mul3A_39, %add3A_43 : vector<1024x128xf32>
    %max3A_45 = arith.constant 0.000000e+00 : f32
    %max3A_46 = vector.broadcast %max3A_45 : f32 to vector<1024x128xf32>
    %max3A_47 = arith.maximumf %add3A_44, %max3A_46 : vector<1024x128xf32>
    %get3A_48 = arith.constant 0 : index
    %get3A_49 = arith.constant 0 : index
    %get3A_50 = vector.load %arg7[%get3A_48, %get3A_49] : memref<1024x128xf32, #tpu.memory_space<vmem>>, vector<1024x128xf32>
    %add3A_51 = arith.addf %max3A_47, %get3A_50 : vector<1024x128xf32>
    %get3A_52 = arith.constant 0 : index
    %get3A_53 = arith.constant 0 : index
    %get3A_54 = vector.load %arg9[%get3A_52, %get3A_53] : memref<128x128xf32, #tpu.memory_space<vmem>>, vector<128x128xf32>
    %dot_general3A = arith.constant dense<0.000000e+00> : vector<1024x128xf32>
    %dot_general3A_55 = tpu.matmul %add3A_51, %get3A_54, %dot_general3A {dimension_numbers = #tpu.dot_dimension_numbers<[1], [0], [0], [1], [0, 0, 1, 1], [], []>, precision = #tpu.contract_precision<fp32>, transpose_lhs_hint = false} : vector<1024x128xf32>, vector<128x128xf32>, vector<1024x128xf32> -> vector<1024x128xf32>
    %broadcast_in_dim3A_56 = vector.shape_cast %rsqrt3A : vector<1024xf32> to vector<1024x1xf32>
    %mul3A_57 = vector.broadcast %broadcast_in_dim3A_56 : vector<1024x1xf32> to vector<1024x128xf32>
    %mul3A_58 = arith.mulf %dot_general3A_55, %mul3A_57 : vector<1024x128xf32>
    %slice3A = vector.extract_strided_slice %mul3A_58 {offsets = [0, 0], sizes = [1024, 64], strides = [1, 1]} : vector<1024x128xf32> to vector<1024x64xf32>
    %swap3A = arith.constant 0 : index
    %swap3A_59 = arith.constant 0 : index
    %swap3A_60 = vector.load %arg12[%swap3A, %swap3A_59] : memref<1024x64xf32, #tpu.memory_space<vmem>>, vector<1024x64xf32>
    tpu.vector_store %arg12[%swap3A, %swap3A_59], %slice3A {strides = array<i32>} : memref<1024x64xf32, #tpu.memory_space<vmem>>, vector<1024x64xf32>,
    %slice3A_61 = vector.extract_strided_slice %mul3A_58 {offsets = [0, 64], sizes = [1024, 64], strides = [1, 1]} : vector<1024x128xf32> to vector<1024x64xf32>
    %swap3A_62 = arith.constant 0 : index
    %swap3A_63 = arith.constant 0 : index
    %swap3A_64 = vector.load %arg13[%swap3A_62, %swap3A_63] : memref<1024x64xf32, #tpu.memory_space<vmem>>, vector<1024x64xf32>
    tpu.vector_store %arg13[%swap3A_62, %swap3A_63], %slice3A_61 {strides = array<i32>} : memref<1024x64xf32, #tpu.memory_space<vmem>>, vector<1024x64xf32>,
    %get3A_65 = arith.constant 0 : index
    %get3A_66 = arith.constant 0 : index
    %get3A_67 = vector.load %arg10[%get3A_65, %get3A_66] : memref<128x128xf32, #tpu.memory_space<vmem>>, vector<128x128xf32>
    %dot_general3A_68 = arith.constant dense<0.000000e+00> : vector<1024x128xf32>
    %dot_general3A_69 = tpu.matmul %add3A_51, %get3A_67, %dot_general3A_68 {dimension_numbers = #tpu.dot_dimension_numbers<[1], [0], [0], [1], [0, 0, 1, 1], [], []>, precision = #tpu.contract_precision<fp32>, transpose_lhs_hint = false} : vector<1024x128xf32>, vector<128x128xf32>, vector<1024x128xf32> -> vector<1024x128xf32>
    %get3A_70 = arith.constant 0 : index
    %get3A_71 = arith.constant 0 : index
    %get3A_72 = vector.load %arg11[%get3A_70, %get3A_71] : memref<8x128xf32, #tpu.memory_space<vmem>>, vector<1x128xf32>
    %add3A_73 = vector.broadcast %get3A_72 : vector<1x128xf32> to vector<1024x128xf32>
    %add3A_74 = arith.addf %dot_general3A_69, %add3A_73 : vector<1024x128xf32>
    %max3A_75 = arith.constant 0.000000e+00 : f32
    %max3A_76 = vector.broadcast %max3A_75 : f32 to vector<1024x128xf32>
    %max3A_77 = arith.maximumf %add3A_74, %max3A_76 : vector<1024x128xf32>
    %swap3A_78 = arith.constant 0 : index
    %swap3A_79 = arith.constant 0 : index
    %swap3A_80 = vector.load %arg14[%swap3A_78, %swap3A_79] : memref<1024x128xf32, #tpu.memory_space<vmem>>, vector<1024x128xf32>
    tpu.vector_store %arg14[%swap3A_78, %swap3A_79], %max3A_77 {strides = array<i32>} : memref<1024x128xf32, #tpu.memory_space<vmem>>, vector<1024x128xf32>,
    return
  }
  func.func @transform_0(%arg0: i32) -> (i32, i32, i32, i32) {
    %c0_i32 = arith.constant 0 : i32
    %c0_i32_0 = arith.constant 0 : i32
    %c0_i32_1 = arith.constant 0 : i32
    %c0_i32_2 = arith.constant 0 : i32
    return %c0_i32, %c0_i32_0, %arg0, %c0_i32_1 : i32, i32, i32, i32
  }
  func.func @transform_1(%arg0: i32) -> (i32, i32, i32, i32) {
    %c0_i32 = arith.constant 0 : i32
    %c1_i32 = arith.constant 1 : i32
    %c0_i32_0 = arith.constant 0 : i32
    %c0_i32_1 = arith.constant 0 : i32
    return %c0_i32, %c1_i32, %arg0, %c0_i32_0 : i32, i32, i32, i32
  }
  func.func @transform_2(%arg0: i32) -> (i32, i32, i32, i32) {
    %c1_i32 = arith.constant 1 : i32
    %c0_i32 = arith.constant 0 : i32
    %c0_i32_0 = arith.constant 0 : i32
    %c0_i32_1 = arith.constant 0 : i32
    return %c1_i32, %c0_i32, %arg0, %c0_i32_0 : i32, i32, i32, i32
  }
  func.func @transform_3(%arg0: i32) -> (i32, i32, i32, i32) {
    %c1_i32 = arith.constant 1 : i32
    %c1_i32_0 = arith.constant 1 : i32
    %c0_i32 = arith.constant 0 : i32
    %c0_i32_1 = arith.constant 0 : i32
    return %c1_i32, %c1_i32_0, %arg0, %c0_i32 : i32, i32, i32, i32
  }
  func.func @transform_4(%arg0: i32) -> (i32, i32, i32) {
    %c0_i32 = arith.constant 0 : i32
    %c0_i32_0 = arith.constant 0 : i32
    %c0_i32_1 = arith.constant 0 : i32
    return %c0_i32, %c0_i32_0, %arg0 : i32, i32, i32
  }
  func.func @transform_5(%arg0: i32) -> (i32, i32, i32) {
    %c0_i32 = arith.constant 0 : i32
    %c0_i32_0 = arith.constant 0 : i32
    %c0_i32_1 = arith.constant 0 : i32
    return %c0_i32, %c0_i32_0, %arg0 : i32, i32, i32
  }
  func.func @transform_6(%arg0: i32) -> (i32, i32) {
    %c0_i32 = arith.constant 0 : i32
    %c0_i32_0 = arith.constant 0 : i32
    return %arg0, %c0_i32 : i32, i32
  }
  func.func @transform_7(%arg0: i32) -> (i32, i32) {
    %c0_i32 = arith.constant 0 : i32
    %c0_i32_0 = arith.constant 0 : i32
    %c0_i32_1 = arith.constant 0 : i32
    return %c0_i32, %c0_i32_0 : i32, i32
  }
  func.func @transform_8(%arg0: i32) -> (i32, i32) {
    %c0_i32 = arith.constant 0 : i32
    %c0_i32_0 = arith.constant 0 : i32
    %c0_i32_1 = arith.constant 0 : i32
    return %c0_i32, %c0_i32_0 : i32, i32
  }
  func.func @transform_9(%arg0: i32) -> (i32, i32) {
    %c0_i32 = arith.constant 0 : i32
    %c0_i32_0 = arith.constant 0 : i32
    %c0_i32_1 = arith.constant 0 : i32
    return %c0_i32, %c0_i32_0 : i32, i32
  }
  func.func @transform_10(%arg0: i32) -> (i32, i32) {
    %c0_i32 = arith.constant 0 : i32
    %c0_i32_0 = arith.constant 0 : i32
    %c0_i32_1 = arith.constant 0 : i32
    return %c0_i32, %c0_i32_0 : i32, i32
  }
  func.func @transform_11(%arg0: i32) -> (i32, i32) {
    %c0_i32 = arith.constant 0 : i32
    %c0_i32_0 = arith.constant 0 : i32
    return %arg0, %c0_i32 : i32, i32
  }
  func.func @transform_12(%arg0: i32) -> (i32, i32) {
    %c0_i32 = arith.constant 0 : i32
    %c0_i32_0 = arith.constant 0 : i32
    return %arg0, %c0_i32 : i32, i32
  }
  func.func @transform_13(%arg0: i32) -> (i32, i32) {
    %c0_i32 = arith.constant 0 : i32
    %c0_i32_0 = arith.constant 0 : i32
    return %arg0, %c0_i32 : i32, i32
  }
}

module attributes {stable_mosaic.version = 14 : i64} {
  func.func @_fin_body(%arg0: i32, %arg1: memref<1x1x1024x64xf32, #tpu.memory_space<vmem>>, %arg2: memref<1x1x1024x64xf32, #tpu.memory_space<vmem>>, %arg3: memref<1x1x1024x64xf32, #tpu.memory_space<vmem>>, %arg4: memref<1x1x1024x64xf32, #tpu.memory_space<vmem>>, %arg5: memref<32x1x1024xf32, #tpu.memory_space<vmem>>, %arg6: memref<1024x128xf32, #tpu.memory_space<vmem>>, %arg7: memref<8x128xf32, #tpu.memory_space<vmem>>, %arg8: memref<1024x128xf32, #tpu.memory_space<vmem>>) attributes {dimension_semantics = [#tpu.dimension_semantics<arbitrary>], iteration_bounds = array<i64: 10>, scalar_prefetch = 0 : i64, scratch_operands = 0 : i64, tpu.core_type = #tpu.core_type<tc>, window_params = [{transform_indices = @transform_0, window_bounds = array<i64: 1, 1, 1024, 64>}, {transform_indices = @transform_1, window_bounds = array<i64: 1, 1, 1024, 64>}, {transform_indices = @transform_2, window_bounds = array<i64: 1, 1, 1024, 64>}, {transform_indices = @transform_3, window_bounds = array<i64: 1, 1, 1024, 64>}, {transform_indices = @transform_4, window_bounds = array<i64: 32, 1, 1024>}, {transform_indices = @transform_5, window_bounds = array<i64: 1024, 128>}, {pipeline_mode = #tpu.pipeline_mode<synchronous>, transform_indices = @transform_6, window_bounds = array<i64: 8, 128>}, {transform_indices = @transform_7, window_bounds = array<i64: 1024, 128>}]} {
    %get3A = arith.constant 0 : index
    %get3A_0 = arith.constant 0 : index
    %get3A_1 = arith.constant 0 : index
    %get3A_2 = vector.load %arg5[%get3A, %get3A_0, %get3A_1] : memref<32x1x1024xf32, #tpu.memory_space<vmem>>, vector<32x1x1024xf32>
    %reduce_sum3A = arith.constant dense<0.000000e+00> : vector<1024xf32>
    %reduce_sum3A_3 = vector.multi_reduction <add>, %get3A_2, %reduce_sum3A [0, 1] : vector<32x1x1024xf32> to vector<1024xf32>
    %jit3A = arith.constant 1.000000e+00 : f32
    %max3A = vector.broadcast %jit3A : f32 to vector<1024xf32>
    %max3A_4 = arith.maximumf %max3A, %reduce_sum3A_3 : vector<1024xf32>
    %rsqrt3A = math.rsqrt %max3A_4 : vector<1024xf32>
    %get3A_5 = arith.constant 0 : index
    %get3A_6 = arith.constant 0 : index
    %get3A_7 = arith.constant 0 : index
    %get3A_8 = arith.constant 0 : index
    %get3A_9 = vector.load %arg1[%get3A_5, %get3A_6, %get3A_7, %get3A_8] : memref<1x1x1024x64xf32, #tpu.memory_space<vmem>>, vector<1x1x1024x64xf32>
    %get3A_10 = arith.constant 0 : index
    %get3A_11 = arith.constant 0 : index
    %get3A_12 = arith.constant 0 : index
    %get3A_13 = arith.constant 0 : index
    %get3A_14 = vector.load %arg2[%get3A_10, %get3A_11, %get3A_12, %get3A_13] : memref<1x1x1024x64xf32, #tpu.memory_space<vmem>>, vector<1x1x1024x64xf32>
    %get3A_15 = arith.constant 0 : index
    %get3A_16 = arith.constant 0 : index
    %get3A_17 = arith.constant 0 : index
    %get3A_18 = arith.constant 0 : index
    %get3A_19 = vector.load %arg3[%get3A_15, %get3A_16, %get3A_17, %get3A_18] : memref<1x1x1024x64xf32, #tpu.memory_space<vmem>>, vector<1x1x1024x64xf32>
    %get3A_20 = arith.constant 0 : index
    %get3A_21 = arith.constant 0 : index
    %get3A_22 = arith.constant 0 : index
    %get3A_23 = arith.constant 0 : index
    %get3A_24 = vector.load %arg4[%get3A_20, %get3A_21, %get3A_22, %get3A_23] : memref<1x1x1024x64xf32, #tpu.memory_space<vmem>>, vector<1x1x1024x64xf32>
    %squeeze3A = vector.shape_cast %get3A_9 : vector<1x1x1024x64xf32> to vector<1024x64xf32>
    %squeeze3A_25 = vector.shape_cast %get3A_14 : vector<1x1x1024x64xf32> to vector<1024x64xf32>
    %add3A = arith.addf %squeeze3A, %squeeze3A_25 : vector<1024x64xf32>
    %squeeze3A_26 = vector.shape_cast %get3A_19 : vector<1x1x1024x64xf32> to vector<1024x64xf32>
    %squeeze3A_27 = vector.shape_cast %get3A_24 : vector<1x1x1024x64xf32> to vector<1024x64xf32>
    %add3A_28 = arith.addf %squeeze3A_26, %squeeze3A_27 : vector<1024x64xf32>
    %concatenate3A = tpu.concatenate %add3A, %add3A_28 in 1 : vector<1024x64xf32>, vector<1024x64xf32> -> vector<1024x128xf32>
    %broadcast_in_dim3A = vector.shape_cast %rsqrt3A : vector<1024xf32> to vector<1024x1xf32>
    %mul3A = vector.broadcast %broadcast_in_dim3A : vector<1024x1xf32> to vector<1024x128xf32>
    %mul3A_29 = arith.mulf %concatenate3A, %mul3A : vector<1024x128xf32>
    %get3A_30 = arith.constant 0 : index
    %get3A_31 = arith.constant 0 : index
    %get3A_32 = vector.load %arg7[%get3A_30, %get3A_31] : memref<8x128xf32, #tpu.memory_space<vmem>>, vector<1x128xf32>
    %add3A_33 = vector.broadcast %get3A_32 : vector<1x128xf32> to vector<1024x128xf32>
    %add3A_34 = arith.addf %mul3A_29, %add3A_33 : vector<1024x128xf32>
    %max3A_35 = arith.constant 0.000000e+00 : f32
    %max3A_36 = vector.broadcast %max3A_35 : f32 to vector<1024x128xf32>
    %max3A_37 = arith.maximumf %add3A_34, %max3A_36 : vector<1024x128xf32>
    %get3A_38 = arith.constant 0 : index
    %get3A_39 = arith.constant 0 : index
    %get3A_40 = vector.load %arg6[%get3A_38, %get3A_39] : memref<1024x128xf32, #tpu.memory_space<vmem>>, vector<1024x128xf32>
    %add3A_41 = arith.addf %max3A_37, %get3A_40 : vector<1024x128xf32>
    %swap3A = arith.constant 0 : index
    %swap3A_42 = arith.constant 0 : index
    %swap3A_43 = vector.load %arg8[%swap3A, %swap3A_42] : memref<1024x128xf32, #tpu.memory_space<vmem>>, vector<1024x128xf32>
    tpu.vector_store %arg8[%swap3A, %swap3A_42], %add3A_41 {strides = array<i32>} : memref<1024x128xf32, #tpu.memory_space<vmem>>, vector<1024x128xf32>,
    return
  }
  func.func @transform_0(%arg0: i32) -> (i32, i32, i32, i32) {
    %c0_i32 = arith.constant 0 : i32
    %c0_i32_0 = arith.constant 0 : i32
    %c0_i32_1 = arith.constant 0 : i32
    %c0_i32_2 = arith.constant 0 : i32
    return %c0_i32, %c0_i32_0, %arg0, %c0_i32_1 : i32, i32, i32, i32
  }
  func.func @transform_1(%arg0: i32) -> (i32, i32, i32, i32) {
    %c0_i32 = arith.constant 0 : i32
    %c1_i32 = arith.constant 1 : i32
    %c0_i32_0 = arith.constant 0 : i32
    %c0_i32_1 = arith.constant 0 : i32
    return %c0_i32, %c1_i32, %arg0, %c0_i32_0 : i32, i32, i32, i32
  }
  func.func @transform_2(%arg0: i32) -> (i32, i32, i32, i32) {
    %c1_i32 = arith.constant 1 : i32
    %c0_i32 = arith.constant 0 : i32
    %c0_i32_0 = arith.constant 0 : i32
    %c0_i32_1 = arith.constant 0 : i32
    return %c1_i32, %c0_i32, %arg0, %c0_i32_0 : i32, i32, i32, i32
  }
  func.func @transform_3(%arg0: i32) -> (i32, i32, i32, i32) {
    %c1_i32 = arith.constant 1 : i32
    %c1_i32_0 = arith.constant 1 : i32
    %c0_i32 = arith.constant 0 : i32
    %c0_i32_1 = arith.constant 0 : i32
    return %c1_i32, %c1_i32_0, %arg0, %c0_i32 : i32, i32, i32, i32
  }
  func.func @transform_4(%arg0: i32) -> (i32, i32, i32) {
    %c0_i32 = arith.constant 0 : i32
    %c0_i32_0 = arith.constant 0 : i32
    %c0_i32_1 = arith.constant 0 : i32
    return %c0_i32, %c0_i32_0, %arg0 : i32, i32, i32
  }
  func.func @transform_5(%arg0: i32) -> (i32, i32) {
    %c0_i32 = arith.constant 0 : i32
    %c0_i32_0 = arith.constant 0 : i32
    return %arg0, %c0_i32 : i32, i32
  }
  func.func @transform_6(%arg0: i32) -> (i32, i32) {
    %c0_i32 = arith.constant 0 : i32
    %c0_i32_0 = arith.constant 0 : i32
    %c0_i32_1 = arith.constant 0 : i32
    return %c0_i32, %c0_i32_0 : i32, i32
  }
  func.func @transform_7(%arg0: i32) -> (i32, i32) {
    %c0_i32 = arith.constant 0 : i32
    %c0_i32_0 = arith.constant 0 : i32
    return %arg0, %c0_i32 : i32, i32
  }
}

</mosaic_0001>

<sc_bundles>
// kernel: kernel.11.cloned.1.call-start
scs
__scs_entry_jumppad:
0x0: {  	(pc) =	sbr.rel $0x88, $3  }
0x1: {  	(tag) =	ssettag $0x0;
	lr =	simm.s32 $0x1  }
0x2: {  	[smem:$0x3F96] =	sst lr;
	_ =	strace $0xD0000000  }
0x3: {  	_ = 	snop  }
0x4: {  	_ = 	snop  }
0x5: {  	_ = 	snop  }
0x6: {  	_ = 	snop  }
0x7: {  	_ = 	snop  }
__scs_overlays_trampoline_lowered:
0x8: {  	[smem:$0x3FA5] =	sst s0  }
0x9: {  	[smem:$0x3FA6] =	sst s1  }
0xa: {  	[smem:$0x3FA7] =	sst s2  }
0xb: {  	[smem:$0x3FA8] =	sst s3  }
0xc: {  	[smem:$0x3FA9] =	sst s4  }
0xd: {  	[smem:$0x3FAA] =	sst s5  }
0xe: {  	[smem:$0x3FAB] =	sst s6  }
0xf: {  	[smem:$0x3FAC] =	sst s7  }
0x10: {  	[smem:$0x3FAD] =	sst s8  }
0x11: {  	[smem:$0x3FAE] =	sst s9;
	s0 =	simm.s32 @!p0 $0x0  }
0x12: {  	s1 =	sld [smem:$0x3F94];
	s0 =	simm.s32 @p0 $0x1  }
0x13: {  	[smem:$0x3FAF] =	sst s0;
	s0 =	simm.s32 @!p1 $0x0  }
0x14: {  	s2 =	sld [smem:$0x3F93];
	s0 =	simm.s32 @p1 $0x1  }
0x15: {  	[smem:$0x3FB0] =	sst s0;
	s0 =	simm.s32 @!p2 $0x0  }
0x16: {  	s3 =	sld [smem:$0x3FDB];
	s0 =	simm.s32 @p2 $0x1  }
0x17: {  	s4 =	simm.s32 $0x1BF5;
	[smem:$0x3FB2] =	sst s0  }
0x18: {  	s0 =	sld [smem:$0x3F95];
	_ =	swait.ge [sflag:s4], $0x0  }
0x19: {  	s7 =	sld [smem:$0x3F96]  }
0x1a: {  	s8 =	sadd.s32 $0xFFFFE003, lr  }
0x1b: {  	s9 =	sadd.s32 $0xFFFFFEF7, lr;
	s5 =	simm.s32 $0xFFFFFFFF;
	p2 =	slt.u32 s8, $0xFFFFF086  }
0x1c: {  	p1 =	slt.u32 s9, $0xF7A;
	s5 =	simm.s32 @!p2 $0x0  }
0x1d: {  	s5 =	simm.s32 @p1 $0x1;
	p0 =	seq.s32 s7, s2  }
0x1e: {  	s7 =	smul.u32 @!p0 $0xF7A, s2;
	p2 =	seq.s32 @!p0 s5, $0x0  }
0x1f: {  	s9 =	smul.u32 $0xF7A, s1;
	s8 =	simm.s32 @!p0 $0x1BF5;
	p2 =	por !p2, p0  }
0x20: {  	[sflag:s8] =	ssyncset.s32 @!p0 $0xFFFFF086;
	s6 =	sadd.s32 @!p0 s3, s7;
	s7 =	simm.s32 @!p0 $0x108  }
0x21: {  	s3 =	sadd.s32 s3, s9;
	s6 =	sadd.s32 @!p0 $0x88, s6;
	s7 =	simm.s32 @p2 $0x1082  }
0x22: {  	[simem:s7], [sflag:s8] =	dma.local @!p0 [hbm:s6], $0xF7A  }
0x23: {  	s9 =	sor.u32 $0xD0000000, s2;
	s6 =	simm.s32 $0x108;
	_ =	swait.ge @!p0 [sflag:s8], $0x0  }
0x24: {  	s3 =	sadd.s32 $0x88, s3;
	s6 =	simm.s32 @!p1 $0x1082;
	[sflag:s4] =	ssyncset.s32 $0xFFFFF086  }
0x25: {  	[simem:s6], [sflag:s4] =	dma.local [hbm:s3], $0xF7A  }
0x26: {  	[smem:$0x3F96] =	sst s1;
	(tag) =	ssettag s2;
	_ =	strace s9  }
0x27: {  	s1 =	sld [smem:$0x3FA6]  }
0x28: {  	s2 =	sld [smem:$0x3FA7]  }
0x29: {  	s4 =	sld [smem:$0x3FA9]  }
0x2a: {  	p0 =	seq.s32 s5, $0x0;
	s5 =	sld [smem:$0x3FAA]  }
0x2b: {  	s6 =	sld [smem:$0x3FAB]  }
0x2c: {  	s7 =	sld [smem:$0x3FAC]  }
0x2d: {  	s3 =	simm.s32 $0x108;
	s8 =	sld [smem:$0x3FAD]  }
0x2e: {  	s3 =	simm.s32 @!p0 $0x1082;
	s9 =	sld [smem:$0x3FAE]  }
0x2f: {  	lr =	sadd.s32 s0, s3;
	s0 =	sld [smem:$0x3FA5]  }
0x30: {  	s3 =	sld [smem:$0x3FA8]  }
0x31: {  	[smem:$0x3FB1] =	sst s10  }
0x32: {  	s10 =	sld [smem:$0x3FAF];
	_ =	sdelay $0x3  }
0x33: {  	p0 =	seq.s32 s10, $0x1;
	s10 =	sld [smem:$0x3FB1];
	_ =	sdelay $0x3  }
0x34: {  	[smem:$0x3FB1] =	sst s10  }
0x35: {  	s10 =	sld [smem:$0x3FB0];
	_ =	sdelay $0x3  }
0x36: {  	p1 =	seq.s32 s10, $0x1;
	s10 =	sld [smem:$0x3FB1];
	_ =	sdelay $0x3  }
0x37: {  	[smem:$0x3FB1] =	sst s10  }
0x38: {  	s10 =	sld [smem:$0x3FB2]  }
0x39: {  	_ = 	snop;
	(pc) =	sbr.ind lr, $3  }
0x3a: {  	_ = 	snop  }
0x3b: {  	_ = 	snop  }
0x3c: {  	p2 =	seq.s32 s10, $0x1;
	s10 =	sld [smem:$0x3FB1]  }
0x3d: {  	_ =	shalt  }
0x3e: {  	_ =	shalt  }
0x3f: {  	_ =	shalt  }
0x40: {  	_ =	shalt  }
0x41: {  	_ =	shalt  }
0x42: {  	_ =	shalt  }
0x43: {  	_ =	shalt  }
0x44: {  	_ =	shalt  }
0x45: {  	_ =	shalt  }
0x46: {  	_ =	shalt  }
0x47: {  	_ =	shalt  }
0x48: {  	_ =	shalt  }
0x49: {  	_ =	shalt  }
0x4a: {  	_ =	shalt  }
0x4b: {  	_ =	shalt  }
0x4c: {  	_ =	shalt  }
0x4d: {  	_ =	shalt  }
0x4e: {  	_ =	shalt  }
0x4f: {  	_ =	shalt  }
0x50: {  	_ =	shalt  }
0x51: {  	_ =	shalt  }
0x52: {  	_ =	shalt  }
0x53: {  	_ =	shalt  }
0x54: {  	_ =	shalt  }
0x55: {  	_ =	shalt  }
0x56: {  	_ =	shalt  }
0x57: {  	_ =	shalt  }
0x58: {  	_ =	shalt  }
0x59: {  	_ =	shalt  }
0x5a: {  	_ =	shalt  }
0x5b: {  	_ =	shalt  }
0x5c: {  	_ =	shalt  }
0x5d: {  	_ =	shalt  }
0x5e: {  	_ =	shalt  }
0x5f: {  	_ =	shalt  }
0x60: {  	_ =	shalt  }
0x61: {  	_ =	shalt  }
0x62: {  	_ =	shalt  }
0x63: {  	_ =	shalt  }
0x64: {  	_ =	shalt  }
0x65: {  	_ =	shalt  }
0x66: {  	_ =	shalt  }
0x67: {  	_ =	shalt  }
0x68: {  	_ =	shalt  }
0x69: {  	_ =	shalt  }
0x6a: {  	_ =	shalt  }
0x6b: {  	_ =	shalt  }
0x6c: {  	_ =	shalt  }
0x6d: {  	_ =	shalt  }
0x6e: {  	_ =	shalt  }
0x6f: {  	_ =	shalt  }
0x70: {  	_ =	shalt  }
0x71: {  	_ =	shalt  }
0x72: {  	_ =	shalt  }
0x73: {  	_ =	shalt  }
0x74: {  	_ =	shalt  }
0x75: {  	_ =	shalt  }
0x76: {  	_ =	shalt  }
0x77: {  	_ =	shalt  }
0x78: {  	_ =	shalt  }
0x79: {  	_ =	shalt  }
0x7a: {  	_ =	shalt  }
0x7b: {  	_ =	shalt  }
0x7c: {  	_ =	shalt  }
0x7d: {  	_ =	shalt  }
0x7e: {  	_ =	shalt  }
0x7f: {  	_ =	shalt  }
0x80: {  	_ =	shalt  }
0x81: {  	_ =	shalt  }
0x82: {  	_ =	shalt  }
0x83: {  	_ =	shalt  }
0x84: {  	_ =	shalt  }
0x85: {  	_ =	shalt  }
0x86: {  	_ =	shalt  }
0x87: {  	_ =	shalt  }
.Lfunc_end0:
.L_simem_size_0:
called_computation.1_lowered:
.L_overlay_start_0:
0x88: {  	s2 =	sld [smem:$0x3FD9]  }
0x89: {  	s3 =	sld [smem:$0x3FFE];
	_ =	sdelay $0x1  }
0x8a: {  	s1 =	srdreg.scid  }
0x8b: {  	s0 =	sand.u32 $0x1, s1  }
0x8c: {  	s17 =	sshll.u32 s0, $0xA;
	s2 =	sadd.s32 s3, s2  }
0x8d: {  	s2 =	sadd.s32 s2, s17  }
0x8e: {  	[smem:$0x3FBD] =	sst s2  }
0x8f: {  	_ = 	snop  }
0x90: {  	s2 =	sld [smem:$0x3FD0];
	(tm) =	ssettm $0x1  }
0x91: {  	s18 =	sld [smem:$0x3FFB];
	_ =	sdelay $0x3  }
0x92: {  	_ =	strace s18  }
0x93: {  	s3 =	sld [smem:$0x3FFC];
	_ =	sdelay $0x3  }
0x94: {  	_ =	strace s3  }
0x95: {  	s3 =	sld [smem:$0x3FFD];
	_ =	sdelay $0x3  }
0x96: {  	_ =	strace s3  }
0x97: {  	_ =	strace $0x8FFFFFFF  }
0x98: {  	s19 =	sld [smem:$0x3FDB];
	_ =	sdelay $0x1  }
0x99: {  	s4 =	simm.s32 $_scs_section_size  }
0x9a: {  	s5 =	simm.s32 $_size__tile_overlayer_lowered;
	s6 =	simm.s32 $_tile_overlayer_lowered  }
0x9b: {  	s22 =	simm.s32 $0x1BFF;
	s21 =	sshll.u32 s6, $0x1;
	s3 =	sadd.s32 s4, s19  }
0x9c: {  	s7 =	simm.s32 $0x0;
	s20 =	sshll.u32 s5, $0x1;
	s5 =	sadd.s32 s21, s3  }
0x9d: {  	[timem:s7], [sflag:s22] =	dma.local [hbm:s5], s20  }
0x9e: {  	_ =	swait.ge [sflag:s22], s20  }
0x9f: {  	s4 =	ssub.s32 $0x0, s20;
	[sflag:s22] =	ssyncset.done $0x0  }
0xa0: {  	[sflag:s22] =	ssyncadd.s32 s4;
	_ =	sdelay $0x1  }
0xa1: {  	s23 =	simm.s32 $0x1B8B  }
0xa2: {  	_ =	swait.ge [sflag:s23], $0x1  }
0xa3: {  	[sflag:s23] =	ssyncset.done $0x0  }
0xa4: {  	s25 =	simm.s32 $0x1B8E;
	s24 =	sld [smem:$0x3FFE];
	[sflag:s23] =	ssyncadd.s32 $0xFFFFFFFF  }
0xa5: {  	s26 =	simm.s32 $execute0_lowered;
	[smem:$0x3FD2] =	sst s25  }
0xa6: {  	s5 =	sshll.u32 s26, $0x1;
	_ =	strace $0x80000049;
	[dreg:$0x1] =	wrdreg $0xFFFFFFFF  }
0xa7: {  	s28 =	simm.s32 $_size_execute0_lowered;
	s3 =	sadd.s32 s3, s5;
	[dreg:$0x0] =	wrdreg $0x0  }
0xa8: {  	s5 =	sshll.u32 s28, $0x1;
	[dreg:$0x2] =	wrdreg s3  }
0xa9: {  	[dreg:$0x3] =	wrdreg s5  }
0xaa: {  	[dreg:$0x4] =	wrdreg $0xC0  }
0xab: {  	_ =	task [dreg:s7], $0x5FFFF  }
0xac: {  	[dreg:$0x1] =	wrdreg $0xFFFFFFFF  }
0xad: {  	[dreg:$0x0] =	wrdreg $0x60  }
0xae: {  	[dreg:$0x2] =	wrdreg s2  }
0xaf: {  	[dreg:$0x3] =	wrdreg s24  }
0xb0: {  	[dreg:$0x4] =	wrdreg $0xED000  }
0xb1: {  	[dreg:$0x5] =	wrdreg $0x9  }
0xb2: {  	_ =	task.clear_ibuf [dreg:s7], $0x6FFFF;
	_ =	strace $0x90000049  }
0xb3: {  	s29 =	simm.s32 $0x9;
	_ =	strace $0x8000004B  }
0xb4: {  	_ =	swait.ge [sflag:s29], $0x1  }
0xb5: {  	[sflag:s29] =	ssyncadd.s32 $0xFFFFFFFF  }
0xb6: {  	_ =	strace $0x9000004B  }
0xb7: {  	_ =	sfence  }
0xb8: {  	s30 =	sld [smem:$0x0];
	_ =	sdelay $0x2  }
0xb9: {  	s31 =	sshll.u32 s1, $0xD;
	s1 =	sshrl.u32 s1, $0x2  }
0xba: {  	s3 =	sand.u32 $0x4000, s31;
	s1 =	sadd.s32 s1, s30  }
0xbb: {  	s0 =	sor.u32 s3, s0;
	s1 =	sshll.u32 s1, $0x11  }
0xbc: {  	s0 =	sor.u32 s1, s0  }
0xbd: {  	s0 =	sadd.s32 $0x8F2B, s0  }
0xbe: {  	[sflag:s0] =	ssyncadd.remote.s32 $0x1  }
0xbf: {  	_ =	sfence.sel $0xFFFF  }
0xc0: {  	[dreg:$0x0] =	wrdreg $0xFFFFFFFF;
	(pc) =	sbr.abs _section_cstart, $3  }
0xc1: {  	[dreg:$0x1] =	wrdreg $0xFFFFFFFF  }
0xc2: {  	_ =	task.clear_ibuf [dreg:s7], $0x2FFFF;
	_ =	strace $0x9FFFFFFF  }
0xc3: {  	(tm) =	ssettm $0x7FFFFFFF  }
tec
execute0_lowered:
.L_overlay_start_1:
0x0: {  	(tag) =	ssettag $0x1  }
0x1: {  	s1 =	rddreg [dreg:$0x0]  }
0x2: {  	s0 =	rddreg [dreg:$0x1];
	s2 =	srdreg.scid  }
0x3: {  	s8 =	stileid.u32;
	s3 =	rddreg [dreg:$0x2]  }
0x4: {  	s5 =	simm.s32 $0x0;
	s28 =	simm.s32 $0x7D;
	s29 =	simm.s32 $0x5000  }
0x5: {  	s31 =	simm.s32 $0x6F40;
	s16 =	simm.s32 $0x7;
	s2 =	sand.u32 $0x1, s2  }
0x6: {  	s4 =	sshll.u32 s8, $0x1;
	[smem:$0x7FF] =	sst s5;
	s8 =	smul.u32 $0xA000, s8  }
0x7: {  	s4 =	sor.u32 s2, s4;
	s6 =	ssub.s32 $0x2, s2;
	s2 =	smul.u32 $0xA0000, s2  }
0x8: {  	s5 =	sadd.s32 $0x5C200, s0;
	_ =	strace $0x8000004A;
	s4 =	smul.u32 $0x500, s4  }
0x9: {  	s7 =	sshrl.u32 s6, $0x1;
	s9 =	sadd.s32 s8, s3;
	s18 =	sadd.s32 $0x2000, s8  }
0xa: {  	s19 =	sadd.s32 $0x4000, s8;
	s13 =	sadd.s32 $0x6000, s8;
	s6 =	ssub.s32 s6, s7  }
0xb: {  	s10 =	sadd.s32 s18, s3;
	s11 =	sadd.s32 s19, s3;
	s12 =	sadd.s32 s13, s3  }
0xc: {  	s20 =	sadd.s32 s8, s2;
	s8 =	sadd.s32 $0x8000, s8;
	s21 =	sadd.s32 s2, s19  }
0xd: {  	s22 =	sadd.s32 s2, s13;
	s13 =	simm.s32 $0x2;
	s19 =	simm.s32 $0x0  }
0xe: {  	[dreg:$0x6] =	wrdreg s9;
	s4 =	sadd.s32 s4, s0;
	s0 =	sadd.s32 $0x70200, s0  }
0xf: {  	[dreg:$0x7] =	wrdreg s12;
	s14 =	sshrl.u32 s20, $0x3;
	s12 =	sadd.s32 s8, s3  }
0x10: {  	s7 =	sshrl.u32 s22, $0x3;
	s30 =	smax.u32 s6, $0x1;
	[dreg:$0x8] =	wrdreg s10  }
0x11: {  	s6 =	simm.s32 $0x1;
	s17 =	sadd.s32 $0x2A200, s4;
	[dreg:$0x13] =	wrdreg s30  }
0x12: {  	s4 =	sadd.s32 $0x20200, s4;
	s14 =	sadd.s32 s0, s14;
	[dreg:$0x4] =	wrdreg s17  }
0x13: {  	s7 =	sadd.s32 s0, s7;
	[dreg:$0x5] =	wrdreg s4;
	s4 =	sadd.s32 s2, s18  }
0x14: {  	s2 =	sadd.s32 s2, s8;
	[dreg:$0x9] =	wrdreg s14;
	s23 =	sadd.s32 $0x28000, s14  }
0x15: {  	[dreg:$0xc] =	wrdreg s7;
	s26 =	sadd.s32 $0x28000, s7;
	s18 =	simm.s32 $0xADC0  }
0x16: {  	s14 =	simm.s32 $0x5;
	s4 =	sshrl.u32 s4, $0x3;
	[dreg:$0xe] =	wrdreg s23  }
0x17: {  	s2 =	sshrl.u32 s2, $0x3;
	[dreg:$0x11] =	wrdreg s26;
	s15 =	sadd.s32 s0, s4  }
0x18: {  	s4 =	sshrl.u32 s21, $0x3;
	[dreg:$0xa] =	wrdreg s15;
	s24 =	sadd.s32 $0x28000, s15  }
.Ltmp0:
0x19: {  	s4 =	sadd.s32 s0, s4;
	[dreg:$0xf] =	wrdreg s24;
	(pc) =	sbr.rel .LBB2_1-.Ltmp0, $4  }
0x1a: {  	s17 =	simm.s32 $0x8;
	s0 =	sadd.s32 s0, s2;
	[dreg:$0xb] =	wrdreg s4  }
0x1b: {  	s26 =	simm.s32 $0xCD00;
	s25 =	sadd.s32 $0x28000, s4;
	[dreg:$0xd] =	wrdreg s0  }
0x1c: {  	s2 =	simm.s32 $0x4;
	s0 =	sadd.s32 $0x28000, s0;
	[dreg:$0x10] =	wrdreg s25  }
0x1d: {  	v0 =	vimm.f32 $0.0e+00;
	s24 =	simm.s32 $0x9;
	[dreg:$0x12] =	wrdreg s0;
	s0 =	simm.s32 $0x8E80  }
.LBB2_9:
0x1e: {  	_ =	swait.ge [sflag:s17], $0x1F40  }
0x1f: {  	[sflag:s17] =	ssyncset.done $0x0  }
0x20: {  	[sflag:s17] =	ssyncadd.s32 $0xFFFFE0C0  }
0x21: {  	[bflag:$0x0] =	sbarrier.arrive $0xFFFF  }
0x22: {  	s4 =	rddreg [dreg:$0xe]  }
0x23: {  	[hbm:s4], [sflag:s20] =	dma.local [spmem:s22], $0x400  }
0x24: {  	_ =	swait.ge [sflag:s24], $0x400  }
0x25: {  	[sflag:s24] =	ssyncset.done $0x0  }
0x26: {  	s11 =	rddreg [dreg:$0xf];
	[sflag:s24] =	ssyncadd.s32 $0xFFFFFC00  }
0x27: {  	[hbm:s11], [sflag:s20] =	dma.local [spmem:s30], $0x400  }
0x28: {  	_ =	swait.ge [sflag:s24], $0x400  }
0x29: {  	[sflag:s24] =	ssyncset.done $0x0  }
0x2a: {  	s12 =	rddreg [dreg:$0x10];
	[sflag:s24] =	ssyncadd.s32 $0xFFFFFC00  }
0x2b: {  	[hbm:s12], [sflag:s20] =	dma.local [spmem:s15], $0x400  }
0x2c: {  	_ =	swait.ge [sflag:s24], $0x400  }
0x2d: {  	[sflag:s24] =	ssyncset.done $0x0  }
0x2e: {  	s15 =	rddreg [dreg:$0x11];
	[sflag:s24] =	ssyncadd.s32 $0xFFFFFC00  }
0x2f: {  	[hbm:s15], [sflag:s20] =	dma.local [spmem:s7], $0x400  }
0x30: {  	_ =	swait.ge [sflag:s24], $0x400  }
0x31: {  	[sflag:s24] =	ssyncset.done $0x0  }
0x32: {  	s22 =	rddreg [dreg:$0x12];
	[sflag:s24] =	ssyncadd.s32 $0xFFFFFC00  }
0x33: {  	[hbm:s22], [sflag:s20] =	dma.local [spmem:s25], $0x400  }
0x34: {  	_ =	swait.ge [sflag:s24], $0x400  }
0x35: {  	s19 =	sadd.s32 $0x1, s19;
	s30 =	rddreg [dreg:$0x13]  }
0x36: {  	p0 =	sne.s32 s19, s30  }
.Ltmp1:
0x37: {  	_ = 	snop;
	(pc) =	sbr.rel @!p0 .LBB2_10-.Ltmp1, $3  }
0x38: {  	_ =	sdelay $0x1  }
0x39: {  	s11 =	smov.u32 s21;
	[sflag:s24] =	ssyncset.done $0x0;
	s9 =	rddreg [dreg:$0x6]  }
0x3a: {  	s12 =	smov.u32 s23;
	s10 =	rddreg [dreg:$0x8];
	[sflag:s24] =	ssyncadd.s32 $0xFFFFFC00  }
.LBB2_1:
0x3b: {  	s7 =	simm.s32 $0x0;
	s4 =	rddreg [dreg:$0x4]  }
0x3c: {  	[tilespmem:s7], [sflag:$0x9] =	stream.linear.gather [hbm4b:s4+s7], $0x2800, $0x38;
	[tilespmem:$0x18D00] =	vst v63  }
0x3d: {  	_ =	swait.ge [sflag:s24], $0x2800  }
0x3e: {  	[sflag:s24] =	ssyncset.done $0x0  }
0x3f: {  	s8 =	simm.s32 $0x2800;
	s23 =	rddreg [dreg:$0x5];
	[sflag:s24] =	ssyncadd.s32 $0xFFFFD800  }
0x40: {  	[tilespmem:s8], [sflag:$0x9] =	stream.linear.gather [hbm4b:s23+s7], $0x2800, $0x38;
	[tilespmem:$0x18D00] =	vst v63  }
0x41: {  	s25 =	sand.u32 $0x7F00, s7;
	s4 =	simm.s32 $0x40;
	_ =	swait.ge [sflag:s24], $0x2800  }
0x42: {  	s30 =	sshrl.u32 s25, $0x2;
	s7 =	sand.u32 $0x30, s7;
	[sflag:s24] =	ssyncset.done $0x0  }
0x43: {  	s8 =	sor.u32 s7, s30;
	s7 =	simm.s32 $0x0;
	[sflag:s24] =	ssyncadd.s32 $0xFFFFD800  }
.LBB2_2:
0x44: {  	p0 =	sne.s32 s4, $0x7FC0  }
0x45: {  	[tilespmem:s8+$0xCD00] =	vst v0;
	s7 =	sadd.s32 $0x10, s7;
	s8 =	smov.u32 s4;
	s4 =	sadd.s32 $0x40, s4  }
.Ltmp2:
0x46: {  	(pc) =	sbr.rel @p0 .LBB2_2-.Ltmp2, $4  }
0x47: {  	_ = 	snop  }
0x48: {  	s8 =	sand.u32 $0x7F00, s8  }
0x49: {  	s15 =	sand.u32 $0x30, s7;
	s8 =	sshrl.u32 s8, $0x2  }
0x4a: {  	s8 =	sor.u32 s15, s8  }
0x4b: {  	[tilespmem:s8+$0xCD00] =	vst v0  }
0x4c: {  	[spmem:s9] =	stream.linear.scatter [tilespmem:s26], [sflag:$0x9], $0x2000, $0x38;
	[tilespmem:$0x18D00] =	vst v63  }
0x4d: {  	_ =	swait.ge [sflag:s24], $0x2000  }
0x4e: {  	[sflag:s24] =	ssyncset.done $0x0  }
0x4f: {  	[sflag:s24] =	ssyncadd.s32 $0xFFFFE000  }
0x50: {  	[spmem:s10] =	stream.linear.scatter [tilespmem:s26], [sflag:$0x9], $0x2000, $0x38;
	[tilespmem:$0x18D00] =	vst v63  }
0x51: {  	_ =	swait.ge [sflag:s24], $0x2000  }
0x52: {  	[sflag:s24] =	ssyncset.done $0x0  }
0x53: {  	[sflag:s24] =	ssyncadd.s32 $0xFFFFE000  }
0x54: {  	[spmem:s11] =	stream.linear.scatter [tilespmem:s26], [sflag:$0x9], $0x2000, $0x38;
	[tilespmem:$0x18D00] =	vst v63  }
0x55: {  	_ =	swait.ge [sflag:s24], $0x2000  }
0x56: {  	[sflag:s24] =	ssyncset.done $0x0  }
0x57: {  	s4 =	rddreg [dreg:$0x7];
	[sflag:s24] =	ssyncadd.s32 $0xFFFFE000  }
0x58: {  	[spmem:s4] =	stream.linear.scatter [tilespmem:s26], [sflag:$0x9], $0x2000, $0x38;
	[tilespmem:$0x18D00] =	vst v63  }
0x59: {  	_ =	swait.ge [sflag:s24], $0x2000  }
0x5a: {  	[sflag:s24] =	ssyncset.done $0x0  }
0x5b: {  	[sflag:s24] =	ssyncadd.s32 $0xFFFFE000  }
0x5c: {  	[spmem:s12] =	stream.linear.scatter [tilespmem:s26], [sflag:$0x9], $0x2000, $0x38;
	[tilespmem:$0x18D00] =	vst v63  }
0x5d: {  	_ =	swait.ge [sflag:s24], $0x2000  }
0x5e: {  	[sflag:s24] =	ssyncset.done $0x0  }
0x5f: {  	[sflag:s24] =	ssyncadd.s32 $0xFFFFE000  }
0x60: {  	s7 =	simm.s32 $0x0;
	[bflag:$0x0] =	sbarrier.arrive $0xFFFF  }
0x61: {  	[tilespmem:s29], [sflag:$0x1] =	stream.indirect.gather [hbm4b:s1+s28], $0x40, s7, s28, $0xb8;
	[tilespmem:$0x18D00] =	vst v63  }
0x62: {  	s22 =	simm.s32 $0x80  }
0x63: {  	[tilespmem:s31], [sflag:$0x2] =	stream.indirect.gather [hbm4b:s1+s28], $0x40, s22, s28, $0xb8;
	[tilespmem:$0x18D00] =	vst v63  }
0x64: {  	s23 =	simm.s32 $0x100  }
0x65: {  	[tilespmem:s0], [sflag:$0x3] =	stream.indirect.gather [hbm4b:s1+s28], $0x40, s23, s28, $0xb8;
	[tilespmem:$0x18D00] =	vst v63  }
0x66: {  	_ =	swait.ge [sflag:s6], $0x1F40  }
0x67: {  	[sflag:s6] =	ssyncset.done $0x0  }
0x68: {  	s25 =	simm.s32 $0x2800;
	[sflag:s6] =	ssyncadd.s32 $0xFFFFE0C0  }
0x69: {  	[spmem:s3] =	stream.indirect.scatter.add.f32 [tilespmem:s29], [sflag:$0x5], $0x40, s25, s28, $0xb8;
	[tilespmem:$0x18D00] =	vst v63  }
0x6a: {  	s30 =	simm.s32 $0x180  }
0x6b: {  	[tilespmem:s18], [sflag:$0x4] =	stream.indirect.gather [hbm4b:s1+s28], $0x40, s30, s28, $0xb8;
	[tilespmem:$0x18D00] =	vst v63  }
0x6c: {  	_ =	swait.ge [sflag:s13], $0x1F40  }
0x6d: {  	[sflag:s13] =	ssyncset.done $0x0  }
0x6e: {  	s8 =	simm.s32 $0x2880;
	[sflag:s13] =	ssyncadd.s32 $0xFFFFE0C0  }
0x6f: {  	[spmem:s3] =	stream.indirect.scatter.add.f32 [tilespmem:s31], [sflag:$0x6], $0x40, s8, s28, $0xb8;
	[tilespmem:$0x18D00] =	vst v63  }
0x70: {  	_ =	swait.ge [sflag:s14], $0x1F40  }
0x71: {  	[sflag:s14] =	ssyncset.done $0x0  }
0x72: {  	s15 =	simm.s32 $0x200;
	s20 =	simm.s32 $0x3;
	[sflag:s14] =	ssyncadd.s32 $0xFFFFE0C0  }
0x73: {  	[tilespmem:s29], [sflag:$0x1] =	stream.indirect.gather [hbm4b:s1+s28], $0x40, s15, s28, $0xb8;
	[tilespmem:$0x18D00] =	vst v63  }
0x74: {  	_ =	swait.ge [sflag:s20], $0x1F40  }
0x75: {  	[sflag:s20] =	ssyncset.done $0x0  }
0x76: {  	s21 =	simm.s32 $0x2900;
	s22 =	simm.s32 $0x6;
	[sflag:s20] =	ssyncadd.s32 $0xFFFFE0C0  }
0x77: {  	[spmem:s3] =	stream.indirect.scatter.add.f32 [tilespmem:s0], [sflag:$0x7], $0x40, s21, s28, $0xb8;
	[tilespmem:$0x18D00] =	vst v63  }
0x78: {  	_ =	swait.ge [sflag:s22], $0x1F40  }
0x79: {  	[sflag:s22] =	ssyncset.done $0x0  }
0x7a: {  	s23 =	simm.s32 $0x280;
	[sflag:s22] =	ssyncadd.s32 $0xFFFFE0C0  }
0x7b: {  	[tilespmem:s31], [sflag:$0x2] =	stream.indirect.gather [hbm4b:s1+s28], $0x40, s23, s28, $0xb8;
	[tilespmem:$0x18D00] =	vst v63  }
0x7c: {  	_ =	swait.ge [sflag:s2], $0x1F40  }
0x7d: {  	[sflag:s2] =	ssyncset.done $0x0  }
0x7e: {  	s25 =	simm.s32 $0x2980;
	[sflag:s2] =	ssyncadd.s32 $0xFFFFE0C0  }
0x7f: {  	[spmem:s3] =	stream.indirect.scatter.add.f32 [tilespmem:s18], [sflag:$0x8], $0x40, s25, s28, $0xb8;
	[tilespmem:$0x18D00] =	vst v63  }
0x80: {  	_ =	swait.ge [sflag:s16], $0x1F40  }
0x81: {  	[sflag:s16] =	ssyncset.done $0x0  }
0x82: {  	s30 =	simm.s32 $0x300;
	[sflag:s16] =	ssyncadd.s32 $0xFFFFE0C0  }
0x83: {  	[tilespmem:s0], [sflag:$0x3] =	stream.indirect.gather [hbm4b:s1+s28], $0x40, s30, s28, $0xb8;
	[tilespmem:$0x18D00] =	vst v63  }
.LBB2_4:
0x84: {  	_ =	swait.ge [sflag:s6], $0x1F40  }
0x85: {  	s4 =	sshra.s32 s7, $0x2;
	[sflag:s6] =	ssyncset.done $0x0  }
0x86: {  	s8 =	sadd.s32 $0x2A00, s4;
	[sflag:s6] =	ssyncadd.s32 $0xFFFFE0C0  }
0x87: {  	[spmem:s3] =	stream.indirect.scatter.add.f32 [tilespmem:s29], [sflag:$0x5], $0x40, s8, s28, $0xb8;
	[tilespmem:$0x18D00] =	vst v63  }
0x88: {  	_ =	swait.ge [sflag:s17], $0x1F40  }
0x89: {  	[sflag:s17] =	ssyncset.done $0x0  }
0x8a: {  	s23 =	sadd.s32 $0x380, s4;
	[sflag:s17] =	ssyncadd.s32 $0xFFFFE0C0  }
0x8b: {  	[tilespmem:s18], [sflag:$0x4] =	stream.indirect.gather [hbm4b:s1+s28], $0x40, s23, s28, $0xb8;
	[tilespmem:$0x18D00] =	vst v63  }
0x8c: {  	_ =	swait.ge [sflag:s13], $0x1F40  }
0x8d: {  	[sflag:s13] =	ssyncset.done $0x0  }
0x8e: {  	s25 =	sadd.s32 $0x2A80, s4;
	[sflag:s13] =	ssyncadd.s32 $0xFFFFE0C0  }
0x8f: {  	[spmem:s3] =	stream.indirect.scatter.add.f32 [tilespmem:s31], [sflag:$0x6], $0x40, s25, s28, $0xb8;
	[tilespmem:$0x18D00] =	vst v63  }
0x90: {  	_ =	swait.ge [sflag:s14], $0x1F40  }
0x91: {  	p0 =	seq.s32 s7, $0x9000;
	[sflag:s14] =	ssyncset.done $0x0  }
0x92: {  	s8 =	simm.s32 @p0 $0x3;
	[sflag:s14] =	ssyncadd.s32 $0xFFFFE0C0  }
0x93: {  	_ =	swait.ge @p0 [sflag:s8], $0x1F40  }
0x94: {  	[sflag:s8] =	ssyncset.done @p0 $0x0  }
0x95: {  	[sflag:s8] =	ssyncadd.s32 @p0 $0xFFFFE0C0;
	s8 =	sshra.s32 @p0 s7, $0x2  }
0x96: {  	s15 =	simm.s32 @p0 $0x7D;
	s20 =	simm.s32 @p0 $0x8E80;
	s8 =	sadd.s32 @p0 $0x2B00, s8  }
0x97: {  	[spmem:s3] =	stream.indirect.scatter.add.f32 @p0 [tilespmem:s20], [sflag:$0x7], $0x40, s8, s15, $0xb8;
	[tilespmem:$0x18D00] =	vst v63  }
0x98: {  	s8 =	simm.s32 @p0 $0x6  }
0x99: {  	_ =	swait.ge @p0 [sflag:s8], $0x1F40  }
0x9a: {  	[sflag:s8] =	ssyncset.done @p0 $0x0  }
0x9b: {  	[sflag:s8] =	ssyncadd.s32 @p0 $0xFFFFE0C0;
	s8 =	sshra.s32 @!p0 s7, $0x2  }
0x9c: {  	s22 =	simm.s32 @!p0 $0x5000;
	s20 =	simm.s32 @!p0 $0x7D;
	s15 =	sadd.s32 @!p0 $0x400, s8  }
0x9d: {  	[tilespmem:s22], [sflag:$0x1] =	stream.indirect.gather @!p0 [hbm4b:s1+s20], $0x40, s15, s20, $0xb8;
	[tilespmem:$0x18D00] =	vst v63  }
0x9e: {  	s15 =	simm.s32 @!p0 $0x3  }
0x9f: {  	_ =	swait.ge @!p0 [sflag:s15], $0x1F40  }
0xa0: {  	[sflag:s15] =	ssyncset.done @!p0 $0x0  }
0xa1: {  	s22 =	simm.s32 @!p0 $0x8E80;
	[sflag:s15] =	ssyncadd.s32 @!p0 $0xFFFFE0C0;
	s15 =	sadd.s32 @!p0 $0x2B00, s8  }
0xa2: {  	[spmem:s3] =	stream.indirect.scatter.add.f32 @!p0 [tilespmem:s22], [sflag:$0x7], $0x40, s15, s20, $0xb8;
	[tilespmem:$0x18D00] =	vst v63  }
0xa3: {  	s15 =	simm.s32 @!p0 $0x6  }
0xa4: {  	_ =	swait.ge @!p0 [sflag:s15], $0x1F40  }
0xa5: {  	[sflag:s15] =	ssyncset.done @!p0 $0x0  }
0xa6: {  	s8 =	sadd.s32 @!p0 $0x480, s8;
	[sflag:s15] =	ssyncadd.s32 @!p0 $0xFFFFE0C0;
	s15 =	simm.s32 @!p0 $0x6F40  }
0xa7: {  	[tilespmem:s15], [sflag:$0x2] =	stream.indirect.gather @!p0 [hbm4b:s1+s20], $0x40, s8, s20, $0xb8;
	[tilespmem:$0x18D00] =	vst v63  }
0xa8: {  	_ =	swait.ge [sflag:s2], $0x1F40  }
0xa9: {  	[sflag:s2] =	ssyncset.done $0x0  }
.Ltmp3:
0xaa: {  	s30 =	sadd.s32 $0x2B80, s4;
	[sflag:s2] =	ssyncadd.s32 $0xFFFFE0C0;
	(pc) =	sbr.rel @p0 .LBB2_6-.Ltmp3, $4  }
0xab: {  	[spmem:s3] =	stream.indirect.scatter.add.f32 [tilespmem:s18], [sflag:$0x8], $0x40, s30, s28, $0xb8;
	[tilespmem:$0x18D00] =	vst v63  }
0xac: {  	_ =	swait.ge [sflag:s16], $0x1F40  }
0xad: {  	[sflag:s16] =	ssyncset.done $0x0  }
0xae: {  	[sflag:s16] =	ssyncadd.s32 $0xFFFFE0C0  }
.Ltmp4:
0xaf: {  	(pc) =	sbr.rel .LBB2_4-.Ltmp4, $3  }
0xb0: {  	_ =	sdelay $0x1  }
0xb1: {  	s4 =	sadd.s32 $0x500, s4;
	s7 =	sadd.s32 $0x800, s7  }
0xb2: {  	[tilespmem:s0], [sflag:$0x3] =	stream.indirect.gather [hbm4b:s1+s28], $0x40, s4, s28, $0xb8;
	[tilespmem:$0x18D00] =	vst v63  }
.LBB2_6:
0xb3: {  	_ =	swait.ge [sflag:s17], $0x1F40  }
0xb4: {  	[sflag:s17] =	ssyncset.done $0x0  }
0xb5: {  	s4 =	stileid.u32;
	[sflag:s17] =	ssyncadd.s32 $0xFFFFE0C0  }
0xb6: {  	s4 =	sshll.u32 s4, $0x6;
	[bflag:$0x0] =	sbarrier.arrive $0xFFFF  }
0xb7: {  	s22 =	sshrl.u32 s9, $0x3;
	s20 =	sor.u32 $0x1C09, s4;
	s8 =	rddreg [dreg:$0x9]  }
0xb8: {  	[hbm:s8], [sflag:s20] =	dma.local [spmem:s22], $0x400  }
0xb9: {  	_ =	swait.ge [sflag:s24], $0x400  }
0xba: {  	[sflag:s24] =	ssyncset.done $0x0  }
0xbb: {  	s30 =	sshrl.u32 s10, $0x3;
	s15 =	rddreg [dreg:$0xa];
	[sflag:s24] =	ssyncadd.s32 $0xFFFFFC00  }
0xbc: {  	[hbm:s15], [sflag:s20] =	dma.local [spmem:s30], $0x400  }
0xbd: {  	_ =	swait.ge [sflag:s24], $0x400  }
0xbe: {  	[sflag:s24] =	ssyncset.done $0x0  }
0xbf: {  	s15 =	sshrl.u32 s11, $0x3;
	s21 =	rddreg [dreg:$0xb];
	[sflag:s24] =	ssyncadd.s32 $0xFFFFFC00  }
0xc0: {  	[hbm:s21], [sflag:s20] =	dma.local [spmem:s15], $0x400  }
0xc1: {  	_ =	swait.ge [sflag:s24], $0x400  }
0xc2: {  	[sflag:s24] =	ssyncset.done $0x0;
	s4 =	rddreg [dreg:$0x7]  }
0xc3: {  	s8 =	rddreg [dreg:$0xc];
	[sflag:s24] =	ssyncadd.s32 $0xFFFFFC00;
	s7 =	sshrl.u32 s4, $0x3  }
0xc4: {  	[hbm:s8], [sflag:s20] =	dma.local [spmem:s7], $0x400  }
0xc5: {  	_ =	swait.ge [sflag:s24], $0x400  }
0xc6: {  	[sflag:s24] =	ssyncset.done $0x0  }
0xc7: {  	s25 =	sshrl.u32 s12, $0x3;
	s23 =	rddreg [dreg:$0xd];
	[sflag:s24] =	ssyncadd.s32 $0xFFFFFC00  }
0xc8: {  	[hbm:s23], [sflag:s20] =	dma.local [spmem:s25], $0x400  }
0xc9: {  	_ =	swait.ge [sflag:s24], $0x400  }
0xca: {  	[sflag:s24] =	ssyncset.done $0x0  }
0xcb: {  	[sflag:s24] =	ssyncadd.s32 $0xFFFFFC00  }
0xcc: {  	[spmem:s9] =	stream.linear.scatter [tilespmem:s26], [sflag:$0x9], $0x2000, $0x38;
	[tilespmem:$0x18D00] =	vst v63  }
0xcd: {  	_ =	swait.ge [sflag:s24], $0x2000  }
0xce: {  	[sflag:s24] =	ssyncset.done $0x0  }
0xcf: {  	[sflag:s24] =	ssyncadd.s32 $0xFFFFE000  }
0xd0: {  	[spmem:s10] =	stream.linear.scatter [tilespmem:s26], [sflag:$0x9], $0x2000, $0x38;
	[tilespmem:$0x18D00] =	vst v63  }
0xd1: {  	_ =	swait.ge [sflag:s24], $0x2000  }
0xd2: {  	[sflag:s24] =	ssyncset.done $0x0  }
0xd3: {  	[sflag:s24] =	ssyncadd.s32 $0xFFFFE000  }
0xd4: {  	[spmem:s11] =	stream.linear.scatter [tilespmem:s26], [sflag:$0x9], $0x2000, $0x38;
	[tilespmem:$0x18D00] =	vst v63  }
0xd5: {  	_ =	swait.ge [sflag:s24], $0x2000  }
0xd6: {  	[sflag:s24] =	ssyncset.done $0x0  }
0xd7: {  	[sflag:s24] =	ssyncadd.s32 $0xFFFFE000  }
0xd8: {  	[spmem:s4] =	stream.linear.scatter [tilespmem:s26], [sflag:$0x9], $0x2000, $0x38;
	[tilespmem:$0x18D00] =	vst v63  }
0xd9: {  	_ =	swait.ge [sflag:s24], $0x2000  }
0xda: {  	[sflag:s24] =	ssyncset.done $0x0  }
0xdb: {  	[sflag:s24] =	ssyncadd.s32 $0xFFFFE000  }
0xdc: {  	[spmem:s12] =	stream.linear.scatter [tilespmem:s26], [sflag:$0x9], $0x2000, $0x38;
	[tilespmem:$0x18D00] =	vst v63  }
0xdd: {  	_ =	swait.ge [sflag:s24], $0x2000  }
0xde: {  	[sflag:s24] =	ssyncset.done $0x0  }
0xdf: {  	[sflag:s24] =	ssyncadd.s32 $0xFFFFE000  }
0xe0: {  	s4 =	simm.s32 $0x0;
	[bflag:$0x0] =	sbarrier.arrive $0xFFFF  }
0xe1: {  	[tilespmem:s29], [sflag:$0x1] =	stream.indirect.gather [hbm4b:s5+s28], $0x40, s4, s28, $0xb8;
	[tilespmem:$0x18D00] =	vst v63  }
0xe2: {  	s9 =	simm.s32 $0x80  }
0xe3: {  	[tilespmem:s31], [sflag:$0x2] =	stream.indirect.gather [hbm4b:s5+s28], $0x40, s9, s28, $0xb8;
	[tilespmem:$0x18D00] =	vst v63  }
0xe4: {  	s10 =	simm.s32 $0x100  }
0xe5: {  	[tilespmem:s0], [sflag:$0x3] =	stream.indirect.gather [hbm4b:s5+s28], $0x40, s10, s28, $0xb8;
	[tilespmem:$0x18D00] =	vst v63  }
0xe6: {  	_ =	swait.ge [sflag:s6], $0x1F40  }
0xe7: {  	[sflag:s6] =	ssyncset.done $0x0  }
0xe8: {  	s21 =	smov.u32 s11;
	s11 =	simm.s32 $0x2800;
	[sflag:s6] =	ssyncadd.s32 $0xFFFFE0C0  }
0xe9: {  	[spmem:s3] =	stream.indirect.scatter.add.f32 [tilespmem:s29], [sflag:$0x5], $0x40, s11, s28, $0xb8;
	[tilespmem:$0x18D00] =	vst v63  }
0xea: {  	s23 =	smov.u32 s12;
	s12 =	simm.s32 $0x180  }
0xeb: {  	[tilespmem:s18], [sflag:$0x4] =	stream.indirect.gather [hbm4b:s5+s28], $0x40, s12, s28, $0xb8;
	[tilespmem:$0x18D00] =	vst v63  }
0xec: {  	_ =	swait.ge [sflag:s13], $0x1F40  }
0xed: {  	[sflag:s13] =	ssyncset.done $0x0  }
0xee: {  	s9 =	simm.s32 $0x2880;
	[sflag:s13] =	ssyncadd.s32 $0xFFFFE0C0  }
0xef: {  	[spmem:s3] =	stream.indirect.scatter.add.f32 [tilespmem:s31], [sflag:$0x6], $0x40, s9, s28, $0xb8;
	[tilespmem:$0x18D00] =	vst v63  }
0xf0: {  	_ =	swait.ge [sflag:s14], $0x1F40  }
0xf1: {  	[sflag:s14] =	ssyncset.done $0x0  }
0xf2: {  	s10 =	simm.s32 $0x200;
	s11 =	simm.s32 $0x3;
	[sflag:s14] =	ssyncadd.s32 $0xFFFFE0C0  }
0xf3: {  	[tilespmem:s29], [sflag:$0x1] =	stream.indirect.gather [hbm4b:s5+s28], $0x40, s10, s28, $0xb8;
	[tilespmem:$0x18D00] =	vst v63  }
0xf4: {  	_ =	swait.ge [sflag:s11], $0x1F40  }
0xf5: {  	[sflag:s11] =	ssyncset.done $0x0  }
0xf6: {  	s12 =	simm.s32 $0x2900;
	s9 =	simm.s32 $0x6;
	[sflag:s11] =	ssyncadd.s32 $0xFFFFE0C0  }
0xf7: {  	[spmem:s3] =	stream.indirect.scatter.add.f32 [tilespmem:s0], [sflag:$0x7], $0x40, s12, s28, $0xb8;
	[tilespmem:$0x18D00] =	vst v63  }
0xf8: {  	_ =	swait.ge [sflag:s9], $0x1F40  }
0xf9: {  	[sflag:s9] =	ssyncset.done $0x0  }
0xfa: {  	s10 =	simm.s32 $0x280;
	[sflag:s9] =	ssyncadd.s32 $0xFFFFE0C0  }
0xfb: {  	[tilespmem:s31], [sflag:$0x2] =	stream.indirect.gather [hbm4b:s5+s28], $0x40, s10, s28, $0xb8;
	[tilespmem:$0x18D00] =	vst v63  }
0xfc: {  	_ =	swait.ge [sflag:s2], $0x1F40  }
0xfd: {  	[sflag:s2] =	ssyncset.done $0x0  }
0xfe: {  	s11 =	simm.s32 $0x2980;
	[sflag:s2] =	ssyncadd.s32 $0xFFFFE0C0  }
0xff: {  	[spmem:s3] =	stream.indirect.scatter.add.f32 [tilespmem:s18], [sflag:$0x8], $0x40, s11, s28, $0xb8;
	[tilespmem:$0x18D00] =	vst v63  }
0x100: {  	_ =	swait.ge [sflag:s16], $0x1F40  }
0x101: {  	[sflag:s16] =	ssyncset.done $0x0  }
0x102: {  	s12 =	simm.s32 $0x300;
	[sflag:s16] =	ssyncadd.s32 $0xFFFFE0C0  }
0x103: {  	[tilespmem:s0], [sflag:$0x3] =	stream.indirect.gather [hbm4b:s5+s28], $0x40, s12, s28, $0xb8;
	[tilespmem:$0x18D00] =	vst v63  }
.LBB2_7:
0x104: {  	_ =	swait.ge [sflag:s6], $0x1F40  }
0x105: {  	s8 =	sshra.s32 s4, $0x2;
	[sflag:s6] =	ssyncset.done $0x0  }
0x106: {  	s9 =	sadd.s32 $0x2A00, s8;
	[sflag:s6] =	ssyncadd.s32 $0xFFFFE0C0  }
0x107: {  	[spmem:s3] =	stream.indirect.scatter.add.f32 [tilespmem:s29], [sflag:$0x5], $0x40, s9, s28, $0xb8;
	[tilespmem:$0x18D00] =	vst v63  }
0x108: {  	_ =	swait.ge [sflag:s17], $0x1F40  }
0x109: {  	[sflag:s17] =	ssyncset.done $0x0  }
0x10a: {  	s10 =	sadd.s32 $0x380, s8;
	[sflag:s17] =	ssyncadd.s32 $0xFFFFE0C0  }
0x10b: {  	[tilespmem:s18], [sflag:$0x4] =	stream.indirect.gather [hbm4b:s5+s28], $0x40, s10, s28, $0xb8;
	[tilespmem:$0x18D00] =	vst v63  }
0x10c: {  	_ =	swait.ge [sflag:s13], $0x1F40  }
0x10d: {  	[sflag:s13] =	ssyncset.done $0x0  }
0x10e: {  	s11 =	sadd.s32 $0x2A80, s8;
	[sflag:s13] =	ssyncadd.s32 $0xFFFFE0C0  }
0x10f: {  	[spmem:s3] =	stream.indirect.scatter.add.f32 [tilespmem:s31], [sflag:$0x6], $0x40, s11, s28, $0xb8;
	[tilespmem:$0x18D00] =	vst v63  }
0x110: {  	_ =	swait.ge [sflag:s14], $0x1F40  }
0x111: {  	p0 =	seq.s32 s4, $0x9000;
	[sflag:s14] =	ssyncset.done $0x0  }
0x112: {  	s9 =	simm.s32 @p0 $0x3;
	[sflag:s14] =	ssyncadd.s32 $0xFFFFE0C0  }
0x113: {  	_ =	swait.ge @p0 [sflag:s9], $0x1F40  }
0x114: {  	[sflag:s9] =	ssyncset.done @p0 $0x0  }
0x115: {  	[sflag:s9] =	ssyncadd.s32 @p0 $0xFFFFE0C0;
	s9 =	sshra.s32 @p0 s4, $0x2  }
0x116: {  	s10 =	simm.s32 @p0 $0x7D;
	s11 =	simm.s32 @p0 $0x8E80;
	s9 =	sadd.s32 @p0 $0x2B00, s9  }
0x117: {  	[spmem:s3] =	stream.indirect.scatter.add.f32 @p0 [tilespmem:s11], [sflag:$0x7], $0x40, s9, s10, $0xb8;
	[tilespmem:$0x18D00] =	vst v63  }
0x118: {  	s9 =	simm.s32 @p0 $0x6  }
0x119: {  	_ =	swait.ge @p0 [sflag:s9], $0x1F40  }
0x11a: {  	[sflag:s9] =	ssyncset.done @p0 $0x0  }
0x11b: {  	[sflag:s9] =	ssyncadd.s32 @p0 $0xFFFFE0C0;
	s9 =	sshra.s32 @!p0 s4, $0x2  }
0x11c: {  	s12 =	simm.s32 @!p0 $0x5000;
	s11 =	simm.s32 @!p0 $0x7D;
	s10 =	sadd.s32 @!p0 $0x400, s9  }
0x11d: {  	[tilespmem:s12], [sflag:$0x1] =	stream.indirect.gather @!p0 [hbm4b:s5+s11], $0x40, s10, s11, $0xb8;
	[tilespmem:$0x18D00] =	vst v63  }
0x11e: {  	s10 =	simm.s32 @!p0 $0x3  }
0x11f: {  	_ =	swait.ge @!p0 [sflag:s10], $0x1F40  }
0x120: {  	[sflag:s10] =	ssyncset.done @!p0 $0x0  }
0x121: {  	s12 =	simm.s32 @!p0 $0x8E80;
	[sflag:s10] =	ssyncadd.s32 @!p0 $0xFFFFE0C0;
	s10 =	sadd.s32 @!p0 $0x2B00, s9  }
0x122: {  	[spmem:s3] =	stream.indirect.scatter.add.f32 @!p0 [tilespmem:s12], [sflag:$0x7], $0x40, s10, s11, $0xb8;
	[tilespmem:$0x18D00] =	vst v63  }
0x123: {  	s10 =	simm.s32 @!p0 $0x6  }
0x124: {  	_ =	swait.ge @!p0 [sflag:s10], $0x1F40  }
0x125: {  	[sflag:s10] =	ssyncset.done @!p0 $0x0  }
0x126: {  	s9 =	sadd.s32 @!p0 $0x480, s9;
	[sflag:s10] =	ssyncadd.s32 @!p0 $0xFFFFE0C0;
	s10 =	simm.s32 @!p0 $0x6F40  }
0x127: {  	[tilespmem:s10], [sflag:$0x2] =	stream.indirect.gather @!p0 [hbm4b:s5+s11], $0x40, s9, s11, $0xb8;
	[tilespmem:$0x18D00] =	vst v63  }
0x128: {  	_ =	swait.ge [sflag:s2], $0x1F40  }
0x129: {  	[sflag:s2] =	ssyncset.done $0x0  }
.Ltmp5:
0x12a: {  	s12 =	sadd.s32 $0x2B80, s8;
	[sflag:s2] =	ssyncadd.s32 $0xFFFFE0C0;
	(pc) =	sbr.rel @p0 .LBB2_9-.Ltmp5, $4  }
0x12b: {  	[spmem:s3] =	stream.indirect.scatter.add.f32 [tilespmem:s18], [sflag:$0x8], $0x40, s12, s28, $0xb8;
	[tilespmem:$0x18D00] =	vst v63  }
0x12c: {  	_ =	swait.ge [sflag:s16], $0x1F40  }
0x12d: {  	[sflag:s16] =	ssyncset.done $0x0  }
0x12e: {  	[sflag:s16] =	ssyncadd.s32 $0xFFFFE0C0  }
.Ltmp6:
0x12f: {  	(pc) =	sbr.rel .LBB2_7-.Ltmp6, $3  }
0x130: {  	_ =	sdelay $0x1  }
0x131: {  	s8 =	sadd.s32 $0x500, s8;
	s4 =	sadd.s32 $0x800, s4  }
0x132: {  	[tilespmem:s0], [sflag:$0x3] =	stream.indirect.gather [hbm4b:s5+s28], $0x40, s8, s28, $0xb8;
	[tilespmem:$0x18D00] =	vst v63  }
.LBB2_10:
0x133: {  	_ =	sfence.sel $0x180000  }
0x134: {  	[bflag:$0x0] =	sbarrier.arrive $0xFFFF  }
0x135: {  	_ =	strace $0x9000004A  }
0x136: {  	s0 =	stileid.u32;
	[bflag:$0x2] =	sbarrier.arrive $0xFFFF  }
0x137: {  	p0 =	sne.s32 s0, $0x0;
	s0 =	rddreg [dreg:$0x3]  }
0x138: {  	s0 =	sadd.s32 @!p0 $0x100000, s0  }
0x139: {  	[sflag:s0] =	ssyncadd.tile.s32 @!p0 $0x1;
	_ =	shalt  }
.Lfunc_end2:
_tile_overlayer_lowered:
.L_overlay_start_2:
0x13a: {  	(tag) =	ssettag $0x2  }
0x13b: {  	s0 =	rddreg [dreg:$0x0];
	s2 =	stileid.u32  }
0x13c: {  	s1 =	rddreg [dreg:$0x1];
	p0 =	sne.s32 s2, $0x0  }
0x13d: {  	s3 =	rddreg [dreg:$0x2];
	[bflag:$0x3] =	sbarrier.arrive $0xFFFF;
	s2 =	simm.s32 @!p0 $0x1C09  }
0x13e: {  	[timem:s3], [sflag:s2] =	dma.local @!p0 [hbm:s0], s1  }
0x13f: {  	s0 =	simm.s32 @!p0 $0x9  }
0x140: {  	_ =	swait.ge @!p0 [sflag:s0], s1  }
0x141: {  	s1 =	ssub.s32 @!p0 $0x0, s1;
	[sflag:s0] =	ssyncset.done @!p0 $0x0  }
0x142: {  	[sflag:s0] =	ssyncadd.s32 @!p0 s1  }
0x143: {  	[bflag:$0x3] =	sbarrier.arrive $0xFFFF  }
0x144: {  	_ =	shalt  }

// kernel: kernel.14.cloned.1.call-start
scs
__scs_entry_jumppad:
0x0: {  	(pc) =	sbr.rel $0x88, $3  }
0x1: {  	(tag) =	ssettag $0x0;
	lr =	simm.s32 $0x1  }
0x2: {  	[smem:$0x3F96] =	sst lr;
	_ =	strace $0xD0000000  }
0x3: {  	_ = 	snop  }
0x4: {  	_ = 	snop  }
0x5: {  	_ = 	snop  }
0x6: {  	_ = 	snop  }
0x7: {  	_ = 	snop  }
__scs_overlays_trampoline_lowered:
0x8: {  	[smem:$0x3FA5] =	sst s0  }
0x9: {  	[smem:$0x3FA6] =	sst s1  }
0xa: {  	[smem:$0x3FA7] =	sst s2  }
0xb: {  	[smem:$0x3FA8] =	sst s3  }
0xc: {  	[smem:$0x3FA9] =	sst s4  }
0xd: {  	[smem:$0x3FAA] =	sst s5  }
0xe: {  	[smem:$0x3FAB] =	sst s6  }
0xf: {  	[smem:$0x3FAC] =	sst s7  }
0x10: {  	[smem:$0x3FAD] =	sst s8  }
0x11: {  	[smem:$0x3FAE] =	sst s9;
	s0 =	simm.s32 @!p0 $0x0  }
0x12: {  	s1 =	sld [smem:$0x3F94];
	s0 =	simm.s32 @p0 $0x1  }
0x13: {  	[smem:$0x3FAF] =	sst s0;
	s0 =	simm.s32 @!p1 $0x0  }
0x14: {  	s2 =	sld [smem:$0x3F93];
	s0 =	simm.s32 @p1 $0x1  }
0x15: {  	[smem:$0x3FB0] =	sst s0;
	s0 =	simm.s32 @!p2 $0x0  }
0x16: {  	s3 =	sld [smem:$0x3FDB];
	s0 =	simm.s32 @p2 $0x1  }
0x17: {  	s4 =	simm.s32 $0x1BF5;
	[smem:$0x3FB2] =	sst s0  }
0x18: {  	s0 =	sld [smem:$0x3F95];
	_ =	swait.ge [sflag:s4], $0x0  }
0x19: {  	s7 =	sld [smem:$0x3F96]  }
0x1a: {  	s8 =	sadd.s32 $0xFFFFE003, lr  }
0x1b: {  	s9 =	sadd.s32 $0xFFFFFEF7, lr;
	s5 =	simm.s32 $0xFFFFFFFF;
	p2 =	slt.u32 s8, $0xFFFFF086  }
0x1c: {  	p1 =	slt.u32 s9, $0xF7A;
	s5 =	simm.s32 @!p2 $0x0  }
0x1d: {  	s5 =	simm.s32 @p1 $0x1;
	p0 =	seq.s32 s7, s2  }
0x1e: {  	s7 =	smul.u32 @!p0 $0xF7A, s2;
	p2 =	seq.s32 @!p0 s5, $0x0  }
0x1f: {  	s9 =	smul.u32 $0xF7A, s1;
	s8 =	simm.s32 @!p0 $0x1BF5;
	p2 =	por !p2, p0  }
0x20: {  	[sflag:s8] =	ssyncset.s32 @!p0 $0xFFFFF086;
	s6 =	sadd.s32 @!p0 s3, s7;
	s7 =	simm.s32 @!p0 $0x108  }
0x21: {  	s3 =	sadd.s32 s3, s9;
	s6 =	sadd.s32 @!p0 $0x88, s6;
	s7 =	simm.s32 @p2 $0x1082  }
0x22: {  	[simem:s7], [sflag:s8] =	dma.local @!p0 [hbm:s6], $0xF7A  }
0x23: {  	s9 =	sor.u32 $0xD0000000, s2;
	s6 =	simm.s32 $0x108;
	_ =	swait.ge @!p0 [sflag:s8], $0x0  }
0x24: {  	s3 =	sadd.s32 $0x88, s3;
	s6 =	simm.s32 @!p1 $0x1082;
	[sflag:s4] =	ssyncset.s32 $0xFFFFF086  }
0x25: {  	[simem:s6], [sflag:s4] =	dma.local [hbm:s3], $0xF7A  }
0x26: {  	[smem:$0x3F96] =	sst s1;
	(tag) =	ssettag s2;
	_ =	strace s9  }
0x27: {  	s1 =	sld [smem:$0x3FA6]  }
0x28: {  	s2 =	sld [smem:$0x3FA7]  }
0x29: {  	s4 =	sld [smem:$0x3FA9]  }
0x2a: {  	p0 =	seq.s32 s5, $0x0;
	s5 =	sld [smem:$0x3FAA]  }
0x2b: {  	s6 =	sld [smem:$0x3FAB]  }
0x2c: {  	s7 =	sld [smem:$0x3FAC]  }
0x2d: {  	s3 =	simm.s32 $0x108;
	s8 =	sld [smem:$0x3FAD]  }
0x2e: {  	s3 =	simm.s32 @!p0 $0x1082;
	s9 =	sld [smem:$0x3FAE]  }
0x2f: {  	lr =	sadd.s32 s0, s3;
	s0 =	sld [smem:$0x3FA5]  }
0x30: {  	s3 =	sld [smem:$0x3FA8]  }
0x31: {  	[smem:$0x3FB1] =	sst s10  }
0x32: {  	s10 =	sld [smem:$0x3FAF];
	_ =	sdelay $0x3  }
0x33: {  	p0 =	seq.s32 s10, $0x1;
	s10 =	sld [smem:$0x3FB1];
	_ =	sdelay $0x3  }
0x34: {  	[smem:$0x3FB1] =	sst s10  }
0x35: {  	s10 =	sld [smem:$0x3FB0];
	_ =	sdelay $0x3  }
0x36: {  	p1 =	seq.s32 s10, $0x1;
	s10 =	sld [smem:$0x3FB1];
	_ =	sdelay $0x3  }
0x37: {  	[smem:$0x3FB1] =	sst s10  }
0x38: {  	s10 =	sld [smem:$0x3FB2]  }
0x39: {  	_ = 	snop;
	(pc) =	sbr.ind lr, $3  }
0x3a: {  	_ = 	snop  }
0x3b: {  	_ = 	snop  }
0x3c: {  	p2 =	seq.s32 s10, $0x1;
	s10 =	sld [smem:$0x3FB1]  }
0x3d: {  	_ =	shalt  }
0x3e: {  	_ =	shalt  }
0x3f: {  	_ =	shalt  }
0x40: {  	_ =	shalt  }
0x41: {  	_ =	shalt  }
0x42: {  	_ =	shalt  }
0x43: {  	_ =	shalt  }
0x44: {  	_ =	shalt  }
0x45: {  	_ =	shalt  }
0x46: {  	_ =	shalt  }
0x47: {  	_ =	shalt  }
0x48: {  	_ =	shalt  }
0x49: {  	_ =	shalt  }
0x4a: {  	_ =	shalt  }
0x4b: {  	_ =	shalt  }
0x4c: {  	_ =	shalt  }
0x4d: {  	_ =	shalt  }
0x4e: {  	_ =	shalt  }
0x4f: {  	_ =	shalt  }
0x50: {  	_ =	shalt  }
0x51: {  	_ =	shalt  }
0x52: {  	_ =	shalt  }
0x53: {  	_ =	shalt  }
0x54: {  	_ =	shalt  }
0x55: {  	_ =	shalt  }
0x56: {  	_ =	shalt  }
0x57: {  	_ =	shalt  }
0x58: {  	_ =	shalt  }
0x59: {  	_ =	shalt  }
0x5a: {  	_ =	shalt  }
0x5b: {  	_ =	shalt  }
0x5c: {  	_ =	shalt  }
0x5d: {  	_ =	shalt  }
0x5e: {  	_ =	shalt  }
0x5f: {  	_ =	shalt  }
0x60: {  	_ =	shalt  }
0x61: {  	_ =	shalt  }
0x62: {  	_ =	shalt  }
0x63: {  	_ =	shalt  }
0x64: {  	_ =	shalt  }
0x65: {  	_ =	shalt  }
0x66: {  	_ =	shalt  }
0x67: {  	_ =	shalt  }
0x68: {  	_ =	shalt  }
0x69: {  	_ =	shalt  }
0x6a: {  	_ =	shalt  }
0x6b: {  	_ =	shalt  }
0x6c: {  	_ =	shalt  }
0x6d: {  	_ =	shalt  }
0x6e: {  	_ =	shalt  }
0x6f: {  	_ =	shalt  }
0x70: {  	_ =	shalt  }
0x71: {  	_ =	shalt  }
0x72: {  	_ =	shalt  }
0x73: {  	_ =	shalt  }
0x74: {  	_ =	shalt  }
0x75: {  	_ =	shalt  }
0x76: {  	_ =	shalt  }
0x77: {  	_ =	shalt  }
0x78: {  	_ =	shalt  }
0x79: {  	_ =	shalt  }
0x7a: {  	_ =	shalt  }
0x7b: {  	_ =	shalt  }
0x7c: {  	_ =	shalt  }
0x7d: {  	_ =	shalt  }
0x7e: {  	_ =	shalt  }
0x7f: {  	_ =	shalt  }
0x80: {  	_ =	shalt  }
0x81: {  	_ =	shalt  }
0x82: {  	_ =	shalt  }
0x83: {  	_ =	shalt  }
0x84: {  	_ =	shalt  }
0x85: {  	_ =	shalt  }
0x86: {  	_ =	shalt  }
0x87: {  	_ =	shalt  }
.Lfunc_end0:
.L_simem_size_0:
called_computation.2_lowered:
.L_overlay_start_0:
0x88: {  	s2 =	sld [smem:$0x3FD9]  }
0x89: {  	s3 =	sld [smem:$0x3FFE];
	_ =	sdelay $0x1  }
0x8a: {  	s1 =	srdreg.scid  }
0x8b: {  	s0 =	sand.u32 $0x1, s1  }
0x8c: {  	s17 =	sshll.u32 s0, $0xA;
	s2 =	sadd.s32 s3, s2  }
0x8d: {  	s2 =	sadd.s32 s2, s17  }
0x8e: {  	[smem:$0x3FBD] =	sst s2  }
0x8f: {  	_ = 	snop  }
0x90: {  	s2 =	sld [smem:$0x3FD0];
	(tm) =	ssettm $0x1  }
0x91: {  	s18 =	sld [smem:$0x3FFB];
	_ =	sdelay $0x3  }
0x92: {  	_ =	strace s18  }
0x93: {  	s3 =	sld [smem:$0x3FFC];
	_ =	sdelay $0x3  }
0x94: {  	_ =	strace s3  }
0x95: {  	s3 =	sld [smem:$0x3FFD];
	_ =	sdelay $0x3  }
0x96: {  	_ =	strace s3  }
0x97: {  	_ =	strace $0x8FFFFFFF  }
0x98: {  	s19 =	sld [smem:$0x3FDB];
	_ =	sdelay $0x1  }
0x99: {  	s4 =	simm.s32 $_scs_section_size  }
0x9a: {  	s5 =	simm.s32 $_size__tile_overlayer_lowered;
	s6 =	simm.s32 $_tile_overlayer_lowered  }
0x9b: {  	s22 =	simm.s32 $0x1BFF;
	s21 =	sshll.u32 s6, $0x1;
	s3 =	sadd.s32 s4, s19  }
0x9c: {  	s7 =	simm.s32 $0x0;
	s20 =	sshll.u32 s5, $0x1;
	s5 =	sadd.s32 s21, s3  }
0x9d: {  	[timem:s7], [sflag:s22] =	dma.local [hbm:s5], s20  }
0x9e: {  	_ =	swait.ge [sflag:s22], s20  }
0x9f: {  	s4 =	ssub.s32 $0x0, s20;
	[sflag:s22] =	ssyncset.done $0x0  }
0xa0: {  	[sflag:s22] =	ssyncadd.s32 s4;
	_ =	sdelay $0x1  }
0xa1: {  	s23 =	simm.s32 $0x1B8B  }
0xa2: {  	_ =	swait.ge [sflag:s23], $0x1  }
0xa3: {  	[sflag:s23] =	ssyncset.done $0x0  }
0xa4: {  	s25 =	simm.s32 $0x1B8E;
	s24 =	sld [smem:$0x3FFE];
	[sflag:s23] =	ssyncadd.s32 $0xFFFFFFFF  }
0xa5: {  	s26 =	simm.s32 $execute0_lowered;
	[smem:$0x3FD2] =	sst s25  }
0xa6: {  	s5 =	sshll.u32 s26, $0x1;
	_ =	strace $0x8000004C;
	[dreg:$0x1] =	wrdreg $0xFFFFFFFF  }
0xa7: {  	s28 =	simm.s32 $_size_execute0_lowered;
	s3 =	sadd.s32 s3, s5;
	[dreg:$0x0] =	wrdreg $0x0  }
0xa8: {  	s5 =	sshll.u32 s28, $0x1;
	[dreg:$0x2] =	wrdreg s3  }
0xa9: {  	[dreg:$0x3] =	wrdreg s5  }
0xaa: {  	[dreg:$0x4] =	wrdreg $0xC0  }
0xab: {  	_ =	task [dreg:s7], $0x5FFFF  }
0xac: {  	[dreg:$0x1] =	wrdreg $0xFFFFFFFF  }
0xad: {  	[dreg:$0x0] =	wrdreg $0x60  }
0xae: {  	[dreg:$0x2] =	wrdreg s2  }
0xaf: {  	[dreg:$0x3] =	wrdreg s24  }
0xb0: {  	[dreg:$0x4] =	wrdreg $0xED000  }
0xb1: {  	[dreg:$0x5] =	wrdreg $0x9  }
0xb2: {  	_ =	task.clear_ibuf [dreg:s7], $0x6FFFF;
	_ =	strace $0x9000004C  }
0xb3: {  	s29 =	simm.s32 $0x9;
	_ =	strace $0x8000004E  }
0xb4: {  	_ =	swait.ge [sflag:s29], $0x1  }
0xb5: {  	[sflag:s29] =	ssyncadd.s32 $0xFFFFFFFF  }
0xb6: {  	_ =	strace $0x9000004E  }
0xb7: {  	_ =	sfence  }
0xb8: {  	s30 =	sld [smem:$0x0];
	_ =	sdelay $0x2  }
0xb9: {  	s31 =	sshll.u32 s1, $0xD;
	s1 =	sshrl.u32 s1, $0x2  }
0xba: {  	s3 =	sand.u32 $0x4000, s31;
	s1 =	sadd.s32 s1, s30  }
0xbb: {  	s0 =	sor.u32 s3, s0;
	s1 =	sshll.u32 s1, $0x11  }
0xbc: {  	s0 =	sor.u32 s1, s0  }
0xbd: {  	s0 =	sadd.s32 $0x8F2B, s0  }
0xbe: {  	[sflag:s0] =	ssyncadd.remote.s32 $0x1  }
0xbf: {  	_ =	sfence.sel $0xFFFF  }
0xc0: {  	[dreg:$0x0] =	wrdreg $0xFFFFFFFF;
	(pc) =	sbr.abs _section_cstart, $3  }
0xc1: {  	[dreg:$0x1] =	wrdreg $0xFFFFFFFF  }
0xc2: {  	_ =	task.clear_ibuf [dreg:s7], $0x2FFFF;
	_ =	strace $0x9FFFFFFF  }
0xc3: {  	(tm) =	ssettm $0x7FFFFFFF  }
tec
execute0_lowered:
.L_overlay_start_1:
0x0: {  	(tag) =	ssettag $0x1  }
0x1: {  	s1 =	rddreg [dreg:$0x0]  }
0x2: {  	s0 =	rddreg [dreg:$0x1];
	s2 =	srdreg.scid  }
0x3: {  	s8 =	stileid.u32;
	s3 =	rddreg [dreg:$0x2]  }
0x4: {  	s5 =	simm.s32 $0x0;
	s28 =	simm.s32 $0x7D;
	s29 =	simm.s32 $0x5000  }
0x5: {  	s31 =	simm.s32 $0x6F40;
	s16 =	simm.s32 $0x7;
	s2 =	sand.u32 $0x1, s2  }
0x6: {  	s4 =	sshll.u32 s8, $0x1;
	[smem:$0x7FF] =	sst s5;
	s8 =	smul.u32 $0xA000, s8  }
0x7: {  	s4 =	sor.u32 s2, s4;
	s6 =	ssub.s32 $0x2, s2;
	s2 =	smul.u32 $0xA0000, s2  }
0x8: {  	s5 =	sadd.s32 $0x2800, s0;
	_ =	strace $0x8000004D;
	s4 =	smul.u32 $0x500, s4  }
0x9: {  	s7 =	sshrl.u32 s6, $0x1;
	s9 =	sadd.s32 s8, s3;
	s18 =	sadd.s32 $0x2000, s8  }
0xa: {  	s19 =	sadd.s32 $0x4000, s8;
	s13 =	sadd.s32 $0x6000, s8;
	s6 =	ssub.s32 s6, s7  }
0xb: {  	s10 =	sadd.s32 s18, s3;
	s11 =	sadd.s32 s19, s3;
	s12 =	sadd.s32 s13, s3  }
0xc: {  	s20 =	sadd.s32 s8, s2;
	s8 =	sadd.s32 $0x8000, s8;
	s21 =	sadd.s32 s2, s19  }
0xd: {  	s22 =	sadd.s32 s2, s13;
	s13 =	simm.s32 $0x2;
	s19 =	simm.s32 $0x0  }
0xe: {  	[dreg:$0x6] =	wrdreg s9;
	s4 =	sadd.s32 s4, s0;
	s0 =	sadd.s32 $0x34200, s0  }
0xf: {  	[dreg:$0x7] =	wrdreg s12;
	s14 =	sshrl.u32 s20, $0x3;
	s12 =	sadd.s32 s8, s3  }
0x10: {  	s7 =	sshrl.u32 s22, $0x3;
	s30 =	smax.u32 s6, $0x1;
	[dreg:$0x8] =	wrdreg s10  }
0x11: {  	s6 =	simm.s32 $0x1;
	s17 =	sadd.s32 $0x2A200, s4;
	[dreg:$0x13] =	wrdreg s30  }
0x12: {  	s4 =	sadd.s32 $0x20200, s4;
	s14 =	sadd.s32 s0, s14;
	[dreg:$0x4] =	wrdreg s17  }
0x13: {  	s7 =	sadd.s32 s0, s7;
	[dreg:$0x5] =	wrdreg s4;
	s4 =	sadd.s32 s2, s18  }
0x14: {  	s2 =	sadd.s32 s2, s8;
	[dreg:$0x9] =	wrdreg s14;
	s23 =	sadd.s32 $0x28000, s14  }
0x15: {  	[dreg:$0xc] =	wrdreg s7;
	s26 =	sadd.s32 $0x28000, s7;
	s18 =	simm.s32 $0xADC0  }
0x16: {  	s14 =	simm.s32 $0x5;
	s4 =	sshrl.u32 s4, $0x3;
	[dreg:$0xe] =	wrdreg s23  }
0x17: {  	s2 =	sshrl.u32 s2, $0x3;
	[dreg:$0x11] =	wrdreg s26;
	s15 =	sadd.s32 s0, s4  }
0x18: {  	s4 =	sshrl.u32 s21, $0x3;
	[dreg:$0xa] =	wrdreg s15;
	s24 =	sadd.s32 $0x28000, s15  }
.Ltmp0:
0x19: {  	s4 =	sadd.s32 s0, s4;
	[dreg:$0xf] =	wrdreg s24;
	(pc) =	sbr.rel .LBB2_1-.Ltmp0, $4  }
0x1a: {  	s17 =	simm.s32 $0x8;
	s0 =	sadd.s32 s0, s2;
	[dreg:$0xb] =	wrdreg s4  }
0x1b: {  	s26 =	simm.s32 $0xCD00;
	s25 =	sadd.s32 $0x28000, s4;
	[dreg:$0xd] =	wrdreg s0  }
0x1c: {  	s2 =	simm.s32 $0x4;
	s0 =	sadd.s32 $0x28000, s0;
	[dreg:$0x10] =	wrdreg s25  }
0x1d: {  	v0 =	vimm.f32 $0.0e+00;
	s24 =	simm.s32 $0x9;
	[dreg:$0x12] =	wrdreg s0;
	s0 =	simm.s32 $0x8E80  }
.LBB2_9:
0x1e: {  	_ =	swait.ge [sflag:s17], $0x1F40  }
0x1f: {  	[sflag:s17] =	ssyncset.done $0x0  }
0x20: {  	[sflag:s17] =	ssyncadd.s32 $0xFFFFE0C0  }
0x21: {  	[bflag:$0x0] =	sbarrier.arrive $0xFFFF  }
0x22: {  	s4 =	rddreg [dreg:$0xe]  }
0x23: {  	[hbm:s4], [sflag:s20] =	dma.local [spmem:s22], $0x400  }
0x24: {  	_ =	swait.ge [sflag:s24], $0x400  }
0x25: {  	[sflag:s24] =	ssyncset.done $0x0  }
0x26: {  	s11 =	rddreg [dreg:$0xf];
	[sflag:s24] =	ssyncadd.s32 $0xFFFFFC00  }
0x27: {  	[hbm:s11], [sflag:s20] =	dma.local [spmem:s30], $0x400  }
0x28: {  	_ =	swait.ge [sflag:s24], $0x400  }
0x29: {  	[sflag:s24] =	ssyncset.done $0x0  }
0x2a: {  	s12 =	rddreg [dreg:$0x10];
	[sflag:s24] =	ssyncadd.s32 $0xFFFFFC00  }
0x2b: {  	[hbm:s12], [sflag:s20] =	dma.local [spmem:s15], $0x400  }
0x2c: {  	_ =	swait.ge [sflag:s24], $0x400  }
0x2d: {  	[sflag:s24] =	ssyncset.done $0x0  }
0x2e: {  	s15 =	rddreg [dreg:$0x11];
	[sflag:s24] =	ssyncadd.s32 $0xFFFFFC00  }
0x2f: {  	[hbm:s15], [sflag:s20] =	dma.local [spmem:s7], $0x400  }
0x30: {  	_ =	swait.ge [sflag:s24], $0x400  }
0x31: {  	[sflag:s24] =	ssyncset.done $0x0  }
0x32: {  	s22 =	rddreg [dreg:$0x12];
	[sflag:s24] =	ssyncadd.s32 $0xFFFFFC00  }
0x33: {  	[hbm:s22], [sflag:s20] =	dma.local [spmem:s25], $0x400  }
0x34: {  	_ =	swait.ge [sflag:s24], $0x400  }
0x35: {  	s19 =	sadd.s32 $0x1, s19;
	s30 =	rddreg [dreg:$0x13]  }
0x36: {  	p0 =	sne.s32 s19, s30  }
.Ltmp1:
0x37: {  	_ = 	snop;
	(pc) =	sbr.rel @!p0 .LBB2_10-.Ltmp1, $3  }
0x38: {  	_ =	sdelay $0x1  }
0x39: {  	s11 =	smov.u32 s21;
	[sflag:s24] =	ssyncset.done $0x0;
	s9 =	rddreg [dreg:$0x6]  }
0x3a: {  	s12 =	smov.u32 s23;
	s10 =	rddreg [dreg:$0x8];
	[sflag:s24] =	ssyncadd.s32 $0xFFFFFC00  }
.LBB2_1:
0x3b: {  	s7 =	simm.s32 $0x0;
	s4 =	rddreg [dreg:$0x4]  }
0x3c: {  	[tilespmem:s7], [sflag:$0x9] =	stream.linear.gather [hbm4b:s4+s7], $0x2800, $0x38;
	[tilespmem:$0x18D00] =	vst v63  }
0x3d: {  	_ =	swait.ge [sflag:s24], $0x2800  }
0x3e: {  	[sflag:s24] =	ssyncset.done $0x0  }
0x3f: {  	s8 =	simm.s32 $0x2800;
	s23 =	rddreg [dreg:$0x5];
	[sflag:s24] =	ssyncadd.s32 $0xFFFFD800  }
0x40: {  	[tilespmem:s8], [sflag:$0x9] =	stream.linear.gather [hbm4b:s23+s7], $0x2800, $0x38;
	[tilespmem:$0x18D00] =	vst v63  }
0x41: {  	s25 =	sand.u32 $0x7F00, s7;
	s4 =	simm.s32 $0x40;
	_ =	swait.ge [sflag:s24], $0x2800  }
0x42: {  	s30 =	sshrl.u32 s25, $0x2;
	s7 =	sand.u32 $0x30, s7;
	[sflag:s24] =	ssyncset.done $0x0  }
0x43: {  	s8 =	sor.u32 s7, s30;
	s7 =	simm.s32 $0x0;
	[sflag:s24] =	ssyncadd.s32 $0xFFFFD800  }
.LBB2_2:
0x44: {  	p0 =	sne.s32 s4, $0x7FC0  }
0x45: {  	[tilespmem:s8+$0xCD00] =	vst v0;
	s7 =	sadd.s32 $0x10, s7;
	s8 =	smov.u32 s4;
	s4 =	sadd.s32 $0x40, s4  }
.Ltmp2:
0x46: {  	(pc) =	sbr.rel @p0 .LBB2_2-.Ltmp2, $4  }
0x47: {  	_ = 	snop  }
0x48: {  	s8 =	sand.u32 $0x7F00, s8  }
0x49: {  	s15 =	sand.u32 $0x30, s7;
	s8 =	sshrl.u32 s8, $0x2  }
0x4a: {  	s8 =	sor.u32 s15, s8  }
0x4b: {  	[tilespmem:s8+$0xCD00] =	vst v0  }
0x4c: {  	[spmem:s9] =	stream.linear.scatter [tilespmem:s26], [sflag:$0x9], $0x2000, $0x38;
	[tilespmem:$0x18D00] =	vst v63  }
0x4d: {  	_ =	swait.ge [sflag:s24], $0x2000  }
0x4e: {  	[sflag:s24] =	ssyncset.done $0x0  }
0x4f: {  	[sflag:s24] =	ssyncadd.s32 $0xFFFFE000  }
0x50: {  	[spmem:s10] =	stream.linear.scatter [tilespmem:s26], [sflag:$0x9], $0x2000, $0x38;
	[tilespmem:$0x18D00] =	vst v63  }
0x51: {  	_ =	swait.ge [sflag:s24], $0x2000  }
0x52: {  	[sflag:s24] =	ssyncset.done $0x0  }
0x53: {  	[sflag:s24] =	ssyncadd.s32 $0xFFFFE000  }
0x54: {  	[spmem:s11] =	stream.linear.scatter [tilespmem:s26], [sflag:$0x9], $0x2000, $0x38;
	[tilespmem:$0x18D00] =	vst v63  }
0x55: {  	_ =	swait.ge [sflag:s24], $0x2000  }
0x56: {  	[sflag:s24] =	ssyncset.done $0x0  }
0x57: {  	s4 =	rddreg [dreg:$0x7];
	[sflag:s24] =	ssyncadd.s32 $0xFFFFE000  }
0x58: {  	[spmem:s4] =	stream.linear.scatter [tilespmem:s26], [sflag:$0x9], $0x2000, $0x38;
	[tilespmem:$0x18D00] =	vst v63  }
0x59: {  	_ =	swait.ge [sflag:s24], $0x2000  }
0x5a: {  	[sflag:s24] =	ssyncset.done $0x0  }
0x5b: {  	[sflag:s24] =	ssyncadd.s32 $0xFFFFE000  }
0x5c: {  	[spmem:s12] =	stream.linear.scatter [tilespmem:s26], [sflag:$0x9], $0x2000, $0x38;
	[tilespmem:$0x18D00] =	vst v63  }
0x5d: {  	_ =	swait.ge [sflag:s24], $0x2000  }
0x5e: {  	[sflag:s24] =	ssyncset.done $0x0  }
0x5f: {  	[sflag:s24] =	ssyncadd.s32 $0xFFFFE000  }
0x60: {  	s7 =	simm.s32 $0x0;
	[bflag:$0x0] =	sbarrier.arrive $0xFFFF  }
0x61: {  	[tilespmem:s29], [sflag:$0x1] =	stream.indirect.gather [hbm4b:s1+s28], $0x40, s7, s28, $0xb8;
	[tilespmem:$0x18D00] =	vst v63  }
0x62: {  	s22 =	simm.s32 $0x80  }
0x63: {  	[tilespmem:s31], [sflag:$0x2] =	stream.indirect.gather [hbm4b:s1+s28], $0x40, s22, s28, $0xb8;
	[tilespmem:$0x18D00] =	vst v63  }
0x64: {  	s23 =	simm.s32 $0x100  }
0x65: {  	[tilespmem:s0], [sflag:$0x3] =	stream.indirect.gather [hbm4b:s1+s28], $0x40, s23, s28, $0xb8;
	[tilespmem:$0x18D00] =	vst v63  }
0x66: {  	_ =	swait.ge [sflag:s6], $0x1F40  }
0x67: {  	[sflag:s6] =	ssyncset.done $0x0  }
0x68: {  	s25 =	simm.s32 $0x2800;
	[sflag:s6] =	ssyncadd.s32 $0xFFFFE0C0  }
0x69: {  	[spmem:s3] =	stream.indirect.scatter.add.f32 [tilespmem:s29], [sflag:$0x5], $0x40, s25, s28, $0xb8;
	[tilespmem:$0x18D00] =	vst v63  }
0x6a: {  	s30 =	simm.s32 $0x180  }
0x6b: {  	[tilespmem:s18], [sflag:$0x4] =	stream.indirect.gather [hbm4b:s1+s28], $0x40, s30, s28, $0xb8;
	[tilespmem:$0x18D00] =	vst v63  }
0x6c: {  	_ =	swait.ge [sflag:s13], $0x1F40  }
0x6d: {  	[sflag:s13] =	ssyncset.done $0x0  }
0x6e: {  	s8 =	simm.s32 $0x2880;
	[sflag:s13] =	ssyncadd.s32 $0xFFFFE0C0  }
0x6f: {  	[spmem:s3] =	stream.indirect.scatter.add.f32 [tilespmem:s31], [sflag:$0x6], $0x40, s8, s28, $0xb8;
	[tilespmem:$0x18D00] =	vst v63  }
0x70: {  	_ =	swait.ge [sflag:s14], $0x1F40  }
0x71: {  	[sflag:s14] =	ssyncset.done $0x0  }
0x72: {  	s15 =	simm.s32 $0x200;
	s20 =	simm.s32 $0x3;
	[sflag:s14] =	ssyncadd.s32 $0xFFFFE0C0  }
0x73: {  	[tilespmem:s29], [sflag:$0x1] =	stream.indirect.gather [hbm4b:s1+s28], $0x40, s15, s28, $0xb8;
	[tilespmem:$0x18D00] =	vst v63  }
0x74: {  	_ =	swait.ge [sflag:s20], $0x1F40  }
0x75: {  	[sflag:s20] =	ssyncset.done $0x0  }
0x76: {  	s21 =	simm.s32 $0x2900;
	s22 =	simm.s32 $0x6;
	[sflag:s20] =	ssyncadd.s32 $0xFFFFE0C0  }
0x77: {  	[spmem:s3] =	stream.indirect.scatter.add.f32 [tilespmem:s0], [sflag:$0x7], $0x40, s21, s28, $0xb8;
	[tilespmem:$0x18D00] =	vst v63  }
0x78: {  	_ =	swait.ge [sflag:s22], $0x1F40  }
0x79: {  	[sflag:s22] =	ssyncset.done $0x0  }
0x7a: {  	s23 =	simm.s32 $0x280;
	[sflag:s22] =	ssyncadd.s32 $0xFFFFE0C0  }
0x7b: {  	[tilespmem:s31], [sflag:$0x2] =	stream.indirect.gather [hbm4b:s1+s28], $0x40, s23, s28, $0xb8;
	[tilespmem:$0x18D00] =	vst v63  }
0x7c: {  	_ =	swait.ge [sflag:s2], $0x1F40  }
0x7d: {  	[sflag:s2] =	ssyncset.done $0x0  }
0x7e: {  	s25 =	simm.s32 $0x2980;
	[sflag:s2] =	ssyncadd.s32 $0xFFFFE0C0  }
0x7f: {  	[spmem:s3] =	stream.indirect.scatter.add.f32 [tilespmem:s18], [sflag:$0x8], $0x40, s25, s28, $0xb8;
	[tilespmem:$0x18D00] =	vst v63  }
0x80: {  	_ =	swait.ge [sflag:s16], $0x1F40  }
0x81: {  	[sflag:s16] =	ssyncset.done $0x0  }
0x82: {  	s30 =	simm.s32 $0x300;
	[sflag:s16] =	ssyncadd.s32 $0xFFFFE0C0  }
0x83: {  	[tilespmem:s0], [sflag:$0x3] =	stream.indirect.gather [hbm4b:s1+s28], $0x40, s30, s28, $0xb8;
	[tilespmem:$0x18D00] =	vst v63  }
.LBB2_4:
0x84: {  	_ =	swait.ge [sflag:s6], $0x1F40  }
0x85: {  	s4 =	sshra.s32 s7, $0x2;
	[sflag:s6] =	ssyncset.done $0x0  }
0x86: {  	s8 =	sadd.s32 $0x2A00, s4;
	[sflag:s6] =	ssyncadd.s32 $0xFFFFE0C0  }
0x87: {  	[spmem:s3] =	stream.indirect.scatter.add.f32 [tilespmem:s29], [sflag:$0x5], $0x40, s8, s28, $0xb8;
	[tilespmem:$0x18D00] =	vst v63  }
0x88: {  	_ =	swait.ge [sflag:s17], $0x1F40  }
0x89: {  	[sflag:s17] =	ssyncset.done $0x0  }
0x8a: {  	s23 =	sadd.s32 $0x380, s4;
	[sflag:s17] =	ssyncadd.s32 $0xFFFFE0C0  }
0x8b: {  	[tilespmem:s18], [sflag:$0x4] =	stream.indirect.gather [hbm4b:s1+s28], $0x40, s23, s28, $0xb8;
	[tilespmem:$0x18D00] =	vst v63  }
0x8c: {  	_ =	swait.ge [sflag:s13], $0x1F40  }
0x8d: {  	[sflag:s13] =	ssyncset.done $0x0  }
0x8e: {  	s25 =	sadd.s32 $0x2A80, s4;
	[sflag:s13] =	ssyncadd.s32 $0xFFFFE0C0  }
0x8f: {  	[spmem:s3] =	stream.indirect.scatter.add.f32 [tilespmem:s31], [sflag:$0x6], $0x40, s25, s28, $0xb8;
	[tilespmem:$0x18D00] =	vst v63  }
0x90: {  	_ =	swait.ge [sflag:s14], $0x1F40  }
0x91: {  	p0 =	seq.s32 s7, $0x9000;
	[sflag:s14] =	ssyncset.done $0x0  }
0x92: {  	s8 =	simm.s32 @p0 $0x3;
	[sflag:s14] =	ssyncadd.s32 $0xFFFFE0C0  }
0x93: {  	_ =	swait.ge @p0 [sflag:s8], $0x1F40  }
0x94: {  	[sflag:s8] =	ssyncset.done @p0 $0x0  }
0x95: {  	[sflag:s8] =	ssyncadd.s32 @p0 $0xFFFFE0C0;
	s8 =	sshra.s32 @p0 s7, $0x2  }
0x96: {  	s15 =	simm.s32 @p0 $0x7D;
	s20 =	simm.s32 @p0 $0x8E80;
	s8 =	sadd.s32 @p0 $0x2B00, s8  }
0x97: {  	[spmem:s3] =	stream.indirect.scatter.add.f32 @p0 [tilespmem:s20], [sflag:$0x7], $0x40, s8, s15, $0xb8;
	[tilespmem:$0x18D00] =	vst v63  }
0x98: {  	s8 =	simm.s32 @p0 $0x6  }
0x99: {  	_ =	swait.ge @p0 [sflag:s8], $0x1F40  }
0x9a: {  	[sflag:s8] =	ssyncset.done @p0 $0x0  }
0x9b: {  	[sflag:s8] =	ssyncadd.s32 @p0 $0xFFFFE0C0;
	s8 =	sshra.s32 @!p0 s7, $0x2  }
0x9c: {  	s22 =	simm.s32 @!p0 $0x5000;
	s20 =	simm.s32 @!p0 $0x7D;
	s15 =	sadd.s32 @!p0 $0x400, s8  }
0x9d: {  	[tilespmem:s22], [sflag:$0x1] =	stream.indirect.gather @!p0 [hbm4b:s1+s20], $0x40, s15, s20, $0xb8;
	[tilespmem:$0x18D00] =	vst v63  }
0x9e: {  	s15 =	simm.s32 @!p0 $0x3  }
0x9f: {  	_ =	swait.ge @!p0 [sflag:s15], $0x1F40  }
0xa0: {  	[sflag:s15] =	ssyncset.done @!p0 $0x0  }
0xa1: {  	s22 =	simm.s32 @!p0 $0x8E80;
	[sflag:s15] =	ssyncadd.s32 @!p0 $0xFFFFE0C0;
	s15 =	sadd.s32 @!p0 $0x2B00, s8  }
0xa2: {  	[spmem:s3] =	stream.indirect.scatter.add.f32 @!p0 [tilespmem:s22], [sflag:$0x7], $0x40, s15, s20, $0xb8;
	[tilespmem:$0x18D00] =	vst v63  }
0xa3: {  	s15 =	simm.s32 @!p0 $0x6  }
0xa4: {  	_ =	swait.ge @!p0 [sflag:s15], $0x1F40  }
0xa5: {  	[sflag:s15] =	ssyncset.done @!p0 $0x0  }
0xa6: {  	s8 =	sadd.s32 @!p0 $0x480, s8;
	[sflag:s15] =	ssyncadd.s32 @!p0 $0xFFFFE0C0;
	s15 =	simm.s32 @!p0 $0x6F40  }
0xa7: {  	[tilespmem:s15], [sflag:$0x2] =	stream.indirect.gather @!p0 [hbm4b:s1+s20], $0x40, s8, s20, $0xb8;
	[tilespmem:$0x18D00] =	vst v63  }
0xa8: {  	_ =	swait.ge [sflag:s2], $0x1F40  }
0xa9: {  	[sflag:s2] =	ssyncset.done $0x0  }
.Ltmp3:
0xaa: {  	s30 =	sadd.s32 $0x2B80, s4;
	[sflag:s2] =	ssyncadd.s32 $0xFFFFE0C0;
	(pc) =	sbr.rel @p0 .LBB2_6-.Ltmp3, $4  }
0xab: {  	[spmem:s3] =	stream.indirect.scatter.add.f32 [tilespmem:s18], [sflag:$0x8], $0x40, s30, s28, $0xb8;
	[tilespmem:$0x18D00] =	vst v63  }
0xac: {  	_ =	swait.ge [sflag:s16], $0x1F40  }
0xad: {  	[sflag:s16] =	ssyncset.done $0x0  }
0xae: {  	[sflag:s16] =	ssyncadd.s32 $0xFFFFE0C0  }
.Ltmp4:
0xaf: {  	(pc) =	sbr.rel .LBB2_4-.Ltmp4, $3  }
0xb0: {  	_ =	sdelay $0x1  }
0xb1: {  	s4 =	sadd.s32 $0x500, s4;
	s7 =	sadd.s32 $0x800, s7  }
0xb2: {  	[tilespmem:s0], [sflag:$0x3] =	stream.indirect.gather [hbm4b:s1+s28], $0x40, s4, s28, $0xb8;
	[tilespmem:$0x18D00] =	vst v63  }
.LBB2_6:
0xb3: {  	_ =	swait.ge [sflag:s17], $0x1F40  }
0xb4: {  	[sflag:s17] =	ssyncset.done $0x0  }
0xb5: {  	s4 =	stileid.u32;
	[sflag:s17] =	ssyncadd.s32 $0xFFFFE0C0  }
0xb6: {  	s4 =	sshll.u32 s4, $0x6;
	[bflag:$0x0] =	sbarrier.arrive $0xFFFF  }
0xb7: {  	s22 =	sshrl.u32 s9, $0x3;
	s20 =	sor.u32 $0x1C09, s4;
	s8 =	rddreg [dreg:$0x9]  }
0xb8: {  	[hbm:s8], [sflag:s20] =	dma.local [spmem:s22], $0x400  }
0xb9: {  	_ =	swait.ge [sflag:s24], $0x400  }
0xba: {  	[sflag:s24] =	ssyncset.done $0x0  }
0xbb: {  	s30 =	sshrl.u32 s10, $0x3;
	s15 =	rddreg [dreg:$0xa];
	[sflag:s24] =	ssyncadd.s32 $0xFFFFFC00  }
0xbc: {  	[hbm:s15], [sflag:s20] =	dma.local [spmem:s30], $0x400  }
0xbd: {  	_ =	swait.ge [sflag:s24], $0x400  }
0xbe: {  	[sflag:s24] =	ssyncset.done $0x0  }
0xbf: {  	s15 =	sshrl.u32 s11, $0x3;
	s21 =	rddreg [dreg:$0xb];
	[sflag:s24] =	ssyncadd.s32 $0xFFFFFC00  }
0xc0: {  	[hbm:s21], [sflag:s20] =	dma.local [spmem:s15], $0x400  }
0xc1: {  	_ =	swait.ge [sflag:s24], $0x400  }
0xc2: {  	[sflag:s24] =	ssyncset.done $0x0;
	s4 =	rddreg [dreg:$0x7]  }
0xc3: {  	s8 =	rddreg [dreg:$0xc];
	[sflag:s24] =	ssyncadd.s32 $0xFFFFFC00;
	s7 =	sshrl.u32 s4, $0x3  }
0xc4: {  	[hbm:s8], [sflag:s20] =	dma.local [spmem:s7], $0x400  }
0xc5: {  	_ =	swait.ge [sflag:s24], $0x400  }
0xc6: {  	[sflag:s24] =	ssyncset.done $0x0  }
0xc7: {  	s25 =	sshrl.u32 s12, $0x3;
	s23 =	rddreg [dreg:$0xd];
	[sflag:s24] =	ssyncadd.s32 $0xFFFFFC00  }
0xc8: {  	[hbm:s23], [sflag:s20] =	dma.local [spmem:s25], $0x400  }
0xc9: {  	_ =	swait.ge [sflag:s24], $0x400  }
0xca: {  	[sflag:s24] =	ssyncset.done $0x0  }
0xcb: {  	[sflag:s24] =	ssyncadd.s32 $0xFFFFFC00  }
0xcc: {  	[spmem:s9] =	stream.linear.scatter [tilespmem:s26], [sflag:$0x9], $0x2000, $0x38;
	[tilespmem:$0x18D00] =	vst v63  }
0xcd: {  	_ =	swait.ge [sflag:s24], $0x2000  }
0xce: {  	[sflag:s24] =	ssyncset.done $0x0  }
0xcf: {  	[sflag:s24] =	ssyncadd.s32 $0xFFFFE000  }
0xd0: {  	[spmem:s10] =	stream.linear.scatter [tilespmem:s26], [sflag:$0x9], $0x2000, $0x38;
	[tilespmem:$0x18D00] =	vst v63  }
0xd1: {  	_ =	swait.ge [sflag:s24], $0x2000  }
0xd2: {  	[sflag:s24] =	ssyncset.done $0x0  }
0xd3: {  	[sflag:s24] =	ssyncadd.s32 $0xFFFFE000  }
0xd4: {  	[spmem:s11] =	stream.linear.scatter [tilespmem:s26], [sflag:$0x9], $0x2000, $0x38;
	[tilespmem:$0x18D00] =	vst v63  }
0xd5: {  	_ =	swait.ge [sflag:s24], $0x2000  }
0xd6: {  	[sflag:s24] =	ssyncset.done $0x0  }
0xd7: {  	[sflag:s24] =	ssyncadd.s32 $0xFFFFE000  }
0xd8: {  	[spmem:s4] =	stream.linear.scatter [tilespmem:s26], [sflag:$0x9], $0x2000, $0x38;
	[tilespmem:$0x18D00] =	vst v63  }
0xd9: {  	_ =	swait.ge [sflag:s24], $0x2000  }
0xda: {  	[sflag:s24] =	ssyncset.done $0x0  }
0xdb: {  	[sflag:s24] =	ssyncadd.s32 $0xFFFFE000  }
0xdc: {  	[spmem:s12] =	stream.linear.scatter [tilespmem:s26], [sflag:$0x9], $0x2000, $0x38;
	[tilespmem:$0x18D00] =	vst v63  }
0xdd: {  	_ =	swait.ge [sflag:s24], $0x2000  }
0xde: {  	[sflag:s24] =	ssyncset.done $0x0  }
0xdf: {  	[sflag:s24] =	ssyncadd.s32 $0xFFFFE000  }
0xe0: {  	s4 =	simm.s32 $0x0;
	[bflag:$0x0] =	sbarrier.arrive $0xFFFF  }
0xe1: {  	[tilespmem:s29], [sflag:$0x1] =	stream.indirect.gather [hbm4b:s5+s28], $0x40, s4, s28, $0xb8;
	[tilespmem:$0x18D00] =	vst v63  }
0xe2: {  	s9 =	simm.s32 $0x80  }
0xe3: {  	[tilespmem:s31], [sflag:$0x2] =	stream.indirect.gather [hbm4b:s5+s28], $0x40, s9, s28, $0xb8;
	[tilespmem:$0x18D00] =	vst v63  }
0xe4: {  	s10 =	simm.s32 $0x100  }
0xe5: {  	[tilespmem:s0], [sflag:$0x3] =	stream.indirect.gather [hbm4b:s5+s28], $0x40, s10, s28, $0xb8;
	[tilespmem:$0x18D00] =	vst v63  }
0xe6: {  	_ =	swait.ge [sflag:s6], $0x1F40  }
0xe7: {  	[sflag:s6] =	ssyncset.done $0x0  }
0xe8: {  	s21 =	smov.u32 s11;
	s11 =	simm.s32 $0x2800;
	[sflag:s6] =	ssyncadd.s32 $0xFFFFE0C0  }
0xe9: {  	[spmem:s3] =	stream.indirect.scatter.add.f32 [tilespmem:s29], [sflag:$0x5], $0x40, s11, s28, $0xb8;
	[tilespmem:$0x18D00] =	vst v63  }
0xea: {  	s23 =	smov.u32 s12;
	s12 =	simm.s32 $0x180  }
0xeb: {  	[tilespmem:s18], [sflag:$0x4] =	stream.indirect.gather [hbm4b:s5+s28], $0x40, s12, s28, $0xb8;
	[tilespmem:$0x18D00] =	vst v63  }
0xec: {  	_ =	swait.ge [sflag:s13], $0x1F40  }
0xed: {  	[sflag:s13] =	ssyncset.done $0x0  }
0xee: {  	s9 =	simm.s32 $0x2880;
	[sflag:s13] =	ssyncadd.s32 $0xFFFFE0C0  }
0xef: {  	[spmem:s3] =	stream.indirect.scatter.add.f32 [tilespmem:s31], [sflag:$0x6], $0x40, s9, s28, $0xb8;
	[tilespmem:$0x18D00] =	vst v63  }
0xf0: {  	_ =	swait.ge [sflag:s14], $0x1F40  }
0xf1: {  	[sflag:s14] =	ssyncset.done $0x0  }
0xf2: {  	s10 =	simm.s32 $0x200;
	s11 =	simm.s32 $0x3;
	[sflag:s14] =	ssyncadd.s32 $0xFFFFE0C0  }
0xf3: {  	[tilespmem:s29], [sflag:$0x1] =	stream.indirect.gather [hbm4b:s5+s28], $0x40, s10, s28, $0xb8;
	[tilespmem:$0x18D00] =	vst v63  }
0xf4: {  	_ =	swait.ge [sflag:s11], $0x1F40  }
0xf5: {  	[sflag:s11] =	ssyncset.done $0x0  }
0xf6: {  	s12 =	simm.s32 $0x2900;
	s9 =	simm.s32 $0x6;
	[sflag:s11] =	ssyncadd.s32 $0xFFFFE0C0  }
0xf7: {  	[spmem:s3] =	stream.indirect.scatter.add.f32 [tilespmem:s0], [sflag:$0x7], $0x40, s12, s28, $0xb8;
	[tilespmem:$0x18D00] =	vst v63  }
0xf8: {  	_ =	swait.ge [sflag:s9], $0x1F40  }
0xf9: {  	[sflag:s9] =	ssyncset.done $0x0  }
0xfa: {  	s10 =	simm.s32 $0x280;
	[sflag:s9] =	ssyncadd.s32 $0xFFFFE0C0  }
0xfb: {  	[tilespmem:s31], [sflag:$0x2] =	stream.indirect.gather [hbm4b:s5+s28], $0x40, s10, s28, $0xb8;
	[tilespmem:$0x18D00] =	vst v63  }
0xfc: {  	_ =	swait.ge [sflag:s2], $0x1F40  }
0xfd: {  	[sflag:s2] =	ssyncset.done $0x0  }
0xfe: {  	s11 =	simm.s32 $0x2980;
	[sflag:s2] =	ssyncadd.s32 $0xFFFFE0C0  }
0xff: {  	[spmem:s3] =	stream.indirect.scatter.add.f32 [tilespmem:s18], [sflag:$0x8], $0x40, s11, s28, $0xb8;
	[tilespmem:$0x18D00] =	vst v63  }
0x100: {  	_ =	swait.ge [sflag:s16], $0x1F40  }
0x101: {  	[sflag:s16] =	ssyncset.done $0x0  }
0x102: {  	s12 =	simm.s32 $0x300;
	[sflag:s16] =	ssyncadd.s32 $0xFFFFE0C0  }
0x103: {  	[tilespmem:s0], [sflag:$0x3] =	stream.indirect.gather [hbm4b:s5+s28], $0x40, s12, s28, $0xb8;
	[tilespmem:$0x18D00] =	vst v63  }
.LBB2_7:
0x104: {  	_ =	swait.ge [sflag:s6], $0x1F40  }
0x105: {  	s8 =	sshra.s32 s4, $0x2;
	[sflag:s6] =	ssyncset.done $0x0  }
0x106: {  	s9 =	sadd.s32 $0x2A00, s8;
	[sflag:s6] =	ssyncadd.s32 $0xFFFFE0C0  }
0x107: {  	[spmem:s3] =	stream.indirect.scatter.add.f32 [tilespmem:s29], [sflag:$0x5], $0x40, s9, s28, $0xb8;
	[tilespmem:$0x18D00] =	vst v63  }
0x108: {  	_ =	swait.ge [sflag:s17], $0x1F40  }
0x109: {  	[sflag:s17] =	ssyncset.done $0x0  }
0x10a: {  	s10 =	sadd.s32 $0x380, s8;
	[sflag:s17] =	ssyncadd.s32 $0xFFFFE0C0  }
0x10b: {  	[tilespmem:s18], [sflag:$0x4] =	stream.indirect.gather [hbm4b:s5+s28], $0x40, s10, s28, $0xb8;
	[tilespmem:$0x18D00] =	vst v63  }
0x10c: {  	_ =	swait.ge [sflag:s13], $0x1F40  }
0x10d: {  	[sflag:s13] =	ssyncset.done $0x0  }
0x10e: {  	s11 =	sadd.s32 $0x2A80, s8;
	[sflag:s13] =	ssyncadd.s32 $0xFFFFE0C0  }
0x10f: {  	[spmem:s3] =	stream.indirect.scatter.add.f32 [tilespmem:s31], [sflag:$0x6], $0x40, s11, s28, $0xb8;
	[tilespmem:$0x18D00] =	vst v63  }
0x110: {  	_ =	swait.ge [sflag:s14], $0x1F40  }
0x111: {  	p0 =	seq.s32 s4, $0x9000;
	[sflag:s14] =	ssyncset.done $0x0  }
0x112: {  	s9 =	simm.s32 @p0 $0x3;
	[sflag:s14] =	ssyncadd.s32 $0xFFFFE0C0  }
0x113: {  	_ =	swait.ge @p0 [sflag:s9], $0x1F40  }
0x114: {  	[sflag:s9] =	ssyncset.done @p0 $0x0  }
0x115: {  	[sflag:s9] =	ssyncadd.s32 @p0 $0xFFFFE0C0;
	s9 =	sshra.s32 @p0 s4, $0x2  }
0x116: {  	s10 =	simm.s32 @p0 $0x7D;
	s11 =	simm.s32 @p0 $0x8E80;
	s9 =	sadd.s32 @p0 $0x2B00, s9  }
0x117: {  	[spmem:s3] =	stream.indirect.scatter.add.f32 @p0 [tilespmem:s11], [sflag:$0x7], $0x40, s9, s10, $0xb8;
	[tilespmem:$0x18D00] =	vst v63  }
0x118: {  	s9 =	simm.s32 @p0 $0x6  }
0x119: {  	_ =	swait.ge @p0 [sflag:s9], $0x1F40  }
0x11a: {  	[sflag:s9] =	ssyncset.done @p0 $0x0  }
0x11b: {  	[sflag:s9] =	ssyncadd.s32 @p0 $0xFFFFE0C0;
	s9 =	sshra.s32 @!p0 s4, $0x2  }
0x11c: {  	s12 =	simm.s32 @!p0 $0x5000;
	s11 =	simm.s32 @!p0 $0x7D;
	s10 =	sadd.s32 @!p0 $0x400, s9  }
0x11d: {  	[tilespmem:s12], [sflag:$0x1] =	stream.indirect.gather @!p0 [hbm4b:s5+s11], $0x40, s10, s11, $0xb8;
	[tilespmem:$0x18D00] =	vst v63  }
0x11e: {  	s10 =	simm.s32 @!p0 $0x3  }
0x11f: {  	_ =	swait.ge @!p0 [sflag:s10], $0x1F40  }
0x120: {  	[sflag:s10] =	ssyncset.done @!p0 $0x0  }
0x121: {  	s12 =	simm.s32 @!p0 $0x8E80;
	[sflag:s10] =	ssyncadd.s32 @!p0 $0xFFFFE0C0;
	s10 =	sadd.s32 @!p0 $0x2B00, s9  }
0x122: {  	[spmem:s3] =	stream.indirect.scatter.add.f32 @!p0 [tilespmem:s12], [sflag:$0x7], $0x40, s10, s11, $0xb8;
	[tilespmem:$0x18D00] =	vst v63  }
0x123: {  	s10 =	simm.s32 @!p0 $0x6  }
0x124: {  	_ =	swait.ge @!p0 [sflag:s10], $0x1F40  }
0x125: {  	[sflag:s10] =	ssyncset.done @!p0 $0x0  }
0x126: {  	s9 =	sadd.s32 @!p0 $0x480, s9;
	[sflag:s10] =	ssyncadd.s32 @!p0 $0xFFFFE0C0;
	s10 =	simm.s32 @!p0 $0x6F40  }
0x127: {  	[tilespmem:s10], [sflag:$0x2] =	stream.indirect.gather @!p0 [hbm4b:s5+s11], $0x40, s9, s11, $0xb8;
	[tilespmem:$0x18D00] =	vst v63  }
0x128: {  	_ =	swait.ge [sflag:s2], $0x1F40  }
0x129: {  	[sflag:s2] =	ssyncset.done $0x0  }
.Ltmp5:
0x12a: {  	s12 =	sadd.s32 $0x2B80, s8;
	[sflag:s2] =	ssyncadd.s32 $0xFFFFE0C0;
	(pc) =	sbr.rel @p0 .LBB2_9-.Ltmp5, $4  }
0x12b: {  	[spmem:s3] =	stream.indirect.scatter.add.f32 [tilespmem:s18], [sflag:$0x8], $0x40, s12, s28, $0xb8;
	[tilespmem:$0x18D00] =	vst v63  }
0x12c: {  	_ =	swait.ge [sflag:s16], $0x1F40  }
0x12d: {  	[sflag:s16] =	ssyncset.done $0x0  }
0x12e: {  	[sflag:s16] =	ssyncadd.s32 $0xFFFFE0C0  }
.Ltmp6:
0x12f: {  	(pc) =	sbr.rel .LBB2_7-.Ltmp6, $3  }
0x130: {  	_ =	sdelay $0x1  }
0x131: {  	s8 =	sadd.s32 $0x500, s8;
	s4 =	sadd.s32 $0x800, s4  }
0x132: {  	[tilespmem:s0], [sflag:$0x3] =	stream.indirect.gather [hbm4b:s5+s28], $0x40, s8, s28, $0xb8;
	[tilespmem:$0x18D00] =	vst v63  }
.LBB2_10:
0x133: {  	_ =	sfence.sel $0x180000  }
0x134: {  	[bflag:$0x0] =	sbarrier.arrive $0xFFFF  }
0x135: {  	_ =	strace $0x9000004D  }
0x136: {  	s0 =	stileid.u32;
	[bflag:$0x2] =	sbarrier.arrive $0xFFFF  }
0x137: {  	p0 =	sne.s32 s0, $0x0;
	s0 =	rddreg [dreg:$0x3]  }
0x138: {  	s0 =	sadd.s32 @!p0 $0x100000, s0  }
0x139: {  	[sflag:s0] =	ssyncadd.tile.s32 @!p0 $0x1;
	_ =	shalt  }
.Lfunc_end2:
_tile_overlayer_lowered:
.L_overlay_start_2:
0x13a: {  	(tag) =	ssettag $0x2  }
0x13b: {  	s0 =	rddreg [dreg:$0x0];
	s2 =	stileid.u32  }
0x13c: {  	s1 =	rddreg [dreg:$0x1];
	p0 =	sne.s32 s2, $0x0  }
0x13d: {  	s3 =	rddreg [dreg:$0x2];
	[bflag:$0x3] =	sbarrier.arrive $0xFFFF;
	s2 =	simm.s32 @!p0 $0x1C09  }
0x13e: {  	[timem:s3], [sflag:s2] =	dma.local @!p0 [hbm:s0], s1  }
0x13f: {  	s0 =	simm.s32 @!p0 $0x9  }
0x140: {  	_ =	swait.ge @!p0 [sflag:s0], s1  }
0x141: {  	s1 =	ssub.s32 @!p0 $0x0, s1;
	[sflag:s0] =	ssyncset.done @!p0 $0x0  }
0x142: {  	[sflag:s0] =	ssyncadd.s32 @!p0 s1  }
0x143: {  	[bflag:$0x3] =	sbarrier.arrive $0xFFFF  }
0x144: {  	_ =	shalt  }

// kernel: kernel.8.cloned.1.call-start
scs
__scs_entry_jumppad:
0x0: {  	(pc) =	sbr.rel $0x88, $3  }
0x1: {  	(tag) =	ssettag $0x0;
	lr =	simm.s32 $0x1  }
0x2: {  	[smem:$0x3F96] =	sst lr;
	_ =	strace $0xD0000000  }
0x3: {  	_ = 	snop  }
0x4: {  	_ = 	snop  }
0x5: {  	_ = 	snop  }
0x6: {  	_ = 	snop  }
0x7: {  	_ = 	snop  }
__scs_overlays_trampoline_lowered:
0x8: {  	[smem:$0x3FA5] =	sst s0  }
0x9: {  	[smem:$0x3FA6] =	sst s1  }
0xa: {  	[smem:$0x3FA7] =	sst s2  }
0xb: {  	[smem:$0x3FA8] =	sst s3  }
0xc: {  	[smem:$0x3FA9] =	sst s4  }
0xd: {  	[smem:$0x3FAA] =	sst s5  }
0xe: {  	[smem:$0x3FAB] =	sst s6  }
0xf: {  	[smem:$0x3FAC] =	sst s7  }
0x10: {  	[smem:$0x3FAD] =	sst s8  }
0x11: {  	[smem:$0x3FAE] =	sst s9;
	s0 =	simm.s32 @!p0 $0x0  }
0x12: {  	s1 =	sld [smem:$0x3F94];
	s0 =	simm.s32 @p0 $0x1  }
0x13: {  	[smem:$0x3FAF] =	sst s0;
	s0 =	simm.s32 @!p1 $0x0  }
0x14: {  	s2 =	sld [smem:$0x3F93];
	s0 =	simm.s32 @p1 $0x1  }
0x15: {  	[smem:$0x3FB0] =	sst s0;
	s0 =	simm.s32 @!p2 $0x0  }
0x16: {  	s3 =	sld [smem:$0x3FDB];
	s0 =	simm.s32 @p2 $0x1  }
0x17: {  	s4 =	simm.s32 $0x1BF5;
	[smem:$0x3FB2] =	sst s0  }
0x18: {  	s0 =	sld [smem:$0x3F95];
	_ =	swait.ge [sflag:s4], $0x0  }
0x19: {  	s7 =	sld [smem:$0x3F96]  }
0x1a: {  	s8 =	sadd.s32 $0xFFFFE003, lr  }
0x1b: {  	s9 =	sadd.s32 $0xFFFFFEF7, lr;
	s5 =	simm.s32 $0xFFFFFFFF;
	p2 =	slt.u32 s8, $0xFFFFF086  }
0x1c: {  	p1 =	slt.u32 s9, $0xF7A;
	s5 =	simm.s32 @!p2 $0x0  }
0x1d: {  	s5 =	simm.s32 @p1 $0x1;
	p0 =	seq.s32 s7, s2  }
0x1e: {  	s7 =	smul.u32 @!p0 $0xF7A, s2;
	p2 =	seq.s32 @!p0 s5, $0x0  }
0x1f: {  	s9 =	smul.u32 $0xF7A, s1;
	s8 =	simm.s32 @!p0 $0x1BF5;
	p2 =	por !p2, p0  }
0x20: {  	[sflag:s8] =	ssyncset.s32 @!p0 $0xFFFFF086;
	s6 =	sadd.s32 @!p0 s3, s7;
	s7 =	simm.s32 @!p0 $0x108  }
0x21: {  	s3 =	sadd.s32 s3, s9;
	s6 =	sadd.s32 @!p0 $0x88, s6;
	s7 =	simm.s32 @p2 $0x1082  }
0x22: {  	[simem:s7], [sflag:s8] =	dma.local @!p0 [hbm:s6], $0xF7A  }
0x23: {  	s9 =	sor.u32 $0xD0000000, s2;
	s6 =	simm.s32 $0x108;
	_ =	swait.ge @!p0 [sflag:s8], $0x0  }
0x24: {  	s3 =	sadd.s32 $0x88, s3;
	s6 =	simm.s32 @!p1 $0x1082;
	[sflag:s4] =	ssyncset.s32 $0xFFFFF086  }
0x25: {  	[simem:s6], [sflag:s4] =	dma.local [hbm:s3], $0xF7A  }
0x26: {  	[smem:$0x3F96] =	sst s1;
	(tag) =	ssettag s2;
	_ =	strace s9  }
0x27: {  	s1 =	sld [smem:$0x3FA6]  }
0x28: {  	s2 =	sld [smem:$0x3FA7]  }
0x29: {  	s4 =	sld [smem:$0x3FA9]  }
0x2a: {  	p0 =	seq.s32 s5, $0x0;
	s5 =	sld [smem:$0x3FAA]  }
0x2b: {  	s6 =	sld [smem:$0x3FAB]  }
0x2c: {  	s7 =	sld [smem:$0x3FAC]  }
0x2d: {  	s3 =	simm.s32 $0x108;
	s8 =	sld [smem:$0x3FAD]  }
0x2e: {  	s3 =	simm.s32 @!p0 $0x1082;
	s9 =	sld [smem:$0x3FAE]  }
0x2f: {  	lr =	sadd.s32 s0, s3;
	s0 =	sld [smem:$0x3FA5]  }
0x30: {  	s3 =	sld [smem:$0x3FA8]  }
0x31: {  	[smem:$0x3FB1] =	sst s10  }
0x32: {  	s10 =	sld [smem:$0x3FAF];
	_ =	sdelay $0x3  }
0x33: {  	p0 =	seq.s32 s10, $0x1;
	s10 =	sld [smem:$0x3FB1];
	_ =	sdelay $0x3  }
0x34: {  	[smem:$0x3FB1] =	sst s10  }
0x35: {  	s10 =	sld [smem:$0x3FB0];
	_ =	sdelay $0x3  }
0x36: {  	p1 =	seq.s32 s10, $0x1;
	s10 =	sld [smem:$0x3FB1];
	_ =	sdelay $0x3  }
0x37: {  	[smem:$0x3FB1] =	sst s10  }
0x38: {  	s10 =	sld [smem:$0x3FB2]  }
0x39: {  	_ = 	snop;
	(pc) =	sbr.ind lr, $3  }
0x3a: {  	_ = 	snop  }
0x3b: {  	_ = 	snop  }
0x3c: {  	p2 =	seq.s32 s10, $0x1;
	s10 =	sld [smem:$0x3FB1]  }
0x3d: {  	_ =	shalt  }
0x3e: {  	_ =	shalt  }
0x3f: {  	_ =	shalt  }
0x40: {  	_ =	shalt  }
0x41: {  	_ =	shalt  }
0x42: {  	_ =	shalt  }
0x43: {  	_ =	shalt  }
0x44: {  	_ =	shalt  }
0x45: {  	_ =	shalt  }
0x46: {  	_ =	shalt  }
0x47: {  	_ =	shalt  }
0x48: {  	_ =	shalt  }
0x49: {  	_ =	shalt  }
0x4a: {  	_ =	shalt  }
0x4b: {  	_ =	shalt  }
0x4c: {  	_ =	shalt  }
0x4d: {  	_ =	shalt  }
0x4e: {  	_ =	shalt  }
0x4f: {  	_ =	shalt  }
0x50: {  	_ =	shalt  }
0x51: {  	_ =	shalt  }
0x52: {  	_ =	shalt  }
0x53: {  	_ =	shalt  }
0x54: {  	_ =	shalt  }
0x55: {  	_ =	shalt  }
0x56: {  	_ =	shalt  }
0x57: {  	_ =	shalt  }
0x58: {  	_ =	shalt  }
0x59: {  	_ =	shalt  }
0x5a: {  	_ =	shalt  }
0x5b: {  	_ =	shalt  }
0x5c: {  	_ =	shalt  }
0x5d: {  	_ =	shalt  }
0x5e: {  	_ =	shalt  }
0x5f: {  	_ =	shalt  }
0x60: {  	_ =	shalt  }
0x61: {  	_ =	shalt  }
0x62: {  	_ =	shalt  }
0x63: {  	_ =	shalt  }
0x64: {  	_ =	shalt  }
0x65: {  	_ =	shalt  }
0x66: {  	_ =	shalt  }
0x67: {  	_ =	shalt  }
0x68: {  	_ =	shalt  }
0x69: {  	_ =	shalt  }
0x6a: {  	_ =	shalt  }
0x6b: {  	_ =	shalt  }
0x6c: {  	_ =	shalt  }
0x6d: {  	_ =	shalt  }
0x6e: {  	_ =	shalt  }
0x6f: {  	_ =	shalt  }
0x70: {  	_ =	shalt  }
0x71: {  	_ =	shalt  }
0x72: {  	_ =	shalt  }
0x73: {  	_ =	shalt  }
0x74: {  	_ =	shalt  }
0x75: {  	_ =	shalt  }
0x76: {  	_ =	shalt  }
0x77: {  	_ =	shalt  }
0x78: {  	_ =	shalt  }
0x79: {  	_ =	shalt  }
0x7a: {  	_ =	shalt  }
0x7b: {  	_ =	shalt  }
0x7c: {  	_ =	shalt  }
0x7d: {  	_ =	shalt  }
0x7e: {  	_ =	shalt  }
0x7f: {  	_ =	shalt  }
0x80: {  	_ =	shalt  }
0x81: {  	_ =	shalt  }
0x82: {  	_ =	shalt  }
0x83: {  	_ =	shalt  }
0x84: {  	_ =	shalt  }
0x85: {  	_ =	shalt  }
0x86: {  	_ =	shalt  }
0x87: {  	_ =	shalt  }
.Lfunc_end0:
.L_simem_size_0:
called_computation_lowered:
.L_overlay_start_0:
0x88: {  	s2 =	sld [smem:$0x3FD9]  }
0x89: {  	s3 =	sld [smem:$0x3FFE];
	_ =	sdelay $0x1  }
0x8a: {  	s1 =	srdreg.scid  }
0x8b: {  	s0 =	sand.u32 $0x1, s1  }
0x8c: {  	s17 =	sshll.u32 s0, $0xA;
	s2 =	sadd.s32 s3, s2  }
0x8d: {  	s2 =	sadd.s32 s2, s17  }
0x8e: {  	[smem:$0x3FBD] =	sst s2  }
0x8f: {  	_ = 	snop  }
0x90: {  	s2 =	sld [smem:$0x3FD0];
	(tm) =	ssettm $0x1  }
0x91: {  	s18 =	sld [smem:$0x3FFB];
	_ =	sdelay $0x3  }
0x92: {  	_ =	strace s18  }
0x93: {  	s3 =	sld [smem:$0x3FFC];
	_ =	sdelay $0x3  }
0x94: {  	_ =	strace s3  }
0x95: {  	s3 =	sld [smem:$0x3FFD];
	_ =	sdelay $0x3  }
0x96: {  	_ =	strace s3  }
0x97: {  	_ =	strace $0x8FFFFFFF  }
0x98: {  	s19 =	sld [smem:$0x3FDB];
	_ =	sdelay $0x1  }
0x99: {  	s4 =	simm.s32 $_scs_section_size  }
0x9a: {  	s5 =	simm.s32 $_size__tile_overlayer_lowered;
	s6 =	simm.s32 $_tile_overlayer_lowered  }
0x9b: {  	s22 =	simm.s32 $0x1BFF;
	s21 =	sshll.u32 s6, $0x1;
	s3 =	sadd.s32 s4, s19  }
0x9c: {  	s7 =	simm.s32 $0x0;
	s20 =	sshll.u32 s5, $0x1;
	s5 =	sadd.s32 s21, s3  }
0x9d: {  	[timem:s7], [sflag:s22] =	dma.local [hbm:s5], s20  }
0x9e: {  	_ =	swait.ge [sflag:s22], s20  }
0x9f: {  	s4 =	ssub.s32 $0x0, s20;
	[sflag:s22] =	ssyncset.done $0x0  }
0xa0: {  	[sflag:s22] =	ssyncadd.s32 s4;
	_ =	sdelay $0x1  }
0xa1: {  	s23 =	simm.s32 $0x1B8B  }
0xa2: {  	_ =	swait.ge [sflag:s23], $0x1  }
0xa3: {  	[sflag:s23] =	ssyncset.done $0x0  }
0xa4: {  	s25 =	simm.s32 $0x1B8E;
	s24 =	sld [smem:$0x3FFE];
	[sflag:s23] =	ssyncadd.s32 $0xFFFFFFFF  }
0xa5: {  	s26 =	simm.s32 $execute0_lowered;
	[smem:$0x3FD2] =	sst s25  }
0xa6: {  	s5 =	sshll.u32 s26, $0x1;
	_ =	strace $0x80000046;
	[dreg:$0x1] =	wrdreg $0xFFFFFFFF  }
0xa7: {  	s28 =	simm.s32 $_size_execute0_lowered;
	s3 =	sadd.s32 s3, s5;
	[dreg:$0x0] =	wrdreg $0x0  }
0xa8: {  	s5 =	sshll.u32 s28, $0x1;
	[dreg:$0x2] =	wrdreg s3  }
0xa9: {  	[dreg:$0x3] =	wrdreg s5  }
0xaa: {  	[dreg:$0x4] =	wrdreg $0xC0  }
0xab: {  	_ =	task [dreg:s7], $0x5FFFF  }
0xac: {  	[dreg:$0x1] =	wrdreg $0xFFFFFFFF  }
0xad: {  	[dreg:$0x0] =	wrdreg $0x60  }
0xae: {  	[dreg:$0x2] =	wrdreg s24  }
0xaf: {  	[dreg:$0x3] =	wrdreg s2  }
0xb0: {  	[dreg:$0x4] =	wrdreg $0x9  }
0xb1: {  	_ =	task.clear_ibuf [dreg:s7], $0x5FFFF;
	_ =	strace $0x90000046  }
0xb2: {  	s29 =	simm.s32 $0x9;
	_ =	strace $0x80000048  }
0xb3: {  	_ =	swait.ge [sflag:s29], $0x1  }
0xb4: {  	[sflag:s29] =	ssyncadd.s32 $0xFFFFFFFF  }
0xb5: {  	_ =	strace $0x90000048  }
0xb6: {  	_ =	sfence  }
0xb7: {  	s30 =	sld [smem:$0x0];
	_ =	sdelay $0x2  }
0xb8: {  	s31 =	sshll.u32 s1, $0xD;
	s1 =	sshrl.u32 s1, $0x2  }
0xb9: {  	s3 =	sand.u32 $0x4000, s31;
	s1 =	sadd.s32 s1, s30  }
0xba: {  	s0 =	sor.u32 s3, s0;
	s1 =	sshll.u32 s1, $0x11  }
0xbb: {  	s0 =	sor.u32 s1, s0  }
0xbc: {  	s0 =	sadd.s32 $0x8F2B, s0  }
0xbd: {  	[sflag:s0] =	ssyncadd.remote.s32 $0x1  }
0xbe: {  	_ =	sfence.sel $0xFFFF  }
0xbf: {  	[dreg:$0x0] =	wrdreg $0xFFFFFFFF;
	(pc) =	sbr.abs _section_cstart, $3  }
0xc0: {  	[dreg:$0x1] =	wrdreg $0xFFFFFFFF  }
0xc1: {  	_ =	task.clear_ibuf [dreg:s7], $0x2FFFF;
	_ =	strace $0x9FFFFFFF  }
0xc2: {  	(tm) =	ssettm $0x7FFFFFFF  }
0xc3: {  	_ =	shalt  }
tec
execute0_lowered:
.L_overlay_start_1:
0x0: {  	(tag) =	ssettag $0x1  }
0x1: {  	s1 =	srdreg.scid;
	s4 =	rddreg [dreg:$0x0]  }
0x2: {  	s0 =	stileid.u32;
	s5 =	rddreg [dreg:$0x1];
	s2 =	simm.s32 $0x0  }
0x3: {  	s9 =	simm.s32 $0x2710;
	s3 =	sand.u32 $0x1, s1;
	s30 =	sshll.u32 s0, $0x1  }
0x4: {  	s10 =	simm.s32 $0x4E20;
	s11 =	simm.s32 $0x7530;
	s1 =	sor.u32 s3, s30  }
0x5: {  	[smem:$0x7FF] =	sst s2;
	s3 =	ssub.s32 $0x2, s3;
	s6 =	smul.u32 $0x4E2, s1  }
0x6: {  	s12 =	simm.s32 $0x0;
	s1 =	rddreg [dreg:$0x2];
	s31 =	sshrl.u32 s3, $0x1  }
0x7: {  	_ =	strace $0x80000047;
	s8 =	ssub.s32 s3, s31;
	s7 =	sadd.s32 s6, s4  }
0x8: {  	s4 =	sadd.s32 s5, s6;
	s3 =	sadd.s32 $0x2800, s7;
	s5 =	sadd.s32 $0xC600, s7  }
0x9: {  	v0 =	vimm.f32 $0.0e+00;
	v1 =	vimm.f32 $1.000000000e+00;
	s6 =	sadd.s32 $0x16400, s7;
	s7 =	smax.u32 s8, $0x1;
	s8 =	simm.s32 $0x1  }
.LBB2_1:
0xa: {  	[tilespmem:s2], [sflag:$0x1] =	stream.linear.gather [hbm4b:s3+s2], $0x2710, $0x38;
	[tilespmem:$0x9C40] =	vst v63  }
0xb: {  	_ =	swait.ge [sflag:s8], $0x2710  }
0xc: {  	[sflag:s8] =	ssyncset.done $0x0  }
0xd: {  	[sflag:s8] =	ssyncadd.s32 $0xFFFFD8F0  }
0xe: {  	[tilespmem:s9], [sflag:$0x1] =	stream.linear.gather [hbm4b:s4+s2], $0x2710, $0x38;
	[tilespmem:$0x9C40] =	vst v63  }
0xf: {  	_ =	swait.ge [sflag:s8], $0x2710  }
0x10: {  	[sflag:s8] =	ssyncset.done $0x0  }
0x11: {  	s13 =	simm.s32 $0x0;
	[sflag:s8] =	ssyncadd.s32 $0xFFFFD8F0  }
.LBB2_2:
0x12: {  	p0 =	sne.s32 s13, $0x9C00  }
.Ltmp0:
0x13: {  	_ = 	snop;
	(pc) =	sbr.rel @p0 .LBB2_2-.Ltmp0, $4  }
0x14: {  	_ = 	snop  }
0x15: {  	s14 =	sshra.s32 s13, $0x2  }
0x16: {  	[tilespmem:s14+$0x4E20] =	vst v0  }
0x17: {  	s13 =	sadd.s32 $0x40, s13;
	[tilespmem:s14+$0x7530] =	vst v0  }
0x18: {  	s14 =	simm.s32 $0x0  }
0x19: {  	s13 =	simm.s32 $0x40;
	v2 =	vld [tilespmem:s14+$0x0]  }
.LBB2_4:
0x1a: {  	p0 =	sne.s32 s13, $0x9C00;
	v3 =	vld [tilespmem:s14+$0x2710];
	_ =	sdelay $0x4  }
.Ltmp1:
0x1b: {  	(pc) =	sbr.rel @p0 .LBB2_4-.Ltmp1, $4  }
0x1c: {  	_ = 	snop  }
0x1d: {  	[tilespmem:v2+s10+$0x0] =	vst.idx.add.f32.msk $0xffff, v1  }
0x1e: {  	s14 =	sshra.s32 s13, $0x2;
	[tilespmem:v3+s11+$0x0] =	vst.idx.add.f32.msk $0xffff, v1  }
0x1f: {  	s13 =	sadd.s32 $0x40, s13;
	v2 =	vld [tilespmem:s14+$0x0]  }
0x20: {  	_ = 	snop  }
0x21: {  	v3 =	vld [tilespmem:s14+$0x2710];
	_ =	sdelay $0x6  }
0x22: {  	[tilespmem:v2+s10+$0x0] =	vst.idx.add.f32.msk $0xffff, v1  }
0x23: {  	[tilespmem:v3+s11+$0x0] =	vst.idx.add.f32.msk $0xffff, v1  }
0x24: {  	[hbm4b:s5+s2] =	stream.linear.scatter [tilespmem:s10], [sflag:$0x1], $0x2710, $0x38;
	[tilespmem:$0x9C40] =	vst v63  }
0x25: {  	s12 =	sadd.s32 $0x1, s12;
	_ =	swait.ge [sflag:s8], $0x2710  }
0x26: {  	p0 =	sne.s32 s12, s7;
	[sflag:s8] =	ssyncset.done $0x0  }
.Ltmp2:
0x27: {  	[sflag:s8] =	ssyncadd.s32 $0xFFFFD8F0;
	(pc) =	sbr.rel @p0 .LBB2_1-.Ltmp2, $4  }
0x28: {  	[hbm4b:s6+s2] =	stream.linear.scatter [tilespmem:s11], [sflag:$0x1], $0x2710, $0x38;
	[tilespmem:$0x9C40] =	vst v63  }
0x29: {  	_ =	swait.ge [sflag:s8], $0x2710  }
0x2a: {  	[sflag:s8] =	ssyncset.done $0x0  }
0x2b: {  	[sflag:s8] =	ssyncadd.s32 $0xFFFFD8F0  }
0x2c: {  	_ =	sfence.sel $0x180000  }
0x2d: {  	[bflag:$0x0] =	sbarrier.arrive $0xFFFF  }
0x2e: {  	p0 =	sne.s32 s0, $0x0;
	_ =	strace $0x90000047  }
0x2f: {  	s0 =	sadd.s32 @!p0 $0x100000, s1;
	[bflag:$0x2] =	sbarrier.arrive $0xFFFF  }
0x30: {  	[sflag:s0] =	ssyncadd.tile.s32 @!p0 $0x1;
	_ =	shalt  }
.Lfunc_end2:
_tile_overlayer_lowered:
.L_overlay_start_2:
0x31: {  	(tag) =	ssettag $0x2  }
0x32: {  	s0 =	rddreg [dreg:$0x0];
	s2 =	stileid.u32  }
0x33: {  	s1 =	rddreg [dreg:$0x1];
	p0 =	sne.s32 s2, $0x0  }
0x34: {  	s3 =	rddreg [dreg:$0x2];
	[bflag:$0x3] =	sbarrier.arrive $0xFFFF;
	s2 =	simm.s32 @!p0 $0x1C01  }
0x35: {  	[timem:s3], [sflag:s2] =	dma.local @!p0 [hbm:s0], s1  }
0x36: {  	s0 =	simm.s32 @!p0 $0x1  }
0x37: {  	_ =	swait.ge @!p0 [sflag:s0], s1  }
0x38: {  	s1 =	ssub.s32 @!p0 $0x0, s1;
	[sflag:s0] =	ssyncset.done @!p0 $0x0  }
0x39: {  	[sflag:s0] =	ssyncadd.s32 @!p0 s1  }
0x3a: {  	[bflag:$0x3] =	sbarrier.arrive $0xFFFF  }
0x3b: {  	_ =	shalt  }

</sc_bundles>
